<compile_context>
chip_gen: v7x
topology: tpu7x:2x2x1
jax: 0.10.2.dev20260603
libtpu: 0.0.44.dev20260713+nightly
codegen_flags: <defaults>
</compile_context>

<pallas_src>
import functools

import jax
import jax.numpy as jnp
from jax import lax
from jax.experimental import pallas as pl
from jax.experimental.pallas import tpu as pltpu
from jax.experimental.pallas import tpu_sc as plsc

_N_E = 1024
_D = 64
_BETA = 0.25
_B = 32 * 1024
_M = 4096
_G = _B // _M
_NW = 32
_RPW = _B // _NW


def _core(r, w2_ref, wsq_ref):
    s2 = lax.dot_general(r, w2_ref[...], (((1,), (1,)), ((), ())),
                         preferred_element_type=jnp.float32)
    rsq = jnp.sum(r * r, axis=1, keepdims=True)
    d = (rsq + wsq_ref[...]) + s2
    m = jnp.min(d, axis=1, keepdims=True)
    ii = lax.broadcasted_iota(jnp.int32, (1, _N_E), 1).astype(jnp.float32)
    idxf = jnp.min(jnp.where(d <= m, ii, float(_N_E)), axis=1)
    return idxf.astype(jnp.int32)


def _dist0_kernel(r_ref, w2_ref, wsq_ref, idx_ref):
    idx_ref[0, 0, :] = _core(r_ref[...], w2_ref, wsq_ref)


def _dist_kernel(rp_ref, g_ref, w2_ref, wsq_ref, ro_ref, idx_ref, ssq_ref):
    r = rp_ref[...] - g_ref[...]
    ro_ref[...] = r
    idx_ref[0, 0, :] = _core(r, w2_ref, wsq_ref)

    @pl.when(pl.program_id(0) == 0)
    def _init():
        ssq_ref[0, 0] = 0.0

    ssq_ref[0, 0] = ssq_ref[0, 0] + jnp.sum(r * r)


def _finish_kernel(z_ref, r3_ref, g3_ref, hist_ref, s123_ref,
                   zq_ref, loss_ref, perp_ref):
    r4 = r3_ref[...] - g3_ref[...]
    zq_ref[...] = z_ref[...] - r4

    @pl.when(pl.program_id(0) == 0)
    def _init():
        loss_ref[0, 0] = 0.0

    loss_ref[0, 0] = loss_ref[0, 0] + jnp.sum(r4 * r4)

    @pl.when(pl.program_id(0) == _G - 1)
    def _final():
        total = (loss_ref[0, 0] + s123_ref[0, 0] + s123_ref[0, 1]
                 + s123_ref[0, 2])
        loss_ref[0, 0] = _BETA * total / (_B * _D)
        for l in range(4):
            cnt = jnp.sum(hist_ref[l * _NW:(l + 1) * _NW, :], axis=0)
            p = cnt * (1.0 / _B)
            ent = jnp.sum(p * jnp.log(p + 1e-10))
            perp_ref[0, l] = jnp.exp(-ent)


_row_spec = pl.BlockSpec((_M, _D), lambda i: (i, 0))
_w_spec = pl.BlockSpec((_N_E, _D), lambda i: (0, 0))
_idx_spec = pl.BlockSpec((1, 1, _M), lambda i: (i, 0, 0))
_scalar_spec = pl.BlockSpec((1, 1), lambda i: (0, 0),
                            memory_space=pltpu.SMEM)


_wsq_spec = pl.BlockSpec((1, _N_E), lambda i: (0, 0))


def _tc_dist0(r, w2, wsq):
    return pl.pallas_call(
        _dist0_kernel,
        grid=(_G,),
        in_specs=[_row_spec, _w_spec, _wsq_spec],
        out_specs=[_idx_spec],
        out_shape=[jax.ShapeDtypeStruct((_G, 1, _M), jnp.int32)],
    )(r, w2, wsq)


def _tc_dist(rp, g, w2, wsq):
    return pl.pallas_call(
        _dist_kernel,
        grid=(_G,),
        in_specs=[_row_spec, _row_spec, _w_spec, _wsq_spec],
        out_specs=[_row_spec, _idx_spec, _scalar_spec],
        out_shape=[
            jax.ShapeDtypeStruct((_B, _D), jnp.float32),
            jax.ShapeDtypeStruct((_G, 1, _M), jnp.int32),
            jax.ShapeDtypeStruct((1, 1), jnp.float32),
        ],
    )(rp, g, w2, wsq)


def _tc_finish(z, r3, g3, hists, s123):
    return pl.pallas_call(
        _finish_kernel,
        grid=(_G,),
        in_specs=[_row_spec, _row_spec, _row_spec,
                  pl.BlockSpec((4 * _NW, _N_E), lambda i: (0, 0)),
                  pl.BlockSpec((1, 3), lambda i: (0, 0),
                               memory_space=pltpu.SMEM)],
        out_specs=[_row_spec, _scalar_spec,
                   pl.BlockSpec((1, 4), lambda i: (0, 0),
                                memory_space=pltpu.SMEM)],
        out_shape=[
            jax.ShapeDtypeStruct((_B, _D), jnp.float32),
            jax.ShapeDtypeStruct((1, 1), jnp.float32),
            jax.ShapeDtypeStruct((1, 4), jnp.float32),
        ],
    )(z, r3, g3, hists, s123)


def _sc_gather(w, idx2d):
    mesh = plsc.VectorSubcoreMesh(core_axis_name="c", subcore_axis_name="s")

    @functools.partial(
        pl.kernel, mesh=mesh,
        compiler_params=pltpu.CompilerParams(use_tc_tiling_on_sc=False,
                                             needs_layout_passes=False),
        out_type=[
            jax.ShapeDtypeStruct((_B, _D), jnp.float32),
            jax.ShapeDtypeStruct((_NW, _N_E), jnp.float32),
        ],
        scratch_types=[
            pltpu.VMEM((8, 128), jnp.int32),
            pltpu.VMEM((_RPW, _D), jnp.float32),
            pltpu.VMEM((_N_E,), jnp.float32),
            pltpu.SemaphoreType.DMA,
        ],
    )
    def k(w_hbm, idx_hbm, out_hbm, hist_hbm, idx_v, g_v, hist_v, sem):
        wid = lax.axis_index("s") * 2 + lax.axis_index("c")
        pltpu.sync_copy(idx_hbm.at[pl.ds(wid * 8, 8)], idx_v)
        cps = [
            pltpu.async_copy(w_hbm.at[idx_v.at[j]],
                             g_v.at[pl.ds(j * 128, 128)], sem)
            for j in range(8)
        ]
        zeros = jnp.zeros((16,), jnp.float32)

        def _zero(i, _):
            hist_v[pl.ds(i * 16, 16)] = zeros
            return 0

        lax.fori_loop(0, _N_E // 16, _zero, 0)
        ones = jnp.ones((16,), jnp.float32)
        for j in range(8):
            for kk in range(8):
                vec = idx_v[j, pl.ds(kk * 16, 16)]
                plsc.addupdate_scatter(hist_v, [vec], ones)
        for cp in cps:
            cp.wait()
        pltpu.sync_copy(g_v, out_hbm.at[pl.ds(wid * _RPW, _RPW)])
        pltpu.sync_copy(hist_v, hist_hbm.at[wid])

    return k(w, idx2d)


def kernel(z, W0, W1, W2, W3):
    zf = z.reshape(_B, _D)
    Ws = [W0, W1, W2, W3]
    W2s = [-2.0 * w for w in Ws]
    wsqs = [jnp.sum(w * w, axis=1)[None, :] for w in Ws]

    (idx0,) = _tc_dist0(zf, W2s[0], wsqs[0])
    g, hist0 = _sc_gather(W0, idx0.reshape(_B // 128, 128))

    r = zf
    idxs, hists, ssqs = [idx0], [hist0], []
    for l in (1, 2, 3):
        r, idx_l, ssq_l = _tc_dist(r, g, W2s[l], wsqs[l])
        g, hist_l = _sc_gather(Ws[l], idx_l.reshape(_B // 128, 128))
        idxs.append(idx_l)
        hists.append(hist_l)
        ssqs.append(ssq_l)

    hist = jnp.concatenate(hists, axis=0)
    s123 = jnp.concatenate(ssqs, axis=1)
    zq, loss, perp = _tc_finish(zf, r, g, hist, s123)

    total_loss = loss[0, 0]
    total_zq = zq.reshape(z.shape)
    all_idx = jnp.stack([i.reshape(_B) for i in idxs])
    all_perp = perp[0]
    return (total_loss, total_zq, all_idx, all_perp)

# --- scband reference (transcript-rebuilt; emitter-appended) ---
"""Pipeline reference for scband-residual-quantizer-10565619548578 (READ-ONLY COPY).

The authoritative reference and input builder live on the scoring server;
editing this copy changes nothing except your own understanding.
"""

import jax, jax.numpy as jnp
import numpy as np

N_E = 1024
E_DIM = 64
BETA = 0.25
LAYERS = 4


def setup_inputs(seed: int = 0) -> dict:
    key = jax.random.key(seed)
    keys = jax.random.split(key, LAYERS + 1)
    inp = {"z": jax.random.normal(keys[0], (32, 1024, E_DIM), dtype=jnp.float32)}
    for i in range(LAYERS):
        inp[f"W{i}"] = jax.random.uniform(keys[i + 1], (N_E, E_DIM), dtype=jnp.float32, minval=-1.0 / N_E, maxval=1.0 / N_E)
    return inp


def _quantize(r, W):
    zf = r.reshape(-1, E_DIM)
    d = jnp.sum(zf ** 2, axis=1, keepdims=True) + jnp.sum(W ** 2, axis=1) - 2.0 * (zf @ W.T)
    idx = jnp.argmin(d, axis=1)
    zq = jnp.take(W, idx, axis=0).reshape(r.shape)
    loss = BETA * jnp.mean((jax.lax.stop_gradient(zq) - r) ** 2)
    zq_ste = r + jax.lax.stop_gradient(zq - r)
    onehot = jax.nn.one_hot(idx, N_E, dtype=r.dtype)
    e_mean = jnp.mean(onehot, axis=0)
    perp = jnp.exp(-jnp.sum(e_mean * jnp.log(e_mean + 1e-10)))
    return loss, zq_ste, idx, perp


def reference(z, W0, W1, W2, W3):
    Ws = [W0, W1, W2, W3]
    residual = z
    total_loss = jnp.float32(0.0)
    total_zq = jnp.zeros_like(z)
    all_idx = []
    all_perp = []
    for W in Ws:
        loss, zq, idx, perp = _quantize(residual, W)
        total_loss = total_loss + loss
        residual = residual - zq
        total_zq = total_zq + zq
        all_idx.append(idx)
        all_perp.append(perp)
    return (total_loss, total_zq, jnp.stack(all_idx), jnp.stack(all_perp))

if __name__ == "__main__":
    import jax
    _d = setup_inputs()
    print(jax.jit(kernel)(*tuple(_d.values())))

</pallas_src>

<mosaic_0001>
#map = affine_map<(d0, d1) -> (0, 0)>
module attributes {stable_mosaic.version = 14 : i64} {
  func.func @k(%arg0: i32, %arg1: i32, %arg2: memref<1024x64xf32, #tpu.memory_space<hbm>>, %arg3: memref<256x128xi32, #tpu.memory_space<hbm>>, %arg4: memref<32768x64xf32, #tpu.memory_space<hbm>>, %arg5: memref<32x1024xf32, #tpu.memory_space<hbm>>, %arg6: memref<8x128xi32, #tpu.memory_space<vmem>>, %arg7: memref<1024x64xf32, #tpu.memory_space<vmem>>, %arg8: memref<1024xf32, #tpu.memory_space<vmem>>, %arg9: memref<!tpu.dma_semaphore, #tpu.memory_space<semaphore_mem>>) attributes {dimension_semantics = [#tpu.dimension_semantics<core_parallel>, #tpu.dimension_semantics<subcore_parallel>], iteration_bounds = array<i64: 2, 16>, scalar_prefetch = 0 : i64, scratch_operands = 4 : i64, tpu.core_type = #tpu.core_type<sc_vector_subcore>, window_params = [{transform_indices = #map}, {transform_indices = #map}, {transform_indices = #map}, {transform_indices = #map}]} {
    %mul3A = arith.constant 2 : i32
    %mul3A_0 = arith.muli %arg1, %mul3A : i32
    %add3A = arith.addi %mul3A_0, %arg0 : i32
    %mul3A_1 = arith.constant 8 : i32
    %mul3A_2 = arith.muli %add3A, %mul3A_1 : i32
    "tpu.region"() ({
      %run_scoped3A = tpu.sem_alloc : memref<!tpu.dma_semaphore, #tpu.memory_space<semaphore_mem>>
      %dma_start3A_427 = arith.constant 0 : i32
      %dma_start3A_428 = tpu.memref_slice %arg3[%mul3A_2, %dma_start3A_427] : memref<256x128xi32, #tpu.memory_space<hbm>> -> memref<8x128xi32, #tpu.memory_space<hbm>>
      %dma_start3A_429 = arith.constant 0 : i32
      %dma_start3A_430 = tpu.memref_slice %arg3[%mul3A_2, %dma_start3A_429] : memref<256x128xi32, #tpu.memory_space<hbm>> -> memref<8x128xi32, #tpu.memory_space<hbm>>
      tpu.enqueue_dma source(%dma_start3A_430 : memref<8x128xi32, #tpu.memory_space<hbm>>) target(%arg6 : memref<8x128xi32, #tpu.memory_space<vmem>>) target_semaphore(%run_scoped3A : memref<!tpu.dma_semaphore, #tpu.memory_space<semaphore_mem>>)
      %dma_wait3A_431 = arith.constant 0 : i32
      %dma_wait3A_432 = tpu.memref_slice %arg3[%mul3A_2, %dma_wait3A_431] : memref<256x128xi32, #tpu.memory_space<hbm>> -> memref<8x128xi32, #tpu.memory_space<hbm>>
      %dma_wait3A_433 = arith.constant 0 : i32
      %dma_wait3A_434 = tpu.memref_slice %arg3[%mul3A_2, %dma_wait3A_433] : memref<256x128xi32, #tpu.memory_space<hbm>> -> memref<8x128xi32, #tpu.memory_space<hbm>>
      tpu.wait_dma2 semaphore(%run_scoped3A : memref<!tpu.dma_semaphore, #tpu.memory_space<semaphore_mem>>) src(%dma_wait3A_434 : memref<8x128xi32, #tpu.memory_space<hbm>>) dst(%arg6 : memref<8x128xi32, #tpu.memory_space<vmem>>)
      tpu.yield
    }) : () -> ()
    %dma_start3A = arith.constant 0 : i32
    %dma_start3A_3 = arith.constant 0 : i32
    %dma_start3A_4 = arith.constant 0 : i32
    %dma_start3A_5 = tpu.memref_slice %arg7[%dma_start3A_3, %dma_start3A_4] : memref<1024x64xf32, #tpu.memory_space<vmem>> -> memref<128x64xf32, #tpu.memory_space<vmem>>
    %dma_start3A_6 = arith.constant 0 : i32
    %dma_start3A_7 = tpu.memref_slice %arg6[%dma_start3A, %dma_start3A_6] : memref<8x128xi32, #tpu.memory_space<vmem>> -> memref<1x128xi32, #tpu.memory_space<vmem>>
    %dma_start3A_8 = tpu.memref_squeeze %dma_start3A_7 : memref<1x128xi32, #tpu.memory_space<vmem>> -> memref<128xi32, #tpu.memory_space<vmem>>
    %dma_start3A_9 = arith.constant 0 : i32
    %dma_start3A_10 = arith.constant 0 : i32
    %dma_start3A_11 = tpu.memref_slice %arg2[%dma_start3A_9, %dma_start3A_10] : memref<1024x64xf32, #tpu.memory_space<hbm>> -> memref<1024x64xf32, #tpu.memory_space<hbm>>
    tpu.enqueue_indirect_dma source(%dma_start3A_11 : memref<1024x64xf32, #tpu.memory_space<hbm>>) target(%dma_start3A_5 : memref<128x64xf32, #tpu.memory_space<vmem>>) offsets(%dma_start3A_8 : memref<128xi32, #tpu.memory_space<vmem>>) semaphore(%arg9 : memref<!tpu.dma_semaphore, #tpu.memory_space<semaphore_mem>>)
    %dma_start3A_12 = arith.constant 1 : i32
    %dma_start3A_13 = arith.constant 128 : i32
    %dma_start3A_14 = arith.constant 0 : i32
    %dma_start3A_15 = tpu.memref_slice %arg7[%dma_start3A_13, %dma_start3A_14] : memref<1024x64xf32, #tpu.memory_space<vmem>> -> memref<128x64xf32, #tpu.memory_space<vmem>>
    %dma_start3A_16 = arith.constant 0 : i32
    %dma_start3A_17 = tpu.memref_slice %arg6[%dma_start3A_12, %dma_start3A_16] : memref<8x128xi32, #tpu.memory_space<vmem>> -> memref<1x128xi32, #tpu.memory_space<vmem>>
    %dma_start3A_18 = tpu.memref_squeeze %dma_start3A_17 : memref<1x128xi32, #tpu.memory_space<vmem>> -> memref<128xi32, #tpu.memory_space<vmem>>
    %dma_start3A_19 = arith.constant 0 : i32
    %dma_start3A_20 = arith.constant 0 : i32
    %dma_start3A_21 = tpu.memref_slice %arg2[%dma_start3A_19, %dma_start3A_20] : memref<1024x64xf32, #tpu.memory_space<hbm>> -> memref<1024x64xf32, #tpu.memory_space<hbm>>
    tpu.enqueue_indirect_dma source(%dma_start3A_21 : memref<1024x64xf32, #tpu.memory_space<hbm>>) target(%dma_start3A_15 : memref<128x64xf32, #tpu.memory_space<vmem>>) offsets(%dma_start3A_18 : memref<128xi32, #tpu.memory_space<vmem>>) semaphore(%arg9 : memref<!tpu.dma_semaphore, #tpu.memory_space<semaphore_mem>>)
    %dma_start3A_22 = arith.constant 2 : i32
    %dma_start3A_23 = arith.constant 256 : i32
    %dma_start3A_24 = arith.constant 0 : i32
    %dma_start3A_25 = tpu.memref_slice %arg7[%dma_start3A_23, %dma_start3A_24] : memref<1024x64xf32, #tpu.memory_space<vmem>> -> memref<128x64xf32, #tpu.memory_space<vmem>>
    %dma_start3A_26 = arith.constant 0 : i32
    %dma_start3A_27 = tpu.memref_slice %arg6[%dma_start3A_22, %dma_start3A_26] : memref<8x128xi32, #tpu.memory_space<vmem>> -> memref<1x128xi32, #tpu.memory_space<vmem>>
    %dma_start3A_28 = tpu.memref_squeeze %dma_start3A_27 : memref<1x128xi32, #tpu.memory_space<vmem>> -> memref<128xi32, #tpu.memory_space<vmem>>
    %dma_start3A_29 = arith.constant 0 : i32
    %dma_start3A_30 = arith.constant 0 : i32
    %dma_start3A_31 = tpu.memref_slice %arg2[%dma_start3A_29, %dma_start3A_30] : memref<1024x64xf32, #tpu.memory_space<hbm>> -> memref<1024x64xf32, #tpu.memory_space<hbm>>
    tpu.enqueue_indirect_dma source(%dma_start3A_31 : memref<1024x64xf32, #tpu.memory_space<hbm>>) target(%dma_start3A_25 : memref<128x64xf32, #tpu.memory_space<vmem>>) offsets(%dma_start3A_28 : memref<128xi32, #tpu.memory_space<vmem>>) semaphore(%arg9 : memref<!tpu.dma_semaphore, #tpu.memory_space<semaphore_mem>>)
    %dma_start3A_32 = arith.constant 3 : i32
    %dma_start3A_33 = arith.constant 384 : i32
    %dma_start3A_34 = arith.constant 0 : i32
    %dma_start3A_35 = tpu.memref_slice %arg7[%dma_start3A_33, %dma_start3A_34] : memref<1024x64xf32, #tpu.memory_space<vmem>> -> memref<128x64xf32, #tpu.memory_space<vmem>>
    %dma_start3A_36 = arith.constant 0 : i32
    %dma_start3A_37 = tpu.memref_slice %arg6[%dma_start3A_32, %dma_start3A_36] : memref<8x128xi32, #tpu.memory_space<vmem>> -> memref<1x128xi32, #tpu.memory_space<vmem>>
    %dma_start3A_38 = tpu.memref_squeeze %dma_start3A_37 : memref<1x128xi32, #tpu.memory_space<vmem>> -> memref<128xi32, #tpu.memory_space<vmem>>
    %dma_start3A_39 = arith.constant 0 : i32
    %dma_start3A_40 = arith.constant 0 : i32
    %dma_start3A_41 = tpu.memref_slice %arg2[%dma_start3A_39, %dma_start3A_40] : memref<1024x64xf32, #tpu.memory_space<hbm>> -> memref<1024x64xf32, #tpu.memory_space<hbm>>
    tpu.enqueue_indirect_dma source(%dma_start3A_41 : memref<1024x64xf32, #tpu.memory_space<hbm>>) target(%dma_start3A_35 : memref<128x64xf32, #tpu.memory_space<vmem>>) offsets(%dma_start3A_38 : memref<128xi32, #tpu.memory_space<vmem>>) semaphore(%arg9 : memref<!tpu.dma_semaphore, #tpu.memory_space<semaphore_mem>>)
    %dma_start3A_42 = arith.constant 4 : i32
    %dma_start3A_43 = arith.constant 512 : i32
    %dma_start3A_44 = arith.constant 0 : i32
    %dma_start3A_45 = tpu.memref_slice %arg7[%dma_start3A_43, %dma_start3A_44] : memref<1024x64xf32, #tpu.memory_space<vmem>> -> memref<128x64xf32, #tpu.memory_space<vmem>>
    %dma_start3A_46 = arith.constant 0 : i32
    %dma_start3A_47 = tpu.memref_slice %arg6[%dma_start3A_42, %dma_start3A_46] : memref<8x128xi32, #tpu.memory_space<vmem>> -> memref<1x128xi32, #tpu.memory_space<vmem>>
    %dma_start3A_48 = tpu.memref_squeeze %dma_start3A_47 : memref<1x128xi32, #tpu.memory_space<vmem>> -> memref<128xi32, #tpu.memory_space<vmem>>
    %dma_start3A_49 = arith.constant 0 : i32
    %dma_start3A_50 = arith.constant 0 : i32
    %dma_start3A_51 = tpu.memref_slice %arg2[%dma_start3A_49, %dma_start3A_50] : memref<1024x64xf32, #tpu.memory_space<hbm>> -> memref<1024x64xf32, #tpu.memory_space<hbm>>
    tpu.enqueue_indirect_dma source(%dma_start3A_51 : memref<1024x64xf32, #tpu.memory_space<hbm>>) target(%dma_start3A_45 : memref<128x64xf32, #tpu.memory_space<vmem>>) offsets(%dma_start3A_48 : memref<128xi32, #tpu.memory_space<vmem>>) semaphore(%arg9 : memref<!tpu.dma_semaphore, #tpu.memory_space<semaphore_mem>>)
    %dma_start3A_52 = arith.constant 5 : i32
    %dma_start3A_53 = arith.constant 640 : i32
    %dma_start3A_54 = arith.constant 0 : i32
    %dma_start3A_55 = tpu.memref_slice %arg7[%dma_start3A_53, %dma_start3A_54] : memref<1024x64xf32, #tpu.memory_space<vmem>> -> memref<128x64xf32, #tpu.memory_space<vmem>>
    %dma_start3A_56 = arith.constant 0 : i32
    %dma_start3A_57 = tpu.memref_slice %arg6[%dma_start3A_52, %dma_start3A_56] : memref<8x128xi32, #tpu.memory_space<vmem>> -> memref<1x128xi32, #tpu.memory_space<vmem>>
    %dma_start3A_58 = tpu.memref_squeeze %dma_start3A_57 : memref<1x128xi32, #tpu.memory_space<vmem>> -> memref<128xi32, #tpu.memory_space<vmem>>
    %dma_start3A_59 = arith.constant 0 : i32
    %dma_start3A_60 = arith.constant 0 : i32
    %dma_start3A_61 = tpu.memref_slice %arg2[%dma_start3A_59, %dma_start3A_60] : memref<1024x64xf32, #tpu.memory_space<hbm>> -> memref<1024x64xf32, #tpu.memory_space<hbm>>
    tpu.enqueue_indirect_dma source(%dma_start3A_61 : memref<1024x64xf32, #tpu.memory_space<hbm>>) target(%dma_start3A_55 : memref<128x64xf32, #tpu.memory_space<vmem>>) offsets(%dma_start3A_58 : memref<128xi32, #tpu.memory_space<vmem>>) semaphore(%arg9 : memref<!tpu.dma_semaphore, #tpu.memory_space<semaphore_mem>>)
    %dma_start3A_62 = arith.constant 6 : i32
    %dma_start3A_63 = arith.constant 768 : i32
    %dma_start3A_64 = arith.constant 0 : i32
    %dma_start3A_65 = tpu.memref_slice %arg7[%dma_start3A_63, %dma_start3A_64] : memref<1024x64xf32, #tpu.memory_space<vmem>> -> memref<128x64xf32, #tpu.memory_space<vmem>>
    %dma_start3A_66 = arith.constant 0 : i32
    %dma_start3A_67 = tpu.memref_slice %arg6[%dma_start3A_62, %dma_start3A_66] : memref<8x128xi32, #tpu.memory_space<vmem>> -> memref<1x128xi32, #tpu.memory_space<vmem>>
    %dma_start3A_68 = tpu.memref_squeeze %dma_start3A_67 : memref<1x128xi32, #tpu.memory_space<vmem>> -> memref<128xi32, #tpu.memory_space<vmem>>
    %dma_start3A_69 = arith.constant 0 : i32
    %dma_start3A_70 = arith.constant 0 : i32
    %dma_start3A_71 = tpu.memref_slice %arg2[%dma_start3A_69, %dma_start3A_70] : memref<1024x64xf32, #tpu.memory_space<hbm>> -> memref<1024x64xf32, #tpu.memory_space<hbm>>
    tpu.enqueue_indirect_dma source(%dma_start3A_71 : memref<1024x64xf32, #tpu.memory_space<hbm>>) target(%dma_start3A_65 : memref<128x64xf32, #tpu.memory_space<vmem>>) offsets(%dma_start3A_68 : memref<128xi32, #tpu.memory_space<vmem>>) semaphore(%arg9 : memref<!tpu.dma_semaphore, #tpu.memory_space<semaphore_mem>>)
    %dma_start3A_72 = arith.constant 7 : i32
    %dma_start3A_73 = arith.constant 896 : i32
    %dma_start3A_74 = arith.constant 0 : i32
    %dma_start3A_75 = tpu.memref_slice %arg7[%dma_start3A_73, %dma_start3A_74] : memref<1024x64xf32, #tpu.memory_space<vmem>> -> memref<128x64xf32, #tpu.memory_space<vmem>>
    %dma_start3A_76 = arith.constant 0 : i32
    %dma_start3A_77 = tpu.memref_slice %arg6[%dma_start3A_72, %dma_start3A_76] : memref<8x128xi32, #tpu.memory_space<vmem>> -> memref<1x128xi32, #tpu.memory_space<vmem>>
    %dma_start3A_78 = tpu.memref_squeeze %dma_start3A_77 : memref<1x128xi32, #tpu.memory_space<vmem>> -> memref<128xi32, #tpu.memory_space<vmem>>
    %dma_start3A_79 = arith.constant 0 : i32
    %dma_start3A_80 = arith.constant 0 : i32
    %dma_start3A_81 = tpu.memref_slice %arg2[%dma_start3A_79, %dma_start3A_80] : memref<1024x64xf32, #tpu.memory_space<hbm>> -> memref<1024x64xf32, #tpu.memory_space<hbm>>
    tpu.enqueue_indirect_dma source(%dma_start3A_81 : memref<1024x64xf32, #tpu.memory_space<hbm>>) target(%dma_start3A_75 : memref<128x64xf32, #tpu.memory_space<vmem>>) offsets(%dma_start3A_78 : memref<128xi32, #tpu.memory_space<vmem>>) semaphore(%arg9 : memref<!tpu.dma_semaphore, #tpu.memory_space<semaphore_mem>>)
    %broadcast_in_dim3A = arith.constant 0.000000e+00 : f32
    %broadcast_in_dim3A_82 = vector.broadcast %broadcast_in_dim3A : f32 to vector<16xf32>
    %scan3A = arith.constant 0 : i32
    %scan3A_83 = arith.constant 0 : i32
    %scan3A_84 = arith.constant 64 : i32
    %scan3A_85 = arith.addi %scan3A_83, %scan3A_84 : i32
    %scan3A_86 = arith.constant 1 : i32
    %scan3A_87 = scf.for %scan3A_427 = %scan3A_83 to %scan3A_85 step %scan3A_86 iter_args(%scan3A_428 = %scan3A) -> (i32)  : i32 {
      %mul3A_429 = arith.constant 16 : i32
      %mul3A_430 = arith.muli %scan3A_427, %mul3A_429 : i32
      %swap3A = arith.index_cast %mul3A_430 : i32 to index
      %swap3A_431 = tpu.vector_load %arg8[%swap3A] {strides = array<i32>} : memref<1024xf32, #tpu.memory_space<vmem>>, vector<16xf32>,
      tpu.vector_store %arg8[%swap3A], %broadcast_in_dim3A_82 {strides = array<i32>} : memref<1024xf32, #tpu.memory_space<vmem>>, vector<16xf32>,
      %scan3A_432 = arith.constant 0 : i32
      scf.yield %scan3A_432 : i32
    }
    %scan3A_88 = arith.constant 64 : i32
    %broadcast_in_dim3A_89 = arith.constant 1.000000e+00 : f32
    %broadcast_in_dim3A_90 = vector.broadcast %broadcast_in_dim3A_89 : f32 to vector<16xf32>
    %get3A = arith.constant 0 : i32
    %get3A_91 = arith.index_cast %get3A : i32 to index
    %get3A_92 = arith.constant 0 : index
    %get3A_93 = tpu.vector_load %arg6[%get3A_91, %get3A_92] {strides = array<i32>} : memref<8x128xi32, #tpu.memory_space<vmem>>, vector<16xi32>,
    tpu.vector_store_idx %arg8[%get3A_93], %broadcast_in_dim3A_90 {add = true} : memref<1024xf32, #tpu.memory_space<vmem>>[vector<16xi32>], vector<16xf32>,
    %get3A_94 = arith.constant 0 : i32
    %get3A_95 = arith.index_cast %get3A_94 : i32 to index
    %get3A_96 = arith.constant 16 : index
    %get3A_97 = tpu.vector_load %arg6[%get3A_95, %get3A_96] {strides = array<i32>} : memref<8x128xi32, #tpu.memory_space<vmem>>, vector<16xi32>,
    tpu.vector_store_idx %arg8[%get3A_97], %broadcast_in_dim3A_90 {add = true} : memref<1024xf32, #tpu.memory_space<vmem>>[vector<16xi32>], vector<16xf32>,
    %get3A_98 = arith.constant 0 : i32
    %get3A_99 = arith.index_cast %get3A_98 : i32 to index
    %get3A_100 = arith.constant 32 : index
    %get3A_101 = tpu.vector_load %arg6[%get3A_99, %get3A_100] {strides = array<i32>} : memref<8x128xi32, #tpu.memory_space<vmem>>, vector<16xi32>,
    tpu.vector_store_idx %arg8[%get3A_101], %broadcast_in_dim3A_90 {add = true} : memref<1024xf32, #tpu.memory_space<vmem>>[vector<16xi32>], vector<16xf32>,
    %get3A_102 = arith.constant 0 : i32
    %get3A_103 = arith.index_cast %get3A_102 : i32 to index
    %get3A_104 = arith.constant 48 : index
    %get3A_105 = tpu.vector_load %arg6[%get3A_103, %get3A_104] {strides = array<i32>} : memref<8x128xi32, #tpu.memory_space<vmem>>, vector<16xi32>,
    tpu.vector_store_idx %arg8[%get3A_105], %broadcast_in_dim3A_90 {add = true} : memref<1024xf32, #tpu.memory_space<vmem>>[vector<16xi32>], vector<16xf32>,
    %get3A_106 = arith.constant 0 : i32
    %get3A_107 = arith.index_cast %get3A_106 : i32 to index
    %get3A_108 = arith.constant 64 : index
    %get3A_109 = tpu.vector_load %arg6[%get3A_107, %get3A_108] {strides = array<i32>} : memref<8x128xi32, #tpu.memory_space<vmem>>, vector<16xi32>,
    tpu.vector_store_idx %arg8[%get3A_109], %broadcast_in_dim3A_90 {add = true} : memref<1024xf32, #tpu.memory_space<vmem>>[vector<16xi32>], vector<16xf32>,
    %get3A_110 = arith.constant 0 : i32
    %get3A_111 = arith.index_cast %get3A_110 : i32 to index
    %get3A_112 = arith.constant 80 : index
    %get3A_113 = tpu.vector_load %arg6[%get3A_111, %get3A_112] {strides = array<i32>} : memref<8x128xi32, #tpu.memory_space<vmem>>, vector<16xi32>,
    tpu.vector_store_idx %arg8[%get3A_113], %broadcast_in_dim3A_90 {add = true} : memref<1024xf32, #tpu.memory_space<vmem>>[vector<16xi32>], vector<16xf32>,
    %get3A_114 = arith.constant 0 : i32
    %get3A_115 = arith.index_cast %get3A_114 : i32 to index
    %get3A_116 = arith.constant 96 : index
    %get3A_117 = tpu.vector_load %arg6[%get3A_115, %get3A_116] {strides = array<i32>} : memref<8x128xi32, #tpu.memory_space<vmem>>, vector<16xi32>,
    tpu.vector_store_idx %arg8[%get3A_117], %broadcast_in_dim3A_90 {add = true} : memref<1024xf32, #tpu.memory_space<vmem>>[vector<16xi32>], vector<16xf32>,
    %get3A_118 = arith.constant 0 : i32
    %get3A_119 = arith.index_cast %get3A_118 : i32 to index
    %get3A_120 = arith.constant 112 : index
    %get3A_121 = tpu.vector_load %arg6[%get3A_119, %get3A_120] {strides = array<i32>} : memref<8x128xi32, #tpu.memory_space<vmem>>, vector<16xi32>,
    tpu.vector_store_idx %arg8[%get3A_121], %broadcast_in_dim3A_90 {add = true} : memref<1024xf32, #tpu.memory_space<vmem>>[vector<16xi32>], vector<16xf32>,
    %get3A_122 = arith.constant 1 : i32
    %get3A_123 = arith.index_cast %get3A_122 : i32 to index
    %get3A_124 = arith.constant 0 : index
    %get3A_125 = tpu.vector_load %arg6[%get3A_123, %get3A_124] {strides = array<i32>} : memref<8x128xi32, #tpu.memory_space<vmem>>, vector<16xi32>,
    tpu.vector_store_idx %arg8[%get3A_125], %broadcast_in_dim3A_90 {add = true} : memref<1024xf32, #tpu.memory_space<vmem>>[vector<16xi32>], vector<16xf32>,
    %get3A_126 = arith.constant 1 : i32
    %get3A_127 = arith.index_cast %get3A_126 : i32 to index
    %get3A_128 = arith.constant 16 : index
    %get3A_129 = tpu.vector_load %arg6[%get3A_127, %get3A_128] {strides = array<i32>} : memref<8x128xi32, #tpu.memory_space<vmem>>, vector<16xi32>,
    tpu.vector_store_idx %arg8[%get3A_129], %broadcast_in_dim3A_90 {add = true} : memref<1024xf32, #tpu.memory_space<vmem>>[vector<16xi32>], vector<16xf32>,
    %get3A_130 = arith.constant 1 : i32
    %get3A_131 = arith.index_cast %get3A_130 : i32 to index
    %get3A_132 = arith.constant 32 : index
    %get3A_133 = tpu.vector_load %arg6[%get3A_131, %get3A_132] {strides = array<i32>} : memref<8x128xi32, #tpu.memory_space<vmem>>, vector<16xi32>,
    tpu.vector_store_idx %arg8[%get3A_133], %broadcast_in_dim3A_90 {add = true} : memref<1024xf32, #tpu.memory_space<vmem>>[vector<16xi32>], vector<16xf32>,
    %get3A_134 = arith.constant 1 : i32
    %get3A_135 = arith.index_cast %get3A_134 : i32 to index
    %get3A_136 = arith.constant 48 : index
    %get3A_137 = tpu.vector_load %arg6[%get3A_135, %get3A_136] {strides = array<i32>} : memref<8x128xi32, #tpu.memory_space<vmem>>, vector<16xi32>,
    tpu.vector_store_idx %arg8[%get3A_137], %broadcast_in_dim3A_90 {add = true} : memref<1024xf32, #tpu.memory_space<vmem>>[vector<16xi32>], vector<16xf32>,
    %get3A_138 = arith.constant 1 : i32
    %get3A_139 = arith.index_cast %get3A_138 : i32 to index
    %get3A_140 = arith.constant 64 : index
    %get3A_141 = tpu.vector_load %arg6[%get3A_139, %get3A_140] {strides = array<i32>} : memref<8x128xi32, #tpu.memory_space<vmem>>, vector<16xi32>,
    tpu.vector_store_idx %arg8[%get3A_141], %broadcast_in_dim3A_90 {add = true} : memref<1024xf32, #tpu.memory_space<vmem>>[vector<16xi32>], vector<16xf32>,
    %get3A_142 = arith.constant 1 : i32
    %get3A_143 = arith.index_cast %get3A_142 : i32 to index
    %get3A_144 = arith.constant 80 : index
    %get3A_145 = tpu.vector_load %arg6[%get3A_143, %get3A_144] {strides = array<i32>} : memref<8x128xi32, #tpu.memory_space<vmem>>, vector<16xi32>,
    tpu.vector_store_idx %arg8[%get3A_145], %broadcast_in_dim3A_90 {add = true} : memref<1024xf32, #tpu.memory_space<vmem>>[vector<16xi32>], vector<16xf32>,
    %get3A_146 = arith.constant 1 : i32
    %get3A_147 = arith.index_cast %get3A_146 : i32 to index
    %get3A_148 = arith.constant 96 : index
    %get3A_149 = tpu.vector_load %arg6[%get3A_147, %get3A_148] {strides = array<i32>} : memref<8x128xi32, #tpu.memory_space<vmem>>, vector<16xi32>,
    tpu.vector_store_idx %arg8[%get3A_149], %broadcast_in_dim3A_90 {add = true} : memref<1024xf32, #tpu.memory_space<vmem>>[vector<16xi32>], vector<16xf32>,
    %get3A_150 = arith.constant 1 : i32
    %get3A_151 = arith.index_cast %get3A_150 : i32 to index
    %get3A_152 = arith.constant 112 : index
    %get3A_153 = tpu.vector_load %arg6[%get3A_151, %get3A_152] {strides = array<i32>} : memref<8x128xi32, #tpu.memory_space<vmem>>, vector<16xi32>,
    tpu.vector_store_idx %arg8[%get3A_153], %broadcast_in_dim3A_90 {add = true} : memref<1024xf32, #tpu.memory_space<vmem>>[vector<16xi32>], vector<16xf32>,
    %get3A_154 = arith.constant 2 : i32
    %get3A_155 = arith.index_cast %get3A_154 : i32 to index
    %get3A_156 = arith.constant 0 : index
    %get3A_157 = tpu.vector_load %arg6[%get3A_155, %get3A_156] {strides = array<i32>} : memref<8x128xi32, #tpu.memory_space<vmem>>, vector<16xi32>,
    tpu.vector_store_idx %arg8[%get3A_157], %broadcast_in_dim3A_90 {add = true} : memref<1024xf32, #tpu.memory_space<vmem>>[vector<16xi32>], vector<16xf32>,
    %get3A_158 = arith.constant 2 : i32
    %get3A_159 = arith.index_cast %get3A_158 : i32 to index
    %get3A_160 = arith.constant 16 : index
    %get3A_161 = tpu.vector_load %arg6[%get3A_159, %get3A_160] {strides = array<i32>} : memref<8x128xi32, #tpu.memory_space<vmem>>, vector<16xi32>,
    tpu.vector_store_idx %arg8[%get3A_161], %broadcast_in_dim3A_90 {add = true} : memref<1024xf32, #tpu.memory_space<vmem>>[vector<16xi32>], vector<16xf32>,
    %get3A_162 = arith.constant 2 : i32
    %get3A_163 = arith.index_cast %get3A_162 : i32 to index
    %get3A_164 = arith.constant 32 : index
    %get3A_165 = tpu.vector_load %arg6[%get3A_163, %get3A_164] {strides = array<i32>} : memref<8x128xi32, #tpu.memory_space<vmem>>, vector<16xi32>,
    tpu.vector_store_idx %arg8[%get3A_165], %broadcast_in_dim3A_90 {add = true} : memref<1024xf32, #tpu.memory_space<vmem>>[vector<16xi32>], vector<16xf32>,
    %get3A_166 = arith.constant 2 : i32
    %get3A_167 = arith.index_cast %get3A_166 : i32 to index
    %get3A_168 = arith.constant 48 : index
    %get3A_169 = tpu.vector_load %arg6[%get3A_167, %get3A_168] {strides = array<i32>} : memref<8x128xi32, #tpu.memory_space<vmem>>, vector<16xi32>,
    tpu.vector_store_idx %arg8[%get3A_169], %broadcast_in_dim3A_90 {add = true} : memref<1024xf32, #tpu.memory_space<vmem>>[vector<16xi32>], vector<16xf32>,
    %get3A_170 = arith.constant 2 : i32
    %get3A_171 = arith.index_cast %get3A_170 : i32 to index
    %get3A_172 = arith.constant 64 : index
    %get3A_173 = tpu.vector_load %arg6[%get3A_171, %get3A_172] {strides = array<i32>} : memref<8x128xi32, #tpu.memory_space<vmem>>, vector<16xi32>,
    tpu.vector_store_idx %arg8[%get3A_173], %broadcast_in_dim3A_90 {add = true} : memref<1024xf32, #tpu.memory_space<vmem>>[vector<16xi32>], vector<16xf32>,
    %get3A_174 = arith.constant 2 : i32
    %get3A_175 = arith.index_cast %get3A_174 : i32 to index
    %get3A_176 = arith.constant 80 : index
    %get3A_177 = tpu.vector_load %arg6[%get3A_175, %get3A_176] {strides = array<i32>} : memref<8x128xi32, #tpu.memory_space<vmem>>, vector<16xi32>,
    tpu.vector_store_idx %arg8[%get3A_177], %broadcast_in_dim3A_90 {add = true} : memref<1024xf32, #tpu.memory_space<vmem>>[vector<16xi32>], vector<16xf32>,
    %get3A_178 = arith.constant 2 : i32
    %get3A_179 = arith.index_cast %get3A_178 : i32 to index
    %get3A_180 = arith.constant 96 : index
    %get3A_181 = tpu.vector_load %arg6[%get3A_179, %get3A_180] {strides = array<i32>} : memref<8x128xi32, #tpu.memory_space<vmem>>, vector<16xi32>,
    tpu.vector_store_idx %arg8[%get3A_181], %broadcast_in_dim3A_90 {add = true} : memref<1024xf32, #tpu.memory_space<vmem>>[vector<16xi32>], vector<16xf32>,
    %get3A_182 = arith.constant 2 : i32
    %get3A_183 = arith.index_cast %get3A_182 : i32 to index
    %get3A_184 = arith.constant 112 : index
    %get3A_185 = tpu.vector_load %arg6[%get3A_183, %get3A_184] {strides = array<i32>} : memref<8x128xi32, #tpu.memory_space<vmem>>, vector<16xi32>,
    tpu.vector_store_idx %arg8[%get3A_185], %broadcast_in_dim3A_90 {add = true} : memref<1024xf32, #tpu.memory_space<vmem>>[vector<16xi32>], vector<16xf32>,
    %get3A_186 = arith.constant 3 : i32
    %get3A_187 = arith.index_cast %get3A_186 : i32 to index
    %get3A_188 = arith.constant 0 : index
    %get3A_189 = tpu.vector_load %arg6[%get3A_187, %get3A_188] {strides = array<i32>} : memref<8x128xi32, #tpu.memory_space<vmem>>, vector<16xi32>,
    tpu.vector_store_idx %arg8[%get3A_189], %broadcast_in_dim3A_90 {add = true} : memref<1024xf32, #tpu.memory_space<vmem>>[vector<16xi32>], vector<16xf32>,
    %get3A_190 = arith.constant 3 : i32
    %get3A_191 = arith.index_cast %get3A_190 : i32 to index
    %get3A_192 = arith.constant 16 : index
    %get3A_193 = tpu.vector_load %arg6[%get3A_191, %get3A_192] {strides = array<i32>} : memref<8x128xi32, #tpu.memory_space<vmem>>, vector<16xi32>,
    tpu.vector_store_idx %arg8[%get3A_193], %broadcast_in_dim3A_90 {add = true} : memref<1024xf32, #tpu.memory_space<vmem>>[vector<16xi32>], vector<16xf32>,
    %get3A_194 = arith.constant 3 : i32
    %get3A_195 = arith.index_cast %get3A_194 : i32 to index
    %get3A_196 = arith.constant 32 : index
    %get3A_197 = tpu.vector_load %arg6[%get3A_195, %get3A_196] {strides = array<i32>} : memref<8x128xi32, #tpu.memory_space<vmem>>, vector<16xi32>,
    tpu.vector_store_idx %arg8[%get3A_197], %broadcast_in_dim3A_90 {add = true} : memref<1024xf32, #tpu.memory_space<vmem>>[vector<16xi32>], vector<16xf32>,
    %get3A_198 = arith.constant 3 : i32
    %get3A_199 = arith.index_cast %get3A_198 : i32 to index
    %get3A_200 = arith.constant 48 : index
    %get3A_201 = tpu.vector_load %arg6[%get3A_199, %get3A_200] {strides = array<i32>} : memref<8x128xi32, #tpu.memory_space<vmem>>, vector<16xi32>,
    tpu.vector_store_idx %arg8[%get3A_201], %broadcast_in_dim3A_90 {add = true} : memref<1024xf32, #tpu.memory_space<vmem>>[vector<16xi32>], vector<16xf32>,
    %get3A_202 = arith.constant 3 : i32
    %get3A_203 = arith.index_cast %get3A_202 : i32 to index
    %get3A_204 = arith.constant 64 : index
    %get3A_205 = tpu.vector_load %arg6[%get3A_203, %get3A_204] {strides = array<i32>} : memref<8x128xi32, #tpu.memory_space<vmem>>, vector<16xi32>,
    tpu.vector_store_idx %arg8[%get3A_205], %broadcast_in_dim3A_90 {add = true} : memref<1024xf32, #tpu.memory_space<vmem>>[vector<16xi32>], vector<16xf32>,
    %get3A_206 = arith.constant 3 : i32
    %get3A_207 = arith.index_cast %get3A_206 : i32 to index
    %get3A_208 = arith.constant 80 : index
    %get3A_209 = tpu.vector_load %arg6[%get3A_207, %get3A_208] {strides = array<i32>} : memref<8x128xi32, #tpu.memory_space<vmem>>, vector<16xi32>,
    tpu.vector_store_idx %arg8[%get3A_209], %broadcast_in_dim3A_90 {add = true} : memref<1024xf32, #tpu.memory_space<vmem>>[vector<16xi32>], vector<16xf32>,
    %get3A_210 = arith.constant 3 : i32
    %get3A_211 = arith.index_cast %get3A_210 : i32 to index
    %get3A_212 = arith.constant 96 : index
    %get3A_213 = tpu.vector_load %arg6[%get3A_211, %get3A_212] {strides = array<i32>} : memref<8x128xi32, #tpu.memory_space<vmem>>, vector<16xi32>,
    tpu.vector_store_idx %arg8[%get3A_213], %broadcast_in_dim3A_90 {add = true} : memref<1024xf32, #tpu.memory_space<vmem>>[vector<16xi32>], vector<16xf32>,
    %get3A_214 = arith.constant 3 : i32
    %get3A_215 = arith.index_cast %get3A_214 : i32 to index
    %get3A_216 = arith.constant 112 : index
    %get3A_217 = tpu.vector_load %arg6[%get3A_215, %get3A_216] {strides = array<i32>} : memref<8x128xi32, #tpu.memory_space<vmem>>, vector<16xi32>,
    tpu.vector_store_idx %arg8[%get3A_217], %broadcast_in_dim3A_90 {add = true} : memref<1024xf32, #tpu.memory_space<vmem>>[vector<16xi32>], vector<16xf32>,
    %get3A_218 = arith.constant 4 : i32
    %get3A_219 = arith.index_cast %get3A_218 : i32 to index
    %get3A_220 = arith.constant 0 : index
    %get3A_221 = tpu.vector_load %arg6[%get3A_219, %get3A_220] {strides = array<i32>} : memref<8x128xi32, #tpu.memory_space<vmem>>, vector<16xi32>,
    tpu.vector_store_idx %arg8[%get3A_221], %broadcast_in_dim3A_90 {add = true} : memref<1024xf32, #tpu.memory_space<vmem>>[vector<16xi32>], vector<16xf32>,
    %get3A_222 = arith.constant 4 : i32
    %get3A_223 = arith.index_cast %get3A_222 : i32 to index
    %get3A_224 = arith.constant 16 : index
    %get3A_225 = tpu.vector_load %arg6[%get3A_223, %get3A_224] {strides = array<i32>} : memref<8x128xi32, #tpu.memory_space<vmem>>, vector<16xi32>,
    tpu.vector_store_idx %arg8[%get3A_225], %broadcast_in_dim3A_90 {add = true} : memref<1024xf32, #tpu.memory_space<vmem>>[vector<16xi32>], vector<16xf32>,
    %get3A_226 = arith.constant 4 : i32
    %get3A_227 = arith.index_cast %get3A_226 : i32 to index
    %get3A_228 = arith.constant 32 : index
    %get3A_229 = tpu.vector_load %arg6[%get3A_227, %get3A_228] {strides = array<i32>} : memref<8x128xi32, #tpu.memory_space<vmem>>, vector<16xi32>,
    tpu.vector_store_idx %arg8[%get3A_229], %broadcast_in_dim3A_90 {add = true} : memref<1024xf32, #tpu.memory_space<vmem>>[vector<16xi32>], vector<16xf32>,
    %get3A_230 = arith.constant 4 : i32
    %get3A_231 = arith.index_cast %get3A_230 : i32 to index
    %get3A_232 = arith.constant 48 : index
    %get3A_233 = tpu.vector_load %arg6[%get3A_231, %get3A_232] {strides = array<i32>} : memref<8x128xi32, #tpu.memory_space<vmem>>, vector<16xi32>,
    tpu.vector_store_idx %arg8[%get3A_233], %broadcast_in_dim3A_90 {add = true} : memref<1024xf32, #tpu.memory_space<vmem>>[vector<16xi32>], vector<16xf32>,
    %get3A_234 = arith.constant 4 : i32
    %get3A_235 = arith.index_cast %get3A_234 : i32 to index
    %get3A_236 = arith.constant 64 : index
    %get3A_237 = tpu.vector_load %arg6[%get3A_235, %get3A_236] {strides = array<i32>} : memref<8x128xi32, #tpu.memory_space<vmem>>, vector<16xi32>,
    tpu.vector_store_idx %arg8[%get3A_237], %broadcast_in_dim3A_90 {add = true} : memref<1024xf32, #tpu.memory_space<vmem>>[vector<16xi32>], vector<16xf32>,
    %get3A_238 = arith.constant 4 : i32
    %get3A_239 = arith.index_cast %get3A_238 : i32 to index
    %get3A_240 = arith.constant 80 : index
    %get3A_241 = tpu.vector_load %arg6[%get3A_239, %get3A_240] {strides = array<i32>} : memref<8x128xi32, #tpu.memory_space<vmem>>, vector<16xi32>,
    tpu.vector_store_idx %arg8[%get3A_241], %broadcast_in_dim3A_90 {add = true} : memref<1024xf32, #tpu.memory_space<vmem>>[vector<16xi32>], vector<16xf32>,
    %get3A_242 = arith.constant 4 : i32
    %get3A_243 = arith.index_cast %get3A_242 : i32 to index
    %get3A_244 = arith.constant 96 : index
    %get3A_245 = tpu.vector_load %arg6[%get3A_243, %get3A_244] {strides = array<i32>} : memref<8x128xi32, #tpu.memory_space<vmem>>, vector<16xi32>,
    tpu.vector_store_idx %arg8[%get3A_245], %broadcast_in_dim3A_90 {add = true} : memref<1024xf32, #tpu.memory_space<vmem>>[vector<16xi32>], vector<16xf32>,
    %get3A_246 = arith.constant 4 : i32
    %get3A_247 = arith.index_cast %get3A_246 : i32 to index
    %get3A_248 = arith.constant 112 : index
    %get3A_249 = tpu.vector_load %arg6[%get3A_247, %get3A_248] {strides = array<i32>} : memref<8x128xi32, #tpu.memory_space<vmem>>, vector<16xi32>,
    tpu.vector_store_idx %arg8[%get3A_249], %broadcast_in_dim3A_90 {add = true} : memref<1024xf32, #tpu.memory_space<vmem>>[vector<16xi32>], vector<16xf32>,
    %get3A_250 = arith.constant 5 : i32
    %get3A_251 = arith.index_cast %get3A_250 : i32 to index
    %get3A_252 = arith.constant 0 : index
    %get3A_253 = tpu.vector_load %arg6[%get3A_251, %get3A_252] {strides = array<i32>} : memref<8x128xi32, #tpu.memory_space<vmem>>, vector<16xi32>,
    tpu.vector_store_idx %arg8[%get3A_253], %broadcast_in_dim3A_90 {add = true} : memref<1024xf32, #tpu.memory_space<vmem>>[vector<16xi32>], vector<16xf32>,
    %get3A_254 = arith.constant 5 : i32
    %get3A_255 = arith.index_cast %get3A_254 : i32 to index
    %get3A_256 = arith.constant 16 : index
    %get3A_257 = tpu.vector_load %arg6[%get3A_255, %get3A_256] {strides = array<i32>} : memref<8x128xi32, #tpu.memory_space<vmem>>, vector<16xi32>,
    tpu.vector_store_idx %arg8[%get3A_257], %broadcast_in_dim3A_90 {add = true} : memref<1024xf32, #tpu.memory_space<vmem>>[vector<16xi32>], vector<16xf32>,
    %get3A_258 = arith.constant 5 : i32
    %get3A_259 = arith.index_cast %get3A_258 : i32 to index
    %get3A_260 = arith.constant 32 : index
    %get3A_261 = tpu.vector_load %arg6[%get3A_259, %get3A_260] {strides = array<i32>} : memref<8x128xi32, #tpu.memory_space<vmem>>, vector<16xi32>,
    tpu.vector_store_idx %arg8[%get3A_261], %broadcast_in_dim3A_90 {add = true} : memref<1024xf32, #tpu.memory_space<vmem>>[vector<16xi32>], vector<16xf32>,
    %get3A_262 = arith.constant 5 : i32
    %get3A_263 = arith.index_cast %get3A_262 : i32 to index
    %get3A_264 = arith.constant 48 : index
    %get3A_265 = tpu.vector_load %arg6[%get3A_263, %get3A_264] {strides = array<i32>} : memref<8x128xi32, #tpu.memory_space<vmem>>, vector<16xi32>,
    tpu.vector_store_idx %arg8[%get3A_265], %broadcast_in_dim3A_90 {add = true} : memref<1024xf32, #tpu.memory_space<vmem>>[vector<16xi32>], vector<16xf32>,
    %get3A_266 = arith.constant 5 : i32
    %get3A_267 = arith.index_cast %get3A_266 : i32 to index
    %get3A_268 = arith.constant 64 : index
    %get3A_269 = tpu.vector_load %arg6[%get3A_267, %get3A_268] {strides = array<i32>} : memref<8x128xi32, #tpu.memory_space<vmem>>, vector<16xi32>,
    tpu.vector_store_idx %arg8[%get3A_269], %broadcast_in_dim3A_90 {add = true} : memref<1024xf32, #tpu.memory_space<vmem>>[vector<16xi32>], vector<16xf32>,
    %get3A_270 = arith.constant 5 : i32
    %get3A_271 = arith.index_cast %get3A_270 : i32 to index
    %get3A_272 = arith.constant 80 : index
    %get3A_273 = tpu.vector_load %arg6[%get3A_271, %get3A_272] {strides = array<i32>} : memref<8x128xi32, #tpu.memory_space<vmem>>, vector<16xi32>,
    tpu.vector_store_idx %arg8[%get3A_273], %broadcast_in_dim3A_90 {add = true} : memref<1024xf32, #tpu.memory_space<vmem>>[vector<16xi32>], vector<16xf32>,
    %get3A_274 = arith.constant 5 : i32
    %get3A_275 = arith.index_cast %get3A_274 : i32 to index
    %get3A_276 = arith.constant 96 : index
    %get3A_277 = tpu.vector_load %arg6[%get3A_275, %get3A_276] {strides = array<i32>} : memref<8x128xi32, #tpu.memory_space<vmem>>, vector<16xi32>,
    tpu.vector_store_idx %arg8[%get3A_277], %broadcast_in_dim3A_90 {add = true} : memref<1024xf32, #tpu.memory_space<vmem>>[vector<16xi32>], vector<16xf32>,
    %get3A_278 = arith.constant 5 : i32
    %get3A_279 = arith.index_cast %get3A_278 : i32 to index
    %get3A_280 = arith.constant 112 : index
    %get3A_281 = tpu.vector_load %arg6[%get3A_279, %get3A_280] {strides = array<i32>} : memref<8x128xi32, #tpu.memory_space<vmem>>, vector<16xi32>,
    tpu.vector_store_idx %arg8[%get3A_281], %broadcast_in_dim3A_90 {add = true} : memref<1024xf32, #tpu.memory_space<vmem>>[vector<16xi32>], vector<16xf32>,
    %get3A_282 = arith.constant 6 : i32
    %get3A_283 = arith.index_cast %get3A_282 : i32 to index
    %get3A_284 = arith.constant 0 : index
    %get3A_285 = tpu.vector_load %arg6[%get3A_283, %get3A_284] {strides = array<i32>} : memref<8x128xi32, #tpu.memory_space<vmem>>, vector<16xi32>,
    tpu.vector_store_idx %arg8[%get3A_285], %broadcast_in_dim3A_90 {add = true} : memref<1024xf32, #tpu.memory_space<vmem>>[vector<16xi32>], vector<16xf32>,
    %get3A_286 = arith.constant 6 : i32
    %get3A_287 = arith.index_cast %get3A_286 : i32 to index
    %get3A_288 = arith.constant 16 : index
    %get3A_289 = tpu.vector_load %arg6[%get3A_287, %get3A_288] {strides = array<i32>} : memref<8x128xi32, #tpu.memory_space<vmem>>, vector<16xi32>,
    tpu.vector_store_idx %arg8[%get3A_289], %broadcast_in_dim3A_90 {add = true} : memref<1024xf32, #tpu.memory_space<vmem>>[vector<16xi32>], vector<16xf32>,
    %get3A_290 = arith.constant 6 : i32
    %get3A_291 = arith.index_cast %get3A_290 : i32 to index
    %get3A_292 = arith.constant 32 : index
    %get3A_293 = tpu.vector_load %arg6[%get3A_291, %get3A_292] {strides = array<i32>} : memref<8x128xi32, #tpu.memory_space<vmem>>, vector<16xi32>,
    tpu.vector_store_idx %arg8[%get3A_293], %broadcast_in_dim3A_90 {add = true} : memref<1024xf32, #tpu.memory_space<vmem>>[vector<16xi32>], vector<16xf32>,
    %get3A_294 = arith.constant 6 : i32
    %get3A_295 = arith.index_cast %get3A_294 : i32 to index
    %get3A_296 = arith.constant 48 : index
    %get3A_297 = tpu.vector_load %arg6[%get3A_295, %get3A_296] {strides = array<i32>} : memref<8x128xi32, #tpu.memory_space<vmem>>, vector<16xi32>,
    tpu.vector_store_idx %arg8[%get3A_297], %broadcast_in_dim3A_90 {add = true} : memref<1024xf32, #tpu.memory_space<vmem>>[vector<16xi32>], vector<16xf32>,
    %get3A_298 = arith.constant 6 : i32
    %get3A_299 = arith.index_cast %get3A_298 : i32 to index
    %get3A_300 = arith.constant 64 : index
    %get3A_301 = tpu.vector_load %arg6[%get3A_299, %get3A_300] {strides = array<i32>} : memref<8x128xi32, #tpu.memory_space<vmem>>, vector<16xi32>,
    tpu.vector_store_idx %arg8[%get3A_301], %broadcast_in_dim3A_90 {add = true} : memref<1024xf32, #tpu.memory_space<vmem>>[vector<16xi32>], vector<16xf32>,
    %get3A_302 = arith.constant 6 : i32
    %get3A_303 = arith.index_cast %get3A_302 : i32 to index
    %get3A_304 = arith.constant 80 : index
    %get3A_305 = tpu.vector_load %arg6[%get3A_303, %get3A_304] {strides = array<i32>} : memref<8x128xi32, #tpu.memory_space<vmem>>, vector<16xi32>,
    tpu.vector_store_idx %arg8[%get3A_305], %broadcast_in_dim3A_90 {add = true} : memref<1024xf32, #tpu.memory_space<vmem>>[vector<16xi32>], vector<16xf32>,
    %get3A_306 = arith.constant 6 : i32
    %get3A_307 = arith.index_cast %get3A_306 : i32 to index
    %get3A_308 = arith.constant 96 : index
    %get3A_309 = tpu.vector_load %arg6[%get3A_307, %get3A_308] {strides = array<i32>} : memref<8x128xi32, #tpu.memory_space<vmem>>, vector<16xi32>,
    tpu.vector_store_idx %arg8[%get3A_309], %broadcast_in_dim3A_90 {add = true} : memref<1024xf32, #tpu.memory_space<vmem>>[vector<16xi32>], vector<16xf32>,
    %get3A_310 = arith.constant 6 : i32
    %get3A_311 = arith.index_cast %get3A_310 : i32 to index
    %get3A_312 = arith.constant 112 : index
    %get3A_313 = tpu.vector_load %arg6[%get3A_311, %get3A_312] {strides = array<i32>} : memref<8x128xi32, #tpu.memory_space<vmem>>, vector<16xi32>,
    tpu.vector_store_idx %arg8[%get3A_313], %broadcast_in_dim3A_90 {add = true} : memref<1024xf32, #tpu.memory_space<vmem>>[vector<16xi32>], vector<16xf32>,
    %get3A_314 = arith.constant 7 : i32
    %get3A_315 = arith.index_cast %get3A_314 : i32 to index
    %get3A_316 = arith.constant 0 : index
    %get3A_317 = tpu.vector_load %arg6[%get3A_315, %get3A_316] {strides = array<i32>} : memref<8x128xi32, #tpu.memory_space<vmem>>, vector<16xi32>,
    tpu.vector_store_idx %arg8[%get3A_317], %broadcast_in_dim3A_90 {add = true} : memref<1024xf32, #tpu.memory_space<vmem>>[vector<16xi32>], vector<16xf32>,
    %get3A_318 = arith.constant 7 : i32
    %get3A_319 = arith.index_cast %get3A_318 : i32 to index
    %get3A_320 = arith.constant 16 : index
    %get3A_321 = tpu.vector_load %arg6[%get3A_319, %get3A_320] {strides = array<i32>} : memref<8x128xi32, #tpu.memory_space<vmem>>, vector<16xi32>,
    tpu.vector_store_idx %arg8[%get3A_321], %broadcast_in_dim3A_90 {add = true} : memref<1024xf32, #tpu.memory_space<vmem>>[vector<16xi32>], vector<16xf32>,
    %get3A_322 = arith.constant 7 : i32
    %get3A_323 = arith.index_cast %get3A_322 : i32 to index
    %get3A_324 = arith.constant 32 : index
    %get3A_325 = tpu.vector_load %arg6[%get3A_323, %get3A_324] {strides = array<i32>} : memref<8x128xi32, #tpu.memory_space<vmem>>, vector<16xi32>,
    tpu.vector_store_idx %arg8[%get3A_325], %broadcast_in_dim3A_90 {add = true} : memref<1024xf32, #tpu.memory_space<vmem>>[vector<16xi32>], vector<16xf32>,
    %get3A_326 = arith.constant 7 : i32
    %get3A_327 = arith.index_cast %get3A_326 : i32 to index
    %get3A_328 = arith.constant 48 : index
    %get3A_329 = tpu.vector_load %arg6[%get3A_327, %get3A_328] {strides = array<i32>} : memref<8x128xi32, #tpu.memory_space<vmem>>, vector<16xi32>,
    tpu.vector_store_idx %arg8[%get3A_329], %broadcast_in_dim3A_90 {add = true} : memref<1024xf32, #tpu.memory_space<vmem>>[vector<16xi32>], vector<16xf32>,
    %get3A_330 = arith.constant 7 : i32
    %get3A_331 = arith.index_cast %get3A_330 : i32 to index
    %get3A_332 = arith.constant 64 : index
    %get3A_333 = tpu.vector_load %arg6[%get3A_331, %get3A_332] {strides = array<i32>} : memref<8x128xi32, #tpu.memory_space<vmem>>, vector<16xi32>,
    tpu.vector_store_idx %arg8[%get3A_333], %broadcast_in_dim3A_90 {add = true} : memref<1024xf32, #tpu.memory_space<vmem>>[vector<16xi32>], vector<16xf32>,
    %get3A_334 = arith.constant 7 : i32
    %get3A_335 = arith.index_cast %get3A_334 : i32 to index
    %get3A_336 = arith.constant 80 : index
    %get3A_337 = tpu.vector_load %arg6[%get3A_335, %get3A_336] {strides = array<i32>} : memref<8x128xi32, #tpu.memory_space<vmem>>, vector<16xi32>,
    tpu.vector_store_idx %arg8[%get3A_337], %broadcast_in_dim3A_90 {add = true} : memref<1024xf32, #tpu.memory_space<vmem>>[vector<16xi32>], vector<16xf32>,
    %get3A_338 = arith.constant 7 : i32
    %get3A_339 = arith.index_cast %get3A_338 : i32 to index
    %get3A_340 = arith.constant 96 : index
    %get3A_341 = tpu.vector_load %arg6[%get3A_339, %get3A_340] {strides = array<i32>} : memref<8x128xi32, #tpu.memory_space<vmem>>, vector<16xi32>,
    tpu.vector_store_idx %arg8[%get3A_341], %broadcast_in_dim3A_90 {add = true} : memref<1024xf32, #tpu.memory_space<vmem>>[vector<16xi32>], vector<16xf32>,
    %get3A_342 = arith.constant 7 : i32
    %get3A_343 = arith.index_cast %get3A_342 : i32 to index
    %get3A_344 = arith.constant 112 : index
    %get3A_345 = tpu.vector_load %arg6[%get3A_343, %get3A_344] {strides = array<i32>} : memref<8x128xi32, #tpu.memory_space<vmem>>, vector<16xi32>,
    tpu.vector_store_idx %arg8[%get3A_345], %broadcast_in_dim3A_90 {add = true} : memref<1024xf32, #tpu.memory_space<vmem>>[vector<16xi32>], vector<16xf32>,
    %dma_wait3A = arith.constant 0 : i32
    %dma_wait3A_346 = arith.constant 0 : i32
    %dma_wait3A_347 = arith.constant 0 : i32
    %dma_wait3A_348 = tpu.memref_slice %arg7[%dma_wait3A_346, %dma_wait3A_347] : memref<1024x64xf32, #tpu.memory_space<vmem>> -> memref<128x64xf32, #tpu.memory_space<vmem>>
    %dma_wait3A_349 = arith.constant 0 : i32
    %dma_wait3A_350 = tpu.memref_slice %arg6[%dma_wait3A, %dma_wait3A_349] : memref<8x128xi32, #tpu.memory_space<vmem>> -> memref<1x128xi32, #tpu.memory_space<vmem>>
    %dma_wait3A_351 = tpu.memref_squeeze %dma_wait3A_350 : memref<1x128xi32, #tpu.memory_space<vmem>> -> memref<128xi32, #tpu.memory_space<vmem>>
    %dma_wait3A_352 = arith.constant 0 : i32
    %dma_wait3A_353 = arith.constant 0 : i32
    %dma_wait3A_354 = tpu.memref_slice %arg2[%dma_wait3A_352, %dma_wait3A_353] : memref<1024x64xf32, #tpu.memory_space<hbm>> -> memref<1024x64xf32, #tpu.memory_space<hbm>>
    tpu.wait_indirect_dma semaphore(%arg9 : memref<!tpu.dma_semaphore, #tpu.memory_space<semaphore_mem>>) src(%dma_wait3A_354 : memref<1024x64xf32, #tpu.memory_space<hbm>>) dst(%dma_wait3A_348 : memref<128x64xf32, #tpu.memory_space<vmem>>)
    %dma_wait3A_355 = arith.constant 1 : i32
    %dma_wait3A_356 = arith.constant 128 : i32
    %dma_wait3A_357 = arith.constant 0 : i32
    %dma_wait3A_358 = tpu.memref_slice %arg7[%dma_wait3A_356, %dma_wait3A_357] : memref<1024x64xf32, #tpu.memory_space<vmem>> -> memref<128x64xf32, #tpu.memory_space<vmem>>
    %dma_wait3A_359 = arith.constant 0 : i32
    %dma_wait3A_360 = tpu.memref_slice %arg6[%dma_wait3A_355, %dma_wait3A_359] : memref<8x128xi32, #tpu.memory_space<vmem>> -> memref<1x128xi32, #tpu.memory_space<vmem>>
    %dma_wait3A_361 = tpu.memref_squeeze %dma_wait3A_360 : memref<1x128xi32, #tpu.memory_space<vmem>> -> memref<128xi32, #tpu.memory_space<vmem>>
    %dma_wait3A_362 = arith.constant 0 : i32
    %dma_wait3A_363 = arith.constant 0 : i32
    %dma_wait3A_364 = tpu.memref_slice %arg2[%dma_wait3A_362, %dma_wait3A_363] : memref<1024x64xf32, #tpu.memory_space<hbm>> -> memref<1024x64xf32, #tpu.memory_space<hbm>>
    tpu.wait_indirect_dma semaphore(%arg9 : memref<!tpu.dma_semaphore, #tpu.memory_space<semaphore_mem>>) src(%dma_wait3A_364 : memref<1024x64xf32, #tpu.memory_space<hbm>>) dst(%dma_wait3A_358 : memref<128x64xf32, #tpu.memory_space<vmem>>)
    %dma_wait3A_365 = arith.constant 2 : i32
    %dma_wait3A_366 = arith.constant 256 : i32
    %dma_wait3A_367 = arith.constant 0 : i32
    %dma_wait3A_368 = tpu.memref_slice %arg7[%dma_wait3A_366, %dma_wait3A_367] : memref<1024x64xf32, #tpu.memory_space<vmem>> -> memref<128x64xf32, #tpu.memory_space<vmem>>
    %dma_wait3A_369 = arith.constant 0 : i32
    %dma_wait3A_370 = tpu.memref_slice %arg6[%dma_wait3A_365, %dma_wait3A_369] : memref<8x128xi32, #tpu.memory_space<vmem>> -> memref<1x128xi32, #tpu.memory_space<vmem>>
    %dma_wait3A_371 = tpu.memref_squeeze %dma_wait3A_370 : memref<1x128xi32, #tpu.memory_space<vmem>> -> memref<128xi32, #tpu.memory_space<vmem>>
    %dma_wait3A_372 = arith.constant 0 : i32
    %dma_wait3A_373 = arith.constant 0 : i32
    %dma_wait3A_374 = tpu.memref_slice %arg2[%dma_wait3A_372, %dma_wait3A_373] : memref<1024x64xf32, #tpu.memory_space<hbm>> -> memref<1024x64xf32, #tpu.memory_space<hbm>>
    tpu.wait_indirect_dma semaphore(%arg9 : memref<!tpu.dma_semaphore, #tpu.memory_space<semaphore_mem>>) src(%dma_wait3A_374 : memref<1024x64xf32, #tpu.memory_space<hbm>>) dst(%dma_wait3A_368 : memref<128x64xf32, #tpu.memory_space<vmem>>)
    %dma_wait3A_375 = arith.constant 3 : i32
    %dma_wait3A_376 = arith.constant 384 : i32
    %dma_wait3A_377 = arith.constant 0 : i32
    %dma_wait3A_378 = tpu.memref_slice %arg7[%dma_wait3A_376, %dma_wait3A_377] : memref<1024x64xf32, #tpu.memory_space<vmem>> -> memref<128x64xf32, #tpu.memory_space<vmem>>
    %dma_wait3A_379 = arith.constant 0 : i32
    %dma_wait3A_380 = tpu.memref_slice %arg6[%dma_wait3A_375, %dma_wait3A_379] : memref<8x128xi32, #tpu.memory_space<vmem>> -> memref<1x128xi32, #tpu.memory_space<vmem>>
    %dma_wait3A_381 = tpu.memref_squeeze %dma_wait3A_380 : memref<1x128xi32, #tpu.memory_space<vmem>> -> memref<128xi32, #tpu.memory_space<vmem>>
    %dma_wait3A_382 = arith.constant 0 : i32
    %dma_wait3A_383 = arith.constant 0 : i32
    %dma_wait3A_384 = tpu.memref_slice %arg2[%dma_wait3A_382, %dma_wait3A_383] : memref<1024x64xf32, #tpu.memory_space<hbm>> -> memref<1024x64xf32, #tpu.memory_space<hbm>>
    tpu.wait_indirect_dma semaphore(%arg9 : memref<!tpu.dma_semaphore, #tpu.memory_space<semaphore_mem>>) src(%dma_wait3A_384 : memref<1024x64xf32, #tpu.memory_space<hbm>>) dst(%dma_wait3A_378 : memref<128x64xf32, #tpu.memory_space<vmem>>)
    %dma_wait3A_385 = arith.constant 4 : i32
    %dma_wait3A_386 = arith.constant 512 : i32
    %dma_wait3A_387 = arith.constant 0 : i32
    %dma_wait3A_388 = tpu.memref_slice %arg7[%dma_wait3A_386, %dma_wait3A_387] : memref<1024x64xf32, #tpu.memory_space<vmem>> -> memref<128x64xf32, #tpu.memory_space<vmem>>
    %dma_wait3A_389 = arith.constant 0 : i32
    %dma_wait3A_390 = tpu.memref_slice %arg6[%dma_wait3A_385, %dma_wait3A_389] : memref<8x128xi32, #tpu.memory_space<vmem>> -> memref<1x128xi32, #tpu.memory_space<vmem>>
    %dma_wait3A_391 = tpu.memref_squeeze %dma_wait3A_390 : memref<1x128xi32, #tpu.memory_space<vmem>> -> memref<128xi32, #tpu.memory_space<vmem>>
    %dma_wait3A_392 = arith.constant 0 : i32
    %dma_wait3A_393 = arith.constant 0 : i32
    %dma_wait3A_394 = tpu.memref_slice %arg2[%dma_wait3A_392, %dma_wait3A_393] : memref<1024x64xf32, #tpu.memory_space<hbm>> -> memref<1024x64xf32, #tpu.memory_space<hbm>>
    tpu.wait_indirect_dma semaphore(%arg9 : memref<!tpu.dma_semaphore, #tpu.memory_space<semaphore_mem>>) src(%dma_wait3A_394 : memref<1024x64xf32, #tpu.memory_space<hbm>>) dst(%dma_wait3A_388 : memref<128x64xf32, #tpu.memory_space<vmem>>)
    %dma_wait3A_395 = arith.constant 5 : i32
    %dma_wait3A_396 = arith.constant 640 : i32
    %dma_wait3A_397 = arith.constant 0 : i32
    %dma_wait3A_398 = tpu.memref_slice %arg7[%dma_wait3A_396, %dma_wait3A_397] : memref<1024x64xf32, #tpu.memory_space<vmem>> -> memref<128x64xf32, #tpu.memory_space<vmem>>
    %dma_wait3A_399 = arith.constant 0 : i32
    %dma_wait3A_400 = tpu.memref_slice %arg6[%dma_wait3A_395, %dma_wait3A_399] : memref<8x128xi32, #tpu.memory_space<vmem>> -> memref<1x128xi32, #tpu.memory_space<vmem>>
    %dma_wait3A_401 = tpu.memref_squeeze %dma_wait3A_400 : memref<1x128xi32, #tpu.memory_space<vmem>> -> memref<128xi32, #tpu.memory_space<vmem>>
    %dma_wait3A_402 = arith.constant 0 : i32
    %dma_wait3A_403 = arith.constant 0 : i32
    %dma_wait3A_404 = tpu.memref_slice %arg2[%dma_wait3A_402, %dma_wait3A_403] : memref<1024x64xf32, #tpu.memory_space<hbm>> -> memref<1024x64xf32, #tpu.memory_space<hbm>>
    tpu.wait_indirect_dma semaphore(%arg9 : memref<!tpu.dma_semaphore, #tpu.memory_space<semaphore_mem>>) src(%dma_wait3A_404 : memref<1024x64xf32, #tpu.memory_space<hbm>>) dst(%dma_wait3A_398 : memref<128x64xf32, #tpu.memory_space<vmem>>)
    %dma_wait3A_405 = arith.constant 6 : i32
    %dma_wait3A_406 = arith.constant 768 : i32
    %dma_wait3A_407 = arith.constant 0 : i32
    %dma_wait3A_408 = tpu.memref_slice %arg7[%dma_wait3A_406, %dma_wait3A_407] : memref<1024x64xf32, #tpu.memory_space<vmem>> -> memref<128x64xf32, #tpu.memory_space<vmem>>
    %dma_wait3A_409 = arith.constant 0 : i32
    %dma_wait3A_410 = tpu.memref_slice %arg6[%dma_wait3A_405, %dma_wait3A_409] : memref<8x128xi32, #tpu.memory_space<vmem>> -> memref<1x128xi32, #tpu.memory_space<vmem>>
    %dma_wait3A_411 = tpu.memref_squeeze %dma_wait3A_410 : memref<1x128xi32, #tpu.memory_space<vmem>> -> memref<128xi32, #tpu.memory_space<vmem>>
    %dma_wait3A_412 = arith.constant 0 : i32
    %dma_wait3A_413 = arith.constant 0 : i32
    %dma_wait3A_414 = tpu.memref_slice %arg2[%dma_wait3A_412, %dma_wait3A_413] : memref<1024x64xf32, #tpu.memory_space<hbm>> -> memref<1024x64xf32, #tpu.memory_space<hbm>>
    tpu.wait_indirect_dma semaphore(%arg9 : memref<!tpu.dma_semaphore, #tpu.memory_space<semaphore_mem>>) src(%dma_wait3A_414 : memref<1024x64xf32, #tpu.memory_space<hbm>>) dst(%dma_wait3A_408 : memref<128x64xf32, #tpu.memory_space<vmem>>)
    %dma_wait3A_415 = arith.constant 7 : i32
    %dma_wait3A_416 = arith.constant 896 : i32
    %dma_wait3A_417 = arith.constant 0 : i32
    %dma_wait3A_418 = tpu.memref_slice %arg7[%dma_wait3A_416, %dma_wait3A_417] : memref<1024x64xf32, #tpu.memory_space<vmem>> -> memref<128x64xf32, #tpu.memory_space<vmem>>
    %dma_wait3A_419 = arith.constant 0 : i32
    %dma_wait3A_420 = tpu.memref_slice %arg6[%dma_wait3A_415, %dma_wait3A_419] : memref<8x128xi32, #tpu.memory_space<vmem>> -> memref<1x128xi32, #tpu.memory_space<vmem>>
    %dma_wait3A_421 = tpu.memref_squeeze %dma_wait3A_420 : memref<1x128xi32, #tpu.memory_space<vmem>> -> memref<128xi32, #tpu.memory_space<vmem>>
    %dma_wait3A_422 = arith.constant 0 : i32
    %dma_wait3A_423 = arith.constant 0 : i32
    %dma_wait3A_424 = tpu.memref_slice %arg2[%dma_wait3A_422, %dma_wait3A_423] : memref<1024x64xf32, #tpu.memory_space<hbm>> -> memref<1024x64xf32, #tpu.memory_space<hbm>>
    tpu.wait_indirect_dma semaphore(%arg9 : memref<!tpu.dma_semaphore, #tpu.memory_space<semaphore_mem>>) src(%dma_wait3A_424 : memref<1024x64xf32, #tpu.memory_space<hbm>>) dst(%dma_wait3A_418 : memref<128x64xf32, #tpu.memory_space<vmem>>)
    %mul3A_425 = arith.constant 1024 : i32
    %mul3A_426 = arith.muli %add3A, %mul3A_425 : i32
    "tpu.region"() ({
      %run_scoped3A = tpu.sem_alloc : memref<!tpu.dma_semaphore, #tpu.memory_space<semaphore_mem>>
      %dma_start3A_427 = arith.constant 0 : i32
      %dma_start3A_428 = tpu.memref_slice %arg4[%mul3A_426, %dma_start3A_427] : memref<32768x64xf32, #tpu.memory_space<hbm>> -> memref<1024x64xf32, #tpu.memory_space<hbm>>
      %dma_start3A_429 = arith.constant 0 : i32
      %dma_start3A_430 = tpu.memref_slice %arg4[%mul3A_426, %dma_start3A_429] : memref<32768x64xf32, #tpu.memory_space<hbm>> -> memref<1024x64xf32, #tpu.memory_space<hbm>>
      tpu.enqueue_dma source(%arg7 : memref<1024x64xf32, #tpu.memory_space<vmem>>) target(%dma_start3A_430 : memref<1024x64xf32, #tpu.memory_space<hbm>>) target_semaphore(%run_scoped3A : memref<!tpu.dma_semaphore, #tpu.memory_space<semaphore_mem>>)
      %dma_wait3A_431 = arith.constant 0 : i32
      %dma_wait3A_432 = tpu.memref_slice %arg4[%mul3A_426, %dma_wait3A_431] : memref<32768x64xf32, #tpu.memory_space<hbm>> -> memref<1024x64xf32, #tpu.memory_space<hbm>>
      %dma_wait3A_433 = arith.constant 0 : i32
      %dma_wait3A_434 = tpu.memref_slice %arg4[%mul3A_426, %dma_wait3A_433] : memref<32768x64xf32, #tpu.memory_space<hbm>> -> memref<1024x64xf32, #tpu.memory_space<hbm>>
      tpu.wait_dma2 semaphore(%run_scoped3A : memref<!tpu.dma_semaphore, #tpu.memory_space<semaphore_mem>>) src(%arg7 : memref<1024x64xf32, #tpu.memory_space<vmem>>) dst(%dma_wait3A_434 : memref<1024x64xf32, #tpu.memory_space<hbm>>)
      tpu.yield
    }) : () -> ()
    "tpu.region"() ({
      %run_scoped3A = tpu.sem_alloc : memref<!tpu.dma_semaphore, #tpu.memory_space<semaphore_mem>>
      %dma_start3A_427 = arith.constant 0 : i32
      %dma_start3A_428 = tpu.memref_slice %arg5[%add3A, %dma_start3A_427] : memref<32x1024xf32, #tpu.memory_space<hbm>> -> memref<1x1024xf32, #tpu.memory_space<hbm>>
      %dma_start3A_429 = tpu.memref_squeeze %dma_start3A_428 : memref<1x1024xf32, #tpu.memory_space<hbm>> -> memref<1024xf32, #tpu.memory_space<hbm>>
      %dma_start3A_430 = arith.constant 0 : i32
      %dma_start3A_431 = tpu.memref_slice %arg5[%add3A, %dma_start3A_430] : memref<32x1024xf32, #tpu.memory_space<hbm>> -> memref<1x1024xf32, #tpu.memory_space<hbm>>
      %dma_start3A_432 = tpu.memref_squeeze %dma_start3A_431 : memref<1x1024xf32, #tpu.memory_space<hbm>> -> memref<1024xf32, #tpu.memory_space<hbm>>
      tpu.enqueue_dma source(%arg8 : memref<1024xf32, #tpu.memory_space<vmem>>) target(%dma_start3A_432 : memref<1024xf32, #tpu.memory_space<hbm>>) target_semaphore(%run_scoped3A : memref<!tpu.dma_semaphore, #tpu.memory_space<semaphore_mem>>)
      %dma_wait3A_433 = arith.constant 0 : i32
      %dma_wait3A_434 = tpu.memref_slice %arg5[%add3A, %dma_wait3A_433] : memref<32x1024xf32, #tpu.memory_space<hbm>> -> memref<1x1024xf32, #tpu.memory_space<hbm>>
      %dma_wait3A_435 = tpu.memref_squeeze %dma_wait3A_434 : memref<1x1024xf32, #tpu.memory_space<hbm>> -> memref<1024xf32, #tpu.memory_space<hbm>>
      %dma_wait3A_436 = arith.constant 0 : i32
      %dma_wait3A_437 = tpu.memref_slice %arg5[%add3A, %dma_wait3A_436] : memref<32x1024xf32, #tpu.memory_space<hbm>> -> memref<1x1024xf32, #tpu.memory_space<hbm>>
      %dma_wait3A_438 = tpu.memref_squeeze %dma_wait3A_437 : memref<1x1024xf32, #tpu.memory_space<hbm>> -> memref<1024xf32, #tpu.memory_space<hbm>>
      tpu.wait_dma2 semaphore(%run_scoped3A : memref<!tpu.dma_semaphore, #tpu.memory_space<semaphore_mem>>) src(%arg8 : memref<1024xf32, #tpu.memory_space<vmem>>) dst(%dma_wait3A_438 : memref<1024xf32, #tpu.memory_space<hbm>>)
      tpu.yield
    }) : () -> ()
    return
  }
}

#map = affine_map<(d0, d1) -> (0, 0)>
module attributes {stable_mosaic.version = 14 : i64} {
  func.func @k(%arg0: i32, %arg1: i32, %arg2: memref<1024x64xf32, #tpu.memory_space<hbm>>, %arg3: memref<256x128xi32, #tpu.memory_space<hbm>>, %arg4: memref<32768x64xf32, #tpu.memory_space<hbm>>, %arg5: memref<32x1024xf32, #tpu.memory_space<hbm>>, %arg6: memref<8x128xi32, #tpu.memory_space<vmem>>, %arg7: memref<1024x64xf32, #tpu.memory_space<vmem>>, %arg8: memref<1024xf32, #tpu.memory_space<vmem>>, %arg9: memref<!tpu.dma_semaphore, #tpu.memory_space<semaphore_mem>>) attributes {dimension_semantics = [#tpu.dimension_semantics<core_parallel>, #tpu.dimension_semantics<subcore_parallel>], iteration_bounds = array<i64: 2, 16>, scalar_prefetch = 0 : i64, scratch_operands = 4 : i64, tpu.core_type = #tpu.core_type<sc_vector_subcore>, window_params = [{transform_indices = #map}, {transform_indices = #map}, {transform_indices = #map}, {transform_indices = #map}]} {
    %mul3A = arith.constant 2 : i32
    %mul3A_0 = arith.muli %arg1, %mul3A : i32
    %add3A = arith.addi %mul3A_0, %arg0 : i32
    %mul3A_1 = arith.constant 8 : i32
    %mul3A_2 = arith.muli %add3A, %mul3A_1 : i32
    "tpu.region"() ({
      %run_scoped3A = tpu.sem_alloc : memref<!tpu.dma_semaphore, #tpu.memory_space<semaphore_mem>>
      %dma_start3A_427 = arith.constant 0 : i32
      %dma_start3A_428 = tpu.memref_slice %arg3[%mul3A_2, %dma_start3A_427] : memref<256x128xi32, #tpu.memory_space<hbm>> -> memref<8x128xi32, #tpu.memory_space<hbm>>
      %dma_start3A_429 = arith.constant 0 : i32
      %dma_start3A_430 = tpu.memref_slice %arg3[%mul3A_2, %dma_start3A_429] : memref<256x128xi32, #tpu.memory_space<hbm>> -> memref<8x128xi32, #tpu.memory_space<hbm>>
      tpu.enqueue_dma source(%dma_start3A_430 : memref<8x128xi32, #tpu.memory_space<hbm>>) target(%arg6 : memref<8x128xi32, #tpu.memory_space<vmem>>) target_semaphore(%run_scoped3A : memref<!tpu.dma_semaphore, #tpu.memory_space<semaphore_mem>>)
      %dma_wait3A_431 = arith.constant 0 : i32
      %dma_wait3A_432 = tpu.memref_slice %arg3[%mul3A_2, %dma_wait3A_431] : memref<256x128xi32, #tpu.memory_space<hbm>> -> memref<8x128xi32, #tpu.memory_space<hbm>>
      %dma_wait3A_433 = arith.constant 0 : i32
      %dma_wait3A_434 = tpu.memref_slice %arg3[%mul3A_2, %dma_wait3A_433] : memref<256x128xi32, #tpu.memory_space<hbm>> -> memref<8x128xi32, #tpu.memory_space<hbm>>
      tpu.wait_dma2 semaphore(%run_scoped3A : memref<!tpu.dma_semaphore, #tpu.memory_space<semaphore_mem>>) src(%dma_wait3A_434 : memref<8x128xi32, #tpu.memory_space<hbm>>) dst(%arg6 : memref<8x128xi32, #tpu.memory_space<vmem>>)
      tpu.yield
    }) : () -> ()
    %dma_start3A = arith.constant 0 : i32
    %dma_start3A_3 = arith.constant 0 : i32
    %dma_start3A_4 = arith.constant 0 : i32
    %dma_start3A_5 = tpu.memref_slice %arg7[%dma_start3A_3, %dma_start3A_4] : memref<1024x64xf32, #tpu.memory_space<vmem>> -> memref<128x64xf32, #tpu.memory_space<vmem>>
    %dma_start3A_6 = arith.constant 0 : i32
    %dma_start3A_7 = tpu.memref_slice %arg6[%dma_start3A, %dma_start3A_6] : memref<8x128xi32, #tpu.memory_space<vmem>> -> memref<1x128xi32, #tpu.memory_space<vmem>>
    %dma_start3A_8 = tpu.memref_squeeze %dma_start3A_7 : memref<1x128xi32, #tpu.memory_space<vmem>> -> memref<128xi32, #tpu.memory_space<vmem>>
    %dma_start3A_9 = arith.constant 0 : i32
    %dma_start3A_10 = arith.constant 0 : i32
    %dma_start3A_11 = tpu.memref_slice %arg2[%dma_start3A_9, %dma_start3A_10] : memref<1024x64xf32, #tpu.memory_space<hbm>> -> memref<1024x64xf32, #tpu.memory_space<hbm>>
    tpu.enqueue_indirect_dma source(%dma_start3A_11 : memref<1024x64xf32, #tpu.memory_space<hbm>>) target(%dma_start3A_5 : memref<128x64xf32, #tpu.memory_space<vmem>>) offsets(%dma_start3A_8 : memref<128xi32, #tpu.memory_space<vmem>>) semaphore(%arg9 : memref<!tpu.dma_semaphore, #tpu.memory_space<semaphore_mem>>)
    %dma_start3A_12 = arith.constant 1 : i32
    %dma_start3A_13 = arith.constant 128 : i32
    %dma_start3A_14 = arith.constant 0 : i32
    %dma_start3A_15 = tpu.memref_slice %arg7[%dma_start3A_13, %dma_start3A_14] : memref<1024x64xf32, #tpu.memory_space<vmem>> -> memref<128x64xf32, #tpu.memory_space<vmem>>
    %dma_start3A_16 = arith.constant 0 : i32
    %dma_start3A_17 = tpu.memref_slice %arg6[%dma_start3A_12, %dma_start3A_16] : memref<8x128xi32, #tpu.memory_space<vmem>> -> memref<1x128xi32, #tpu.memory_space<vmem>>
    %dma_start3A_18 = tpu.memref_squeeze %dma_start3A_17 : memref<1x128xi32, #tpu.memory_space<vmem>> -> memref<128xi32, #tpu.memory_space<vmem>>
    %dma_start3A_19 = arith.constant 0 : i32
    %dma_start3A_20 = arith.constant 0 : i32
    %dma_start3A_21 = tpu.memref_slice %arg2[%dma_start3A_19, %dma_start3A_20] : memref<1024x64xf32, #tpu.memory_space<hbm>> -> memref<1024x64xf32, #tpu.memory_space<hbm>>
    tpu.enqueue_indirect_dma source(%dma_start3A_21 : memref<1024x64xf32, #tpu.memory_space<hbm>>) target(%dma_start3A_15 : memref<128x64xf32, #tpu.memory_space<vmem>>) offsets(%dma_start3A_18 : memref<128xi32, #tpu.memory_space<vmem>>) semaphore(%arg9 : memref<!tpu.dma_semaphore, #tpu.memory_space<semaphore_mem>>)
    %dma_start3A_22 = arith.constant 2 : i32
    %dma_start3A_23 = arith.constant 256 : i32
    %dma_start3A_24 = arith.constant 0 : i32
    %dma_start3A_25 = tpu.memref_slice %arg7[%dma_start3A_23, %dma_start3A_24] : memref<1024x64xf32, #tpu.memory_space<vmem>> -> memref<128x64xf32, #tpu.memory_space<vmem>>
    %dma_start3A_26 = arith.constant 0 : i32
    %dma_start3A_27 = tpu.memref_slice %arg6[%dma_start3A_22, %dma_start3A_26] : memref<8x128xi32, #tpu.memory_space<vmem>> -> memref<1x128xi32, #tpu.memory_space<vmem>>
    %dma_start3A_28 = tpu.memref_squeeze %dma_start3A_27 : memref<1x128xi32, #tpu.memory_space<vmem>> -> memref<128xi32, #tpu.memory_space<vmem>>
    %dma_start3A_29 = arith.constant 0 : i32
    %dma_start3A_30 = arith.constant 0 : i32
    %dma_start3A_31 = tpu.memref_slice %arg2[%dma_start3A_29, %dma_start3A_30] : memref<1024x64xf32, #tpu.memory_space<hbm>> -> memref<1024x64xf32, #tpu.memory_space<hbm>>
    tpu.enqueue_indirect_dma source(%dma_start3A_31 : memref<1024x64xf32, #tpu.memory_space<hbm>>) target(%dma_start3A_25 : memref<128x64xf32, #tpu.memory_space<vmem>>) offsets(%dma_start3A_28 : memref<128xi32, #tpu.memory_space<vmem>>) semaphore(%arg9 : memref<!tpu.dma_semaphore, #tpu.memory_space<semaphore_mem>>)
    %dma_start3A_32 = arith.constant 3 : i32
    %dma_start3A_33 = arith.constant 384 : i32
    %dma_start3A_34 = arith.constant 0 : i32
    %dma_start3A_35 = tpu.memref_slice %arg7[%dma_start3A_33, %dma_start3A_34] : memref<1024x64xf32, #tpu.memory_space<vmem>> -> memref<128x64xf32, #tpu.memory_space<vmem>>
    %dma_start3A_36 = arith.constant 0 : i32
    %dma_start3A_37 = tpu.memref_slice %arg6[%dma_start3A_32, %dma_start3A_36] : memref<8x128xi32, #tpu.memory_space<vmem>> -> memref<1x128xi32, #tpu.memory_space<vmem>>
    %dma_start3A_38 = tpu.memref_squeeze %dma_start3A_37 : memref<1x128xi32, #tpu.memory_space<vmem>> -> memref<128xi32, #tpu.memory_space<vmem>>
    %dma_start3A_39 = arith.constant 0 : i32
    %dma_start3A_40 = arith.constant 0 : i32
    %dma_start3A_41 = tpu.memref_slice %arg2[%dma_start3A_39, %dma_start3A_40] : memref<1024x64xf32, #tpu.memory_space<hbm>> -> memref<1024x64xf32, #tpu.memory_space<hbm>>
    tpu.enqueue_indirect_dma source(%dma_start3A_41 : memref<1024x64xf32, #tpu.memory_space<hbm>>) target(%dma_start3A_35 : memref<128x64xf32, #tpu.memory_space<vmem>>) offsets(%dma_start3A_38 : memref<128xi32, #tpu.memory_space<vmem>>) semaphore(%arg9 : memref<!tpu.dma_semaphore, #tpu.memory_space<semaphore_mem>>)
    %dma_start3A_42 = arith.constant 4 : i32
    %dma_start3A_43 = arith.constant 512 : i32
    %dma_start3A_44 = arith.constant 0 : i32
    %dma_start3A_45 = tpu.memref_slice %arg7[%dma_start3A_43, %dma_start3A_44] : memref<1024x64xf32, #tpu.memory_space<vmem>> -> memref<128x64xf32, #tpu.memory_space<vmem>>
    %dma_start3A_46 = arith.constant 0 : i32
    %dma_start3A_47 = tpu.memref_slice %arg6[%dma_start3A_42, %dma_start3A_46] : memref<8x128xi32, #tpu.memory_space<vmem>> -> memref<1x128xi32, #tpu.memory_space<vmem>>
    %dma_start3A_48 = tpu.memref_squeeze %dma_start3A_47 : memref<1x128xi32, #tpu.memory_space<vmem>> -> memref<128xi32, #tpu.memory_space<vmem>>
    %dma_start3A_49 = arith.constant 0 : i32
    %dma_start3A_50 = arith.constant 0 : i32
    %dma_start3A_51 = tpu.memref_slice %arg2[%dma_start3A_49, %dma_start3A_50] : memref<1024x64xf32, #tpu.memory_space<hbm>> -> memref<1024x64xf32, #tpu.memory_space<hbm>>
    tpu.enqueue_indirect_dma source(%dma_start3A_51 : memref<1024x64xf32, #tpu.memory_space<hbm>>) target(%dma_start3A_45 : memref<128x64xf32, #tpu.memory_space<vmem>>) offsets(%dma_start3A_48 : memref<128xi32, #tpu.memory_space<vmem>>) semaphore(%arg9 : memref<!tpu.dma_semaphore, #tpu.memory_space<semaphore_mem>>)
    %dma_start3A_52 = arith.constant 5 : i32
    %dma_start3A_53 = arith.constant 640 : i32
    %dma_start3A_54 = arith.constant 0 : i32
    %dma_start3A_55 = tpu.memref_slice %arg7[%dma_start3A_53, %dma_start3A_54] : memref<1024x64xf32, #tpu.memory_space<vmem>> -> memref<128x64xf32, #tpu.memory_space<vmem>>
    %dma_start3A_56 = arith.constant 0 : i32
    %dma_start3A_57 = tpu.memref_slice %arg6[%dma_start3A_52, %dma_start3A_56] : memref<8x128xi32, #tpu.memory_space<vmem>> -> memref<1x128xi32, #tpu.memory_space<vmem>>
    %dma_start3A_58 = tpu.memref_squeeze %dma_start3A_57 : memref<1x128xi32, #tpu.memory_space<vmem>> -> memref<128xi32, #tpu.memory_space<vmem>>
    %dma_start3A_59 = arith.constant 0 : i32
    %dma_start3A_60 = arith.constant 0 : i32
    %dma_start3A_61 = tpu.memref_slice %arg2[%dma_start3A_59, %dma_start3A_60] : memref<1024x64xf32, #tpu.memory_space<hbm>> -> memref<1024x64xf32, #tpu.memory_space<hbm>>
    tpu.enqueue_indirect_dma source(%dma_start3A_61 : memref<1024x64xf32, #tpu.memory_space<hbm>>) target(%dma_start3A_55 : memref<128x64xf32, #tpu.memory_space<vmem>>) offsets(%dma_start3A_58 : memref<128xi32, #tpu.memory_space<vmem>>) semaphore(%arg9 : memref<!tpu.dma_semaphore, #tpu.memory_space<semaphore_mem>>)
    %dma_start3A_62 = arith.constant 6 : i32
    %dma_start3A_63 = arith.constant 768 : i32
    %dma_start3A_64 = arith.constant 0 : i32
    %dma_start3A_65 = tpu.memref_slice %arg7[%dma_start3A_63, %dma_start3A_64] : memref<1024x64xf32, #tpu.memory_space<vmem>> -> memref<128x64xf32, #tpu.memory_space<vmem>>
    %dma_start3A_66 = arith.constant 0 : i32
    %dma_start3A_67 = tpu.memref_slice %arg6[%dma_start3A_62, %dma_start3A_66] : memref<8x128xi32, #tpu.memory_space<vmem>> -> memref<1x128xi32, #tpu.memory_space<vmem>>
    %dma_start3A_68 = tpu.memref_squeeze %dma_start3A_67 : memref<1x128xi32, #tpu.memory_space<vmem>> -> memref<128xi32, #tpu.memory_space<vmem>>
    %dma_start3A_69 = arith.constant 0 : i32
    %dma_start3A_70 = arith.constant 0 : i32
    %dma_start3A_71 = tpu.memref_slice %arg2[%dma_start3A_69, %dma_start3A_70] : memref<1024x64xf32, #tpu.memory_space<hbm>> -> memref<1024x64xf32, #tpu.memory_space<hbm>>
    tpu.enqueue_indirect_dma source(%dma_start3A_71 : memref<1024x64xf32, #tpu.memory_space<hbm>>) target(%dma_start3A_65 : memref<128x64xf32, #tpu.memory_space<vmem>>) offsets(%dma_start3A_68 : memref<128xi32, #tpu.memory_space<vmem>>) semaphore(%arg9 : memref<!tpu.dma_semaphore, #tpu.memory_space<semaphore_mem>>)
    %dma_start3A_72 = arith.constant 7 : i32
    %dma_start3A_73 = arith.constant 896 : i32
    %dma_start3A_74 = arith.constant 0 : i32
    %dma_start3A_75 = tpu.memref_slice %arg7[%dma_start3A_73, %dma_start3A_74] : memref<1024x64xf32, #tpu.memory_space<vmem>> -> memref<128x64xf32, #tpu.memory_space<vmem>>
    %dma_start3A_76 = arith.constant 0 : i32
    %dma_start3A_77 = tpu.memref_slice %arg6[%dma_start3A_72, %dma_start3A_76] : memref<8x128xi32, #tpu.memory_space<vmem>> -> memref<1x128xi32, #tpu.memory_space<vmem>>
    %dma_start3A_78 = tpu.memref_squeeze %dma_start3A_77 : memref<1x128xi32, #tpu.memory_space<vmem>> -> memref<128xi32, #tpu.memory_space<vmem>>
    %dma_start3A_79 = arith.constant 0 : i32
    %dma_start3A_80 = arith.constant 0 : i32
    %dma_start3A_81 = tpu.memref_slice %arg2[%dma_start3A_79, %dma_start3A_80] : memref<1024x64xf32, #tpu.memory_space<hbm>> -> memref<1024x64xf32, #tpu.memory_space<hbm>>
    tpu.enqueue_indirect_dma source(%dma_start3A_81 : memref<1024x64xf32, #tpu.memory_space<hbm>>) target(%dma_start3A_75 : memref<128x64xf32, #tpu.memory_space<vmem>>) offsets(%dma_start3A_78 : memref<128xi32, #tpu.memory_space<vmem>>) semaphore(%arg9 : memref<!tpu.dma_semaphore, #tpu.memory_space<semaphore_mem>>)
    %broadcast_in_dim3A = arith.constant 0.000000e+00 : f32
    %broadcast_in_dim3A_82 = vector.broadcast %broadcast_in_dim3A : f32 to vector<16xf32>
    %scan3A = arith.constant 0 : i32
    %scan3A_83 = arith.constant 0 : i32
    %scan3A_84 = arith.constant 64 : i32
    %scan3A_85 = arith.addi %scan3A_83, %scan3A_84 : i32
    %scan3A_86 = arith.constant 1 : i32
    %scan3A_87 = scf.for %scan3A_427 = %scan3A_83 to %scan3A_85 step %scan3A_86 iter_args(%scan3A_428 = %scan3A) -> (i32)  : i32 {
      %mul3A_429 = arith.constant 16 : i32
      %mul3A_430 = arith.muli %scan3A_427, %mul3A_429 : i32
      %swap3A = arith.index_cast %mul3A_430 : i32 to index
      %swap3A_431 = tpu.vector_load %arg8[%swap3A] {strides = array<i32>} : memref<1024xf32, #tpu.memory_space<vmem>>, vector<16xf32>,
      tpu.vector_store %arg8[%swap3A], %broadcast_in_dim3A_82 {strides = array<i32>} : memref<1024xf32, #tpu.memory_space<vmem>>, vector<16xf32>,
      %scan3A_432 = arith.constant 0 : i32
      scf.yield %scan3A_432 : i32
    }
    %scan3A_88 = arith.constant 64 : i32
    %broadcast_in_dim3A_89 = arith.constant 1.000000e+00 : f32
    %broadcast_in_dim3A_90 = vector.broadcast %broadcast_in_dim3A_89 : f32 to vector<16xf32>
    %get3A = arith.constant 0 : i32
    %get3A_91 = arith.index_cast %get3A : i32 to index
    %get3A_92 = arith.constant 0 : index
    %get3A_93 = tpu.vector_load %arg6[%get3A_91, %get3A_92] {strides = array<i32>} : memref<8x128xi32, #tpu.memory_space<vmem>>, vector<16xi32>,
    tpu.vector_store_idx %arg8[%get3A_93], %broadcast_in_dim3A_90 {add = true} : memref<1024xf32, #tpu.memory_space<vmem>>[vector<16xi32>], vector<16xf32>,
    %get3A_94 = arith.constant 0 : i32
    %get3A_95 = arith.index_cast %get3A_94 : i32 to index
    %get3A_96 = arith.constant 16 : index
    %get3A_97 = tpu.vector_load %arg6[%get3A_95, %get3A_96] {strides = array<i32>} : memref<8x128xi32, #tpu.memory_space<vmem>>, vector<16xi32>,
    tpu.vector_store_idx %arg8[%get3A_97], %broadcast_in_dim3A_90 {add = true} : memref<1024xf32, #tpu.memory_space<vmem>>[vector<16xi32>], vector<16xf32>,
    %get3A_98 = arith.constant 0 : i32
    %get3A_99 = arith.index_cast %get3A_98 : i32 to index
    %get3A_100 = arith.constant 32 : index
    %get3A_101 = tpu.vector_load %arg6[%get3A_99, %get3A_100] {strides = array<i32>} : memref<8x128xi32, #tpu.memory_space<vmem>>, vector<16xi32>,
    tpu.vector_store_idx %arg8[%get3A_101], %broadcast_in_dim3A_90 {add = true} : memref<1024xf32, #tpu.memory_space<vmem>>[vector<16xi32>], vector<16xf32>,
    %get3A_102 = arith.constant 0 : i32
    %get3A_103 = arith.index_cast %get3A_102 : i32 to index
    %get3A_104 = arith.constant 48 : index
    %get3A_105 = tpu.vector_load %arg6[%get3A_103, %get3A_104] {strides = array<i32>} : memref<8x128xi32, #tpu.memory_space<vmem>>, vector<16xi32>,
    tpu.vector_store_idx %arg8[%get3A_105], %broadcast_in_dim3A_90 {add = true} : memref<1024xf32, #tpu.memory_space<vmem>>[vector<16xi32>], vector<16xf32>,
    %get3A_106 = arith.constant 0 : i32
    %get3A_107 = arith.index_cast %get3A_106 : i32 to index
    %get3A_108 = arith.constant 64 : index
    %get3A_109 = tpu.vector_load %arg6[%get3A_107, %get3A_108] {strides = array<i32>} : memref<8x128xi32, #tpu.memory_space<vmem>>, vector<16xi32>,
    tpu.vector_store_idx %arg8[%get3A_109], %broadcast_in_dim3A_90 {add = true} : memref<1024xf32, #tpu.memory_space<vmem>>[vector<16xi32>], vector<16xf32>,
    %get3A_110 = arith.constant 0 : i32
    %get3A_111 = arith.index_cast %get3A_110 : i32 to index
    %get3A_112 = arith.constant 80 : index
    %get3A_113 = tpu.vector_load %arg6[%get3A_111, %get3A_112] {strides = array<i32>} : memref<8x128xi32, #tpu.memory_space<vmem>>, vector<16xi32>,
    tpu.vector_store_idx %arg8[%get3A_113], %broadcast_in_dim3A_90 {add = true} : memref<1024xf32, #tpu.memory_space<vmem>>[vector<16xi32>], vector<16xf32>,
    %get3A_114 = arith.constant 0 : i32
    %get3A_115 = arith.index_cast %get3A_114 : i32 to index
    %get3A_116 = arith.constant 96 : index
    %get3A_117 = tpu.vector_load %arg6[%get3A_115, %get3A_116] {strides = array<i32>} : memref<8x128xi32, #tpu.memory_space<vmem>>, vector<16xi32>,
    tpu.vector_store_idx %arg8[%get3A_117], %broadcast_in_dim3A_90 {add = true} : memref<1024xf32, #tpu.memory_space<vmem>>[vector<16xi32>], vector<16xf32>,
    %get3A_118 = arith.constant 0 : i32
    %get3A_119 = arith.index_cast %get3A_118 : i32 to index
    %get3A_120 = arith.constant 112 : index
    %get3A_121 = tpu.vector_load %arg6[%get3A_119, %get3A_120] {strides = array<i32>} : memref<8x128xi32, #tpu.memory_space<vmem>>, vector<16xi32>,
    tpu.vector_store_idx %arg8[%get3A_121], %broadcast_in_dim3A_90 {add = true} : memref<1024xf32, #tpu.memory_space<vmem>>[vector<16xi32>], vector<16xf32>,
    %get3A_122 = arith.constant 1 : i32
    %get3A_123 = arith.index_cast %get3A_122 : i32 to index
    %get3A_124 = arith.constant 0 : index
    %get3A_125 = tpu.vector_load %arg6[%get3A_123, %get3A_124] {strides = array<i32>} : memref<8x128xi32, #tpu.memory_space<vmem>>, vector<16xi32>,
    tpu.vector_store_idx %arg8[%get3A_125], %broadcast_in_dim3A_90 {add = true} : memref<1024xf32, #tpu.memory_space<vmem>>[vector<16xi32>], vector<16xf32>,
    %get3A_126 = arith.constant 1 : i32
    %get3A_127 = arith.index_cast %get3A_126 : i32 to index
    %get3A_128 = arith.constant 16 : index
    %get3A_129 = tpu.vector_load %arg6[%get3A_127, %get3A_128] {strides = array<i32>} : memref<8x128xi32, #tpu.memory_space<vmem>>, vector<16xi32>,
    tpu.vector_store_idx %arg8[%get3A_129], %broadcast_in_dim3A_90 {add = true} : memref<1024xf32, #tpu.memory_space<vmem>>[vector<16xi32>], vector<16xf32>,
    %get3A_130 = arith.constant 1 : i32
    %get3A_131 = arith.index_cast %get3A_130 : i32 to index
    %get3A_132 = arith.constant 32 : index
    %get3A_133 = tpu.vector_load %arg6[%get3A_131, %get3A_132] {strides = array<i32>} : memref<8x128xi32, #tpu.memory_space<vmem>>, vector<16xi32>,
    tpu.vector_store_idx %arg8[%get3A_133], %broadcast_in_dim3A_90 {add = true} : memref<1024xf32, #tpu.memory_space<vmem>>[vector<16xi32>], vector<16xf32>,
    %get3A_134 = arith.constant 1 : i32
    %get3A_135 = arith.index_cast %get3A_134 : i32 to index
    %get3A_136 = arith.constant 48 : index
    %get3A_137 = tpu.vector_load %arg6[%get3A_135, %get3A_136] {strides = array<i32>} : memref<8x128xi32, #tpu.memory_space<vmem>>, vector<16xi32>,
    tpu.vector_store_idx %arg8[%get3A_137], %broadcast_in_dim3A_90 {add = true} : memref<1024xf32, #tpu.memory_space<vmem>>[vector<16xi32>], vector<16xf32>,
    %get3A_138 = arith.constant 1 : i32
    %get3A_139 = arith.index_cast %get3A_138 : i32 to index
    %get3A_140 = arith.constant 64 : index
    %get3A_141 = tpu.vector_load %arg6[%get3A_139, %get3A_140] {strides = array<i32>} : memref<8x128xi32, #tpu.memory_space<vmem>>, vector<16xi32>,
    tpu.vector_store_idx %arg8[%get3A_141], %broadcast_in_dim3A_90 {add = true} : memref<1024xf32, #tpu.memory_space<vmem>>[vector<16xi32>], vector<16xf32>,
    %get3A_142 = arith.constant 1 : i32
    %get3A_143 = arith.index_cast %get3A_142 : i32 to index
    %get3A_144 = arith.constant 80 : index
    %get3A_145 = tpu.vector_load %arg6[%get3A_143, %get3A_144] {strides = array<i32>} : memref<8x128xi32, #tpu.memory_space<vmem>>, vector<16xi32>,
    tpu.vector_store_idx %arg8[%get3A_145], %broadcast_in_dim3A_90 {add = true} : memref<1024xf32, #tpu.memory_space<vmem>>[vector<16xi32>], vector<16xf32>,
    %get3A_146 = arith.constant 1 : i32
    %get3A_147 = arith.index_cast %get3A_146 : i32 to index
    %get3A_148 = arith.constant 96 : index
    %get3A_149 = tpu.vector_load %arg6[%get3A_147, %get3A_148] {strides = array<i32>} : memref<8x128xi32, #tpu.memory_space<vmem>>, vector<16xi32>,
    tpu.vector_store_idx %arg8[%get3A_149], %broadcast_in_dim3A_90 {add = true} : memref<1024xf32, #tpu.memory_space<vmem>>[vector<16xi32>], vector<16xf32>,
    %get3A_150 = arith.constant 1 : i32
    %get3A_151 = arith.index_cast %get3A_150 : i32 to index
    %get3A_152 = arith.constant 112 : index
    %get3A_153 = tpu.vector_load %arg6[%get3A_151, %get3A_152] {strides = array<i32>} : memref<8x128xi32, #tpu.memory_space<vmem>>, vector<16xi32>,
    tpu.vector_store_idx %arg8[%get3A_153], %broadcast_in_dim3A_90 {add = true} : memref<1024xf32, #tpu.memory_space<vmem>>[vector<16xi32>], vector<16xf32>,
    %get3A_154 = arith.constant 2 : i32
    %get3A_155 = arith.index_cast %get3A_154 : i32 to index
    %get3A_156 = arith.constant 0 : index
    %get3A_157 = tpu.vector_load %arg6[%get3A_155, %get3A_156] {strides = array<i32>} : memref<8x128xi32, #tpu.memory_space<vmem>>, vector<16xi32>,
    tpu.vector_store_idx %arg8[%get3A_157], %broadcast_in_dim3A_90 {add = true} : memref<1024xf32, #tpu.memory_space<vmem>>[vector<16xi32>], vector<16xf32>,
    %get3A_158 = arith.constant 2 : i32
    %get3A_159 = arith.index_cast %get3A_158 : i32 to index
    %get3A_160 = arith.constant 16 : index
    %get3A_161 = tpu.vector_load %arg6[%get3A_159, %get3A_160] {strides = array<i32>} : memref<8x128xi32, #tpu.memory_space<vmem>>, vector<16xi32>,
    tpu.vector_store_idx %arg8[%get3A_161], %broadcast_in_dim3A_90 {add = true} : memref<1024xf32, #tpu.memory_space<vmem>>[vector<16xi32>], vector<16xf32>,
    %get3A_162 = arith.constant 2 : i32
    %get3A_163 = arith.index_cast %get3A_162 : i32 to index
    %get3A_164 = arith.constant 32 : index
    %get3A_165 = tpu.vector_load %arg6[%get3A_163, %get3A_164] {strides = array<i32>} : memref<8x128xi32, #tpu.memory_space<vmem>>, vector<16xi32>,
    tpu.vector_store_idx %arg8[%get3A_165], %broadcast_in_dim3A_90 {add = true} : memref<1024xf32, #tpu.memory_space<vmem>>[vector<16xi32>], vector<16xf32>,
    %get3A_166 = arith.constant 2 : i32
    %get3A_167 = arith.index_cast %get3A_166 : i32 to index
    %get3A_168 = arith.constant 48 : index
    %get3A_169 = tpu.vector_load %arg6[%get3A_167, %get3A_168] {strides = array<i32>} : memref<8x128xi32, #tpu.memory_space<vmem>>, vector<16xi32>,
    tpu.vector_store_idx %arg8[%get3A_169], %broadcast_in_dim3A_90 {add = true} : memref<1024xf32, #tpu.memory_space<vmem>>[vector<16xi32>], vector<16xf32>,
    %get3A_170 = arith.constant 2 : i32
    %get3A_171 = arith.index_cast %get3A_170 : i32 to index
    %get3A_172 = arith.constant 64 : index
    %get3A_173 = tpu.vector_load %arg6[%get3A_171, %get3A_172] {strides = array<i32>} : memref<8x128xi32, #tpu.memory_space<vmem>>, vector<16xi32>,
    tpu.vector_store_idx %arg8[%get3A_173], %broadcast_in_dim3A_90 {add = true} : memref<1024xf32, #tpu.memory_space<vmem>>[vector<16xi32>], vector<16xf32>,
    %get3A_174 = arith.constant 2 : i32
    %get3A_175 = arith.index_cast %get3A_174 : i32 to index
    %get3A_176 = arith.constant 80 : index
    %get3A_177 = tpu.vector_load %arg6[%get3A_175, %get3A_176] {strides = array<i32>} : memref<8x128xi32, #tpu.memory_space<vmem>>, vector<16xi32>,
    tpu.vector_store_idx %arg8[%get3A_177], %broadcast_in_dim3A_90 {add = true} : memref<1024xf32, #tpu.memory_space<vmem>>[vector<16xi32>], vector<16xf32>,
    %get3A_178 = arith.constant 2 : i32
    %get3A_179 = arith.index_cast %get3A_178 : i32 to index
    %get3A_180 = arith.constant 96 : index
    %get3A_181 = tpu.vector_load %arg6[%get3A_179, %get3A_180] {strides = array<i32>} : memref<8x128xi32, #tpu.memory_space<vmem>>, vector<16xi32>,
    tpu.vector_store_idx %arg8[%get3A_181], %broadcast_in_dim3A_90 {add = true} : memref<1024xf32, #tpu.memory_space<vmem>>[vector<16xi32>], vector<16xf32>,
    %get3A_182 = arith.constant 2 : i32
    %get3A_183 = arith.index_cast %get3A_182 : i32 to index
    %get3A_184 = arith.constant 112 : index
    %get3A_185 = tpu.vector_load %arg6[%get3A_183, %get3A_184] {strides = array<i32>} : memref<8x128xi32, #tpu.memory_space<vmem>>, vector<16xi32>,
    tpu.vector_store_idx %arg8[%get3A_185], %broadcast_in_dim3A_90 {add = true} : memref<1024xf32, #tpu.memory_space<vmem>>[vector<16xi32>], vector<16xf32>,
    %get3A_186 = arith.constant 3 : i32
    %get3A_187 = arith.index_cast %get3A_186 : i32 to index
    %get3A_188 = arith.constant 0 : index
    %get3A_189 = tpu.vector_load %arg6[%get3A_187, %get3A_188] {strides = array<i32>} : memref<8x128xi32, #tpu.memory_space<vmem>>, vector<16xi32>,
    tpu.vector_store_idx %arg8[%get3A_189], %broadcast_in_dim3A_90 {add = true} : memref<1024xf32, #tpu.memory_space<vmem>>[vector<16xi32>], vector<16xf32>,
    %get3A_190 = arith.constant 3 : i32
    %get3A_191 = arith.index_cast %get3A_190 : i32 to index
    %get3A_192 = arith.constant 16 : index
    %get3A_193 = tpu.vector_load %arg6[%get3A_191, %get3A_192] {strides = array<i32>} : memref<8x128xi32, #tpu.memory_space<vmem>>, vector<16xi32>,
    tpu.vector_store_idx %arg8[%get3A_193], %broadcast_in_dim3A_90 {add = true} : memref<1024xf32, #tpu.memory_space<vmem>>[vector<16xi32>], vector<16xf32>,
    %get3A_194 = arith.constant 3 : i32
    %get3A_195 = arith.index_cast %get3A_194 : i32 to index
    %get3A_196 = arith.constant 32 : index
    %get3A_197 = tpu.vector_load %arg6[%get3A_195, %get3A_196] {strides = array<i32>} : memref<8x128xi32, #tpu.memory_space<vmem>>, vector<16xi32>,
    tpu.vector_store_idx %arg8[%get3A_197], %broadcast_in_dim3A_90 {add = true} : memref<1024xf32, #tpu.memory_space<vmem>>[vector<16xi32>], vector<16xf32>,
    %get3A_198 = arith.constant 3 : i32
    %get3A_199 = arith.index_cast %get3A_198 : i32 to index
    %get3A_200 = arith.constant 48 : index
    %get3A_201 = tpu.vector_load %arg6[%get3A_199, %get3A_200] {strides = array<i32>} : memref<8x128xi32, #tpu.memory_space<vmem>>, vector<16xi32>,
    tpu.vector_store_idx %arg8[%get3A_201], %broadcast_in_dim3A_90 {add = true} : memref<1024xf32, #tpu.memory_space<vmem>>[vector<16xi32>], vector<16xf32>,
    %get3A_202 = arith.constant 3 : i32
    %get3A_203 = arith.index_cast %get3A_202 : i32 to index
    %get3A_204 = arith.constant 64 : index
    %get3A_205 = tpu.vector_load %arg6[%get3A_203, %get3A_204] {strides = array<i32>} : memref<8x128xi32, #tpu.memory_space<vmem>>, vector<16xi32>,
    tpu.vector_store_idx %arg8[%get3A_205], %broadcast_in_dim3A_90 {add = true} : memref<1024xf32, #tpu.memory_space<vmem>>[vector<16xi32>], vector<16xf32>,
    %get3A_206 = arith.constant 3 : i32
    %get3A_207 = arith.index_cast %get3A_206 : i32 to index
    %get3A_208 = arith.constant 80 : index
    %get3A_209 = tpu.vector_load %arg6[%get3A_207, %get3A_208] {strides = array<i32>} : memref<8x128xi32, #tpu.memory_space<vmem>>, vector<16xi32>,
    tpu.vector_store_idx %arg8[%get3A_209], %broadcast_in_dim3A_90 {add = true} : memref<1024xf32, #tpu.memory_space<vmem>>[vector<16xi32>], vector<16xf32>,
    %get3A_210 = arith.constant 3 : i32
    %get3A_211 = arith.index_cast %get3A_210 : i32 to index
    %get3A_212 = arith.constant 96 : index
    %get3A_213 = tpu.vector_load %arg6[%get3A_211, %get3A_212] {strides = array<i32>} : memref<8x128xi32, #tpu.memory_space<vmem>>, vector<16xi32>,
    tpu.vector_store_idx %arg8[%get3A_213], %broadcast_in_dim3A_90 {add = true} : memref<1024xf32, #tpu.memory_space<vmem>>[vector<16xi32>], vector<16xf32>,
    %get3A_214 = arith.constant 3 : i32
    %get3A_215 = arith.index_cast %get3A_214 : i32 to index
    %get3A_216 = arith.constant 112 : index
    %get3A_217 = tpu.vector_load %arg6[%get3A_215, %get3A_216] {strides = array<i32>} : memref<8x128xi32, #tpu.memory_space<vmem>>, vector<16xi32>,
    tpu.vector_store_idx %arg8[%get3A_217], %broadcast_in_dim3A_90 {add = true} : memref<1024xf32, #tpu.memory_space<vmem>>[vector<16xi32>], vector<16xf32>,
    %get3A_218 = arith.constant 4 : i32
    %get3A_219 = arith.index_cast %get3A_218 : i32 to index
    %get3A_220 = arith.constant 0 : index
    %get3A_221 = tpu.vector_load %arg6[%get3A_219, %get3A_220] {strides = array<i32>} : memref<8x128xi32, #tpu.memory_space<vmem>>, vector<16xi32>,
    tpu.vector_store_idx %arg8[%get3A_221], %broadcast_in_dim3A_90 {add = true} : memref<1024xf32, #tpu.memory_space<vmem>>[vector<16xi32>], vector<16xf32>,
    %get3A_222 = arith.constant 4 : i32
    %get3A_223 = arith.index_cast %get3A_222 : i32 to index
    %get3A_224 = arith.constant 16 : index
    %get3A_225 = tpu.vector_load %arg6[%get3A_223, %get3A_224] {strides = array<i32>} : memref<8x128xi32, #tpu.memory_space<vmem>>, vector<16xi32>,
    tpu.vector_store_idx %arg8[%get3A_225], %broadcast_in_dim3A_90 {add = true} : memref<1024xf32, #tpu.memory_space<vmem>>[vector<16xi32>], vector<16xf32>,
    %get3A_226 = arith.constant 4 : i32
    %get3A_227 = arith.index_cast %get3A_226 : i32 to index
    %get3A_228 = arith.constant 32 : index
    %get3A_229 = tpu.vector_load %arg6[%get3A_227, %get3A_228] {strides = array<i32>} : memref<8x128xi32, #tpu.memory_space<vmem>>, vector<16xi32>,
    tpu.vector_store_idx %arg8[%get3A_229], %broadcast_in_dim3A_90 {add = true} : memref<1024xf32, #tpu.memory_space<vmem>>[vector<16xi32>], vector<16xf32>,
    %get3A_230 = arith.constant 4 : i32
    %get3A_231 = arith.index_cast %get3A_230 : i32 to index
    %get3A_232 = arith.constant 48 : index
    %get3A_233 = tpu.vector_load %arg6[%get3A_231, %get3A_232] {strides = array<i32>} : memref<8x128xi32, #tpu.memory_space<vmem>>, vector<16xi32>,
    tpu.vector_store_idx %arg8[%get3A_233], %broadcast_in_dim3A_90 {add = true} : memref<1024xf32, #tpu.memory_space<vmem>>[vector<16xi32>], vector<16xf32>,
    %get3A_234 = arith.constant 4 : i32
    %get3A_235 = arith.index_cast %get3A_234 : i32 to index
    %get3A_236 = arith.constant 64 : index
    %get3A_237 = tpu.vector_load %arg6[%get3A_235, %get3A_236] {strides = array<i32>} : memref<8x128xi32, #tpu.memory_space<vmem>>, vector<16xi32>,
    tpu.vector_store_idx %arg8[%get3A_237], %broadcast_in_dim3A_90 {add = true} : memref<1024xf32, #tpu.memory_space<vmem>>[vector<16xi32>], vector<16xf32>,
    %get3A_238 = arith.constant 4 : i32
    %get3A_239 = arith.index_cast %get3A_238 : i32 to index
    %get3A_240 = arith.constant 80 : index
    %get3A_241 = tpu.vector_load %arg6[%get3A_239, %get3A_240] {strides = array<i32>} : memref<8x128xi32, #tpu.memory_space<vmem>>, vector<16xi32>,
    tpu.vector_store_idx %arg8[%get3A_241], %broadcast_in_dim3A_90 {add = true} : memref<1024xf32, #tpu.memory_space<vmem>>[vector<16xi32>], vector<16xf32>,
    %get3A_242 = arith.constant 4 : i32
    %get3A_243 = arith.index_cast %get3A_242 : i32 to index
    %get3A_244 = arith.constant 96 : index
    %get3A_245 = tpu.vector_load %arg6[%get3A_243, %get3A_244] {strides = array<i32>} : memref<8x128xi32, #tpu.memory_space<vmem>>, vector<16xi32>,
    tpu.vector_store_idx %arg8[%get3A_245], %broadcast_in_dim3A_90 {add = true} : memref<1024xf32, #tpu.memory_space<vmem>>[vector<16xi32>], vector<16xf32>,
    %get3A_246 = arith.constant 4 : i32
    %get3A_247 = arith.index_cast %get3A_246 : i32 to index
    %get3A_248 = arith.constant 112 : index
    %get3A_249 = tpu.vector_load %arg6[%get3A_247, %get3A_248] {strides = array<i32>} : memref<8x128xi32, #tpu.memory_space<vmem>>, vector<16xi32>,
    tpu.vector_store_idx %arg8[%get3A_249], %broadcast_in_dim3A_90 {add = true} : memref<1024xf32, #tpu.memory_space<vmem>>[vector<16xi32>], vector<16xf32>,
    %get3A_250 = arith.constant 5 : i32
    %get3A_251 = arith.index_cast %get3A_250 : i32 to index
    %get3A_252 = arith.constant 0 : index
    %get3A_253 = tpu.vector_load %arg6[%get3A_251, %get3A_252] {strides = array<i32>} : memref<8x128xi32, #tpu.memory_space<vmem>>, vector<16xi32>,
    tpu.vector_store_idx %arg8[%get3A_253], %broadcast_in_dim3A_90 {add = true} : memref<1024xf32, #tpu.memory_space<vmem>>[vector<16xi32>], vector<16xf32>,
    %get3A_254 = arith.constant 5 : i32
    %get3A_255 = arith.index_cast %get3A_254 : i32 to index
    %get3A_256 = arith.constant 16 : index
    %get3A_257 = tpu.vector_load %arg6[%get3A_255, %get3A_256] {strides = array<i32>} : memref<8x128xi32, #tpu.memory_space<vmem>>, vector<16xi32>,
    tpu.vector_store_idx %arg8[%get3A_257], %broadcast_in_dim3A_90 {add = true} : memref<1024xf32, #tpu.memory_space<vmem>>[vector<16xi32>], vector<16xf32>,
    %get3A_258 = arith.constant 5 : i32
    %get3A_259 = arith.index_cast %get3A_258 : i32 to index
    %get3A_260 = arith.constant 32 : index
    %get3A_261 = tpu.vector_load %arg6[%get3A_259, %get3A_260] {strides = array<i32>} : memref<8x128xi32, #tpu.memory_space<vmem>>, vector<16xi32>,
    tpu.vector_store_idx %arg8[%get3A_261], %broadcast_in_dim3A_90 {add = true} : memref<1024xf32, #tpu.memory_space<vmem>>[vector<16xi32>], vector<16xf32>,
    %get3A_262 = arith.constant 5 : i32
    %get3A_263 = arith.index_cast %get3A_262 : i32 to index
    %get3A_264 = arith.constant 48 : index
    %get3A_265 = tpu.vector_load %arg6[%get3A_263, %get3A_264] {strides = array<i32>} : memref<8x128xi32, #tpu.memory_space<vmem>>, vector<16xi32>,
    tpu.vector_store_idx %arg8[%get3A_265], %broadcast_in_dim3A_90 {add = true} : memref<1024xf32, #tpu.memory_space<vmem>>[vector<16xi32>], vector<16xf32>,
    %get3A_266 = arith.constant 5 : i32
    %get3A_267 = arith.index_cast %get3A_266 : i32 to index
    %get3A_268 = arith.constant 64 : index
    %get3A_269 = tpu.vector_load %arg6[%get3A_267, %get3A_268] {strides = array<i32>} : memref<8x128xi32, #tpu.memory_space<vmem>>, vector<16xi32>,
    tpu.vector_store_idx %arg8[%get3A_269], %broadcast_in_dim3A_90 {add = true} : memref<1024xf32, #tpu.memory_space<vmem>>[vector<16xi32>], vector<16xf32>,
    %get3A_270 = arith.constant 5 : i32
    %get3A_271 = arith.index_cast %get3A_270 : i32 to index
    %get3A_272 = arith.constant 80 : index
    %get3A_273 = tpu.vector_load %arg6[%get3A_271, %get3A_272] {strides = array<i32>} : memref<8x128xi32, #tpu.memory_space<vmem>>, vector<16xi32>,
    tpu.vector_store_idx %arg8[%get3A_273], %broadcast_in_dim3A_90 {add = true} : memref<1024xf32, #tpu.memory_space<vmem>>[vector<16xi32>], vector<16xf32>,
    %get3A_274 = arith.constant 5 : i32
    %get3A_275 = arith.index_cast %get3A_274 : i32 to index
    %get3A_276 = arith.constant 96 : index
    %get3A_277 = tpu.vector_load %arg6[%get3A_275, %get3A_276] {strides = array<i32>} : memref<8x128xi32, #tpu.memory_space<vmem>>, vector<16xi32>,
    tpu.vector_store_idx %arg8[%get3A_277], %broadcast_in_dim3A_90 {add = true} : memref<1024xf32, #tpu.memory_space<vmem>>[vector<16xi32>], vector<16xf32>,
    %get3A_278 = arith.constant 5 : i32
    %get3A_279 = arith.index_cast %get3A_278 : i32 to index
    %get3A_280 = arith.constant 112 : index
    %get3A_281 = tpu.vector_load %arg6[%get3A_279, %get3A_280] {strides = array<i32>} : memref<8x128xi32, #tpu.memory_space<vmem>>, vector<16xi32>,
    tpu.vector_store_idx %arg8[%get3A_281], %broadcast_in_dim3A_90 {add = true} : memref<1024xf32, #tpu.memory_space<vmem>>[vector<16xi32>], vector<16xf32>,
    %get3A_282 = arith.constant 6 : i32
    %get3A_283 = arith.index_cast %get3A_282 : i32 to index
    %get3A_284 = arith.constant 0 : index
    %get3A_285 = tpu.vector_load %arg6[%get3A_283, %get3A_284] {strides = array<i32>} : memref<8x128xi32, #tpu.memory_space<vmem>>, vector<16xi32>,
    tpu.vector_store_idx %arg8[%get3A_285], %broadcast_in_dim3A_90 {add = true} : memref<1024xf32, #tpu.memory_space<vmem>>[vector<16xi32>], vector<16xf32>,
    %get3A_286 = arith.constant 6 : i32
    %get3A_287 = arith.index_cast %get3A_286 : i32 to index
    %get3A_288 = arith.constant 16 : index
    %get3A_289 = tpu.vector_load %arg6[%get3A_287, %get3A_288] {strides = array<i32>} : memref<8x128xi32, #tpu.memory_space<vmem>>, vector<16xi32>,
    tpu.vector_store_idx %arg8[%get3A_289], %broadcast_in_dim3A_90 {add = true} : memref<1024xf32, #tpu.memory_space<vmem>>[vector<16xi32>], vector<16xf32>,
    %get3A_290 = arith.constant 6 : i32
    %get3A_291 = arith.index_cast %get3A_290 : i32 to index
    %get3A_292 = arith.constant 32 : index
    %get3A_293 = tpu.vector_load %arg6[%get3A_291, %get3A_292] {strides = array<i32>} : memref<8x128xi32, #tpu.memory_space<vmem>>, vector<16xi32>,
    tpu.vector_store_idx %arg8[%get3A_293], %broadcast_in_dim3A_90 {add = true} : memref<1024xf32, #tpu.memory_space<vmem>>[vector<16xi32>], vector<16xf32>,
    %get3A_294 = arith.constant 6 : i32
    %get3A_295 = arith.index_cast %get3A_294 : i32 to index
    %get3A_296 = arith.constant 48 : index
    %get3A_297 = tpu.vector_load %arg6[%get3A_295, %get3A_296] {strides = array<i32>} : memref<8x128xi32, #tpu.memory_space<vmem>>, vector<16xi32>,
    tpu.vector_store_idx %arg8[%get3A_297], %broadcast_in_dim3A_90 {add = true} : memref<1024xf32, #tpu.memory_space<vmem>>[vector<16xi32>], vector<16xf32>,
    %get3A_298 = arith.constant 6 : i32
    %get3A_299 = arith.index_cast %get3A_298 : i32 to index
    %get3A_300 = arith.constant 64 : index
    %get3A_301 = tpu.vector_load %arg6[%get3A_299, %get3A_300] {strides = array<i32>} : memref<8x128xi32, #tpu.memory_space<vmem>>, vector<16xi32>,
    tpu.vector_store_idx %arg8[%get3A_301], %broadcast_in_dim3A_90 {add = true} : memref<1024xf32, #tpu.memory_space<vmem>>[vector<16xi32>], vector<16xf32>,
    %get3A_302 = arith.constant 6 : i32
    %get3A_303 = arith.index_cast %get3A_302 : i32 to index
    %get3A_304 = arith.constant 80 : index
    %get3A_305 = tpu.vector_load %arg6[%get3A_303, %get3A_304] {strides = array<i32>} : memref<8x128xi32, #tpu.memory_space<vmem>>, vector<16xi32>,
    tpu.vector_store_idx %arg8[%get3A_305], %broadcast_in_dim3A_90 {add = true} : memref<1024xf32, #tpu.memory_space<vmem>>[vector<16xi32>], vector<16xf32>,
    %get3A_306 = arith.constant 6 : i32
    %get3A_307 = arith.index_cast %get3A_306 : i32 to index
    %get3A_308 = arith.constant 96 : index
    %get3A_309 = tpu.vector_load %arg6[%get3A_307, %get3A_308] {strides = array<i32>} : memref<8x128xi32, #tpu.memory_space<vmem>>, vector<16xi32>,
    tpu.vector_store_idx %arg8[%get3A_309], %broadcast_in_dim3A_90 {add = true} : memref<1024xf32, #tpu.memory_space<vmem>>[vector<16xi32>], vector<16xf32>,
    %get3A_310 = arith.constant 6 : i32
    %get3A_311 = arith.index_cast %get3A_310 : i32 to index
    %get3A_312 = arith.constant 112 : index
    %get3A_313 = tpu.vector_load %arg6[%get3A_311, %get3A_312] {strides = array<i32>} : memref<8x128xi32, #tpu.memory_space<vmem>>, vector<16xi32>,
    tpu.vector_store_idx %arg8[%get3A_313], %broadcast_in_dim3A_90 {add = true} : memref<1024xf32, #tpu.memory_space<vmem>>[vector<16xi32>], vector<16xf32>,
    %get3A_314 = arith.constant 7 : i32
    %get3A_315 = arith.index_cast %get3A_314 : i32 to index
    %get3A_316 = arith.constant 0 : index
    %get3A_317 = tpu.vector_load %arg6[%get3A_315, %get3A_316] {strides = array<i32>} : memref<8x128xi32, #tpu.memory_space<vmem>>, vector<16xi32>,
    tpu.vector_store_idx %arg8[%get3A_317], %broadcast_in_dim3A_90 {add = true} : memref<1024xf32, #tpu.memory_space<vmem>>[vector<16xi32>], vector<16xf32>,
    %get3A_318 = arith.constant 7 : i32
    %get3A_319 = arith.index_cast %get3A_318 : i32 to index
    %get3A_320 = arith.constant 16 : index
    %get3A_321 = tpu.vector_load %arg6[%get3A_319, %get3A_320] {strides = array<i32>} : memref<8x128xi32, #tpu.memory_space<vmem>>, vector<16xi32>,
    tpu.vector_store_idx %arg8[%get3A_321], %broadcast_in_dim3A_90 {add = true} : memref<1024xf32, #tpu.memory_space<vmem>>[vector<16xi32>], vector<16xf32>,
    %get3A_322 = arith.constant 7 : i32
    %get3A_323 = arith.index_cast %get3A_322 : i32 to index
    %get3A_324 = arith.constant 32 : index
    %get3A_325 = tpu.vector_load %arg6[%get3A_323, %get3A_324] {strides = array<i32>} : memref<8x128xi32, #tpu.memory_space<vmem>>, vector<16xi32>,
    tpu.vector_store_idx %arg8[%get3A_325], %broadcast_in_dim3A_90 {add = true} : memref<1024xf32, #tpu.memory_space<vmem>>[vector<16xi32>], vector<16xf32>,
    %get3A_326 = arith.constant 7 : i32
    %get3A_327 = arith.index_cast %get3A_326 : i32 to index
    %get3A_328 = arith.constant 48 : index
    %get3A_329 = tpu.vector_load %arg6[%get3A_327, %get3A_328] {strides = array<i32>} : memref<8x128xi32, #tpu.memory_space<vmem>>, vector<16xi32>,
    tpu.vector_store_idx %arg8[%get3A_329], %broadcast_in_dim3A_90 {add = true} : memref<1024xf32, #tpu.memory_space<vmem>>[vector<16xi32>], vector<16xf32>,
    %get3A_330 = arith.constant 7 : i32
    %get3A_331 = arith.index_cast %get3A_330 : i32 to index
    %get3A_332 = arith.constant 64 : index
    %get3A_333 = tpu.vector_load %arg6[%get3A_331, %get3A_332] {strides = array<i32>} : memref<8x128xi32, #tpu.memory_space<vmem>>, vector<16xi32>,
    tpu.vector_store_idx %arg8[%get3A_333], %broadcast_in_dim3A_90 {add = true} : memref<1024xf32, #tpu.memory_space<vmem>>[vector<16xi32>], vector<16xf32>,
    %get3A_334 = arith.constant 7 : i32
    %get3A_335 = arith.index_cast %get3A_334 : i32 to index
    %get3A_336 = arith.constant 80 : index
    %get3A_337 = tpu.vector_load %arg6[%get3A_335, %get3A_336] {strides = array<i32>} : memref<8x128xi32, #tpu.memory_space<vmem>>, vector<16xi32>,
    tpu.vector_store_idx %arg8[%get3A_337], %broadcast_in_dim3A_90 {add = true} : memref<1024xf32, #tpu.memory_space<vmem>>[vector<16xi32>], vector<16xf32>,
    %get3A_338 = arith.constant 7 : i32
    %get3A_339 = arith.index_cast %get3A_338 : i32 to index
    %get3A_340 = arith.constant 96 : index
    %get3A_341 = tpu.vector_load %arg6[%get3A_339, %get3A_340] {strides = array<i32>} : memref<8x128xi32, #tpu.memory_space<vmem>>, vector<16xi32>,
    tpu.vector_store_idx %arg8[%get3A_341], %broadcast_in_dim3A_90 {add = true} : memref<1024xf32, #tpu.memory_space<vmem>>[vector<16xi32>], vector<16xf32>,
    %get3A_342 = arith.constant 7 : i32
    %get3A_343 = arith.index_cast %get3A_342 : i32 to index
    %get3A_344 = arith.constant 112 : index
    %get3A_345 = tpu.vector_load %arg6[%get3A_343, %get3A_344] {strides = array<i32>} : memref<8x128xi32, #tpu.memory_space<vmem>>, vector<16xi32>,
    tpu.vector_store_idx %arg8[%get3A_345], %broadcast_in_dim3A_90 {add = true} : memref<1024xf32, #tpu.memory_space<vmem>>[vector<16xi32>], vector<16xf32>,
    %dma_wait3A = arith.constant 0 : i32
    %dma_wait3A_346 = arith.constant 0 : i32
    %dma_wait3A_347 = arith.constant 0 : i32
    %dma_wait3A_348 = tpu.memref_slice %arg7[%dma_wait3A_346, %dma_wait3A_347] : memref<1024x64xf32, #tpu.memory_space<vmem>> -> memref<128x64xf32, #tpu.memory_space<vmem>>
    %dma_wait3A_349 = arith.constant 0 : i32
    %dma_wait3A_350 = tpu.memref_slice %arg6[%dma_wait3A, %dma_wait3A_349] : memref<8x128xi32, #tpu.memory_space<vmem>> -> memref<1x128xi32, #tpu.memory_space<vmem>>
    %dma_wait3A_351 = tpu.memref_squeeze %dma_wait3A_350 : memref<1x128xi32, #tpu.memory_space<vmem>> -> memref<128xi32, #tpu.memory_space<vmem>>
    %dma_wait3A_352 = arith.constant 0 : i32
    %dma_wait3A_353 = arith.constant 0 : i32
    %dma_wait3A_354 = tpu.memref_slice %arg2[%dma_wait3A_352, %dma_wait3A_353] : memref<1024x64xf32, #tpu.memory_space<hbm>> -> memref<1024x64xf32, #tpu.memory_space<hbm>>
    tpu.wait_indirect_dma semaphore(%arg9 : memref<!tpu.dma_semaphore, #tpu.memory_space<semaphore_mem>>) src(%dma_wait3A_354 : memref<1024x64xf32, #tpu.memory_space<hbm>>) dst(%dma_wait3A_348 : memref<128x64xf32, #tpu.memory_space<vmem>>)
    %dma_wait3A_355 = arith.constant 1 : i32
    %dma_wait3A_356 = arith.constant 128 : i32
    %dma_wait3A_357 = arith.constant 0 : i32
    %dma_wait3A_358 = tpu.memref_slice %arg7[%dma_wait3A_356, %dma_wait3A_357] : memref<1024x64xf32, #tpu.memory_space<vmem>> -> memref<128x64xf32, #tpu.memory_space<vmem>>
    %dma_wait3A_359 = arith.constant 0 : i32
    %dma_wait3A_360 = tpu.memref_slice %arg6[%dma_wait3A_355, %dma_wait3A_359] : memref<8x128xi32, #tpu.memory_space<vmem>> -> memref<1x128xi32, #tpu.memory_space<vmem>>
    %dma_wait3A_361 = tpu.memref_squeeze %dma_wait3A_360 : memref<1x128xi32, #tpu.memory_space<vmem>> -> memref<128xi32, #tpu.memory_space<vmem>>
    %dma_wait3A_362 = arith.constant 0 : i32
    %dma_wait3A_363 = arith.constant 0 : i32
    %dma_wait3A_364 = tpu.memref_slice %arg2[%dma_wait3A_362, %dma_wait3A_363] : memref<1024x64xf32, #tpu.memory_space<hbm>> -> memref<1024x64xf32, #tpu.memory_space<hbm>>
    tpu.wait_indirect_dma semaphore(%arg9 : memref<!tpu.dma_semaphore, #tpu.memory_space<semaphore_mem>>) src(%dma_wait3A_364 : memref<1024x64xf32, #tpu.memory_space<hbm>>) dst(%dma_wait3A_358 : memref<128x64xf32, #tpu.memory_space<vmem>>)
    %dma_wait3A_365 = arith.constant 2 : i32
    %dma_wait3A_366 = arith.constant 256 : i32
    %dma_wait3A_367 = arith.constant 0 : i32
    %dma_wait3A_368 = tpu.memref_slice %arg7[%dma_wait3A_366, %dma_wait3A_367] : memref<1024x64xf32, #tpu.memory_space<vmem>> -> memref<128x64xf32, #tpu.memory_space<vmem>>
    %dma_wait3A_369 = arith.constant 0 : i32
    %dma_wait3A_370 = tpu.memref_slice %arg6[%dma_wait3A_365, %dma_wait3A_369] : memref<8x128xi32, #tpu.memory_space<vmem>> -> memref<1x128xi32, #tpu.memory_space<vmem>>
    %dma_wait3A_371 = tpu.memref_squeeze %dma_wait3A_370 : memref<1x128xi32, #tpu.memory_space<vmem>> -> memref<128xi32, #tpu.memory_space<vmem>>
    %dma_wait3A_372 = arith.constant 0 : i32
    %dma_wait3A_373 = arith.constant 0 : i32
    %dma_wait3A_374 = tpu.memref_slice %arg2[%dma_wait3A_372, %dma_wait3A_373] : memref<1024x64xf32, #tpu.memory_space<hbm>> -> memref<1024x64xf32, #tpu.memory_space<hbm>>
    tpu.wait_indirect_dma semaphore(%arg9 : memref<!tpu.dma_semaphore, #tpu.memory_space<semaphore_mem>>) src(%dma_wait3A_374 : memref<1024x64xf32, #tpu.memory_space<hbm>>) dst(%dma_wait3A_368 : memref<128x64xf32, #tpu.memory_space<vmem>>)
    %dma_wait3A_375 = arith.constant 3 : i32
    %dma_wait3A_376 = arith.constant 384 : i32
    %dma_wait3A_377 = arith.constant 0 : i32
    %dma_wait3A_378 = tpu.memref_slice %arg7[%dma_wait3A_376, %dma_wait3A_377] : memref<1024x64xf32, #tpu.memory_space<vmem>> -> memref<128x64xf32, #tpu.memory_space<vmem>>
    %dma_wait3A_379 = arith.constant 0 : i32
    %dma_wait3A_380 = tpu.memref_slice %arg6[%dma_wait3A_375, %dma_wait3A_379] : memref<8x128xi32, #tpu.memory_space<vmem>> -> memref<1x128xi32, #tpu.memory_space<vmem>>
    %dma_wait3A_381 = tpu.memref_squeeze %dma_wait3A_380 : memref<1x128xi32, #tpu.memory_space<vmem>> -> memref<128xi32, #tpu.memory_space<vmem>>
    %dma_wait3A_382 = arith.constant 0 : i32
    %dma_wait3A_383 = arith.constant 0 : i32
    %dma_wait3A_384 = tpu.memref_slice %arg2[%dma_wait3A_382, %dma_wait3A_383] : memref<1024x64xf32, #tpu.memory_space<hbm>> -> memref<1024x64xf32, #tpu.memory_space<hbm>>
    tpu.wait_indirect_dma semaphore(%arg9 : memref<!tpu.dma_semaphore, #tpu.memory_space<semaphore_mem>>) src(%dma_wait3A_384 : memref<1024x64xf32, #tpu.memory_space<hbm>>) dst(%dma_wait3A_378 : memref<128x64xf32, #tpu.memory_space<vmem>>)
    %dma_wait3A_385 = arith.constant 4 : i32
    %dma_wait3A_386 = arith.constant 512 : i32
    %dma_wait3A_387 = arith.constant 0 : i32
    %dma_wait3A_388 = tpu.memref_slice %arg7[%dma_wait3A_386, %dma_wait3A_387] : memref<1024x64xf32, #tpu.memory_space<vmem>> -> memref<128x64xf32, #tpu.memory_space<vmem>>
    %dma_wait3A_389 = arith.constant 0 : i32
    %dma_wait3A_390 = tpu.memref_slice %arg6[%dma_wait3A_385, %dma_wait3A_389] : memref<8x128xi32, #tpu.memory_space<vmem>> -> memref<1x128xi32, #tpu.memory_space<vmem>>
    %dma_wait3A_391 = tpu.memref_squeeze %dma_wait3A_390 : memref<1x128xi32, #tpu.memory_space<vmem>> -> memref<128xi32, #tpu.memory_space<vmem>>
    %dma_wait3A_392 = arith.constant 0 : i32
    %dma_wait3A_393 = arith.constant 0 : i32
    %dma_wait3A_394 = tpu.memref_slice %arg2[%dma_wait3A_392, %dma_wait3A_393] : memref<1024x64xf32, #tpu.memory_space<hbm>> -> memref<1024x64xf32, #tpu.memory_space<hbm>>
    tpu.wait_indirect_dma semaphore(%arg9 : memref<!tpu.dma_semaphore, #tpu.memory_space<semaphore_mem>>) src(%dma_wait3A_394 : memref<1024x64xf32, #tpu.memory_space<hbm>>) dst(%dma_wait3A_388 : memref<128x64xf32, #tpu.memory_space<vmem>>)
    %dma_wait3A_395 = arith.constant 5 : i32
    %dma_wait3A_396 = arith.constant 640 : i32
    %dma_wait3A_397 = arith.constant 0 : i32
    %dma_wait3A_398 = tpu.memref_slice %arg7[%dma_wait3A_396, %dma_wait3A_397] : memref<1024x64xf32, #tpu.memory_space<vmem>> -> memref<128x64xf32, #tpu.memory_space<vmem>>
    %dma_wait3A_399 = arith.constant 0 : i32
    %dma_wait3A_400 = tpu.memref_slice %arg6[%dma_wait3A_395, %dma_wait3A_399] : memref<8x128xi32, #tpu.memory_space<vmem>> -> memref<1x128xi32, #tpu.memory_space<vmem>>
    %dma_wait3A_401 = tpu.memref_squeeze %dma_wait3A_400 : memref<1x128xi32, #tpu.memory_space<vmem>> -> memref<128xi32, #tpu.memory_space<vmem>>
    %dma_wait3A_402 = arith.constant 0 : i32
    %dma_wait3A_403 = arith.constant 0 : i32
    %dma_wait3A_404 = tpu.memref_slice %arg2[%dma_wait3A_402, %dma_wait3A_403] : memref<1024x64xf32, #tpu.memory_space<hbm>> -> memref<1024x64xf32, #tpu.memory_space<hbm>>
    tpu.wait_indirect_dma semaphore(%arg9 : memref<!tpu.dma_semaphore, #tpu.memory_space<semaphore_mem>>) src(%dma_wait3A_404 : memref<1024x64xf32, #tpu.memory_space<hbm>>) dst(%dma_wait3A_398 : memref<128x64xf32, #tpu.memory_space<vmem>>)
    %dma_wait3A_405 = arith.constant 6 : i32
    %dma_wait3A_406 = arith.constant 768 : i32
    %dma_wait3A_407 = arith.constant 0 : i32
    %dma_wait3A_408 = tpu.memref_slice %arg7[%dma_wait3A_406, %dma_wait3A_407] : memref<1024x64xf32, #tpu.memory_space<vmem>> -> memref<128x64xf32, #tpu.memory_space<vmem>>
    %dma_wait3A_409 = arith.constant 0 : i32
    %dma_wait3A_410 = tpu.memref_slice %arg6[%dma_wait3A_405, %dma_wait3A_409] : memref<8x128xi32, #tpu.memory_space<vmem>> -> memref<1x128xi32, #tpu.memory_space<vmem>>
    %dma_wait3A_411 = tpu.memref_squeeze %dma_wait3A_410 : memref<1x128xi32, #tpu.memory_space<vmem>> -> memref<128xi32, #tpu.memory_space<vmem>>
    %dma_wait3A_412 = arith.constant 0 : i32
    %dma_wait3A_413 = arith.constant 0 : i32
    %dma_wait3A_414 = tpu.memref_slice %arg2[%dma_wait3A_412, %dma_wait3A_413] : memref<1024x64xf32, #tpu.memory_space<hbm>> -> memref<1024x64xf32, #tpu.memory_space<hbm>>
    tpu.wait_indirect_dma semaphore(%arg9 : memref<!tpu.dma_semaphore, #tpu.memory_space<semaphore_mem>>) src(%dma_wait3A_414 : memref<1024x64xf32, #tpu.memory_space<hbm>>) dst(%dma_wait3A_408 : memref<128x64xf32, #tpu.memory_space<vmem>>)
    %dma_wait3A_415 = arith.constant 7 : i32
    %dma_wait3A_416 = arith.constant 896 : i32
    %dma_wait3A_417 = arith.constant 0 : i32
    %dma_wait3A_418 = tpu.memref_slice %arg7[%dma_wait3A_416, %dma_wait3A_417] : memref<1024x64xf32, #tpu.memory_space<vmem>> -> memref<128x64xf32, #tpu.memory_space<vmem>>
    %dma_wait3A_419 = arith.constant 0 : i32
    %dma_wait3A_420 = tpu.memref_slice %arg6[%dma_wait3A_415, %dma_wait3A_419] : memref<8x128xi32, #tpu.memory_space<vmem>> -> memref<1x128xi32, #tpu.memory_space<vmem>>
    %dma_wait3A_421 = tpu.memref_squeeze %dma_wait3A_420 : memref<1x128xi32, #tpu.memory_space<vmem>> -> memref<128xi32, #tpu.memory_space<vmem>>
    %dma_wait3A_422 = arith.constant 0 : i32
    %dma_wait3A_423 = arith.constant 0 : i32
    %dma_wait3A_424 = tpu.memref_slice %arg2[%dma_wait3A_422, %dma_wait3A_423] : memref<1024x64xf32, #tpu.memory_space<hbm>> -> memref<1024x64xf32, #tpu.memory_space<hbm>>
    tpu.wait_indirect_dma semaphore(%arg9 : memref<!tpu.dma_semaphore, #tpu.memory_space<semaphore_mem>>) src(%dma_wait3A_424 : memref<1024x64xf32, #tpu.memory_space<hbm>>) dst(%dma_wait3A_418 : memref<128x64xf32, #tpu.memory_space<vmem>>)
    %mul3A_425 = arith.constant 1024 : i32
    %mul3A_426 = arith.muli %add3A, %mul3A_425 : i32
    "tpu.region"() ({
      %run_scoped3A = tpu.sem_alloc : memref<!tpu.dma_semaphore, #tpu.memory_space<semaphore_mem>>
      %dma_start3A_427 = arith.constant 0 : i32
      %dma_start3A_428 = tpu.memref_slice %arg4[%mul3A_426, %dma_start3A_427] : memref<32768x64xf32, #tpu.memory_space<hbm>> -> memref<1024x64xf32, #tpu.memory_space<hbm>>
      %dma_start3A_429 = arith.constant 0 : i32
      %dma_start3A_430 = tpu.memref_slice %arg4[%mul3A_426, %dma_start3A_429] : memref<32768x64xf32, #tpu.memory_space<hbm>> -> memref<1024x64xf32, #tpu.memory_space<hbm>>
      tpu.enqueue_dma source(%arg7 : memref<1024x64xf32, #tpu.memory_space<vmem>>) target(%dma_start3A_430 : memref<1024x64xf32, #tpu.memory_space<hbm>>) target_semaphore(%run_scoped3A : memref<!tpu.dma_semaphore, #tpu.memory_space<semaphore_mem>>)
      %dma_wait3A_431 = arith.constant 0 : i32
      %dma_wait3A_432 = tpu.memref_slice %arg4[%mul3A_426, %dma_wait3A_431] : memref<32768x64xf32, #tpu.memory_space<hbm>> -> memref<1024x64xf32, #tpu.memory_space<hbm>>
      %dma_wait3A_433 = arith.constant 0 : i32
      %dma_wait3A_434 = tpu.memref_slice %arg4[%mul3A_426, %dma_wait3A_433] : memref<32768x64xf32, #tpu.memory_space<hbm>> -> memref<1024x64xf32, #tpu.memory_space<hbm>>
      tpu.wait_dma2 semaphore(%run_scoped3A : memref<!tpu.dma_semaphore, #tpu.memory_space<semaphore_mem>>) src(%arg7 : memref<1024x64xf32, #tpu.memory_space<vmem>>) dst(%dma_wait3A_434 : memref<1024x64xf32, #tpu.memory_space<hbm>>)
      tpu.yield
    }) : () -> ()
    "tpu.region"() ({
      %run_scoped3A = tpu.sem_alloc : memref<!tpu.dma_semaphore, #tpu.memory_space<semaphore_mem>>
      %dma_start3A_427 = arith.constant 0 : i32
      %dma_start3A_428 = tpu.memref_slice %arg5[%add3A, %dma_start3A_427] : memref<32x1024xf32, #tpu.memory_space<hbm>> -> memref<1x1024xf32, #tpu.memory_space<hbm>>
      %dma_start3A_429 = tpu.memref_squeeze %dma_start3A_428 : memref<1x1024xf32, #tpu.memory_space<hbm>> -> memref<1024xf32, #tpu.memory_space<hbm>>
      %dma_start3A_430 = arith.constant 0 : i32
      %dma_start3A_431 = tpu.memref_slice %arg5[%add3A, %dma_start3A_430] : memref<32x1024xf32, #tpu.memory_space<hbm>> -> memref<1x1024xf32, #tpu.memory_space<hbm>>
      %dma_start3A_432 = tpu.memref_squeeze %dma_start3A_431 : memref<1x1024xf32, #tpu.memory_space<hbm>> -> memref<1024xf32, #tpu.memory_space<hbm>>
      tpu.enqueue_dma source(%arg8 : memref<1024xf32, #tpu.memory_space<vmem>>) target(%dma_start3A_432 : memref<1024xf32, #tpu.memory_space<hbm>>) target_semaphore(%run_scoped3A : memref<!tpu.dma_semaphore, #tpu.memory_space<semaphore_mem>>)
      %dma_wait3A_433 = arith.constant 0 : i32
      %dma_wait3A_434 = tpu.memref_slice %arg5[%add3A, %dma_wait3A_433] : memref<32x1024xf32, #tpu.memory_space<hbm>> -> memref<1x1024xf32, #tpu.memory_space<hbm>>
      %dma_wait3A_435 = tpu.memref_squeeze %dma_wait3A_434 : memref<1x1024xf32, #tpu.memory_space<hbm>> -> memref<1024xf32, #tpu.memory_space<hbm>>
      %dma_wait3A_436 = arith.constant 0 : i32
      %dma_wait3A_437 = tpu.memref_slice %arg5[%add3A, %dma_wait3A_436] : memref<32x1024xf32, #tpu.memory_space<hbm>> -> memref<1x1024xf32, #tpu.memory_space<hbm>>
      %dma_wait3A_438 = tpu.memref_squeeze %dma_wait3A_437 : memref<1x1024xf32, #tpu.memory_space<hbm>> -> memref<1024xf32, #tpu.memory_space<hbm>>
      tpu.wait_dma2 semaphore(%run_scoped3A : memref<!tpu.dma_semaphore, #tpu.memory_space<semaphore_mem>>) src(%arg8 : memref<1024xf32, #tpu.memory_space<vmem>>) dst(%dma_wait3A_438 : memref<1024xf32, #tpu.memory_space<hbm>>)
      tpu.yield
    }) : () -> ()
    return
  }
}

#map = affine_map<(d0, d1) -> (0, 0)>
module attributes {stable_mosaic.version = 14 : i64} {
  func.func @k(%arg0: i32, %arg1: i32, %arg2: memref<1024x64xf32, #tpu.memory_space<hbm>>, %arg3: memref<256x128xi32, #tpu.memory_space<hbm>>, %arg4: memref<32768x64xf32, #tpu.memory_space<hbm>>, %arg5: memref<32x1024xf32, #tpu.memory_space<hbm>>, %arg6: memref<8x128xi32, #tpu.memory_space<vmem>>, %arg7: memref<1024x64xf32, #tpu.memory_space<vmem>>, %arg8: memref<1024xf32, #tpu.memory_space<vmem>>, %arg9: memref<!tpu.dma_semaphore, #tpu.memory_space<semaphore_mem>>) attributes {dimension_semantics = [#tpu.dimension_semantics<core_parallel>, #tpu.dimension_semantics<subcore_parallel>], iteration_bounds = array<i64: 2, 16>, scalar_prefetch = 0 : i64, scratch_operands = 4 : i64, tpu.core_type = #tpu.core_type<sc_vector_subcore>, window_params = [{transform_indices = #map}, {transform_indices = #map}, {transform_indices = #map}, {transform_indices = #map}]} {
    %mul3A = arith.constant 2 : i32
    %mul3A_0 = arith.muli %arg1, %mul3A : i32
    %add3A = arith.addi %mul3A_0, %arg0 : i32
    %mul3A_1 = arith.constant 8 : i32
    %mul3A_2 = arith.muli %add3A, %mul3A_1 : i32
    "tpu.region"() ({
      %run_scoped3A = tpu.sem_alloc : memref<!tpu.dma_semaphore, #tpu.memory_space<semaphore_mem>>
      %dma_start3A_427 = arith.constant 0 : i32
      %dma_start3A_428 = tpu.memref_slice %arg3[%mul3A_2, %dma_start3A_427] : memref<256x128xi32, #tpu.memory_space<hbm>> -> memref<8x128xi32, #tpu.memory_space<hbm>>
      %dma_start3A_429 = arith.constant 0 : i32
      %dma_start3A_430 = tpu.memref_slice %arg3[%mul3A_2, %dma_start3A_429] : memref<256x128xi32, #tpu.memory_space<hbm>> -> memref<8x128xi32, #tpu.memory_space<hbm>>
      tpu.enqueue_dma source(%dma_start3A_430 : memref<8x128xi32, #tpu.memory_space<hbm>>) target(%arg6 : memref<8x128xi32, #tpu.memory_space<vmem>>) target_semaphore(%run_scoped3A : memref<!tpu.dma_semaphore, #tpu.memory_space<semaphore_mem>>)
      %dma_wait3A_431 = arith.constant 0 : i32
      %dma_wait3A_432 = tpu.memref_slice %arg3[%mul3A_2, %dma_wait3A_431] : memref<256x128xi32, #tpu.memory_space<hbm>> -> memref<8x128xi32, #tpu.memory_space<hbm>>
      %dma_wait3A_433 = arith.constant 0 : i32
      %dma_wait3A_434 = tpu.memref_slice %arg3[%mul3A_2, %dma_wait3A_433] : memref<256x128xi32, #tpu.memory_space<hbm>> -> memref<8x128xi32, #tpu.memory_space<hbm>>
      tpu.wait_dma2 semaphore(%run_scoped3A : memref<!tpu.dma_semaphore, #tpu.memory_space<semaphore_mem>>) src(%dma_wait3A_434 : memref<8x128xi32, #tpu.memory_space<hbm>>) dst(%arg6 : memref<8x128xi32, #tpu.memory_space<vmem>>)
      tpu.yield
    }) : () -> ()
    %dma_start3A = arith.constant 0 : i32
    %dma_start3A_3 = arith.constant 0 : i32
    %dma_start3A_4 = arith.constant 0 : i32
    %dma_start3A_5 = tpu.memref_slice %arg7[%dma_start3A_3, %dma_start3A_4] : memref<1024x64xf32, #tpu.memory_space<vmem>> -> memref<128x64xf32, #tpu.memory_space<vmem>>
    %dma_start3A_6 = arith.constant 0 : i32
    %dma_start3A_7 = tpu.memref_slice %arg6[%dma_start3A, %dma_start3A_6] : memref<8x128xi32, #tpu.memory_space<vmem>> -> memref<1x128xi32, #tpu.memory_space<vmem>>
    %dma_start3A_8 = tpu.memref_squeeze %dma_start3A_7 : memref<1x128xi32, #tpu.memory_space<vmem>> -> memref<128xi32, #tpu.memory_space<vmem>>
    %dma_start3A_9 = arith.constant 0 : i32
    %dma_start3A_10 = arith.constant 0 : i32
    %dma_start3A_11 = tpu.memref_slice %arg2[%dma_start3A_9, %dma_start3A_10] : memref<1024x64xf32, #tpu.memory_space<hbm>> -> memref<1024x64xf32, #tpu.memory_space<hbm>>
    tpu.enqueue_indirect_dma source(%dma_start3A_11 : memref<1024x64xf32, #tpu.memory_space<hbm>>) target(%dma_start3A_5 : memref<128x64xf32, #tpu.memory_space<vmem>>) offsets(%dma_start3A_8 : memref<128xi32, #tpu.memory_space<vmem>>) semaphore(%arg9 : memref<!tpu.dma_semaphore, #tpu.memory_space<semaphore_mem>>)
    %dma_start3A_12 = arith.constant 1 : i32
    %dma_start3A_13 = arith.constant 128 : i32
    %dma_start3A_14 = arith.constant 0 : i32
    %dma_start3A_15 = tpu.memref_slice %arg7[%dma_start3A_13, %dma_start3A_14] : memref<1024x64xf32, #tpu.memory_space<vmem>> -> memref<128x64xf32, #tpu.memory_space<vmem>>
    %dma_start3A_16 = arith.constant 0 : i32
    %dma_start3A_17 = tpu.memref_slice %arg6[%dma_start3A_12, %dma_start3A_16] : memref<8x128xi32, #tpu.memory_space<vmem>> -> memref<1x128xi32, #tpu.memory_space<vmem>>
    %dma_start3A_18 = tpu.memref_squeeze %dma_start3A_17 : memref<1x128xi32, #tpu.memory_space<vmem>> -> memref<128xi32, #tpu.memory_space<vmem>>
    %dma_start3A_19 = arith.constant 0 : i32
    %dma_start3A_20 = arith.constant 0 : i32
    %dma_start3A_21 = tpu.memref_slice %arg2[%dma_start3A_19, %dma_start3A_20] : memref<1024x64xf32, #tpu.memory_space<hbm>> -> memref<1024x64xf32, #tpu.memory_space<hbm>>
    tpu.enqueue_indirect_dma source(%dma_start3A_21 : memref<1024x64xf32, #tpu.memory_space<hbm>>) target(%dma_start3A_15 : memref<128x64xf32, #tpu.memory_space<vmem>>) offsets(%dma_start3A_18 : memref<128xi32, #tpu.memory_space<vmem>>) semaphore(%arg9 : memref<!tpu.dma_semaphore, #tpu.memory_space<semaphore_mem>>)
    %dma_start3A_22 = arith.constant 2 : i32
    %dma_start3A_23 = arith.constant 256 : i32
    %dma_start3A_24 = arith.constant 0 : i32
    %dma_start3A_25 = tpu.memref_slice %arg7[%dma_start3A_23, %dma_start3A_24] : memref<1024x64xf32, #tpu.memory_space<vmem>> -> memref<128x64xf32, #tpu.memory_space<vmem>>
    %dma_start3A_26 = arith.constant 0 : i32
    %dma_start3A_27 = tpu.memref_slice %arg6[%dma_start3A_22, %dma_start3A_26] : memref<8x128xi32, #tpu.memory_space<vmem>> -> memref<1x128xi32, #tpu.memory_space<vmem>>
    %dma_start3A_28 = tpu.memref_squeeze %dma_start3A_27 : memref<1x128xi32, #tpu.memory_space<vmem>> -> memref<128xi32, #tpu.memory_space<vmem>>
    %dma_start3A_29 = arith.constant 0 : i32
    %dma_start3A_30 = arith.constant 0 : i32
    %dma_start3A_31 = tpu.memref_slice %arg2[%dma_start3A_29, %dma_start3A_30] : memref<1024x64xf32, #tpu.memory_space<hbm>> -> memref<1024x64xf32, #tpu.memory_space<hbm>>
    tpu.enqueue_indirect_dma source(%dma_start3A_31 : memref<1024x64xf32, #tpu.memory_space<hbm>>) target(%dma_start3A_25 : memref<128x64xf32, #tpu.memory_space<vmem>>) offsets(%dma_start3A_28 : memref<128xi32, #tpu.memory_space<vmem>>) semaphore(%arg9 : memref<!tpu.dma_semaphore, #tpu.memory_space<semaphore_mem>>)
    %dma_start3A_32 = arith.constant 3 : i32
    %dma_start3A_33 = arith.constant 384 : i32
    %dma_start3A_34 = arith.constant 0 : i32
    %dma_start3A_35 = tpu.memref_slice %arg7[%dma_start3A_33, %dma_start3A_34] : memref<1024x64xf32, #tpu.memory_space<vmem>> -> memref<128x64xf32, #tpu.memory_space<vmem>>
    %dma_start3A_36 = arith.constant 0 : i32
    %dma_start3A_37 = tpu.memref_slice %arg6[%dma_start3A_32, %dma_start3A_36] : memref<8x128xi32, #tpu.memory_space<vmem>> -> memref<1x128xi32, #tpu.memory_space<vmem>>
    %dma_start3A_38 = tpu.memref_squeeze %dma_start3A_37 : memref<1x128xi32, #tpu.memory_space<vmem>> -> memref<128xi32, #tpu.memory_space<vmem>>
    %dma_start3A_39 = arith.constant 0 : i32
    %dma_start3A_40 = arith.constant 0 : i32
    %dma_start3A_41 = tpu.memref_slice %arg2[%dma_start3A_39, %dma_start3A_40] : memref<1024x64xf32, #tpu.memory_space<hbm>> -> memref<1024x64xf32, #tpu.memory_space<hbm>>
    tpu.enqueue_indirect_dma source(%dma_start3A_41 : memref<1024x64xf32, #tpu.memory_space<hbm>>) target(%dma_start3A_35 : memref<128x64xf32, #tpu.memory_space<vmem>>) offsets(%dma_start3A_38 : memref<128xi32, #tpu.memory_space<vmem>>) semaphore(%arg9 : memref<!tpu.dma_semaphore, #tpu.memory_space<semaphore_mem>>)
    %dma_start3A_42 = arith.constant 4 : i32
    %dma_start3A_43 = arith.constant 512 : i32
    %dma_start3A_44 = arith.constant 0 : i32
    %dma_start3A_45 = tpu.memref_slice %arg7[%dma_start3A_43, %dma_start3A_44] : memref<1024x64xf32, #tpu.memory_space<vmem>> -> memref<128x64xf32, #tpu.memory_space<vmem>>
    %dma_start3A_46 = arith.constant 0 : i32
    %dma_start3A_47 = tpu.memref_slice %arg6[%dma_start3A_42, %dma_start3A_46] : memref<8x128xi32, #tpu.memory_space<vmem>> -> memref<1x128xi32, #tpu.memory_space<vmem>>
    %dma_start3A_48 = tpu.memref_squeeze %dma_start3A_47 : memref<1x128xi32, #tpu.memory_space<vmem>> -> memref<128xi32, #tpu.memory_space<vmem>>
    %dma_start3A_49 = arith.constant 0 : i32
    %dma_start3A_50 = arith.constant 0 : i32
    %dma_start3A_51 = tpu.memref_slice %arg2[%dma_start3A_49, %dma_start3A_50] : memref<1024x64xf32, #tpu.memory_space<hbm>> -> memref<1024x64xf32, #tpu.memory_space<hbm>>
    tpu.enqueue_indirect_dma source(%dma_start3A_51 : memref<1024x64xf32, #tpu.memory_space<hbm>>) target(%dma_start3A_45 : memref<128x64xf32, #tpu.memory_space<vmem>>) offsets(%dma_start3A_48 : memref<128xi32, #tpu.memory_space<vmem>>) semaphore(%arg9 : memref<!tpu.dma_semaphore, #tpu.memory_space<semaphore_mem>>)
    %dma_start3A_52 = arith.constant 5 : i32
    %dma_start3A_53 = arith.constant 640 : i32
    %dma_start3A_54 = arith.constant 0 : i32
    %dma_start3A_55 = tpu.memref_slice %arg7[%dma_start3A_53, %dma_start3A_54] : memref<1024x64xf32, #tpu.memory_space<vmem>> -> memref<128x64xf32, #tpu.memory_space<vmem>>
    %dma_start3A_56 = arith.constant 0 : i32
    %dma_start3A_57 = tpu.memref_slice %arg6[%dma_start3A_52, %dma_start3A_56] : memref<8x128xi32, #tpu.memory_space<vmem>> -> memref<1x128xi32, #tpu.memory_space<vmem>>
    %dma_start3A_58 = tpu.memref_squeeze %dma_start3A_57 : memref<1x128xi32, #tpu.memory_space<vmem>> -> memref<128xi32, #tpu.memory_space<vmem>>
    %dma_start3A_59 = arith.constant 0 : i32
    %dma_start3A_60 = arith.constant 0 : i32
    %dma_start3A_61 = tpu.memref_slice %arg2[%dma_start3A_59, %dma_start3A_60] : memref<1024x64xf32, #tpu.memory_space<hbm>> -> memref<1024x64xf32, #tpu.memory_space<hbm>>
    tpu.enqueue_indirect_dma source(%dma_start3A_61 : memref<1024x64xf32, #tpu.memory_space<hbm>>) target(%dma_start3A_55 : memref<128x64xf32, #tpu.memory_space<vmem>>) offsets(%dma_start3A_58 : memref<128xi32, #tpu.memory_space<vmem>>) semaphore(%arg9 : memref<!tpu.dma_semaphore, #tpu.memory_space<semaphore_mem>>)
    %dma_start3A_62 = arith.constant 6 : i32
    %dma_start3A_63 = arith.constant 768 : i32
    %dma_start3A_64 = arith.constant 0 : i32
    %dma_start3A_65 = tpu.memref_slice %arg7[%dma_start3A_63, %dma_start3A_64] : memref<1024x64xf32, #tpu.memory_space<vmem>> -> memref<128x64xf32, #tpu.memory_space<vmem>>
    %dma_start3A_66 = arith.constant 0 : i32
    %dma_start3A_67 = tpu.memref_slice %arg6[%dma_start3A_62, %dma_start3A_66] : memref<8x128xi32, #tpu.memory_space<vmem>> -> memref<1x128xi32, #tpu.memory_space<vmem>>
    %dma_start3A_68 = tpu.memref_squeeze %dma_start3A_67 : memref<1x128xi32, #tpu.memory_space<vmem>> -> memref<128xi32, #tpu.memory_space<vmem>>
    %dma_start3A_69 = arith.constant 0 : i32
    %dma_start3A_70 = arith.constant 0 : i32
    %dma_start3A_71 = tpu.memref_slice %arg2[%dma_start3A_69, %dma_start3A_70] : memref<1024x64xf32, #tpu.memory_space<hbm>> -> memref<1024x64xf32, #tpu.memory_space<hbm>>
    tpu.enqueue_indirect_dma source(%dma_start3A_71 : memref<1024x64xf32, #tpu.memory_space<hbm>>) target(%dma_start3A_65 : memref<128x64xf32, #tpu.memory_space<vmem>>) offsets(%dma_start3A_68 : memref<128xi32, #tpu.memory_space<vmem>>) semaphore(%arg9 : memref<!tpu.dma_semaphore, #tpu.memory_space<semaphore_mem>>)
    %dma_start3A_72 = arith.constant 7 : i32
    %dma_start3A_73 = arith.constant 896 : i32
    %dma_start3A_74 = arith.constant 0 : i32
    %dma_start3A_75 = tpu.memref_slice %arg7[%dma_start3A_73, %dma_start3A_74] : memref<1024x64xf32, #tpu.memory_space<vmem>> -> memref<128x64xf32, #tpu.memory_space<vmem>>
    %dma_start3A_76 = arith.constant 0 : i32
    %dma_start3A_77 = tpu.memref_slice %arg6[%dma_start3A_72, %dma_start3A_76] : memref<8x128xi32, #tpu.memory_space<vmem>> -> memref<1x128xi32, #tpu.memory_space<vmem>>
    %dma_start3A_78 = tpu.memref_squeeze %dma_start3A_77 : memref<1x128xi32, #tpu.memory_space<vmem>> -> memref<128xi32, #tpu.memory_space<vmem>>
    %dma_start3A_79 = arith.constant 0 : i32
    %dma_start3A_80 = arith.constant 0 : i32
    %dma_start3A_81 = tpu.memref_slice %arg2[%dma_start3A_79, %dma_start3A_80] : memref<1024x64xf32, #tpu.memory_space<hbm>> -> memref<1024x64xf32, #tpu.memory_space<hbm>>
    tpu.enqueue_indirect_dma source(%dma_start3A_81 : memref<1024x64xf32, #tpu.memory_space<hbm>>) target(%dma_start3A_75 : memref<128x64xf32, #tpu.memory_space<vmem>>) offsets(%dma_start3A_78 : memref<128xi32, #tpu.memory_space<vmem>>) semaphore(%arg9 : memref<!tpu.dma_semaphore, #tpu.memory_space<semaphore_mem>>)
    %broadcast_in_dim3A = arith.constant 0.000000e+00 : f32
    %broadcast_in_dim3A_82 = vector.broadcast %broadcast_in_dim3A : f32 to vector<16xf32>
    %scan3A = arith.constant 0 : i32
    %scan3A_83 = arith.constant 0 : i32
    %scan3A_84 = arith.constant 64 : i32
    %scan3A_85 = arith.addi %scan3A_83, %scan3A_84 : i32
    %scan3A_86 = arith.constant 1 : i32
    %scan3A_87 = scf.for %scan3A_427 = %scan3A_83 to %scan3A_85 step %scan3A_86 iter_args(%scan3A_428 = %scan3A) -> (i32)  : i32 {
      %mul3A_429 = arith.constant 16 : i32
      %mul3A_430 = arith.muli %scan3A_427, %mul3A_429 : i32
      %swap3A = arith.index_cast %mul3A_430 : i32 to index
      %swap3A_431 = tpu.vector_load %arg8[%swap3A] {strides = array<i32>} : memref<1024xf32, #tpu.memory_space<vmem>>, vector<16xf32>,
      tpu.vector_store %arg8[%swap3A], %broadcast_in_dim3A_82 {strides = array<i32>} : memref<1024xf32, #tpu.memory_space<vmem>>, vector<16xf32>,
      %scan3A_432 = arith.constant 0 : i32
      scf.yield %scan3A_432 : i32
    }
    %scan3A_88 = arith.constant 64 : i32
    %broadcast_in_dim3A_89 = arith.constant 1.000000e+00 : f32
    %broadcast_in_dim3A_90 = vector.broadcast %broadcast_in_dim3A_89 : f32 to vector<16xf32>
    %get3A = arith.constant 0 : i32
    %get3A_91 = arith.index_cast %get3A : i32 to index
    %get3A_92 = arith.constant 0 : index
    %get3A_93 = tpu.vector_load %arg6[%get3A_91, %get3A_92] {strides = array<i32>} : memref<8x128xi32, #tpu.memory_space<vmem>>, vector<16xi32>,
    tpu.vector_store_idx %arg8[%get3A_93], %broadcast_in_dim3A_90 {add = true} : memref<1024xf32, #tpu.memory_space<vmem>>[vector<16xi32>], vector<16xf32>,
    %get3A_94 = arith.constant 0 : i32
    %get3A_95 = arith.index_cast %get3A_94 : i32 to index
    %get3A_96 = arith.constant 16 : index
    %get3A_97 = tpu.vector_load %arg6[%get3A_95, %get3A_96] {strides = array<i32>} : memref<8x128xi32, #tpu.memory_space<vmem>>, vector<16xi32>,
    tpu.vector_store_idx %arg8[%get3A_97], %broadcast_in_dim3A_90 {add = true} : memref<1024xf32, #tpu.memory_space<vmem>>[vector<16xi32>], vector<16xf32>,
    %get3A_98 = arith.constant 0 : i32
    %get3A_99 = arith.index_cast %get3A_98 : i32 to index
    %get3A_100 = arith.constant 32 : index
    %get3A_101 = tpu.vector_load %arg6[%get3A_99, %get3A_100] {strides = array<i32>} : memref<8x128xi32, #tpu.memory_space<vmem>>, vector<16xi32>,
    tpu.vector_store_idx %arg8[%get3A_101], %broadcast_in_dim3A_90 {add = true} : memref<1024xf32, #tpu.memory_space<vmem>>[vector<16xi32>], vector<16xf32>,
    %get3A_102 = arith.constant 0 : i32
    %get3A_103 = arith.index_cast %get3A_102 : i32 to index
    %get3A_104 = arith.constant 48 : index
    %get3A_105 = tpu.vector_load %arg6[%get3A_103, %get3A_104] {strides = array<i32>} : memref<8x128xi32, #tpu.memory_space<vmem>>, vector<16xi32>,
    tpu.vector_store_idx %arg8[%get3A_105], %broadcast_in_dim3A_90 {add = true} : memref<1024xf32, #tpu.memory_space<vmem>>[vector<16xi32>], vector<16xf32>,
    %get3A_106 = arith.constant 0 : i32
    %get3A_107 = arith.index_cast %get3A_106 : i32 to index
    %get3A_108 = arith.constant 64 : index
    %get3A_109 = tpu.vector_load %arg6[%get3A_107, %get3A_108] {strides = array<i32>} : memref<8x128xi32, #tpu.memory_space<vmem>>, vector<16xi32>,
    tpu.vector_store_idx %arg8[%get3A_109], %broadcast_in_dim3A_90 {add = true} : memref<1024xf32, #tpu.memory_space<vmem>>[vector<16xi32>], vector<16xf32>,
    %get3A_110 = arith.constant 0 : i32
    %get3A_111 = arith.index_cast %get3A_110 : i32 to index
    %get3A_112 = arith.constant 80 : index
    %get3A_113 = tpu.vector_load %arg6[%get3A_111, %get3A_112] {strides = array<i32>} : memref<8x128xi32, #tpu.memory_space<vmem>>, vector<16xi32>,
    tpu.vector_store_idx %arg8[%get3A_113], %broadcast_in_dim3A_90 {add = true} : memref<1024xf32, #tpu.memory_space<vmem>>[vector<16xi32>], vector<16xf32>,
    %get3A_114 = arith.constant 0 : i32
    %get3A_115 = arith.index_cast %get3A_114 : i32 to index
    %get3A_116 = arith.constant 96 : index
    %get3A_117 = tpu.vector_load %arg6[%get3A_115, %get3A_116] {strides = array<i32>} : memref<8x128xi32, #tpu.memory_space<vmem>>, vector<16xi32>,
    tpu.vector_store_idx %arg8[%get3A_117], %broadcast_in_dim3A_90 {add = true} : memref<1024xf32, #tpu.memory_space<vmem>>[vector<16xi32>], vector<16xf32>,
    %get3A_118 = arith.constant 0 : i32
    %get3A_119 = arith.index_cast %get3A_118 : i32 to index
    %get3A_120 = arith.constant 112 : index
    %get3A_121 = tpu.vector_load %arg6[%get3A_119, %get3A_120] {strides = array<i32>} : memref<8x128xi32, #tpu.memory_space<vmem>>, vector<16xi32>,
    tpu.vector_store_idx %arg8[%get3A_121], %broadcast_in_dim3A_90 {add = true} : memref<1024xf32, #tpu.memory_space<vmem>>[vector<16xi32>], vector<16xf32>,
    %get3A_122 = arith.constant 1 : i32
    %get3A_123 = arith.index_cast %get3A_122 : i32 to index
    %get3A_124 = arith.constant 0 : index
    %get3A_125 = tpu.vector_load %arg6[%get3A_123, %get3A_124] {strides = array<i32>} : memref<8x128xi32, #tpu.memory_space<vmem>>, vector<16xi32>,
    tpu.vector_store_idx %arg8[%get3A_125], %broadcast_in_dim3A_90 {add = true} : memref<1024xf32, #tpu.memory_space<vmem>>[vector<16xi32>], vector<16xf32>,
    %get3A_126 = arith.constant 1 : i32
    %get3A_127 = arith.index_cast %get3A_126 : i32 to index
    %get3A_128 = arith.constant 16 : index
    %get3A_129 = tpu.vector_load %arg6[%get3A_127, %get3A_128] {strides = array<i32>} : memref<8x128xi32, #tpu.memory_space<vmem>>, vector<16xi32>,
    tpu.vector_store_idx %arg8[%get3A_129], %broadcast_in_dim3A_90 {add = true} : memref<1024xf32, #tpu.memory_space<vmem>>[vector<16xi32>], vector<16xf32>,
    %get3A_130 = arith.constant 1 : i32
    %get3A_131 = arith.index_cast %get3A_130 : i32 to index
    %get3A_132 = arith.constant 32 : index
    %get3A_133 = tpu.vector_load %arg6[%get3A_131, %get3A_132] {strides = array<i32>} : memref<8x128xi32, #tpu.memory_space<vmem>>, vector<16xi32>,
    tpu.vector_store_idx %arg8[%get3A_133], %broadcast_in_dim3A_90 {add = true} : memref<1024xf32, #tpu.memory_space<vmem>>[vector<16xi32>], vector<16xf32>,
    %get3A_134 = arith.constant 1 : i32
    %get3A_135 = arith.index_cast %get3A_134 : i32 to index
    %get3A_136 = arith.constant 48 : index
    %get3A_137 = tpu.vector_load %arg6[%get3A_135, %get3A_136] {strides = array<i32>} : memref<8x128xi32, #tpu.memory_space<vmem>>, vector<16xi32>,
    tpu.vector_store_idx %arg8[%get3A_137], %broadcast_in_dim3A_90 {add = true} : memref<1024xf32, #tpu.memory_space<vmem>>[vector<16xi32>], vector<16xf32>,
    %get3A_138 = arith.constant 1 : i32
    %get3A_139 = arith.index_cast %get3A_138 : i32 to index
    %get3A_140 = arith.constant 64 : index
    %get3A_141 = tpu.vector_load %arg6[%get3A_139, %get3A_140] {strides = array<i32>} : memref<8x128xi32, #tpu.memory_space<vmem>>, vector<16xi32>,
    tpu.vector_store_idx %arg8[%get3A_141], %broadcast_in_dim3A_90 {add = true} : memref<1024xf32, #tpu.memory_space<vmem>>[vector<16xi32>], vector<16xf32>,
    %get3A_142 = arith.constant 1 : i32
    %get3A_143 = arith.index_cast %get3A_142 : i32 to index
    %get3A_144 = arith.constant 80 : index
    %get3A_145 = tpu.vector_load %arg6[%get3A_143, %get3A_144] {strides = array<i32>} : memref<8x128xi32, #tpu.memory_space<vmem>>, vector<16xi32>,
    tpu.vector_store_idx %arg8[%get3A_145], %broadcast_in_dim3A_90 {add = true} : memref<1024xf32, #tpu.memory_space<vmem>>[vector<16xi32>], vector<16xf32>,
    %get3A_146 = arith.constant 1 : i32
    %get3A_147 = arith.index_cast %get3A_146 : i32 to index
    %get3A_148 = arith.constant 96 : index
    %get3A_149 = tpu.vector_load %arg6[%get3A_147, %get3A_148] {strides = array<i32>} : memref<8x128xi32, #tpu.memory_space<vmem>>, vector<16xi32>,
    tpu.vector_store_idx %arg8[%get3A_149], %broadcast_in_dim3A_90 {add = true} : memref<1024xf32, #tpu.memory_space<vmem>>[vector<16xi32>], vector<16xf32>,
    %get3A_150 = arith.constant 1 : i32
    %get3A_151 = arith.index_cast %get3A_150 : i32 to index
    %get3A_152 = arith.constant 112 : index
    %get3A_153 = tpu.vector_load %arg6[%get3A_151, %get3A_152] {strides = array<i32>} : memref<8x128xi32, #tpu.memory_space<vmem>>, vector<16xi32>,
    tpu.vector_store_idx %arg8[%get3A_153], %broadcast_in_dim3A_90 {add = true} : memref<1024xf32, #tpu.memory_space<vmem>>[vector<16xi32>], vector<16xf32>,
    %get3A_154 = arith.constant 2 : i32
    %get3A_155 = arith.index_cast %get3A_154 : i32 to index
    %get3A_156 = arith.constant 0 : index
    %get3A_157 = tpu.vector_load %arg6[%get3A_155, %get3A_156] {strides = array<i32>} : memref<8x128xi32, #tpu.memory_space<vmem>>, vector<16xi32>,
    tpu.vector_store_idx %arg8[%get3A_157], %broadcast_in_dim3A_90 {add = true} : memref<1024xf32, #tpu.memory_space<vmem>>[vector<16xi32>], vector<16xf32>,
    %get3A_158 = arith.constant 2 : i32
    %get3A_159 = arith.index_cast %get3A_158 : i32 to index
    %get3A_160 = arith.constant 16 : index
    %get3A_161 = tpu.vector_load %arg6[%get3A_159, %get3A_160] {strides = array<i32>} : memref<8x128xi32, #tpu.memory_space<vmem>>, vector<16xi32>,
    tpu.vector_store_idx %arg8[%get3A_161], %broadcast_in_dim3A_90 {add = true} : memref<1024xf32, #tpu.memory_space<vmem>>[vector<16xi32>], vector<16xf32>,
    %get3A_162 = arith.constant 2 : i32
    %get3A_163 = arith.index_cast %get3A_162 : i32 to index
    %get3A_164 = arith.constant 32 : index
    %get3A_165 = tpu.vector_load %arg6[%get3A_163, %get3A_164] {strides = array<i32>} : memref<8x128xi32, #tpu.memory_space<vmem>>, vector<16xi32>,
    tpu.vector_store_idx %arg8[%get3A_165], %broadcast_in_dim3A_90 {add = true} : memref<1024xf32, #tpu.memory_space<vmem>>[vector<16xi32>], vector<16xf32>,
    %get3A_166 = arith.constant 2 : i32
    %get3A_167 = arith.index_cast %get3A_166 : i32 to index
    %get3A_168 = arith.constant 48 : index
    %get3A_169 = tpu.vector_load %arg6[%get3A_167, %get3A_168] {strides = array<i32>} : memref<8x128xi32, #tpu.memory_space<vmem>>, vector<16xi32>,
    tpu.vector_store_idx %arg8[%get3A_169], %broadcast_in_dim3A_90 {add = true} : memref<1024xf32, #tpu.memory_space<vmem>>[vector<16xi32>], vector<16xf32>,
    %get3A_170 = arith.constant 2 : i32
    %get3A_171 = arith.index_cast %get3A_170 : i32 to index
    %get3A_172 = arith.constant 64 : index
    %get3A_173 = tpu.vector_load %arg6[%get3A_171, %get3A_172] {strides = array<i32>} : memref<8x128xi32, #tpu.memory_space<vmem>>, vector<16xi32>,
    tpu.vector_store_idx %arg8[%get3A_173], %broadcast_in_dim3A_90 {add = true} : memref<1024xf32, #tpu.memory_space<vmem>>[vector<16xi32>], vector<16xf32>,
    %get3A_174 = arith.constant 2 : i32
    %get3A_175 = arith.index_cast %get3A_174 : i32 to index
    %get3A_176 = arith.constant 80 : index
    %get3A_177 = tpu.vector_load %arg6[%get3A_175, %get3A_176] {strides = array<i32>} : memref<8x128xi32, #tpu.memory_space<vmem>>, vector<16xi32>,
    tpu.vector_store_idx %arg8[%get3A_177], %broadcast_in_dim3A_90 {add = true} : memref<1024xf32, #tpu.memory_space<vmem>>[vector<16xi32>], vector<16xf32>,
    %get3A_178 = arith.constant 2 : i32
    %get3A_179 = arith.index_cast %get3A_178 : i32 to index
    %get3A_180 = arith.constant 96 : index
    %get3A_181 = tpu.vector_load %arg6[%get3A_179, %get3A_180] {strides = array<i32>} : memref<8x128xi32, #tpu.memory_space<vmem>>, vector<16xi32>,
    tpu.vector_store_idx %arg8[%get3A_181], %broadcast_in_dim3A_90 {add = true} : memref<1024xf32, #tpu.memory_space<vmem>>[vector<16xi32>], vector<16xf32>,
    %get3A_182 = arith.constant 2 : i32
    %get3A_183 = arith.index_cast %get3A_182 : i32 to index
    %get3A_184 = arith.constant 112 : index
    %get3A_185 = tpu.vector_load %arg6[%get3A_183, %get3A_184] {strides = array<i32>} : memref<8x128xi32, #tpu.memory_space<vmem>>, vector<16xi32>,
    tpu.vector_store_idx %arg8[%get3A_185], %broadcast_in_dim3A_90 {add = true} : memref<1024xf32, #tpu.memory_space<vmem>>[vector<16xi32>], vector<16xf32>,
    %get3A_186 = arith.constant 3 : i32
    %get3A_187 = arith.index_cast %get3A_186 : i32 to index
    %get3A_188 = arith.constant 0 : index
    %get3A_189 = tpu.vector_load %arg6[%get3A_187, %get3A_188] {strides = array<i32>} : memref<8x128xi32, #tpu.memory_space<vmem>>, vector<16xi32>,
    tpu.vector_store_idx %arg8[%get3A_189], %broadcast_in_dim3A_90 {add = true} : memref<1024xf32, #tpu.memory_space<vmem>>[vector<16xi32>], vector<16xf32>,
    %get3A_190 = arith.constant 3 : i32
    %get3A_191 = arith.index_cast %get3A_190 : i32 to index
    %get3A_192 = arith.constant 16 : index
    %get3A_193 = tpu.vector_load %arg6[%get3A_191, %get3A_192] {strides = array<i32>} : memref<8x128xi32, #tpu.memory_space<vmem>>, vector<16xi32>,
    tpu.vector_store_idx %arg8[%get3A_193], %broadcast_in_dim3A_90 {add = true} : memref<1024xf32, #tpu.memory_space<vmem>>[vector<16xi32>], vector<16xf32>,
    %get3A_194 = arith.constant 3 : i32
    %get3A_195 = arith.index_cast %get3A_194 : i32 to index
    %get3A_196 = arith.constant 32 : index
    %get3A_197 = tpu.vector_load %arg6[%get3A_195, %get3A_196] {strides = array<i32>} : memref<8x128xi32, #tpu.memory_space<vmem>>, vector<16xi32>,
    tpu.vector_store_idx %arg8[%get3A_197], %broadcast_in_dim3A_90 {add = true} : memref<1024xf32, #tpu.memory_space<vmem>>[vector<16xi32>], vector<16xf32>,
    %get3A_198 = arith.constant 3 : i32
    %get3A_199 = arith.index_cast %get3A_198 : i32 to index
    %get3A_200 = arith.constant 48 : index
    %get3A_201 = tpu.vector_load %arg6[%get3A_199, %get3A_200] {strides = array<i32>} : memref<8x128xi32, #tpu.memory_space<vmem>>, vector<16xi32>,
    tpu.vector_store_idx %arg8[%get3A_201], %broadcast_in_dim3A_90 {add = true} : memref<1024xf32, #tpu.memory_space<vmem>>[vector<16xi32>], vector<16xf32>,
    %get3A_202 = arith.constant 3 : i32
    %get3A_203 = arith.index_cast %get3A_202 : i32 to index
    %get3A_204 = arith.constant 64 : index
    %get3A_205 = tpu.vector_load %arg6[%get3A_203, %get3A_204] {strides = array<i32>} : memref<8x128xi32, #tpu.memory_space<vmem>>, vector<16xi32>,
    tpu.vector_store_idx %arg8[%get3A_205], %broadcast_in_dim3A_90 {add = true} : memref<1024xf32, #tpu.memory_space<vmem>>[vector<16xi32>], vector<16xf32>,
    %get3A_206 = arith.constant 3 : i32
    %get3A_207 = arith.index_cast %get3A_206 : i32 to index
    %get3A_208 = arith.constant 80 : index
    %get3A_209 = tpu.vector_load %arg6[%get3A_207, %get3A_208] {strides = array<i32>} : memref<8x128xi32, #tpu.memory_space<vmem>>, vector<16xi32>,
    tpu.vector_store_idx %arg8[%get3A_209], %broadcast_in_dim3A_90 {add = true} : memref<1024xf32, #tpu.memory_space<vmem>>[vector<16xi32>], vector<16xf32>,
    %get3A_210 = arith.constant 3 : i32
    %get3A_211 = arith.index_cast %get3A_210 : i32 to index
    %get3A_212 = arith.constant 96 : index
    %get3A_213 = tpu.vector_load %arg6[%get3A_211, %get3A_212] {strides = array<i32>} : memref<8x128xi32, #tpu.memory_space<vmem>>, vector<16xi32>,
    tpu.vector_store_idx %arg8[%get3A_213], %broadcast_in_dim3A_90 {add = true} : memref<1024xf32, #tpu.memory_space<vmem>>[vector<16xi32>], vector<16xf32>,
    %get3A_214 = arith.constant 3 : i32
    %get3A_215 = arith.index_cast %get3A_214 : i32 to index
    %get3A_216 = arith.constant 112 : index
    %get3A_217 = tpu.vector_load %arg6[%get3A_215, %get3A_216] {strides = array<i32>} : memref<8x128xi32, #tpu.memory_space<vmem>>, vector<16xi32>,
    tpu.vector_store_idx %arg8[%get3A_217], %broadcast_in_dim3A_90 {add = true} : memref<1024xf32, #tpu.memory_space<vmem>>[vector<16xi32>], vector<16xf32>,
    %get3A_218 = arith.constant 4 : i32
    %get3A_219 = arith.index_cast %get3A_218 : i32 to index
    %get3A_220 = arith.constant 0 : index
    %get3A_221 = tpu.vector_load %arg6[%get3A_219, %get3A_220] {strides = array<i32>} : memref<8x128xi32, #tpu.memory_space<vmem>>, vector<16xi32>,
    tpu.vector_store_idx %arg8[%get3A_221], %broadcast_in_dim3A_90 {add = true} : memref<1024xf32, #tpu.memory_space<vmem>>[vector<16xi32>], vector<16xf32>,
    %get3A_222 = arith.constant 4 : i32
    %get3A_223 = arith.index_cast %get3A_222 : i32 to index
    %get3A_224 = arith.constant 16 : index
    %get3A_225 = tpu.vector_load %arg6[%get3A_223, %get3A_224] {strides = array<i32>} : memref<8x128xi32, #tpu.memory_space<vmem>>, vector<16xi32>,
    tpu.vector_store_idx %arg8[%get3A_225], %broadcast_in_dim3A_90 {add = true} : memref<1024xf32, #tpu.memory_space<vmem>>[vector<16xi32>], vector<16xf32>,
    %get3A_226 = arith.constant 4 : i32
    %get3A_227 = arith.index_cast %get3A_226 : i32 to index
    %get3A_228 = arith.constant 32 : index
    %get3A_229 = tpu.vector_load %arg6[%get3A_227, %get3A_228] {strides = array<i32>} : memref<8x128xi32, #tpu.memory_space<vmem>>, vector<16xi32>,
    tpu.vector_store_idx %arg8[%get3A_229], %broadcast_in_dim3A_90 {add = true} : memref<1024xf32, #tpu.memory_space<vmem>>[vector<16xi32>], vector<16xf32>,
    %get3A_230 = arith.constant 4 : i32
    %get3A_231 = arith.index_cast %get3A_230 : i32 to index
    %get3A_232 = arith.constant 48 : index
    %get3A_233 = tpu.vector_load %arg6[%get3A_231, %get3A_232] {strides = array<i32>} : memref<8x128xi32, #tpu.memory_space<vmem>>, vector<16xi32>,
    tpu.vector_store_idx %arg8[%get3A_233], %broadcast_in_dim3A_90 {add = true} : memref<1024xf32, #tpu.memory_space<vmem>>[vector<16xi32>], vector<16xf32>,
    %get3A_234 = arith.constant 4 : i32
    %get3A_235 = arith.index_cast %get3A_234 : i32 to index
    %get3A_236 = arith.constant 64 : index
    %get3A_237 = tpu.vector_load %arg6[%get3A_235, %get3A_236] {strides = array<i32>} : memref<8x128xi32, #tpu.memory_space<vmem>>, vector<16xi32>,
    tpu.vector_store_idx %arg8[%get3A_237], %broadcast_in_dim3A_90 {add = true} : memref<1024xf32, #tpu.memory_space<vmem>>[vector<16xi32>], vector<16xf32>,
    %get3A_238 = arith.constant 4 : i32
    %get3A_239 = arith.index_cast %get3A_238 : i32 to index
    %get3A_240 = arith.constant 80 : index
    %get3A_241 = tpu.vector_load %arg6[%get3A_239, %get3A_240] {strides = array<i32>} : memref<8x128xi32, #tpu.memory_space<vmem>>, vector<16xi32>,
    tpu.vector_store_idx %arg8[%get3A_241], %broadcast_in_dim3A_90 {add = true} : memref<1024xf32, #tpu.memory_space<vmem>>[vector<16xi32>], vector<16xf32>,
    %get3A_242 = arith.constant 4 : i32
    %get3A_243 = arith.index_cast %get3A_242 : i32 to index
    %get3A_244 = arith.constant 96 : index
    %get3A_245 = tpu.vector_load %arg6[%get3A_243, %get3A_244] {strides = array<i32>} : memref<8x128xi32, #tpu.memory_space<vmem>>, vector<16xi32>,
    tpu.vector_store_idx %arg8[%get3A_245], %broadcast_in_dim3A_90 {add = true} : memref<1024xf32, #tpu.memory_space<vmem>>[vector<16xi32>], vector<16xf32>,
    %get3A_246 = arith.constant 4 : i32
    %get3A_247 = arith.index_cast %get3A_246 : i32 to index
    %get3A_248 = arith.constant 112 : index
    %get3A_249 = tpu.vector_load %arg6[%get3A_247, %get3A_248] {strides = array<i32>} : memref<8x128xi32, #tpu.memory_space<vmem>>, vector<16xi32>,
    tpu.vector_store_idx %arg8[%get3A_249], %broadcast_in_dim3A_90 {add = true} : memref<1024xf32, #tpu.memory_space<vmem>>[vector<16xi32>], vector<16xf32>,
    %get3A_250 = arith.constant 5 : i32
    %get3A_251 = arith.index_cast %get3A_250 : i32 to index
    %get3A_252 = arith.constant 0 : index
    %get3A_253 = tpu.vector_load %arg6[%get3A_251, %get3A_252] {strides = array<i32>} : memref<8x128xi32, #tpu.memory_space<vmem>>, vector<16xi32>,
    tpu.vector_store_idx %arg8[%get3A_253], %broadcast_in_dim3A_90 {add = true} : memref<1024xf32, #tpu.memory_space<vmem>>[vector<16xi32>], vector<16xf32>,
    %get3A_254 = arith.constant 5 : i32
    %get3A_255 = arith.index_cast %get3A_254 : i32 to index
    %get3A_256 = arith.constant 16 : index
    %get3A_257 = tpu.vector_load %arg6[%get3A_255, %get3A_256] {strides = array<i32>} : memref<8x128xi32, #tpu.memory_space<vmem>>, vector<16xi32>,
    tpu.vector_store_idx %arg8[%get3A_257], %broadcast_in_dim3A_90 {add = true} : memref<1024xf32, #tpu.memory_space<vmem>>[vector<16xi32>], vector<16xf32>,
    %get3A_258 = arith.constant 5 : i32
    %get3A_259 = arith.index_cast %get3A_258 : i32 to index
    %get3A_260 = arith.constant 32 : index
    %get3A_261 = tpu.vector_load %arg6[%get3A_259, %get3A_260] {strides = array<i32>} : memref<8x128xi32, #tpu.memory_space<vmem>>, vector<16xi32>,
    tpu.vector_store_idx %arg8[%get3A_261], %broadcast_in_dim3A_90 {add = true} : memref<1024xf32, #tpu.memory_space<vmem>>[vector<16xi32>], vector<16xf32>,
    %get3A_262 = arith.constant 5 : i32
    %get3A_263 = arith.index_cast %get3A_262 : i32 to index
    %get3A_264 = arith.constant 48 : index
    %get3A_265 = tpu.vector_load %arg6[%get3A_263, %get3A_264] {strides = array<i32>} : memref<8x128xi32, #tpu.memory_space<vmem>>, vector<16xi32>,
    tpu.vector_store_idx %arg8[%get3A_265], %broadcast_in_dim3A_90 {add = true} : memref<1024xf32, #tpu.memory_space<vmem>>[vector<16xi32>], vector<16xf32>,
    %get3A_266 = arith.constant 5 : i32
    %get3A_267 = arith.index_cast %get3A_266 : i32 to index
    %get3A_268 = arith.constant 64 : index
    %get3A_269 = tpu.vector_load %arg6[%get3A_267, %get3A_268] {strides = array<i32>} : memref<8x128xi32, #tpu.memory_space<vmem>>, vector<16xi32>,
    tpu.vector_store_idx %arg8[%get3A_269], %broadcast_in_dim3A_90 {add = true} : memref<1024xf32, #tpu.memory_space<vmem>>[vector<16xi32>], vector<16xf32>,
    %get3A_270 = arith.constant 5 : i32
    %get3A_271 = arith.index_cast %get3A_270 : i32 to index
    %get3A_272 = arith.constant 80 : index
    %get3A_273 = tpu.vector_load %arg6[%get3A_271, %get3A_272] {strides = array<i32>} : memref<8x128xi32, #tpu.memory_space<vmem>>, vector<16xi32>,
    tpu.vector_store_idx %arg8[%get3A_273], %broadcast_in_dim3A_90 {add = true} : memref<1024xf32, #tpu.memory_space<vmem>>[vector<16xi32>], vector<16xf32>,
    %get3A_274 = arith.constant 5 : i32
    %get3A_275 = arith.index_cast %get3A_274 : i32 to index
    %get3A_276 = arith.constant 96 : index
    %get3A_277 = tpu.vector_load %arg6[%get3A_275, %get3A_276] {strides = array<i32>} : memref<8x128xi32, #tpu.memory_space<vmem>>, vector<16xi32>,
    tpu.vector_store_idx %arg8[%get3A_277], %broadcast_in_dim3A_90 {add = true} : memref<1024xf32, #tpu.memory_space<vmem>>[vector<16xi32>], vector<16xf32>,
    %get3A_278 = arith.constant 5 : i32
    %get3A_279 = arith.index_cast %get3A_278 : i32 to index
    %get3A_280 = arith.constant 112 : index
    %get3A_281 = tpu.vector_load %arg6[%get3A_279, %get3A_280] {strides = array<i32>} : memref<8x128xi32, #tpu.memory_space<vmem>>, vector<16xi32>,
    tpu.vector_store_idx %arg8[%get3A_281], %broadcast_in_dim3A_90 {add = true} : memref<1024xf32, #tpu.memory_space<vmem>>[vector<16xi32>], vector<16xf32>,
    %get3A_282 = arith.constant 6 : i32
    %get3A_283 = arith.index_cast %get3A_282 : i32 to index
    %get3A_284 = arith.constant 0 : index
    %get3A_285 = tpu.vector_load %arg6[%get3A_283, %get3A_284] {strides = array<i32>} : memref<8x128xi32, #tpu.memory_space<vmem>>, vector<16xi32>,
    tpu.vector_store_idx %arg8[%get3A_285], %broadcast_in_dim3A_90 {add = true} : memref<1024xf32, #tpu.memory_space<vmem>>[vector<16xi32>], vector<16xf32>,
    %get3A_286 = arith.constant 6 : i32
    %get3A_287 = arith.index_cast %get3A_286 : i32 to index
    %get3A_288 = arith.constant 16 : index
    %get3A_289 = tpu.vector_load %arg6[%get3A_287, %get3A_288] {strides = array<i32>} : memref<8x128xi32, #tpu.memory_space<vmem>>, vector<16xi32>,
    tpu.vector_store_idx %arg8[%get3A_289], %broadcast_in_dim3A_90 {add = true} : memref<1024xf32, #tpu.memory_space<vmem>>[vector<16xi32>], vector<16xf32>,
    %get3A_290 = arith.constant 6 : i32
    %get3A_291 = arith.index_cast %get3A_290 : i32 to index
    %get3A_292 = arith.constant 32 : index
    %get3A_293 = tpu.vector_load %arg6[%get3A_291, %get3A_292] {strides = array<i32>} : memref<8x128xi32, #tpu.memory_space<vmem>>, vector<16xi32>,
    tpu.vector_store_idx %arg8[%get3A_293], %broadcast_in_dim3A_90 {add = true} : memref<1024xf32, #tpu.memory_space<vmem>>[vector<16xi32>], vector<16xf32>,
    %get3A_294 = arith.constant 6 : i32
    %get3A_295 = arith.index_cast %get3A_294 : i32 to index
    %get3A_296 = arith.constant 48 : index
    %get3A_297 = tpu.vector_load %arg6[%get3A_295, %get3A_296] {strides = array<i32>} : memref<8x128xi32, #tpu.memory_space<vmem>>, vector<16xi32>,
    tpu.vector_store_idx %arg8[%get3A_297], %broadcast_in_dim3A_90 {add = true} : memref<1024xf32, #tpu.memory_space<vmem>>[vector<16xi32>], vector<16xf32>,
    %get3A_298 = arith.constant 6 : i32
    %get3A_299 = arith.index_cast %get3A_298 : i32 to index
    %get3A_300 = arith.constant 64 : index
    %get3A_301 = tpu.vector_load %arg6[%get3A_299, %get3A_300] {strides = array<i32>} : memref<8x128xi32, #tpu.memory_space<vmem>>, vector<16xi32>,
    tpu.vector_store_idx %arg8[%get3A_301], %broadcast_in_dim3A_90 {add = true} : memref<1024xf32, #tpu.memory_space<vmem>>[vector<16xi32>], vector<16xf32>,
    %get3A_302 = arith.constant 6 : i32
    %get3A_303 = arith.index_cast %get3A_302 : i32 to index
    %get3A_304 = arith.constant 80 : index
    %get3A_305 = tpu.vector_load %arg6[%get3A_303, %get3A_304] {strides = array<i32>} : memref<8x128xi32, #tpu.memory_space<vmem>>, vector<16xi32>,
    tpu.vector_store_idx %arg8[%get3A_305], %broadcast_in_dim3A_90 {add = true} : memref<1024xf32, #tpu.memory_space<vmem>>[vector<16xi32>], vector<16xf32>,
    %get3A_306 = arith.constant 6 : i32
    %get3A_307 = arith.index_cast %get3A_306 : i32 to index
    %get3A_308 = arith.constant 96 : index
    %get3A_309 = tpu.vector_load %arg6[%get3A_307, %get3A_308] {strides = array<i32>} : memref<8x128xi32, #tpu.memory_space<vmem>>, vector<16xi32>,
    tpu.vector_store_idx %arg8[%get3A_309], %broadcast_in_dim3A_90 {add = true} : memref<1024xf32, #tpu.memory_space<vmem>>[vector<16xi32>], vector<16xf32>,
    %get3A_310 = arith.constant 6 : i32
    %get3A_311 = arith.index_cast %get3A_310 : i32 to index
    %get3A_312 = arith.constant 112 : index
    %get3A_313 = tpu.vector_load %arg6[%get3A_311, %get3A_312] {strides = array<i32>} : memref<8x128xi32, #tpu.memory_space<vmem>>, vector<16xi32>,
    tpu.vector_store_idx %arg8[%get3A_313], %broadcast_in_dim3A_90 {add = true} : memref<1024xf32, #tpu.memory_space<vmem>>[vector<16xi32>], vector<16xf32>,
    %get3A_314 = arith.constant 7 : i32
    %get3A_315 = arith.index_cast %get3A_314 : i32 to index
    %get3A_316 = arith.constant 0 : index
    %get3A_317 = tpu.vector_load %arg6[%get3A_315, %get3A_316] {strides = array<i32>} : memref<8x128xi32, #tpu.memory_space<vmem>>, vector<16xi32>,
    tpu.vector_store_idx %arg8[%get3A_317], %broadcast_in_dim3A_90 {add = true} : memref<1024xf32, #tpu.memory_space<vmem>>[vector<16xi32>], vector<16xf32>,
    %get3A_318 = arith.constant 7 : i32
    %get3A_319 = arith.index_cast %get3A_318 : i32 to index
    %get3A_320 = arith.constant 16 : index
    %get3A_321 = tpu.vector_load %arg6[%get3A_319, %get3A_320] {strides = array<i32>} : memref<8x128xi32, #tpu.memory_space<vmem>>, vector<16xi32>,
    tpu.vector_store_idx %arg8[%get3A_321], %broadcast_in_dim3A_90 {add = true} : memref<1024xf32, #tpu.memory_space<vmem>>[vector<16xi32>], vector<16xf32>,
    %get3A_322 = arith.constant 7 : i32
    %get3A_323 = arith.index_cast %get3A_322 : i32 to index
    %get3A_324 = arith.constant 32 : index
    %get3A_325 = tpu.vector_load %arg6[%get3A_323, %get3A_324] {strides = array<i32>} : memref<8x128xi32, #tpu.memory_space<vmem>>, vector<16xi32>,
    tpu.vector_store_idx %arg8[%get3A_325], %broadcast_in_dim3A_90 {add = true} : memref<1024xf32, #tpu.memory_space<vmem>>[vector<16xi32>], vector<16xf32>,
    %get3A_326 = arith.constant 7 : i32
    %get3A_327 = arith.index_cast %get3A_326 : i32 to index
    %get3A_328 = arith.constant 48 : index
    %get3A_329 = tpu.vector_load %arg6[%get3A_327, %get3A_328] {strides = array<i32>} : memref<8x128xi32, #tpu.memory_space<vmem>>, vector<16xi32>,
    tpu.vector_store_idx %arg8[%get3A_329], %broadcast_in_dim3A_90 {add = true} : memref<1024xf32, #tpu.memory_space<vmem>>[vector<16xi32>], vector<16xf32>,
    %get3A_330 = arith.constant 7 : i32
    %get3A_331 = arith.index_cast %get3A_330 : i32 to index
    %get3A_332 = arith.constant 64 : index
    %get3A_333 = tpu.vector_load %arg6[%get3A_331, %get3A_332] {strides = array<i32>} : memref<8x128xi32, #tpu.memory_space<vmem>>, vector<16xi32>,
    tpu.vector_store_idx %arg8[%get3A_333], %broadcast_in_dim3A_90 {add = true} : memref<1024xf32, #tpu.memory_space<vmem>>[vector<16xi32>], vector<16xf32>,
    %get3A_334 = arith.constant 7 : i32
    %get3A_335 = arith.index_cast %get3A_334 : i32 to index
    %get3A_336 = arith.constant 80 : index
    %get3A_337 = tpu.vector_load %arg6[%get3A_335, %get3A_336] {strides = array<i32>} : memref<8x128xi32, #tpu.memory_space<vmem>>, vector<16xi32>,
    tpu.vector_store_idx %arg8[%get3A_337], %broadcast_in_dim3A_90 {add = true} : memref<1024xf32, #tpu.memory_space<vmem>>[vector<16xi32>], vector<16xf32>,
    %get3A_338 = arith.constant 7 : i32
    %get3A_339 = arith.index_cast %get3A_338 : i32 to index
    %get3A_340 = arith.constant 96 : index
    %get3A_341 = tpu.vector_load %arg6[%get3A_339, %get3A_340] {strides = array<i32>} : memref<8x128xi32, #tpu.memory_space<vmem>>, vector<16xi32>,
    tpu.vector_store_idx %arg8[%get3A_341], %broadcast_in_dim3A_90 {add = true} : memref<1024xf32, #tpu.memory_space<vmem>>[vector<16xi32>], vector<16xf32>,
    %get3A_342 = arith.constant 7 : i32
    %get3A_343 = arith.index_cast %get3A_342 : i32 to index
    %get3A_344 = arith.constant 112 : index
    %get3A_345 = tpu.vector_load %arg6[%get3A_343, %get3A_344] {strides = array<i32>} : memref<8x128xi32, #tpu.memory_space<vmem>>, vector<16xi32>,
    tpu.vector_store_idx %arg8[%get3A_345], %broadcast_in_dim3A_90 {add = true} : memref<1024xf32, #tpu.memory_space<vmem>>[vector<16xi32>], vector<16xf32>,
    %dma_wait3A = arith.constant 0 : i32
    %dma_wait3A_346 = arith.constant 0 : i32
    %dma_wait3A_347 = arith.constant 0 : i32
    %dma_wait3A_348 = tpu.memref_slice %arg7[%dma_wait3A_346, %dma_wait3A_347] : memref<1024x64xf32, #tpu.memory_space<vmem>> -> memref<128x64xf32, #tpu.memory_space<vmem>>
    %dma_wait3A_349 = arith.constant 0 : i32
    %dma_wait3A_350 = tpu.memref_slice %arg6[%dma_wait3A, %dma_wait3A_349] : memref<8x128xi32, #tpu.memory_space<vmem>> -> memref<1x128xi32, #tpu.memory_space<vmem>>
    %dma_wait3A_351 = tpu.memref_squeeze %dma_wait3A_350 : memref<1x128xi32, #tpu.memory_space<vmem>> -> memref<128xi32, #tpu.memory_space<vmem>>
    %dma_wait3A_352 = arith.constant 0 : i32
    %dma_wait3A_353 = arith.constant 0 : i32
    %dma_wait3A_354 = tpu.memref_slice %arg2[%dma_wait3A_352, %dma_wait3A_353] : memref<1024x64xf32, #tpu.memory_space<hbm>> -> memref<1024x64xf32, #tpu.memory_space<hbm>>
    tpu.wait_indirect_dma semaphore(%arg9 : memref<!tpu.dma_semaphore, #tpu.memory_space<semaphore_mem>>) src(%dma_wait3A_354 : memref<1024x64xf32, #tpu.memory_space<hbm>>) dst(%dma_wait3A_348 : memref<128x64xf32, #tpu.memory_space<vmem>>)
    %dma_wait3A_355 = arith.constant 1 : i32
    %dma_wait3A_356 = arith.constant 128 : i32
    %dma_wait3A_357 = arith.constant 0 : i32
    %dma_wait3A_358 = tpu.memref_slice %arg7[%dma_wait3A_356, %dma_wait3A_357] : memref<1024x64xf32, #tpu.memory_space<vmem>> -> memref<128x64xf32, #tpu.memory_space<vmem>>
    %dma_wait3A_359 = arith.constant 0 : i32
    %dma_wait3A_360 = tpu.memref_slice %arg6[%dma_wait3A_355, %dma_wait3A_359] : memref<8x128xi32, #tpu.memory_space<vmem>> -> memref<1x128xi32, #tpu.memory_space<vmem>>
    %dma_wait3A_361 = tpu.memref_squeeze %dma_wait3A_360 : memref<1x128xi32, #tpu.memory_space<vmem>> -> memref<128xi32, #tpu.memory_space<vmem>>
    %dma_wait3A_362 = arith.constant 0 : i32
    %dma_wait3A_363 = arith.constant 0 : i32
    %dma_wait3A_364 = tpu.memref_slice %arg2[%dma_wait3A_362, %dma_wait3A_363] : memref<1024x64xf32, #tpu.memory_space<hbm>> -> memref<1024x64xf32, #tpu.memory_space<hbm>>
    tpu.wait_indirect_dma semaphore(%arg9 : memref<!tpu.dma_semaphore, #tpu.memory_space<semaphore_mem>>) src(%dma_wait3A_364 : memref<1024x64xf32, #tpu.memory_space<hbm>>) dst(%dma_wait3A_358 : memref<128x64xf32, #tpu.memory_space<vmem>>)
    %dma_wait3A_365 = arith.constant 2 : i32
    %dma_wait3A_366 = arith.constant 256 : i32
    %dma_wait3A_367 = arith.constant 0 : i32
    %dma_wait3A_368 = tpu.memref_slice %arg7[%dma_wait3A_366, %dma_wait3A_367] : memref<1024x64xf32, #tpu.memory_space<vmem>> -> memref<128x64xf32, #tpu.memory_space<vmem>>
    %dma_wait3A_369 = arith.constant 0 : i32
    %dma_wait3A_370 = tpu.memref_slice %arg6[%dma_wait3A_365, %dma_wait3A_369] : memref<8x128xi32, #tpu.memory_space<vmem>> -> memref<1x128xi32, #tpu.memory_space<vmem>>
    %dma_wait3A_371 = tpu.memref_squeeze %dma_wait3A_370 : memref<1x128xi32, #tpu.memory_space<vmem>> -> memref<128xi32, #tpu.memory_space<vmem>>
    %dma_wait3A_372 = arith.constant 0 : i32
    %dma_wait3A_373 = arith.constant 0 : i32
    %dma_wait3A_374 = tpu.memref_slice %arg2[%dma_wait3A_372, %dma_wait3A_373] : memref<1024x64xf32, #tpu.memory_space<hbm>> -> memref<1024x64xf32, #tpu.memory_space<hbm>>
    tpu.wait_indirect_dma semaphore(%arg9 : memref<!tpu.dma_semaphore, #tpu.memory_space<semaphore_mem>>) src(%dma_wait3A_374 : memref<1024x64xf32, #tpu.memory_space<hbm>>) dst(%dma_wait3A_368 : memref<128x64xf32, #tpu.memory_space<vmem>>)
    %dma_wait3A_375 = arith.constant 3 : i32
    %dma_wait3A_376 = arith.constant 384 : i32
    %dma_wait3A_377 = arith.constant 0 : i32
    %dma_wait3A_378 = tpu.memref_slice %arg7[%dma_wait3A_376, %dma_wait3A_377] : memref<1024x64xf32, #tpu.memory_space<vmem>> -> memref<128x64xf32, #tpu.memory_space<vmem>>
    %dma_wait3A_379 = arith.constant 0 : i32
    %dma_wait3A_380 = tpu.memref_slice %arg6[%dma_wait3A_375, %dma_wait3A_379] : memref<8x128xi32, #tpu.memory_space<vmem>> -> memref<1x128xi32, #tpu.memory_space<vmem>>
    %dma_wait3A_381 = tpu.memref_squeeze %dma_wait3A_380 : memref<1x128xi32, #tpu.memory_space<vmem>> -> memref<128xi32, #tpu.memory_space<vmem>>
    %dma_wait3A_382 = arith.constant 0 : i32
    %dma_wait3A_383 = arith.constant 0 : i32
    %dma_wait3A_384 = tpu.memref_slice %arg2[%dma_wait3A_382, %dma_wait3A_383] : memref<1024x64xf32, #tpu.memory_space<hbm>> -> memref<1024x64xf32, #tpu.memory_space<hbm>>
    tpu.wait_indirect_dma semaphore(%arg9 : memref<!tpu.dma_semaphore, #tpu.memory_space<semaphore_mem>>) src(%dma_wait3A_384 : memref<1024x64xf32, #tpu.memory_space<hbm>>) dst(%dma_wait3A_378 : memref<128x64xf32, #tpu.memory_space<vmem>>)
    %dma_wait3A_385 = arith.constant 4 : i32
    %dma_wait3A_386 = arith.constant 512 : i32
    %dma_wait3A_387 = arith.constant 0 : i32
    %dma_wait3A_388 = tpu.memref_slice %arg7[%dma_wait3A_386, %dma_wait3A_387] : memref<1024x64xf32, #tpu.memory_space<vmem>> -> memref<128x64xf32, #tpu.memory_space<vmem>>
    %dma_wait3A_389 = arith.constant 0 : i32
    %dma_wait3A_390 = tpu.memref_slice %arg6[%dma_wait3A_385, %dma_wait3A_389] : memref<8x128xi32, #tpu.memory_space<vmem>> -> memref<1x128xi32, #tpu.memory_space<vmem>>
    %dma_wait3A_391 = tpu.memref_squeeze %dma_wait3A_390 : memref<1x128xi32, #tpu.memory_space<vmem>> -> memref<128xi32, #tpu.memory_space<vmem>>
    %dma_wait3A_392 = arith.constant 0 : i32
    %dma_wait3A_393 = arith.constant 0 : i32
    %dma_wait3A_394 = tpu.memref_slice %arg2[%dma_wait3A_392, %dma_wait3A_393] : memref<1024x64xf32, #tpu.memory_space<hbm>> -> memref<1024x64xf32, #tpu.memory_space<hbm>>
    tpu.wait_indirect_dma semaphore(%arg9 : memref<!tpu.dma_semaphore, #tpu.memory_space<semaphore_mem>>) src(%dma_wait3A_394 : memref<1024x64xf32, #tpu.memory_space<hbm>>) dst(%dma_wait3A_388 : memref<128x64xf32, #tpu.memory_space<vmem>>)
    %dma_wait3A_395 = arith.constant 5 : i32
    %dma_wait3A_396 = arith.constant 640 : i32
    %dma_wait3A_397 = arith.constant 0 : i32
    %dma_wait3A_398 = tpu.memref_slice %arg7[%dma_wait3A_396, %dma_wait3A_397] : memref<1024x64xf32, #tpu.memory_space<vmem>> -> memref<128x64xf32, #tpu.memory_space<vmem>>
    %dma_wait3A_399 = arith.constant 0 : i32
    %dma_wait3A_400 = tpu.memref_slice %arg6[%dma_wait3A_395, %dma_wait3A_399] : memref<8x128xi32, #tpu.memory_space<vmem>> -> memref<1x128xi32, #tpu.memory_space<vmem>>
    %dma_wait3A_401 = tpu.memref_squeeze %dma_wait3A_400 : memref<1x128xi32, #tpu.memory_space<vmem>> -> memref<128xi32, #tpu.memory_space<vmem>>
    %dma_wait3A_402 = arith.constant 0 : i32
    %dma_wait3A_403 = arith.constant 0 : i32
    %dma_wait3A_404 = tpu.memref_slice %arg2[%dma_wait3A_402, %dma_wait3A_403] : memref<1024x64xf32, #tpu.memory_space<hbm>> -> memref<1024x64xf32, #tpu.memory_space<hbm>>
    tpu.wait_indirect_dma semaphore(%arg9 : memref<!tpu.dma_semaphore, #tpu.memory_space<semaphore_mem>>) src(%dma_wait3A_404 : memref<1024x64xf32, #tpu.memory_space<hbm>>) dst(%dma_wait3A_398 : memref<128x64xf32, #tpu.memory_space<vmem>>)
    %dma_wait3A_405 = arith.constant 6 : i32
    %dma_wait3A_406 = arith.constant 768 : i32
    %dma_wait3A_407 = arith.constant 0 : i32
    %dma_wait3A_408 = tpu.memref_slice %arg7[%dma_wait3A_406, %dma_wait3A_407] : memref<1024x64xf32, #tpu.memory_space<vmem>> -> memref<128x64xf32, #tpu.memory_space<vmem>>
    %dma_wait3A_409 = arith.constant 0 : i32
    %dma_wait3A_410 = tpu.memref_slice %arg6[%dma_wait3A_405, %dma_wait3A_409] : memref<8x128xi32, #tpu.memory_space<vmem>> -> memref<1x128xi32, #tpu.memory_space<vmem>>
    %dma_wait3A_411 = tpu.memref_squeeze %dma_wait3A_410 : memref<1x128xi32, #tpu.memory_space<vmem>> -> memref<128xi32, #tpu.memory_space<vmem>>
    %dma_wait3A_412 = arith.constant 0 : i32
    %dma_wait3A_413 = arith.constant 0 : i32
    %dma_wait3A_414 = tpu.memref_slice %arg2[%dma_wait3A_412, %dma_wait3A_413] : memref<1024x64xf32, #tpu.memory_space<hbm>> -> memref<1024x64xf32, #tpu.memory_space<hbm>>
    tpu.wait_indirect_dma semaphore(%arg9 : memref<!tpu.dma_semaphore, #tpu.memory_space<semaphore_mem>>) src(%dma_wait3A_414 : memref<1024x64xf32, #tpu.memory_space<hbm>>) dst(%dma_wait3A_408 : memref<128x64xf32, #tpu.memory_space<vmem>>)
    %dma_wait3A_415 = arith.constant 7 : i32
    %dma_wait3A_416 = arith.constant 896 : i32
    %dma_wait3A_417 = arith.constant 0 : i32
    %dma_wait3A_418 = tpu.memref_slice %arg7[%dma_wait3A_416, %dma_wait3A_417] : memref<1024x64xf32, #tpu.memory_space<vmem>> -> memref<128x64xf32, #tpu.memory_space<vmem>>
    %dma_wait3A_419 = arith.constant 0 : i32
    %dma_wait3A_420 = tpu.memref_slice %arg6[%dma_wait3A_415, %dma_wait3A_419] : memref<8x128xi32, #tpu.memory_space<vmem>> -> memref<1x128xi32, #tpu.memory_space<vmem>>
    %dma_wait3A_421 = tpu.memref_squeeze %dma_wait3A_420 : memref<1x128xi32, #tpu.memory_space<vmem>> -> memref<128xi32, #tpu.memory_space<vmem>>
    %dma_wait3A_422 = arith.constant 0 : i32
    %dma_wait3A_423 = arith.constant 0 : i32
    %dma_wait3A_424 = tpu.memref_slice %arg2[%dma_wait3A_422, %dma_wait3A_423] : memref<1024x64xf32, #tpu.memory_space<hbm>> -> memref<1024x64xf32, #tpu.memory_space<hbm>>
    tpu.wait_indirect_dma semaphore(%arg9 : memref<!tpu.dma_semaphore, #tpu.memory_space<semaphore_mem>>) src(%dma_wait3A_424 : memref<1024x64xf32, #tpu.memory_space<hbm>>) dst(%dma_wait3A_418 : memref<128x64xf32, #tpu.memory_space<vmem>>)
    %mul3A_425 = arith.constant 1024 : i32
    %mul3A_426 = arith.muli %add3A, %mul3A_425 : i32
    "tpu.region"() ({
      %run_scoped3A = tpu.sem_alloc : memref<!tpu.dma_semaphore, #tpu.memory_space<semaphore_mem>>
      %dma_start3A_427 = arith.constant 0 : i32
      %dma_start3A_428 = tpu.memref_slice %arg4[%mul3A_426, %dma_start3A_427] : memref<32768x64xf32, #tpu.memory_space<hbm>> -> memref<1024x64xf32, #tpu.memory_space<hbm>>
      %dma_start3A_429 = arith.constant 0 : i32
      %dma_start3A_430 = tpu.memref_slice %arg4[%mul3A_426, %dma_start3A_429] : memref<32768x64xf32, #tpu.memory_space<hbm>> -> memref<1024x64xf32, #tpu.memory_space<hbm>>
      tpu.enqueue_dma source(%arg7 : memref<1024x64xf32, #tpu.memory_space<vmem>>) target(%dma_start3A_430 : memref<1024x64xf32, #tpu.memory_space<hbm>>) target_semaphore(%run_scoped3A : memref<!tpu.dma_semaphore, #tpu.memory_space<semaphore_mem>>)
      %dma_wait3A_431 = arith.constant 0 : i32
      %dma_wait3A_432 = tpu.memref_slice %arg4[%mul3A_426, %dma_wait3A_431] : memref<32768x64xf32, #tpu.memory_space<hbm>> -> memref<1024x64xf32, #tpu.memory_space<hbm>>
      %dma_wait3A_433 = arith.constant 0 : i32
      %dma_wait3A_434 = tpu.memref_slice %arg4[%mul3A_426, %dma_wait3A_433] : memref<32768x64xf32, #tpu.memory_space<hbm>> -> memref<1024x64xf32, #tpu.memory_space<hbm>>
      tpu.wait_dma2 semaphore(%run_scoped3A : memref<!tpu.dma_semaphore, #tpu.memory_space<semaphore_mem>>) src(%arg7 : memref<1024x64xf32, #tpu.memory_space<vmem>>) dst(%dma_wait3A_434 : memref<1024x64xf32, #tpu.memory_space<hbm>>)
      tpu.yield
    }) : () -> ()
    "tpu.region"() ({
      %run_scoped3A = tpu.sem_alloc : memref<!tpu.dma_semaphore, #tpu.memory_space<semaphore_mem>>
      %dma_start3A_427 = arith.constant 0 : i32
      %dma_start3A_428 = tpu.memref_slice %arg5[%add3A, %dma_start3A_427] : memref<32x1024xf32, #tpu.memory_space<hbm>> -> memref<1x1024xf32, #tpu.memory_space<hbm>>
      %dma_start3A_429 = tpu.memref_squeeze %dma_start3A_428 : memref<1x1024xf32, #tpu.memory_space<hbm>> -> memref<1024xf32, #tpu.memory_space<hbm>>
      %dma_start3A_430 = arith.constant 0 : i32
      %dma_start3A_431 = tpu.memref_slice %arg5[%add3A, %dma_start3A_430] : memref<32x1024xf32, #tpu.memory_space<hbm>> -> memref<1x1024xf32, #tpu.memory_space<hbm>>
      %dma_start3A_432 = tpu.memref_squeeze %dma_start3A_431 : memref<1x1024xf32, #tpu.memory_space<hbm>> -> memref<1024xf32, #tpu.memory_space<hbm>>
      tpu.enqueue_dma source(%arg8 : memref<1024xf32, #tpu.memory_space<vmem>>) target(%dma_start3A_432 : memref<1024xf32, #tpu.memory_space<hbm>>) target_semaphore(%run_scoped3A : memref<!tpu.dma_semaphore, #tpu.memory_space<semaphore_mem>>)
      %dma_wait3A_433 = arith.constant 0 : i32
      %dma_wait3A_434 = tpu.memref_slice %arg5[%add3A, %dma_wait3A_433] : memref<32x1024xf32, #tpu.memory_space<hbm>> -> memref<1x1024xf32, #tpu.memory_space<hbm>>
      %dma_wait3A_435 = tpu.memref_squeeze %dma_wait3A_434 : memref<1x1024xf32, #tpu.memory_space<hbm>> -> memref<1024xf32, #tpu.memory_space<hbm>>
      %dma_wait3A_436 = arith.constant 0 : i32
      %dma_wait3A_437 = tpu.memref_slice %arg5[%add3A, %dma_wait3A_436] : memref<32x1024xf32, #tpu.memory_space<hbm>> -> memref<1x1024xf32, #tpu.memory_space<hbm>>
      %dma_wait3A_438 = tpu.memref_squeeze %dma_wait3A_437 : memref<1x1024xf32, #tpu.memory_space<hbm>> -> memref<1024xf32, #tpu.memory_space<hbm>>
      tpu.wait_dma2 semaphore(%run_scoped3A : memref<!tpu.dma_semaphore, #tpu.memory_space<semaphore_mem>>) src(%arg8 : memref<1024xf32, #tpu.memory_space<vmem>>) dst(%dma_wait3A_438 : memref<1024xf32, #tpu.memory_space<hbm>>)
      tpu.yield
    }) : () -> ()
    return
  }
}

#map = affine_map<(d0, d1) -> (0, 0)>
module attributes {stable_mosaic.version = 14 : i64} {
  func.func @k(%arg0: i32, %arg1: i32, %arg2: memref<1024x64xf32, #tpu.memory_space<hbm>>, %arg3: memref<256x128xi32, #tpu.memory_space<hbm>>, %arg4: memref<32768x64xf32, #tpu.memory_space<hbm>>, %arg5: memref<32x1024xf32, #tpu.memory_space<hbm>>, %arg6: memref<8x128xi32, #tpu.memory_space<vmem>>, %arg7: memref<1024x64xf32, #tpu.memory_space<vmem>>, %arg8: memref<1024xf32, #tpu.memory_space<vmem>>, %arg9: memref<!tpu.dma_semaphore, #tpu.memory_space<semaphore_mem>>) attributes {dimension_semantics = [#tpu.dimension_semantics<core_parallel>, #tpu.dimension_semantics<subcore_parallel>], iteration_bounds = array<i64: 2, 16>, scalar_prefetch = 0 : i64, scratch_operands = 4 : i64, tpu.core_type = #tpu.core_type<sc_vector_subcore>, window_params = [{transform_indices = #map}, {transform_indices = #map}, {transform_indices = #map}, {transform_indices = #map}]} {
    %mul3A = arith.constant 2 : i32
    %mul3A_0 = arith.muli %arg1, %mul3A : i32
    %add3A = arith.addi %mul3A_0, %arg0 : i32
    %mul3A_1 = arith.constant 8 : i32
    %mul3A_2 = arith.muli %add3A, %mul3A_1 : i32
    "tpu.region"() ({
      %run_scoped3A = tpu.sem_alloc : memref<!tpu.dma_semaphore, #tpu.memory_space<semaphore_mem>>
      %dma_start3A_427 = arith.constant 0 : i32
      %dma_start3A_428 = tpu.memref_slice %arg3[%mul3A_2, %dma_start3A_427] : memref<256x128xi32, #tpu.memory_space<hbm>> -> memref<8x128xi32, #tpu.memory_space<hbm>>
      %dma_start3A_429 = arith.constant 0 : i32
      %dma_start3A_430 = tpu.memref_slice %arg3[%mul3A_2, %dma_start3A_429] : memref<256x128xi32, #tpu.memory_space<hbm>> -> memref<8x128xi32, #tpu.memory_space<hbm>>
      tpu.enqueue_dma source(%dma_start3A_430 : memref<8x128xi32, #tpu.memory_space<hbm>>) target(%arg6 : memref<8x128xi32, #tpu.memory_space<vmem>>) target_semaphore(%run_scoped3A : memref<!tpu.dma_semaphore, #tpu.memory_space<semaphore_mem>>)
      %dma_wait3A_431 = arith.constant 0 : i32
      %dma_wait3A_432 = tpu.memref_slice %arg3[%mul3A_2, %dma_wait3A_431] : memref<256x128xi32, #tpu.memory_space<hbm>> -> memref<8x128xi32, #tpu.memory_space<hbm>>
      %dma_wait3A_433 = arith.constant 0 : i32
      %dma_wait3A_434 = tpu.memref_slice %arg3[%mul3A_2, %dma_wait3A_433] : memref<256x128xi32, #tpu.memory_space<hbm>> -> memref<8x128xi32, #tpu.memory_space<hbm>>
      tpu.wait_dma2 semaphore(%run_scoped3A : memref<!tpu.dma_semaphore, #tpu.memory_space<semaphore_mem>>) src(%dma_wait3A_434 : memref<8x128xi32, #tpu.memory_space<hbm>>) dst(%arg6 : memref<8x128xi32, #tpu.memory_space<vmem>>)
      tpu.yield
    }) : () -> ()
    %dma_start3A = arith.constant 0 : i32
    %dma_start3A_3 = arith.constant 0 : i32
    %dma_start3A_4 = arith.constant 0 : i32
    %dma_start3A_5 = tpu.memref_slice %arg7[%dma_start3A_3, %dma_start3A_4] : memref<1024x64xf32, #tpu.memory_space<vmem>> -> memref<128x64xf32, #tpu.memory_space<vmem>>
    %dma_start3A_6 = arith.constant 0 : i32
    %dma_start3A_7 = tpu.memref_slice %arg6[%dma_start3A, %dma_start3A_6] : memref<8x128xi32, #tpu.memory_space<vmem>> -> memref<1x128xi32, #tpu.memory_space<vmem>>
    %dma_start3A_8 = tpu.memref_squeeze %dma_start3A_7 : memref<1x128xi32, #tpu.memory_space<vmem>> -> memref<128xi32, #tpu.memory_space<vmem>>
    %dma_start3A_9 = arith.constant 0 : i32
    %dma_start3A_10 = arith.constant 0 : i32
    %dma_start3A_11 = tpu.memref_slice %arg2[%dma_start3A_9, %dma_start3A_10] : memref<1024x64xf32, #tpu.memory_space<hbm>> -> memref<1024x64xf32, #tpu.memory_space<hbm>>
    tpu.enqueue_indirect_dma source(%dma_start3A_11 : memref<1024x64xf32, #tpu.memory_space<hbm>>) target(%dma_start3A_5 : memref<128x64xf32, #tpu.memory_space<vmem>>) offsets(%dma_start3A_8 : memref<128xi32, #tpu.memory_space<vmem>>) semaphore(%arg9 : memref<!tpu.dma_semaphore, #tpu.memory_space<semaphore_mem>>)
    %dma_start3A_12 = arith.constant 1 : i32
    %dma_start3A_13 = arith.constant 128 : i32
    %dma_start3A_14 = arith.constant 0 : i32
    %dma_start3A_15 = tpu.memref_slice %arg7[%dma_start3A_13, %dma_start3A_14] : memref<1024x64xf32, #tpu.memory_space<vmem>> -> memref<128x64xf32, #tpu.memory_space<vmem>>
    %dma_start3A_16 = arith.constant 0 : i32
    %dma_start3A_17 = tpu.memref_slice %arg6[%dma_start3A_12, %dma_start3A_16] : memref<8x128xi32, #tpu.memory_space<vmem>> -> memref<1x128xi32, #tpu.memory_space<vmem>>
    %dma_start3A_18 = tpu.memref_squeeze %dma_start3A_17 : memref<1x128xi32, #tpu.memory_space<vmem>> -> memref<128xi32, #tpu.memory_space<vmem>>
    %dma_start3A_19 = arith.constant 0 : i32
    %dma_start3A_20 = arith.constant 0 : i32
    %dma_start3A_21 = tpu.memref_slice %arg2[%dma_start3A_19, %dma_start3A_20] : memref<1024x64xf32, #tpu.memory_space<hbm>> -> memref<1024x64xf32, #tpu.memory_space<hbm>>
    tpu.enqueue_indirect_dma source(%dma_start3A_21 : memref<1024x64xf32, #tpu.memory_space<hbm>>) target(%dma_start3A_15 : memref<128x64xf32, #tpu.memory_space<vmem>>) offsets(%dma_start3A_18 : memref<128xi32, #tpu.memory_space<vmem>>) semaphore(%arg9 : memref<!tpu.dma_semaphore, #tpu.memory_space<semaphore_mem>>)
    %dma_start3A_22 = arith.constant 2 : i32
    %dma_start3A_23 = arith.constant 256 : i32
    %dma_start3A_24 = arith.constant 0 : i32
    %dma_start3A_25 = tpu.memref_slice %arg7[%dma_start3A_23, %dma_start3A_24] : memref<1024x64xf32, #tpu.memory_space<vmem>> -> memref<128x64xf32, #tpu.memory_space<vmem>>
    %dma_start3A_26 = arith.constant 0 : i32
    %dma_start3A_27 = tpu.memref_slice %arg6[%dma_start3A_22, %dma_start3A_26] : memref<8x128xi32, #tpu.memory_space<vmem>> -> memref<1x128xi32, #tpu.memory_space<vmem>>
    %dma_start3A_28 = tpu.memref_squeeze %dma_start3A_27 : memref<1x128xi32, #tpu.memory_space<vmem>> -> memref<128xi32, #tpu.memory_space<vmem>>
    %dma_start3A_29 = arith.constant 0 : i32
    %dma_start3A_30 = arith.constant 0 : i32
    %dma_start3A_31 = tpu.memref_slice %arg2[%dma_start3A_29, %dma_start3A_30] : memref<1024x64xf32, #tpu.memory_space<hbm>> -> memref<1024x64xf32, #tpu.memory_space<hbm>>
    tpu.enqueue_indirect_dma source(%dma_start3A_31 : memref<1024x64xf32, #tpu.memory_space<hbm>>) target(%dma_start3A_25 : memref<128x64xf32, #tpu.memory_space<vmem>>) offsets(%dma_start3A_28 : memref<128xi32, #tpu.memory_space<vmem>>) semaphore(%arg9 : memref<!tpu.dma_semaphore, #tpu.memory_space<semaphore_mem>>)
    %dma_start3A_32 = arith.constant 3 : i32
    %dma_start3A_33 = arith.constant 384 : i32
    %dma_start3A_34 = arith.constant 0 : i32
    %dma_start3A_35 = tpu.memref_slice %arg7[%dma_start3A_33, %dma_start3A_34] : memref<1024x64xf32, #tpu.memory_space<vmem>> -> memref<128x64xf32, #tpu.memory_space<vmem>>
    %dma_start3A_36 = arith.constant 0 : i32
    %dma_start3A_37 = tpu.memref_slice %arg6[%dma_start3A_32, %dma_start3A_36] : memref<8x128xi32, #tpu.memory_space<vmem>> -> memref<1x128xi32, #tpu.memory_space<vmem>>
    %dma_start3A_38 = tpu.memref_squeeze %dma_start3A_37 : memref<1x128xi32, #tpu.memory_space<vmem>> -> memref<128xi32, #tpu.memory_space<vmem>>
    %dma_start3A_39 = arith.constant 0 : i32
    %dma_start3A_40 = arith.constant 0 : i32
    %dma_start3A_41 = tpu.memref_slice %arg2[%dma_start3A_39, %dma_start3A_40] : memref<1024x64xf32, #tpu.memory_space<hbm>> -> memref<1024x64xf32, #tpu.memory_space<hbm>>
    tpu.enqueue_indirect_dma source(%dma_start3A_41 : memref<1024x64xf32, #tpu.memory_space<hbm>>) target(%dma_start3A_35 : memref<128x64xf32, #tpu.memory_space<vmem>>) offsets(%dma_start3A_38 : memref<128xi32, #tpu.memory_space<vmem>>) semaphore(%arg9 : memref<!tpu.dma_semaphore, #tpu.memory_space<semaphore_mem>>)
    %dma_start3A_42 = arith.constant 4 : i32
    %dma_start3A_43 = arith.constant 512 : i32
    %dma_start3A_44 = arith.constant 0 : i32
    %dma_start3A_45 = tpu.memref_slice %arg7[%dma_start3A_43, %dma_start3A_44] : memref<1024x64xf32, #tpu.memory_space<vmem>> -> memref<128x64xf32, #tpu.memory_space<vmem>>
    %dma_start3A_46 = arith.constant 0 : i32
    %dma_start3A_47 = tpu.memref_slice %arg6[%dma_start3A_42, %dma_start3A_46] : memref<8x128xi32, #tpu.memory_space<vmem>> -> memref<1x128xi32, #tpu.memory_space<vmem>>
    %dma_start3A_48 = tpu.memref_squeeze %dma_start3A_47 : memref<1x128xi32, #tpu.memory_space<vmem>> -> memref<128xi32, #tpu.memory_space<vmem>>
    %dma_start3A_49 = arith.constant 0 : i32
    %dma_start3A_50 = arith.constant 0 : i32
    %dma_start3A_51 = tpu.memref_slice %arg2[%dma_start3A_49, %dma_start3A_50] : memref<1024x64xf32, #tpu.memory_space<hbm>> -> memref<1024x64xf32, #tpu.memory_space<hbm>>
    tpu.enqueue_indirect_dma source(%dma_start3A_51 : memref<1024x64xf32, #tpu.memory_space<hbm>>) target(%dma_start3A_45 : memref<128x64xf32, #tpu.memory_space<vmem>>) offsets(%dma_start3A_48 : memref<128xi32, #tpu.memory_space<vmem>>) semaphore(%arg9 : memref<!tpu.dma_semaphore, #tpu.memory_space<semaphore_mem>>)
    %dma_start3A_52 = arith.constant 5 : i32
    %dma_start3A_53 = arith.constant 640 : i32
    %dma_start3A_54 = arith.constant 0 : i32
    %dma_start3A_55 = tpu.memref_slice %arg7[%dma_start3A_53, %dma_start3A_54] : memref<1024x64xf32, #tpu.memory_space<vmem>> -> memref<128x64xf32, #tpu.memory_space<vmem>>
    %dma_start3A_56 = arith.constant 0 : i32
    %dma_start3A_57 = tpu.memref_slice %arg6[%dma_start3A_52, %dma_start3A_56] : memref<8x128xi32, #tpu.memory_space<vmem>> -> memref<1x128xi32, #tpu.memory_space<vmem>>
    %dma_start3A_58 = tpu.memref_squeeze %dma_start3A_57 : memref<1x128xi32, #tpu.memory_space<vmem>> -> memref<128xi32, #tpu.memory_space<vmem>>
    %dma_start3A_59 = arith.constant 0 : i32
    %dma_start3A_60 = arith.constant 0 : i32
    %dma_start3A_61 = tpu.memref_slice %arg2[%dma_start3A_59, %dma_start3A_60] : memref<1024x64xf32, #tpu.memory_space<hbm>> -> memref<1024x64xf32, #tpu.memory_space<hbm>>
    tpu.enqueue_indirect_dma source(%dma_start3A_61 : memref<1024x64xf32, #tpu.memory_space<hbm>>) target(%dma_start3A_55 : memref<128x64xf32, #tpu.memory_space<vmem>>) offsets(%dma_start3A_58 : memref<128xi32, #tpu.memory_space<vmem>>) semaphore(%arg9 : memref<!tpu.dma_semaphore, #tpu.memory_space<semaphore_mem>>)
    %dma_start3A_62 = arith.constant 6 : i32
    %dma_start3A_63 = arith.constant 768 : i32
    %dma_start3A_64 = arith.constant 0 : i32
    %dma_start3A_65 = tpu.memref_slice %arg7[%dma_start3A_63, %dma_start3A_64] : memref<1024x64xf32, #tpu.memory_space<vmem>> -> memref<128x64xf32, #tpu.memory_space<vmem>>
    %dma_start3A_66 = arith.constant 0 : i32
    %dma_start3A_67 = tpu.memref_slice %arg6[%dma_start3A_62, %dma_start3A_66] : memref<8x128xi32, #tpu.memory_space<vmem>> -> memref<1x128xi32, #tpu.memory_space<vmem>>
    %dma_start3A_68 = tpu.memref_squeeze %dma_start3A_67 : memref<1x128xi32, #tpu.memory_space<vmem>> -> memref<128xi32, #tpu.memory_space<vmem>>
    %dma_start3A_69 = arith.constant 0 : i32
    %dma_start3A_70 = arith.constant 0 : i32
    %dma_start3A_71 = tpu.memref_slice %arg2[%dma_start3A_69, %dma_start3A_70] : memref<1024x64xf32, #tpu.memory_space<hbm>> -> memref<1024x64xf32, #tpu.memory_space<hbm>>
    tpu.enqueue_indirect_dma source(%dma_start3A_71 : memref<1024x64xf32, #tpu.memory_space<hbm>>) target(%dma_start3A_65 : memref<128x64xf32, #tpu.memory_space<vmem>>) offsets(%dma_start3A_68 : memref<128xi32, #tpu.memory_space<vmem>>) semaphore(%arg9 : memref<!tpu.dma_semaphore, #tpu.memory_space<semaphore_mem>>)
    %dma_start3A_72 = arith.constant 7 : i32
    %dma_start3A_73 = arith.constant 896 : i32
    %dma_start3A_74 = arith.constant 0 : i32
    %dma_start3A_75 = tpu.memref_slice %arg7[%dma_start3A_73, %dma_start3A_74] : memref<1024x64xf32, #tpu.memory_space<vmem>> -> memref<128x64xf32, #tpu.memory_space<vmem>>
    %dma_start3A_76 = arith.constant 0 : i32
    %dma_start3A_77 = tpu.memref_slice %arg6[%dma_start3A_72, %dma_start3A_76] : memref<8x128xi32, #tpu.memory_space<vmem>> -> memref<1x128xi32, #tpu.memory_space<vmem>>
    %dma_start3A_78 = tpu.memref_squeeze %dma_start3A_77 : memref<1x128xi32, #tpu.memory_space<vmem>> -> memref<128xi32, #tpu.memory_space<vmem>>
    %dma_start3A_79 = arith.constant 0 : i32
    %dma_start3A_80 = arith.constant 0 : i32
    %dma_start3A_81 = tpu.memref_slice %arg2[%dma_start3A_79, %dma_start3A_80] : memref<1024x64xf32, #tpu.memory_space<hbm>> -> memref<1024x64xf32, #tpu.memory_space<hbm>>
    tpu.enqueue_indirect_dma source(%dma_start3A_81 : memref<1024x64xf32, #tpu.memory_space<hbm>>) target(%dma_start3A_75 : memref<128x64xf32, #tpu.memory_space<vmem>>) offsets(%dma_start3A_78 : memref<128xi32, #tpu.memory_space<vmem>>) semaphore(%arg9 : memref<!tpu.dma_semaphore, #tpu.memory_space<semaphore_mem>>)
    %broadcast_in_dim3A = arith.constant 0.000000e+00 : f32
    %broadcast_in_dim3A_82 = vector.broadcast %broadcast_in_dim3A : f32 to vector<16xf32>
    %scan3A = arith.constant 0 : i32
    %scan3A_83 = arith.constant 0 : i32
    %scan3A_84 = arith.constant 64 : i32
    %scan3A_85 = arith.addi %scan3A_83, %scan3A_84 : i32
    %scan3A_86 = arith.constant 1 : i32
    %scan3A_87 = scf.for %scan3A_427 = %scan3A_83 to %scan3A_85 step %scan3A_86 iter_args(%scan3A_428 = %scan3A) -> (i32)  : i32 {
      %mul3A_429 = arith.constant 16 : i32
      %mul3A_430 = arith.muli %scan3A_427, %mul3A_429 : i32
      %swap3A = arith.index_cast %mul3A_430 : i32 to index
      %swap3A_431 = tpu.vector_load %arg8[%swap3A] {strides = array<i32>} : memref<1024xf32, #tpu.memory_space<vmem>>, vector<16xf32>,
      tpu.vector_store %arg8[%swap3A], %broadcast_in_dim3A_82 {strides = array<i32>} : memref<1024xf32, #tpu.memory_space<vmem>>, vector<16xf32>,
      %scan3A_432 = arith.constant 0 : i32
      scf.yield %scan3A_432 : i32
    }
    %scan3A_88 = arith.constant 64 : i32
    %broadcast_in_dim3A_89 = arith.constant 1.000000e+00 : f32
    %broadcast_in_dim3A_90 = vector.broadcast %broadcast_in_dim3A_89 : f32 to vector<16xf32>
    %get3A = arith.constant 0 : i32
    %get3A_91 = arith.index_cast %get3A : i32 to index
    %get3A_92 = arith.constant 0 : index
    %get3A_93 = tpu.vector_load %arg6[%get3A_91, %get3A_92] {strides = array<i32>} : memref<8x128xi32, #tpu.memory_space<vmem>>, vector<16xi32>,
    tpu.vector_store_idx %arg8[%get3A_93], %broadcast_in_dim3A_90 {add = true} : memref<1024xf32, #tpu.memory_space<vmem>>[vector<16xi32>], vector<16xf32>,
    %get3A_94 = arith.constant 0 : i32
    %get3A_95 = arith.index_cast %get3A_94 : i32 to index
    %get3A_96 = arith.constant 16 : index
    %get3A_97 = tpu.vector_load %arg6[%get3A_95, %get3A_96] {strides = array<i32>} : memref<8x128xi32, #tpu.memory_space<vmem>>, vector<16xi32>,
    tpu.vector_store_idx %arg8[%get3A_97], %broadcast_in_dim3A_90 {add = true} : memref<1024xf32, #tpu.memory_space<vmem>>[vector<16xi32>], vector<16xf32>,
    %get3A_98 = arith.constant 0 : i32
    %get3A_99 = arith.index_cast %get3A_98 : i32 to index
    %get3A_100 = arith.constant 32 : index
    %get3A_101 = tpu.vector_load %arg6[%get3A_99, %get3A_100] {strides = array<i32>} : memref<8x128xi32, #tpu.memory_space<vmem>>, vector<16xi32>,
    tpu.vector_store_idx %arg8[%get3A_101], %broadcast_in_dim3A_90 {add = true} : memref<1024xf32, #tpu.memory_space<vmem>>[vector<16xi32>], vector<16xf32>,
    %get3A_102 = arith.constant 0 : i32
    %get3A_103 = arith.index_cast %get3A_102 : i32 to index
    %get3A_104 = arith.constant 48 : index
    %get3A_105 = tpu.vector_load %arg6[%get3A_103, %get3A_104] {strides = array<i32>} : memref<8x128xi32, #tpu.memory_space<vmem>>, vector<16xi32>,
    tpu.vector_store_idx %arg8[%get3A_105], %broadcast_in_dim3A_90 {add = true} : memref<1024xf32, #tpu.memory_space<vmem>>[vector<16xi32>], vector<16xf32>,
    %get3A_106 = arith.constant 0 : i32
    %get3A_107 = arith.index_cast %get3A_106 : i32 to index
    %get3A_108 = arith.constant 64 : index
    %get3A_109 = tpu.vector_load %arg6[%get3A_107, %get3A_108] {strides = array<i32>} : memref<8x128xi32, #tpu.memory_space<vmem>>, vector<16xi32>,
    tpu.vector_store_idx %arg8[%get3A_109], %broadcast_in_dim3A_90 {add = true} : memref<1024xf32, #tpu.memory_space<vmem>>[vector<16xi32>], vector<16xf32>,
    %get3A_110 = arith.constant 0 : i32
    %get3A_111 = arith.index_cast %get3A_110 : i32 to index
    %get3A_112 = arith.constant 80 : index
    %get3A_113 = tpu.vector_load %arg6[%get3A_111, %get3A_112] {strides = array<i32>} : memref<8x128xi32, #tpu.memory_space<vmem>>, vector<16xi32>,
    tpu.vector_store_idx %arg8[%get3A_113], %broadcast_in_dim3A_90 {add = true} : memref<1024xf32, #tpu.memory_space<vmem>>[vector<16xi32>], vector<16xf32>,
    %get3A_114 = arith.constant 0 : i32
    %get3A_115 = arith.index_cast %get3A_114 : i32 to index
    %get3A_116 = arith.constant 96 : index
    %get3A_117 = tpu.vector_load %arg6[%get3A_115, %get3A_116] {strides = array<i32>} : memref<8x128xi32, #tpu.memory_space<vmem>>, vector<16xi32>,
    tpu.vector_store_idx %arg8[%get3A_117], %broadcast_in_dim3A_90 {add = true} : memref<1024xf32, #tpu.memory_space<vmem>>[vector<16xi32>], vector<16xf32>,
    %get3A_118 = arith.constant 0 : i32
    %get3A_119 = arith.index_cast %get3A_118 : i32 to index
    %get3A_120 = arith.constant 112 : index
    %get3A_121 = tpu.vector_load %arg6[%get3A_119, %get3A_120] {strides = array<i32>} : memref<8x128xi32, #tpu.memory_space<vmem>>, vector<16xi32>,
    tpu.vector_store_idx %arg8[%get3A_121], %broadcast_in_dim3A_90 {add = true} : memref<1024xf32, #tpu.memory_space<vmem>>[vector<16xi32>], vector<16xf32>,
    %get3A_122 = arith.constant 1 : i32
    %get3A_123 = arith.index_cast %get3A_122 : i32 to index
    %get3A_124 = arith.constant 0 : index
    %get3A_125 = tpu.vector_load %arg6[%get3A_123, %get3A_124] {strides = array<i32>} : memref<8x128xi32, #tpu.memory_space<vmem>>, vector<16xi32>,
    tpu.vector_store_idx %arg8[%get3A_125], %broadcast_in_dim3A_90 {add = true} : memref<1024xf32, #tpu.memory_space<vmem>>[vector<16xi32>], vector<16xf32>,
    %get3A_126 = arith.constant 1 : i32
    %get3A_127 = arith.index_cast %get3A_126 : i32 to index
    %get3A_128 = arith.constant 16 : index
    %get3A_129 = tpu.vector_load %arg6[%get3A_127, %get3A_128] {strides = array<i32>} : memref<8x128xi32, #tpu.memory_space<vmem>>, vector<16xi32>,
    tpu.vector_store_idx %arg8[%get3A_129], %broadcast_in_dim3A_90 {add = true} : memref<1024xf32, #tpu.memory_space<vmem>>[vector<16xi32>], vector<16xf32>,
    %get3A_130 = arith.constant 1 : i32
    %get3A_131 = arith.index_cast %get3A_130 : i32 to index
    %get3A_132 = arith.constant 32 : index
    %get3A_133 = tpu.vector_load %arg6[%get3A_131, %get3A_132] {strides = array<i32>} : memref<8x128xi32, #tpu.memory_space<vmem>>, vector<16xi32>,
    tpu.vector_store_idx %arg8[%get3A_133], %broadcast_in_dim3A_90 {add = true} : memref<1024xf32, #tpu.memory_space<vmem>>[vector<16xi32>], vector<16xf32>,
    %get3A_134 = arith.constant 1 : i32
    %get3A_135 = arith.index_cast %get3A_134 : i32 to index
    %get3A_136 = arith.constant 48 : index
    %get3A_137 = tpu.vector_load %arg6[%get3A_135, %get3A_136] {strides = array<i32>} : memref<8x128xi32, #tpu.memory_space<vmem>>, vector<16xi32>,
    tpu.vector_store_idx %arg8[%get3A_137], %broadcast_in_dim3A_90 {add = true} : memref<1024xf32, #tpu.memory_space<vmem>>[vector<16xi32>], vector<16xf32>,
    %get3A_138 = arith.constant 1 : i32
    %get3A_139 = arith.index_cast %get3A_138 : i32 to index
    %get3A_140 = arith.constant 64 : index
    %get3A_141 = tpu.vector_load %arg6[%get3A_139, %get3A_140] {strides = array<i32>} : memref<8x128xi32, #tpu.memory_space<vmem>>, vector<16xi32>,
    tpu.vector_store_idx %arg8[%get3A_141], %broadcast_in_dim3A_90 {add = true} : memref<1024xf32, #tpu.memory_space<vmem>>[vector<16xi32>], vector<16xf32>,
    %get3A_142 = arith.constant 1 : i32
    %get3A_143 = arith.index_cast %get3A_142 : i32 to index
    %get3A_144 = arith.constant 80 : index
    %get3A_145 = tpu.vector_load %arg6[%get3A_143, %get3A_144] {strides = array<i32>} : memref<8x128xi32, #tpu.memory_space<vmem>>, vector<16xi32>,
    tpu.vector_store_idx %arg8[%get3A_145], %broadcast_in_dim3A_90 {add = true} : memref<1024xf32, #tpu.memory_space<vmem>>[vector<16xi32>], vector<16xf32>,
    %get3A_146 = arith.constant 1 : i32
    %get3A_147 = arith.index_cast %get3A_146 : i32 to index
    %get3A_148 = arith.constant 96 : index
    %get3A_149 = tpu.vector_load %arg6[%get3A_147, %get3A_148] {strides = array<i32>} : memref<8x128xi32, #tpu.memory_space<vmem>>, vector<16xi32>,
    tpu.vector_store_idx %arg8[%get3A_149], %broadcast_in_dim3A_90 {add = true} : memref<1024xf32, #tpu.memory_space<vmem>>[vector<16xi32>], vector<16xf32>,
    %get3A_150 = arith.constant 1 : i32
    %get3A_151 = arith.index_cast %get3A_150 : i32 to index
    %get3A_152 = arith.constant 112 : index
    %get3A_153 = tpu.vector_load %arg6[%get3A_151, %get3A_152] {strides = array<i32>} : memref<8x128xi32, #tpu.memory_space<vmem>>, vector<16xi32>,
    tpu.vector_store_idx %arg8[%get3A_153], %broadcast_in_dim3A_90 {add = true} : memref<1024xf32, #tpu.memory_space<vmem>>[vector<16xi32>], vector<16xf32>,
    %get3A_154 = arith.constant 2 : i32
    %get3A_155 = arith.index_cast %get3A_154 : i32 to index
    %get3A_156 = arith.constant 0 : index
    %get3A_157 = tpu.vector_load %arg6[%get3A_155, %get3A_156] {strides = array<i32>} : memref<8x128xi32, #tpu.memory_space<vmem>>, vector<16xi32>,
    tpu.vector_store_idx %arg8[%get3A_157], %broadcast_in_dim3A_90 {add = true} : memref<1024xf32, #tpu.memory_space<vmem>>[vector<16xi32>], vector<16xf32>,
    %get3A_158 = arith.constant 2 : i32
    %get3A_159 = arith.index_cast %get3A_158 : i32 to index
    %get3A_160 = arith.constant 16 : index
    %get3A_161 = tpu.vector_load %arg6[%get3A_159, %get3A_160] {strides = array<i32>} : memref<8x128xi32, #tpu.memory_space<vmem>>, vector<16xi32>,
    tpu.vector_store_idx %arg8[%get3A_161], %broadcast_in_dim3A_90 {add = true} : memref<1024xf32, #tpu.memory_space<vmem>>[vector<16xi32>], vector<16xf32>,
    %get3A_162 = arith.constant 2 : i32
    %get3A_163 = arith.index_cast %get3A_162 : i32 to index
    %get3A_164 = arith.constant 32 : index
    %get3A_165 = tpu.vector_load %arg6[%get3A_163, %get3A_164] {strides = array<i32>} : memref<8x128xi32, #tpu.memory_space<vmem>>, vector<16xi32>,
    tpu.vector_store_idx %arg8[%get3A_165], %broadcast_in_dim3A_90 {add = true} : memref<1024xf32, #tpu.memory_space<vmem>>[vector<16xi32>], vector<16xf32>,
    %get3A_166 = arith.constant 2 : i32
    %get3A_167 = arith.index_cast %get3A_166 : i32 to index
    %get3A_168 = arith.constant 48 : index
    %get3A_169 = tpu.vector_load %arg6[%get3A_167, %get3A_168] {strides = array<i32>} : memref<8x128xi32, #tpu.memory_space<vmem>>, vector<16xi32>,
    tpu.vector_store_idx %arg8[%get3A_169], %broadcast_in_dim3A_90 {add = true} : memref<1024xf32, #tpu.memory_space<vmem>>[vector<16xi32>], vector<16xf32>,
    %get3A_170 = arith.constant 2 : i32
    %get3A_171 = arith.index_cast %get3A_170 : i32 to index
    %get3A_172 = arith.constant 64 : index
    %get3A_173 = tpu.vector_load %arg6[%get3A_171, %get3A_172] {strides = array<i32>} : memref<8x128xi32, #tpu.memory_space<vmem>>, vector<16xi32>,
    tpu.vector_store_idx %arg8[%get3A_173], %broadcast_in_dim3A_90 {add = true} : memref<1024xf32, #tpu.memory_space<vmem>>[vector<16xi32>], vector<16xf32>,
    %get3A_174 = arith.constant 2 : i32
    %get3A_175 = arith.index_cast %get3A_174 : i32 to index
    %get3A_176 = arith.constant 80 : index
    %get3A_177 = tpu.vector_load %arg6[%get3A_175, %get3A_176] {strides = array<i32>} : memref<8x128xi32, #tpu.memory_space<vmem>>, vector<16xi32>,
    tpu.vector_store_idx %arg8[%get3A_177], %broadcast_in_dim3A_90 {add = true} : memref<1024xf32, #tpu.memory_space<vmem>>[vector<16xi32>], vector<16xf32>,
    %get3A_178 = arith.constant 2 : i32
    %get3A_179 = arith.index_cast %get3A_178 : i32 to index
    %get3A_180 = arith.constant 96 : index
    %get3A_181 = tpu.vector_load %arg6[%get3A_179, %get3A_180] {strides = array<i32>} : memref<8x128xi32, #tpu.memory_space<vmem>>, vector<16xi32>,
    tpu.vector_store_idx %arg8[%get3A_181], %broadcast_in_dim3A_90 {add = true} : memref<1024xf32, #tpu.memory_space<vmem>>[vector<16xi32>], vector<16xf32>,
    %get3A_182 = arith.constant 2 : i32
    %get3A_183 = arith.index_cast %get3A_182 : i32 to index
    %get3A_184 = arith.constant 112 : index
    %get3A_185 = tpu.vector_load %arg6[%get3A_183, %get3A_184] {strides = array<i32>} : memref<8x128xi32, #tpu.memory_space<vmem>>, vector<16xi32>,
    tpu.vector_store_idx %arg8[%get3A_185], %broadcast_in_dim3A_90 {add = true} : memref<1024xf32, #tpu.memory_space<vmem>>[vector<16xi32>], vector<16xf32>,
    %get3A_186 = arith.constant 3 : i32
    %get3A_187 = arith.index_cast %get3A_186 : i32 to index
    %get3A_188 = arith.constant 0 : index
    %get3A_189 = tpu.vector_load %arg6[%get3A_187, %get3A_188] {strides = array<i32>} : memref<8x128xi32, #tpu.memory_space<vmem>>, vector<16xi32>,
    tpu.vector_store_idx %arg8[%get3A_189], %broadcast_in_dim3A_90 {add = true} : memref<1024xf32, #tpu.memory_space<vmem>>[vector<16xi32>], vector<16xf32>,
    %get3A_190 = arith.constant 3 : i32
    %get3A_191 = arith.index_cast %get3A_190 : i32 to index
    %get3A_192 = arith.constant 16 : index
    %get3A_193 = tpu.vector_load %arg6[%get3A_191, %get3A_192] {strides = array<i32>} : memref<8x128xi32, #tpu.memory_space<vmem>>, vector<16xi32>,
    tpu.vector_store_idx %arg8[%get3A_193], %broadcast_in_dim3A_90 {add = true} : memref<1024xf32, #tpu.memory_space<vmem>>[vector<16xi32>], vector<16xf32>,
    %get3A_194 = arith.constant 3 : i32
    %get3A_195 = arith.index_cast %get3A_194 : i32 to index
    %get3A_196 = arith.constant 32 : index
    %get3A_197 = tpu.vector_load %arg6[%get3A_195, %get3A_196] {strides = array<i32>} : memref<8x128xi32, #tpu.memory_space<vmem>>, vector<16xi32>,
    tpu.vector_store_idx %arg8[%get3A_197], %broadcast_in_dim3A_90 {add = true} : memref<1024xf32, #tpu.memory_space<vmem>>[vector<16xi32>], vector<16xf32>,
    %get3A_198 = arith.constant 3 : i32
    %get3A_199 = arith.index_cast %get3A_198 : i32 to index
    %get3A_200 = arith.constant 48 : index
    %get3A_201 = tpu.vector_load %arg6[%get3A_199, %get3A_200] {strides = array<i32>} : memref<8x128xi32, #tpu.memory_space<vmem>>, vector<16xi32>,
    tpu.vector_store_idx %arg8[%get3A_201], %broadcast_in_dim3A_90 {add = true} : memref<1024xf32, #tpu.memory_space<vmem>>[vector<16xi32>], vector<16xf32>,
    %get3A_202 = arith.constant 3 : i32
    %get3A_203 = arith.index_cast %get3A_202 : i32 to index
    %get3A_204 = arith.constant 64 : index
    %get3A_205 = tpu.vector_load %arg6[%get3A_203, %get3A_204] {strides = array<i32>} : memref<8x128xi32, #tpu.memory_space<vmem>>, vector<16xi32>,
    tpu.vector_store_idx %arg8[%get3A_205], %broadcast_in_dim3A_90 {add = true} : memref<1024xf32, #tpu.memory_space<vmem>>[vector<16xi32>], vector<16xf32>,
    %get3A_206 = arith.constant 3 : i32
    %get3A_207 = arith.index_cast %get3A_206 : i32 to index
    %get3A_208 = arith.constant 80 : index
    %get3A_209 = tpu.vector_load %arg6[%get3A_207, %get3A_208] {strides = array<i32>} : memref<8x128xi32, #tpu.memory_space<vmem>>, vector<16xi32>,
    tpu.vector_store_idx %arg8[%get3A_209], %broadcast_in_dim3A_90 {add = true} : memref<1024xf32, #tpu.memory_space<vmem>>[vector<16xi32>], vector<16xf32>,
    %get3A_210 = arith.constant 3 : i32
    %get3A_211 = arith.index_cast %get3A_210 : i32 to index
    %get3A_212 = arith.constant 96 : index
    %get3A_213 = tpu.vector_load %arg6[%get3A_211, %get3A_212] {strides = array<i32>} : memref<8x128xi32, #tpu.memory_space<vmem>>, vector<16xi32>,
    tpu.vector_store_idx %arg8[%get3A_213], %broadcast_in_dim3A_90 {add = true} : memref<1024xf32, #tpu.memory_space<vmem>>[vector<16xi32>], vector<16xf32>,
    %get3A_214 = arith.constant 3 : i32
    %get3A_215 = arith.index_cast %get3A_214 : i32 to index
    %get3A_216 = arith.constant 112 : index
    %get3A_217 = tpu.vector_load %arg6[%get3A_215, %get3A_216] {strides = array<i32>} : memref<8x128xi32, #tpu.memory_space<vmem>>, vector<16xi32>,
    tpu.vector_store_idx %arg8[%get3A_217], %broadcast_in_dim3A_90 {add = true} : memref<1024xf32, #tpu.memory_space<vmem>>[vector<16xi32>], vector<16xf32>,
    %get3A_218 = arith.constant 4 : i32
    %get3A_219 = arith.index_cast %get3A_218 : i32 to index
    %get3A_220 = arith.constant 0 : index
    %get3A_221 = tpu.vector_load %arg6[%get3A_219, %get3A_220] {strides = array<i32>} : memref<8x128xi32, #tpu.memory_space<vmem>>, vector<16xi32>,
    tpu.vector_store_idx %arg8[%get3A_221], %broadcast_in_dim3A_90 {add = true} : memref<1024xf32, #tpu.memory_space<vmem>>[vector<16xi32>], vector<16xf32>,
    %get3A_222 = arith.constant 4 : i32
    %get3A_223 = arith.index_cast %get3A_222 : i32 to index
    %get3A_224 = arith.constant 16 : index
    %get3A_225 = tpu.vector_load %arg6[%get3A_223, %get3A_224] {strides = array<i32>} : memref<8x128xi32, #tpu.memory_space<vmem>>, vector<16xi32>,
    tpu.vector_store_idx %arg8[%get3A_225], %broadcast_in_dim3A_90 {add = true} : memref<1024xf32, #tpu.memory_space<vmem>>[vector<16xi32>], vector<16xf32>,
    %get3A_226 = arith.constant 4 : i32
    %get3A_227 = arith.index_cast %get3A_226 : i32 to index
    %get3A_228 = arith.constant 32 : index
    %get3A_229 = tpu.vector_load %arg6[%get3A_227, %get3A_228] {strides = array<i32>} : memref<8x128xi32, #tpu.memory_space<vmem>>, vector<16xi32>,
    tpu.vector_store_idx %arg8[%get3A_229], %broadcast_in_dim3A_90 {add = true} : memref<1024xf32, #tpu.memory_space<vmem>>[vector<16xi32>], vector<16xf32>,
    %get3A_230 = arith.constant 4 : i32
    %get3A_231 = arith.index_cast %get3A_230 : i32 to index
    %get3A_232 = arith.constant 48 : index
    %get3A_233 = tpu.vector_load %arg6[%get3A_231, %get3A_232] {strides = array<i32>} : memref<8x128xi32, #tpu.memory_space<vmem>>, vector<16xi32>,
    tpu.vector_store_idx %arg8[%get3A_233], %broadcast_in_dim3A_90 {add = true} : memref<1024xf32, #tpu.memory_space<vmem>>[vector<16xi32>], vector<16xf32>,
    %get3A_234 = arith.constant 4 : i32
    %get3A_235 = arith.index_cast %get3A_234 : i32 to index
    %get3A_236 = arith.constant 64 : index
    %get3A_237 = tpu.vector_load %arg6[%get3A_235, %get3A_236] {strides = array<i32>} : memref<8x128xi32, #tpu.memory_space<vmem>>, vector<16xi32>,
    tpu.vector_store_idx %arg8[%get3A_237], %broadcast_in_dim3A_90 {add = true} : memref<1024xf32, #tpu.memory_space<vmem>>[vector<16xi32>], vector<16xf32>,
    %get3A_238 = arith.constant 4 : i32
    %get3A_239 = arith.index_cast %get3A_238 : i32 to index
    %get3A_240 = arith.constant 80 : index
    %get3A_241 = tpu.vector_load %arg6[%get3A_239, %get3A_240] {strides = array<i32>} : memref<8x128xi32, #tpu.memory_space<vmem>>, vector<16xi32>,
    tpu.vector_store_idx %arg8[%get3A_241], %broadcast_in_dim3A_90 {add = true} : memref<1024xf32, #tpu.memory_space<vmem>>[vector<16xi32>], vector<16xf32>,
    %get3A_242 = arith.constant 4 : i32
    %get3A_243 = arith.index_cast %get3A_242 : i32 to index
    %get3A_244 = arith.constant 96 : index
    %get3A_245 = tpu.vector_load %arg6[%get3A_243, %get3A_244] {strides = array<i32>} : memref<8x128xi32, #tpu.memory_space<vmem>>, vector<16xi32>,
    tpu.vector_store_idx %arg8[%get3A_245], %broadcast_in_dim3A_90 {add = true} : memref<1024xf32, #tpu.memory_space<vmem>>[vector<16xi32>], vector<16xf32>,
    %get3A_246 = arith.constant 4 : i32
    %get3A_247 = arith.index_cast %get3A_246 : i32 to index
    %get3A_248 = arith.constant 112 : index
    %get3A_249 = tpu.vector_load %arg6[%get3A_247, %get3A_248] {strides = array<i32>} : memref<8x128xi32, #tpu.memory_space<vmem>>, vector<16xi32>,
    tpu.vector_store_idx %arg8[%get3A_249], %broadcast_in_dim3A_90 {add = true} : memref<1024xf32, #tpu.memory_space<vmem>>[vector<16xi32>], vector<16xf32>,
    %get3A_250 = arith.constant 5 : i32
    %get3A_251 = arith.index_cast %get3A_250 : i32 to index
    %get3A_252 = arith.constant 0 : index
    %get3A_253 = tpu.vector_load %arg6[%get3A_251, %get3A_252] {strides = array<i32>} : memref<8x128xi32, #tpu.memory_space<vmem>>, vector<16xi32>,
    tpu.vector_store_idx %arg8[%get3A_253], %broadcast_in_dim3A_90 {add = true} : memref<1024xf32, #tpu.memory_space<vmem>>[vector<16xi32>], vector<16xf32>,
    %get3A_254 = arith.constant 5 : i32
    %get3A_255 = arith.index_cast %get3A_254 : i32 to index
    %get3A_256 = arith.constant 16 : index
    %get3A_257 = tpu.vector_load %arg6[%get3A_255, %get3A_256] {strides = array<i32>} : memref<8x128xi32, #tpu.memory_space<vmem>>, vector<16xi32>,
    tpu.vector_store_idx %arg8[%get3A_257], %broadcast_in_dim3A_90 {add = true} : memref<1024xf32, #tpu.memory_space<vmem>>[vector<16xi32>], vector<16xf32>,
    %get3A_258 = arith.constant 5 : i32
    %get3A_259 = arith.index_cast %get3A_258 : i32 to index
    %get3A_260 = arith.constant 32 : index
    %get3A_261 = tpu.vector_load %arg6[%get3A_259, %get3A_260] {strides = array<i32>} : memref<8x128xi32, #tpu.memory_space<vmem>>, vector<16xi32>,
    tpu.vector_store_idx %arg8[%get3A_261], %broadcast_in_dim3A_90 {add = true} : memref<1024xf32, #tpu.memory_space<vmem>>[vector<16xi32>], vector<16xf32>,
    %get3A_262 = arith.constant 5 : i32
    %get3A_263 = arith.index_cast %get3A_262 : i32 to index
    %get3A_264 = arith.constant 48 : index
    %get3A_265 = tpu.vector_load %arg6[%get3A_263, %get3A_264] {strides = array<i32>} : memref<8x128xi32, #tpu.memory_space<vmem>>, vector<16xi32>,
    tpu.vector_store_idx %arg8[%get3A_265], %broadcast_in_dim3A_90 {add = true} : memref<1024xf32, #tpu.memory_space<vmem>>[vector<16xi32>], vector<16xf32>,
    %get3A_266 = arith.constant 5 : i32
    %get3A_267 = arith.index_cast %get3A_266 : i32 to index
    %get3A_268 = arith.constant 64 : index
    %get3A_269 = tpu.vector_load %arg6[%get3A_267, %get3A_268] {strides = array<i32>} : memref<8x128xi32, #tpu.memory_space<vmem>>, vector<16xi32>,
    tpu.vector_store_idx %arg8[%get3A_269], %broadcast_in_dim3A_90 {add = true} : memref<1024xf32, #tpu.memory_space<vmem>>[vector<16xi32>], vector<16xf32>,
    %get3A_270 = arith.constant 5 : i32
    %get3A_271 = arith.index_cast %get3A_270 : i32 to index
    %get3A_272 = arith.constant 80 : index
    %get3A_273 = tpu.vector_load %arg6[%get3A_271, %get3A_272] {strides = array<i32>} : memref<8x128xi32, #tpu.memory_space<vmem>>, vector<16xi32>,
    tpu.vector_store_idx %arg8[%get3A_273], %broadcast_in_dim3A_90 {add = true} : memref<1024xf32, #tpu.memory_space<vmem>>[vector<16xi32>], vector<16xf32>,
    %get3A_274 = arith.constant 5 : i32
    %get3A_275 = arith.index_cast %get3A_274 : i32 to index
    %get3A_276 = arith.constant 96 : index
    %get3A_277 = tpu.vector_load %arg6[%get3A_275, %get3A_276] {strides = array<i32>} : memref<8x128xi32, #tpu.memory_space<vmem>>, vector<16xi32>,
    tpu.vector_store_idx %arg8[%get3A_277], %broadcast_in_dim3A_90 {add = true} : memref<1024xf32, #tpu.memory_space<vmem>>[vector<16xi32>], vector<16xf32>,
    %get3A_278 = arith.constant 5 : i32
    %get3A_279 = arith.index_cast %get3A_278 : i32 to index
    %get3A_280 = arith.constant 112 : index
    %get3A_281 = tpu.vector_load %arg6[%get3A_279, %get3A_280] {strides = array<i32>} : memref<8x128xi32, #tpu.memory_space<vmem>>, vector<16xi32>,
    tpu.vector_store_idx %arg8[%get3A_281], %broadcast_in_dim3A_90 {add = true} : memref<1024xf32, #tpu.memory_space<vmem>>[vector<16xi32>], vector<16xf32>,
    %get3A_282 = arith.constant 6 : i32
    %get3A_283 = arith.index_cast %get3A_282 : i32 to index
    %get3A_284 = arith.constant 0 : index
    %get3A_285 = tpu.vector_load %arg6[%get3A_283, %get3A_284] {strides = array<i32>} : memref<8x128xi32, #tpu.memory_space<vmem>>, vector<16xi32>,
    tpu.vector_store_idx %arg8[%get3A_285], %broadcast_in_dim3A_90 {add = true} : memref<1024xf32, #tpu.memory_space<vmem>>[vector<16xi32>], vector<16xf32>,
    %get3A_286 = arith.constant 6 : i32
    %get3A_287 = arith.index_cast %get3A_286 : i32 to index
    %get3A_288 = arith.constant 16 : index
    %get3A_289 = tpu.vector_load %arg6[%get3A_287, %get3A_288] {strides = array<i32>} : memref<8x128xi32, #tpu.memory_space<vmem>>, vector<16xi32>,
    tpu.vector_store_idx %arg8[%get3A_289], %broadcast_in_dim3A_90 {add = true} : memref<1024xf32, #tpu.memory_space<vmem>>[vector<16xi32>], vector<16xf32>,
    %get3A_290 = arith.constant 6 : i32
    %get3A_291 = arith.index_cast %get3A_290 : i32 to index
    %get3A_292 = arith.constant 32 : index
    %get3A_293 = tpu.vector_load %arg6[%get3A_291, %get3A_292] {strides = array<i32>} : memref<8x128xi32, #tpu.memory_space<vmem>>, vector<16xi32>,
    tpu.vector_store_idx %arg8[%get3A_293], %broadcast_in_dim3A_90 {add = true} : memref<1024xf32, #tpu.memory_space<vmem>>[vector<16xi32>], vector<16xf32>,
    %get3A_294 = arith.constant 6 : i32
    %get3A_295 = arith.index_cast %get3A_294 : i32 to index
    %get3A_296 = arith.constant 48 : index
    %get3A_297 = tpu.vector_load %arg6[%get3A_295, %get3A_296] {strides = array<i32>} : memref<8x128xi32, #tpu.memory_space<vmem>>, vector<16xi32>,
    tpu.vector_store_idx %arg8[%get3A_297], %broadcast_in_dim3A_90 {add = true} : memref<1024xf32, #tpu.memory_space<vmem>>[vector<16xi32>], vector<16xf32>,
    %get3A_298 = arith.constant 6 : i32
    %get3A_299 = arith.index_cast %get3A_298 : i32 to index
    %get3A_300 = arith.constant 64 : index
    %get3A_301 = tpu.vector_load %arg6[%get3A_299, %get3A_300] {strides = array<i32>} : memref<8x128xi32, #tpu.memory_space<vmem>>, vector<16xi32>,
    tpu.vector_store_idx %arg8[%get3A_301], %broadcast_in_dim3A_90 {add = true} : memref<1024xf32, #tpu.memory_space<vmem>>[vector<16xi32>], vector<16xf32>,
    %get3A_302 = arith.constant 6 : i32
    %get3A_303 = arith.index_cast %get3A_302 : i32 to index
    %get3A_304 = arith.constant 80 : index
    %get3A_305 = tpu.vector_load %arg6[%get3A_303, %get3A_304] {strides = array<i32>} : memref<8x128xi32, #tpu.memory_space<vmem>>, vector<16xi32>,
    tpu.vector_store_idx %arg8[%get3A_305], %broadcast_in_dim3A_90 {add = true} : memref<1024xf32, #tpu.memory_space<vmem>>[vector<16xi32>], vector<16xf32>,
    %get3A_306 = arith.constant 6 : i32
    %get3A_307 = arith.index_cast %get3A_306 : i32 to index
    %get3A_308 = arith.constant 96 : index
    %get3A_309 = tpu.vector_load %arg6[%get3A_307, %get3A_308] {strides = array<i32>} : memref<8x128xi32, #tpu.memory_space<vmem>>, vector<16xi32>,
    tpu.vector_store_idx %arg8[%get3A_309], %broadcast_in_dim3A_90 {add = true} : memref<1024xf32, #tpu.memory_space<vmem>>[vector<16xi32>], vector<16xf32>,
    %get3A_310 = arith.constant 6 : i32
    %get3A_311 = arith.index_cast %get3A_310 : i32 to index
    %get3A_312 = arith.constant 112 : index
    %get3A_313 = tpu.vector_load %arg6[%get3A_311, %get3A_312] {strides = array<i32>} : memref<8x128xi32, #tpu.memory_space<vmem>>, vector<16xi32>,
    tpu.vector_store_idx %arg8[%get3A_313], %broadcast_in_dim3A_90 {add = true} : memref<1024xf32, #tpu.memory_space<vmem>>[vector<16xi32>], vector<16xf32>,
    %get3A_314 = arith.constant 7 : i32
    %get3A_315 = arith.index_cast %get3A_314 : i32 to index
    %get3A_316 = arith.constant 0 : index
    %get3A_317 = tpu.vector_load %arg6[%get3A_315, %get3A_316] {strides = array<i32>} : memref<8x128xi32, #tpu.memory_space<vmem>>, vector<16xi32>,
    tpu.vector_store_idx %arg8[%get3A_317], %broadcast_in_dim3A_90 {add = true} : memref<1024xf32, #tpu.memory_space<vmem>>[vector<16xi32>], vector<16xf32>,
    %get3A_318 = arith.constant 7 : i32
    %get3A_319 = arith.index_cast %get3A_318 : i32 to index
    %get3A_320 = arith.constant 16 : index
    %get3A_321 = tpu.vector_load %arg6[%get3A_319, %get3A_320] {strides = array<i32>} : memref<8x128xi32, #tpu.memory_space<vmem>>, vector<16xi32>,
    tpu.vector_store_idx %arg8[%get3A_321], %broadcast_in_dim3A_90 {add = true} : memref<1024xf32, #tpu.memory_space<vmem>>[vector<16xi32>], vector<16xf32>,
    %get3A_322 = arith.constant 7 : i32
    %get3A_323 = arith.index_cast %get3A_322 : i32 to index
    %get3A_324 = arith.constant 32 : index
    %get3A_325 = tpu.vector_load %arg6[%get3A_323, %get3A_324] {strides = array<i32>} : memref<8x128xi32, #tpu.memory_space<vmem>>, vector<16xi32>,
    tpu.vector_store_idx %arg8[%get3A_325], %broadcast_in_dim3A_90 {add = true} : memref<1024xf32, #tpu.memory_space<vmem>>[vector<16xi32>], vector<16xf32>,
    %get3A_326 = arith.constant 7 : i32
    %get3A_327 = arith.index_cast %get3A_326 : i32 to index
    %get3A_328 = arith.constant 48 : index
    %get3A_329 = tpu.vector_load %arg6[%get3A_327, %get3A_328] {strides = array<i32>} : memref<8x128xi32, #tpu.memory_space<vmem>>, vector<16xi32>,
    tpu.vector_store_idx %arg8[%get3A_329], %broadcast_in_dim3A_90 {add = true} : memref<1024xf32, #tpu.memory_space<vmem>>[vector<16xi32>], vector<16xf32>,
    %get3A_330 = arith.constant 7 : i32
    %get3A_331 = arith.index_cast %get3A_330 : i32 to index
    %get3A_332 = arith.constant 64 : index
    %get3A_333 = tpu.vector_load %arg6[%get3A_331, %get3A_332] {strides = array<i32>} : memref<8x128xi32, #tpu.memory_space<vmem>>, vector<16xi32>,
    tpu.vector_store_idx %arg8[%get3A_333], %broadcast_in_dim3A_90 {add = true} : memref<1024xf32, #tpu.memory_space<vmem>>[vector<16xi32>], vector<16xf32>,
    %get3A_334 = arith.constant 7 : i32
    %get3A_335 = arith.index_cast %get3A_334 : i32 to index
    %get3A_336 = arith.constant 80 : index
    %get3A_337 = tpu.vector_load %arg6[%get3A_335, %get3A_336] {strides = array<i32>} : memref<8x128xi32, #tpu.memory_space<vmem>>, vector<16xi32>,
    tpu.vector_store_idx %arg8[%get3A_337], %broadcast_in_dim3A_90 {add = true} : memref<1024xf32, #tpu.memory_space<vmem>>[vector<16xi32>], vector<16xf32>,
    %get3A_338 = arith.constant 7 : i32
    %get3A_339 = arith.index_cast %get3A_338 : i32 to index
    %get3A_340 = arith.constant 96 : index
    %get3A_341 = tpu.vector_load %arg6[%get3A_339, %get3A_340] {strides = array<i32>} : memref<8x128xi32, #tpu.memory_space<vmem>>, vector<16xi32>,
    tpu.vector_store_idx %arg8[%get3A_341], %broadcast_in_dim3A_90 {add = true} : memref<1024xf32, #tpu.memory_space<vmem>>[vector<16xi32>], vector<16xf32>,
    %get3A_342 = arith.constant 7 : i32
    %get3A_343 = arith.index_cast %get3A_342 : i32 to index
    %get3A_344 = arith.constant 112 : index
    %get3A_345 = tpu.vector_load %arg6[%get3A_343, %get3A_344] {strides = array<i32>} : memref<8x128xi32, #tpu.memory_space<vmem>>, vector<16xi32>,
    tpu.vector_store_idx %arg8[%get3A_345], %broadcast_in_dim3A_90 {add = true} : memref<1024xf32, #tpu.memory_space<vmem>>[vector<16xi32>], vector<16xf32>,
    %dma_wait3A = arith.constant 0 : i32
    %dma_wait3A_346 = arith.constant 0 : i32
    %dma_wait3A_347 = arith.constant 0 : i32
    %dma_wait3A_348 = tpu.memref_slice %arg7[%dma_wait3A_346, %dma_wait3A_347] : memref<1024x64xf32, #tpu.memory_space<vmem>> -> memref<128x64xf32, #tpu.memory_space<vmem>>
    %dma_wait3A_349 = arith.constant 0 : i32
    %dma_wait3A_350 = tpu.memref_slice %arg6[%dma_wait3A, %dma_wait3A_349] : memref<8x128xi32, #tpu.memory_space<vmem>> -> memref<1x128xi32, #tpu.memory_space<vmem>>
    %dma_wait3A_351 = tpu.memref_squeeze %dma_wait3A_350 : memref<1x128xi32, #tpu.memory_space<vmem>> -> memref<128xi32, #tpu.memory_space<vmem>>
    %dma_wait3A_352 = arith.constant 0 : i32
    %dma_wait3A_353 = arith.constant 0 : i32
    %dma_wait3A_354 = tpu.memref_slice %arg2[%dma_wait3A_352, %dma_wait3A_353] : memref<1024x64xf32, #tpu.memory_space<hbm>> -> memref<1024x64xf32, #tpu.memory_space<hbm>>
    tpu.wait_indirect_dma semaphore(%arg9 : memref<!tpu.dma_semaphore, #tpu.memory_space<semaphore_mem>>) src(%dma_wait3A_354 : memref<1024x64xf32, #tpu.memory_space<hbm>>) dst(%dma_wait3A_348 : memref<128x64xf32, #tpu.memory_space<vmem>>)
    %dma_wait3A_355 = arith.constant 1 : i32
    %dma_wait3A_356 = arith.constant 128 : i32
    %dma_wait3A_357 = arith.constant 0 : i32
    %dma_wait3A_358 = tpu.memref_slice %arg7[%dma_wait3A_356, %dma_wait3A_357] : memref<1024x64xf32, #tpu.memory_space<vmem>> -> memref<128x64xf32, #tpu.memory_space<vmem>>
    %dma_wait3A_359 = arith.constant 0 : i32
    %dma_wait3A_360 = tpu.memref_slice %arg6[%dma_wait3A_355, %dma_wait3A_359] : memref<8x128xi32, #tpu.memory_space<vmem>> -> memref<1x128xi32, #tpu.memory_space<vmem>>
    %dma_wait3A_361 = tpu.memref_squeeze %dma_wait3A_360 : memref<1x128xi32, #tpu.memory_space<vmem>> -> memref<128xi32, #tpu.memory_space<vmem>>
    %dma_wait3A_362 = arith.constant 0 : i32
    %dma_wait3A_363 = arith.constant 0 : i32
    %dma_wait3A_364 = tpu.memref_slice %arg2[%dma_wait3A_362, %dma_wait3A_363] : memref<1024x64xf32, #tpu.memory_space<hbm>> -> memref<1024x64xf32, #tpu.memory_space<hbm>>
    tpu.wait_indirect_dma semaphore(%arg9 : memref<!tpu.dma_semaphore, #tpu.memory_space<semaphore_mem>>) src(%dma_wait3A_364 : memref<1024x64xf32, #tpu.memory_space<hbm>>) dst(%dma_wait3A_358 : memref<128x64xf32, #tpu.memory_space<vmem>>)
    %dma_wait3A_365 = arith.constant 2 : i32
    %dma_wait3A_366 = arith.constant 256 : i32
    %dma_wait3A_367 = arith.constant 0 : i32
    %dma_wait3A_368 = tpu.memref_slice %arg7[%dma_wait3A_366, %dma_wait3A_367] : memref<1024x64xf32, #tpu.memory_space<vmem>> -> memref<128x64xf32, #tpu.memory_space<vmem>>
    %dma_wait3A_369 = arith.constant 0 : i32
    %dma_wait3A_370 = tpu.memref_slice %arg6[%dma_wait3A_365, %dma_wait3A_369] : memref<8x128xi32, #tpu.memory_space<vmem>> -> memref<1x128xi32, #tpu.memory_space<vmem>>
    %dma_wait3A_371 = tpu.memref_squeeze %dma_wait3A_370 : memref<1x128xi32, #tpu.memory_space<vmem>> -> memref<128xi32, #tpu.memory_space<vmem>>
    %dma_wait3A_372 = arith.constant 0 : i32
    %dma_wait3A_373 = arith.constant 0 : i32
    %dma_wait3A_374 = tpu.memref_slice %arg2[%dma_wait3A_372, %dma_wait3A_373] : memref<1024x64xf32, #tpu.memory_space<hbm>> -> memref<1024x64xf32, #tpu.memory_space<hbm>>
    tpu.wait_indirect_dma semaphore(%arg9 : memref<!tpu.dma_semaphore, #tpu.memory_space<semaphore_mem>>) src(%dma_wait3A_374 : memref<1024x64xf32, #tpu.memory_space<hbm>>) dst(%dma_wait3A_368 : memref<128x64xf32, #tpu.memory_space<vmem>>)
    %dma_wait3A_375 = arith.constant 3 : i32
    %dma_wait3A_376 = arith.constant 384 : i32
    %dma_wait3A_377 = arith.constant 0 : i32
    %dma_wait3A_378 = tpu.memref_slice %arg7[%dma_wait3A_376, %dma_wait3A_377] : memref<1024x64xf32, #tpu.memory_space<vmem>> -> memref<128x64xf32, #tpu.memory_space<vmem>>
    %dma_wait3A_379 = arith.constant 0 : i32
    %dma_wait3A_380 = tpu.memref_slice %arg6[%dma_wait3A_375, %dma_wait3A_379] : memref<8x128xi32, #tpu.memory_space<vmem>> -> memref<1x128xi32, #tpu.memory_space<vmem>>
    %dma_wait3A_381 = tpu.memref_squeeze %dma_wait3A_380 : memref<1x128xi32, #tpu.memory_space<vmem>> -> memref<128xi32, #tpu.memory_space<vmem>>
    %dma_wait3A_382 = arith.constant 0 : i32
    %dma_wait3A_383 = arith.constant 0 : i32
    %dma_wait3A_384 = tpu.memref_slice %arg2[%dma_wait3A_382, %dma_wait3A_383] : memref<1024x64xf32, #tpu.memory_space<hbm>> -> memref<1024x64xf32, #tpu.memory_space<hbm>>
    tpu.wait_indirect_dma semaphore(%arg9 : memref<!tpu.dma_semaphore, #tpu.memory_space<semaphore_mem>>) src(%dma_wait3A_384 : memref<1024x64xf32, #tpu.memory_space<hbm>>) dst(%dma_wait3A_378 : memref<128x64xf32, #tpu.memory_space<vmem>>)
    %dma_wait3A_385 = arith.constant 4 : i32
    %dma_wait3A_386 = arith.constant 512 : i32
    %dma_wait3A_387 = arith.constant 0 : i32
    %dma_wait3A_388 = tpu.memref_slice %arg7[%dma_wait3A_386, %dma_wait3A_387] : memref<1024x64xf32, #tpu.memory_space<vmem>> -> memref<128x64xf32, #tpu.memory_space<vmem>>
    %dma_wait3A_389 = arith.constant 0 : i32
    %dma_wait3A_390 = tpu.memref_slice %arg6[%dma_wait3A_385, %dma_wait3A_389] : memref<8x128xi32, #tpu.memory_space<vmem>> -> memref<1x128xi32, #tpu.memory_space<vmem>>
    %dma_wait3A_391 = tpu.memref_squeeze %dma_wait3A_390 : memref<1x128xi32, #tpu.memory_space<vmem>> -> memref<128xi32, #tpu.memory_space<vmem>>
    %dma_wait3A_392 = arith.constant 0 : i32
    %dma_wait3A_393 = arith.constant 0 : i32
    %dma_wait3A_394 = tpu.memref_slice %arg2[%dma_wait3A_392, %dma_wait3A_393] : memref<1024x64xf32, #tpu.memory_space<hbm>> -> memref<1024x64xf32, #tpu.memory_space<hbm>>
    tpu.wait_indirect_dma semaphore(%arg9 : memref<!tpu.dma_semaphore, #tpu.memory_space<semaphore_mem>>) src(%dma_wait3A_394 : memref<1024x64xf32, #tpu.memory_space<hbm>>) dst(%dma_wait3A_388 : memref<128x64xf32, #tpu.memory_space<vmem>>)
    %dma_wait3A_395 = arith.constant 5 : i32
    %dma_wait3A_396 = arith.constant 640 : i32
    %dma_wait3A_397 = arith.constant 0 : i32
    %dma_wait3A_398 = tpu.memref_slice %arg7[%dma_wait3A_396, %dma_wait3A_397] : memref<1024x64xf32, #tpu.memory_space<vmem>> -> memref<128x64xf32, #tpu.memory_space<vmem>>
    %dma_wait3A_399 = arith.constant 0 : i32
    %dma_wait3A_400 = tpu.memref_slice %arg6[%dma_wait3A_395, %dma_wait3A_399] : memref<8x128xi32, #tpu.memory_space<vmem>> -> memref<1x128xi32, #tpu.memory_space<vmem>>
    %dma_wait3A_401 = tpu.memref_squeeze %dma_wait3A_400 : memref<1x128xi32, #tpu.memory_space<vmem>> -> memref<128xi32, #tpu.memory_space<vmem>>
    %dma_wait3A_402 = arith.constant 0 : i32
    %dma_wait3A_403 = arith.constant 0 : i32
    %dma_wait3A_404 = tpu.memref_slice %arg2[%dma_wait3A_402, %dma_wait3A_403] : memref<1024x64xf32, #tpu.memory_space<hbm>> -> memref<1024x64xf32, #tpu.memory_space<hbm>>
    tpu.wait_indirect_dma semaphore(%arg9 : memref<!tpu.dma_semaphore, #tpu.memory_space<semaphore_mem>>) src(%dma_wait3A_404 : memref<1024x64xf32, #tpu.memory_space<hbm>>) dst(%dma_wait3A_398 : memref<128x64xf32, #tpu.memory_space<vmem>>)
    %dma_wait3A_405 = arith.constant 6 : i32
    %dma_wait3A_406 = arith.constant 768 : i32
    %dma_wait3A_407 = arith.constant 0 : i32
    %dma_wait3A_408 = tpu.memref_slice %arg7[%dma_wait3A_406, %dma_wait3A_407] : memref<1024x64xf32, #tpu.memory_space<vmem>> -> memref<128x64xf32, #tpu.memory_space<vmem>>
    %dma_wait3A_409 = arith.constant 0 : i32
    %dma_wait3A_410 = tpu.memref_slice %arg6[%dma_wait3A_405, %dma_wait3A_409] : memref<8x128xi32, #tpu.memory_space<vmem>> -> memref<1x128xi32, #tpu.memory_space<vmem>>
    %dma_wait3A_411 = tpu.memref_squeeze %dma_wait3A_410 : memref<1x128xi32, #tpu.memory_space<vmem>> -> memref<128xi32, #tpu.memory_space<vmem>>
    %dma_wait3A_412 = arith.constant 0 : i32
    %dma_wait3A_413 = arith.constant 0 : i32
    %dma_wait3A_414 = tpu.memref_slice %arg2[%dma_wait3A_412, %dma_wait3A_413] : memref<1024x64xf32, #tpu.memory_space<hbm>> -> memref<1024x64xf32, #tpu.memory_space<hbm>>
    tpu.wait_indirect_dma semaphore(%arg9 : memref<!tpu.dma_semaphore, #tpu.memory_space<semaphore_mem>>) src(%dma_wait3A_414 : memref<1024x64xf32, #tpu.memory_space<hbm>>) dst(%dma_wait3A_408 : memref<128x64xf32, #tpu.memory_space<vmem>>)
    %dma_wait3A_415 = arith.constant 7 : i32
    %dma_wait3A_416 = arith.constant 896 : i32
    %dma_wait3A_417 = arith.constant 0 : i32
    %dma_wait3A_418 = tpu.memref_slice %arg7[%dma_wait3A_416, %dma_wait3A_417] : memref<1024x64xf32, #tpu.memory_space<vmem>> -> memref<128x64xf32, #tpu.memory_space<vmem>>
    %dma_wait3A_419 = arith.constant 0 : i32
    %dma_wait3A_420 = tpu.memref_slice %arg6[%dma_wait3A_415, %dma_wait3A_419] : memref<8x128xi32, #tpu.memory_space<vmem>> -> memref<1x128xi32, #tpu.memory_space<vmem>>
    %dma_wait3A_421 = tpu.memref_squeeze %dma_wait3A_420 : memref<1x128xi32, #tpu.memory_space<vmem>> -> memref<128xi32, #tpu.memory_space<vmem>>
    %dma_wait3A_422 = arith.constant 0 : i32
    %dma_wait3A_423 = arith.constant 0 : i32
    %dma_wait3A_424 = tpu.memref_slice %arg2[%dma_wait3A_422, %dma_wait3A_423] : memref<1024x64xf32, #tpu.memory_space<hbm>> -> memref<1024x64xf32, #tpu.memory_space<hbm>>
    tpu.wait_indirect_dma semaphore(%arg9 : memref<!tpu.dma_semaphore, #tpu.memory_space<semaphore_mem>>) src(%dma_wait3A_424 : memref<1024x64xf32, #tpu.memory_space<hbm>>) dst(%dma_wait3A_418 : memref<128x64xf32, #tpu.memory_space<vmem>>)
    %mul3A_425 = arith.constant 1024 : i32
    %mul3A_426 = arith.muli %add3A, %mul3A_425 : i32
    "tpu.region"() ({
      %run_scoped3A = tpu.sem_alloc : memref<!tpu.dma_semaphore, #tpu.memory_space<semaphore_mem>>
      %dma_start3A_427 = arith.constant 0 : i32
      %dma_start3A_428 = tpu.memref_slice %arg4[%mul3A_426, %dma_start3A_427] : memref<32768x64xf32, #tpu.memory_space<hbm>> -> memref<1024x64xf32, #tpu.memory_space<hbm>>
      %dma_start3A_429 = arith.constant 0 : i32
      %dma_start3A_430 = tpu.memref_slice %arg4[%mul3A_426, %dma_start3A_429] : memref<32768x64xf32, #tpu.memory_space<hbm>> -> memref<1024x64xf32, #tpu.memory_space<hbm>>
      tpu.enqueue_dma source(%arg7 : memref<1024x64xf32, #tpu.memory_space<vmem>>) target(%dma_start3A_430 : memref<1024x64xf32, #tpu.memory_space<hbm>>) target_semaphore(%run_scoped3A : memref<!tpu.dma_semaphore, #tpu.memory_space<semaphore_mem>>)
      %dma_wait3A_431 = arith.constant 0 : i32
      %dma_wait3A_432 = tpu.memref_slice %arg4[%mul3A_426, %dma_wait3A_431] : memref<32768x64xf32, #tpu.memory_space<hbm>> -> memref<1024x64xf32, #tpu.memory_space<hbm>>
      %dma_wait3A_433 = arith.constant 0 : i32
      %dma_wait3A_434 = tpu.memref_slice %arg4[%mul3A_426, %dma_wait3A_433] : memref<32768x64xf32, #tpu.memory_space<hbm>> -> memref<1024x64xf32, #tpu.memory_space<hbm>>
      tpu.wait_dma2 semaphore(%run_scoped3A : memref<!tpu.dma_semaphore, #tpu.memory_space<semaphore_mem>>) src(%arg7 : memref<1024x64xf32, #tpu.memory_space<vmem>>) dst(%dma_wait3A_434 : memref<1024x64xf32, #tpu.memory_space<hbm>>)
      tpu.yield
    }) : () -> ()
    "tpu.region"() ({
      %run_scoped3A = tpu.sem_alloc : memref<!tpu.dma_semaphore, #tpu.memory_space<semaphore_mem>>
      %dma_start3A_427 = arith.constant 0 : i32
      %dma_start3A_428 = tpu.memref_slice %arg5[%add3A, %dma_start3A_427] : memref<32x1024xf32, #tpu.memory_space<hbm>> -> memref<1x1024xf32, #tpu.memory_space<hbm>>
      %dma_start3A_429 = tpu.memref_squeeze %dma_start3A_428 : memref<1x1024xf32, #tpu.memory_space<hbm>> -> memref<1024xf32, #tpu.memory_space<hbm>>
      %dma_start3A_430 = arith.constant 0 : i32
      %dma_start3A_431 = tpu.memref_slice %arg5[%add3A, %dma_start3A_430] : memref<32x1024xf32, #tpu.memory_space<hbm>> -> memref<1x1024xf32, #tpu.memory_space<hbm>>
      %dma_start3A_432 = tpu.memref_squeeze %dma_start3A_431 : memref<1x1024xf32, #tpu.memory_space<hbm>> -> memref<1024xf32, #tpu.memory_space<hbm>>
      tpu.enqueue_dma source(%arg8 : memref<1024xf32, #tpu.memory_space<vmem>>) target(%dma_start3A_432 : memref<1024xf32, #tpu.memory_space<hbm>>) target_semaphore(%run_scoped3A : memref<!tpu.dma_semaphore, #tpu.memory_space<semaphore_mem>>)
      %dma_wait3A_433 = arith.constant 0 : i32
      %dma_wait3A_434 = tpu.memref_slice %arg5[%add3A, %dma_wait3A_433] : memref<32x1024xf32, #tpu.memory_space<hbm>> -> memref<1x1024xf32, #tpu.memory_space<hbm>>
      %dma_wait3A_435 = tpu.memref_squeeze %dma_wait3A_434 : memref<1x1024xf32, #tpu.memory_space<hbm>> -> memref<1024xf32, #tpu.memory_space<hbm>>
      %dma_wait3A_436 = arith.constant 0 : i32
      %dma_wait3A_437 = tpu.memref_slice %arg5[%add3A, %dma_wait3A_436] : memref<32x1024xf32, #tpu.memory_space<hbm>> -> memref<1x1024xf32, #tpu.memory_space<hbm>>
      %dma_wait3A_438 = tpu.memref_squeeze %dma_wait3A_437 : memref<1x1024xf32, #tpu.memory_space<hbm>> -> memref<1024xf32, #tpu.memory_space<hbm>>
      tpu.wait_dma2 semaphore(%run_scoped3A : memref<!tpu.dma_semaphore, #tpu.memory_space<semaphore_mem>>) src(%arg8 : memref<1024xf32, #tpu.memory_space<vmem>>) dst(%dma_wait3A_438 : memref<1024xf32, #tpu.memory_space<hbm>>)
      tpu.yield
    }) : () -> ()
    return
  }
}

module attributes {stable_mosaic.version = 14 : i64} {
  func.func @_dist0_kernel(%arg0: i32, %arg1: memref<4096x64xf32, #tpu.memory_space<vmem>>, %arg2: memref<1024x64xf32, #tpu.memory_space<vmem>>, %arg3: memref<1x1024xf32, #tpu.memory_space<vmem>>, %arg4: memref<1x1x4096xi32, #tpu.memory_space<vmem>>) attributes {dimension_semantics = [#tpu.dimension_semantics<arbitrary>], iteration_bounds = array<i64: 8>, scalar_prefetch = 0 : i64, scratch_operands = 0 : i64, tpu.core_type = #tpu.core_type<tc>, window_params = [{transform_indices = @transform_0, window_bounds = array<i64: 4096, 64>}, {pipeline_mode = #tpu.pipeline_mode<synchronous>, transform_indices = @transform_1, window_bounds = array<i64: 1024, 64>}, {pipeline_mode = #tpu.pipeline_mode<synchronous>, transform_indices = @transform_2, window_bounds = array<i64: 1, 1024>}, {transform_indices = @transform_3, window_bounds = array<i64: 1, 1, 4096>}]} {
    %get3A = arith.constant 0 : index
    %get3A_0 = arith.constant 0 : index
    %get3A_1 = vector.load %arg1[%get3A, %get3A_0] : memref<4096x64xf32, #tpu.memory_space<vmem>>, vector<4096x64xf32>
    %get3A_2 = arith.constant 0 : index
    %get3A_3 = arith.constant 0 : index
    %get3A_4 = vector.load %arg2[%get3A_2, %get3A_3] : memref<1024x64xf32, #tpu.memory_space<vmem>>, vector<1024x64xf32>
    %dot_general3A = arith.constant dense<0.000000e+00> : vector<4096x1024xf32>
    %dot_general3A_5 = tpu.matmul %get3A_1, %get3A_4, %dot_general3A {dimension_numbers = #tpu.dot_dimension_numbers<[1], [1], [0], [0], [0, 0, 1, 0], [], []>, transpose_lhs_hint = false} : vector<4096x64xf32>, vector<1024x64xf32>, vector<4096x1024xf32> -> vector<4096x1024xf32>
    %mul3A = arith.mulf %get3A_1, %get3A_1 : vector<4096x64xf32>
    %reduce_sum3A = arith.constant dense<0.000000e+00> : vector<4096xf32>
    %reduce_sum3A_6 = vector.multi_reduction <add>, %mul3A, %reduce_sum3A [1] : vector<4096x64xf32> to vector<4096xf32>
    %broadcast_in_dim3A = vector.shape_cast %reduce_sum3A_6 : vector<4096xf32> to vector<4096x1xf32>
    %get3A_7 = arith.constant 0 : index
    %get3A_8 = arith.constant 0 : index
    %get3A_9 = vector.load %arg3[%get3A_7, %get3A_8] : memref<1x1024xf32, #tpu.memory_space<vmem>>, vector<1x1024xf32>
    %add3A = vector.broadcast %broadcast_in_dim3A : vector<4096x1xf32> to vector<4096x1024xf32>
    %add3A_10 = vector.broadcast %get3A_9 : vector<1x1024xf32> to vector<4096x1024xf32>
    %add3A_11 = arith.addf %add3A, %add3A_10 : vector<4096x1024xf32>
    %add3A_12 = arith.addf %add3A_11, %dot_general3A_5 : vector<4096x1024xf32>
    %reduce_min3A = arith.constant dense<0x7F800000> : vector<4096xf32>
    %reduce_min3A_13 = vector.multi_reduction <minimumf>, %add3A_12, %reduce_min3A [1] : vector<4096x1024xf32> to vector<4096xf32>
    %broadcast_in_dim3A_14 = vector.shape_cast %reduce_min3A_13 : vector<4096xf32> to vector<4096x1xf32>
    %iota3A = tpu.iota {dimensions = array<i32: 1>} : vector<1x1024xi32>
    %convert_element_type3A = arith.sitofp %iota3A : vector<1x1024xi32> to vector<1x1024xf32>
    %le3A = vector.broadcast %broadcast_in_dim3A_14 : vector<4096x1xf32> to vector<4096x1024xf32>
    %le3A_15 = arith.cmpf ole, %add3A_12, %le3A : vector<4096x1024xf32>
    %jit3A = arith.constant 1.024000e+03 : f32
    %broadcast_in_dim3A_16 = vector.shape_cast %convert_element_type3A : vector<1x1024xf32> to vector<1x1024xf32>
    %broadcast_in_dim3A_17 = vector.broadcast %broadcast_in_dim3A_16 : vector<1x1024xf32> to vector<4096x1024xf32>
    %broadcast_in_dim3A_18 = vector.broadcast %jit3A : f32 to vector<4096x1024xf32>
    %select_n3A = arith.select %le3A_15, %broadcast_in_dim3A_17, %broadcast_in_dim3A_18 : vector<4096x1024xi1>, vector<4096x1024xf32>
    %reduce_min3A_19 = arith.constant dense<0x7F800000> : vector<4096xf32>
    %reduce_min3A_20 = vector.multi_reduction <minimumf>, %select_n3A, %reduce_min3A_19 [1] : vector<4096x1024xf32> to vector<4096xf32>
    %convert_element_type3A_21 = arith.fptosi %reduce_min3A_20 : vector<4096xf32> to vector<4096xi32>
    %swap3A = arith.constant 0 : index
    %swap3A_22 = arith.constant 0 : index
    %swap3A_23 = arith.constant 0 : index
    %swap3A_24 = vector.load %arg4[%swap3A, %swap3A_22, %swap3A_23] : memref<1x1x4096xi32, #tpu.memory_space<vmem>>, vector<1x1x4096xi32>
    %swap3A_25 = vector.shape_cast %swap3A_24 : vector<1x1x4096xi32> to vector<4096xi32>
    %swap3A_26 = vector.shape_cast %convert_element_type3A_21 : vector<4096xi32> to vector<1x1x4096xi32>
    tpu.vector_store %arg4[%swap3A, %swap3A_22, %swap3A_23], %swap3A_26 {strides = array<i32>} : memref<1x1x4096xi32, #tpu.memory_space<vmem>>, vector<1x1x4096xi32>,
    return
  }
  func.func @transform_0(%arg0: i32) -> (i32, i32) {
    %c0_i32 = arith.constant 0 : i32
    %c0_i32_0 = arith.constant 0 : i32
    return %arg0, %c0_i32 : i32, i32
  }
  func.func @transform_1(%arg0: i32) -> (i32, i32) {
    %c0_i32 = arith.constant 0 : i32
    %c0_i32_0 = arith.constant 0 : i32
    %c0_i32_1 = arith.constant 0 : i32
    return %c0_i32, %c0_i32_0 : i32, i32
  }
  func.func @transform_2(%arg0: i32) -> (i32, i32) {
    %c0_i32 = arith.constant 0 : i32
    %c0_i32_0 = arith.constant 0 : i32
    %c0_i32_1 = arith.constant 0 : i32
    return %c0_i32, %c0_i32_0 : i32, i32
  }
  func.func @transform_3(%arg0: i32) -> (i32, i32, i32) {
    %c0_i32 = arith.constant 0 : i32
    %c0_i32_0 = arith.constant 0 : i32
    %c0_i32_1 = arith.constant 0 : i32
    return %arg0, %c0_i32, %c0_i32_0 : i32, i32, i32
  }
}

module attributes {stable_mosaic.version = 14 : i64} {
  func.func @_dist_kernel(%arg0: i32, %arg1: memref<4096x64xf32, #tpu.memory_space<vmem>>, %arg2: memref<4096x64xf32, #tpu.memory_space<vmem>>, %arg3: memref<1024x64xf32, #tpu.memory_space<vmem>>, %arg4: memref<1x1024xf32, #tpu.memory_space<vmem>>, %arg5: memref<4096x64xf32, #tpu.memory_space<vmem>>, %arg6: memref<1x1x4096xi32, #tpu.memory_space<vmem>>, %arg7: memref<1x1xf32, #tpu.memory_space<smem>>) attributes {dimension_semantics = [#tpu.dimension_semantics<arbitrary>], iteration_bounds = array<i64: 8>, scalar_prefetch = 0 : i64, scratch_operands = 0 : i64, tpu.core_type = #tpu.core_type<tc>, window_params = [{transform_indices = @transform_0, window_bounds = array<i64: 4096, 64>}, {transform_indices = @transform_1, window_bounds = array<i64: 4096, 64>}, {pipeline_mode = #tpu.pipeline_mode<synchronous>, transform_indices = @transform_2, window_bounds = array<i64: 1024, 64>}, {pipeline_mode = #tpu.pipeline_mode<synchronous>, transform_indices = @transform_3, window_bounds = array<i64: 1, 1024>}, {transform_indices = @transform_4, window_bounds = array<i64: 4096, 64>}, {transform_indices = @transform_5, window_bounds = array<i64: 1, 1, 4096>}, {transform_indices = @transform_6, window_bounds = array<i64: 1, 1>}]} {
    %get3A = arith.constant 0 : index
    %get3A_0 = arith.constant 0 : index
    %get3A_1 = vector.load %arg1[%get3A, %get3A_0] : memref<4096x64xf32, #tpu.memory_space<vmem>>, vector<4096x64xf32>
    %get3A_2 = arith.constant 0 : index
    %get3A_3 = arith.constant 0 : index
    %get3A_4 = vector.load %arg2[%get3A_2, %get3A_3] : memref<4096x64xf32, #tpu.memory_space<vmem>>, vector<4096x64xf32>
    %sub3A = arith.subf %get3A_1, %get3A_4 : vector<4096x64xf32>
    %swap3A = arith.constant 0 : index
    %swap3A_5 = arith.constant 0 : index
    %swap3A_6 = vector.load %arg5[%swap3A, %swap3A_5] : memref<4096x64xf32, #tpu.memory_space<vmem>>, vector<4096x64xf32>
    tpu.vector_store %arg5[%swap3A, %swap3A_5], %sub3A {strides = array<i32>} : memref<4096x64xf32, #tpu.memory_space<vmem>>, vector<4096x64xf32>,
    %get3A_7 = arith.constant 0 : index
    %get3A_8 = arith.constant 0 : index
    %get3A_9 = vector.load %arg3[%get3A_7, %get3A_8] : memref<1024x64xf32, #tpu.memory_space<vmem>>, vector<1024x64xf32>
    %dot_general3A = arith.constant dense<0.000000e+00> : vector<4096x1024xf32>
    %dot_general3A_10 = tpu.matmul %sub3A, %get3A_9, %dot_general3A {dimension_numbers = #tpu.dot_dimension_numbers<[1], [1], [0], [0], [0, 0, 1, 0], [], []>, transpose_lhs_hint = false} : vector<4096x64xf32>, vector<1024x64xf32>, vector<4096x1024xf32> -> vector<4096x1024xf32>
    %mul3A = arith.mulf %sub3A, %sub3A : vector<4096x64xf32>
    %reduce_sum3A = arith.constant dense<0.000000e+00> : vector<4096xf32>
    %reduce_sum3A_11 = vector.multi_reduction <add>, %mul3A, %reduce_sum3A [1] : vector<4096x64xf32> to vector<4096xf32>
    %broadcast_in_dim3A = vector.shape_cast %reduce_sum3A_11 : vector<4096xf32> to vector<4096x1xf32>
    %get3A_12 = arith.constant 0 : index
    %get3A_13 = arith.constant 0 : index
    %get3A_14 = vector.load %arg4[%get3A_12, %get3A_13] : memref<1x1024xf32, #tpu.memory_space<vmem>>, vector<1x1024xf32>
    %add3A = vector.broadcast %broadcast_in_dim3A : vector<4096x1xf32> to vector<4096x1024xf32>
    %add3A_15 = vector.broadcast %get3A_14 : vector<1x1024xf32> to vector<4096x1024xf32>
    %add3A_16 = arith.addf %add3A, %add3A_15 : vector<4096x1024xf32>
    %add3A_17 = arith.addf %add3A_16, %dot_general3A_10 : vector<4096x1024xf32>
    %reduce_min3A = arith.constant dense<0x7F800000> : vector<4096xf32>
    %reduce_min3A_18 = vector.multi_reduction <minimumf>, %add3A_17, %reduce_min3A [1] : vector<4096x1024xf32> to vector<4096xf32>
    %broadcast_in_dim3A_19 = vector.shape_cast %reduce_min3A_18 : vector<4096xf32> to vector<4096x1xf32>
    %iota3A = tpu.iota {dimensions = array<i32: 1>} : vector<1x1024xi32>
    %convert_element_type3A = arith.sitofp %iota3A : vector<1x1024xi32> to vector<1x1024xf32>
    %le3A = vector.broadcast %broadcast_in_dim3A_19 : vector<4096x1xf32> to vector<4096x1024xf32>
    %le3A_20 = arith.cmpf ole, %add3A_17, %le3A : vector<4096x1024xf32>
    %jit3A = arith.constant 1.024000e+03 : f32
    %broadcast_in_dim3A_21 = vector.shape_cast %convert_element_type3A : vector<1x1024xf32> to vector<1x1024xf32>
    %broadcast_in_dim3A_22 = vector.broadcast %broadcast_in_dim3A_21 : vector<1x1024xf32> to vector<4096x1024xf32>
    %broadcast_in_dim3A_23 = vector.broadcast %jit3A : f32 to vector<4096x1024xf32>
    %select_n3A = arith.select %le3A_20, %broadcast_in_dim3A_22, %broadcast_in_dim3A_23 : vector<4096x1024xi1>, vector<4096x1024xf32>
    %reduce_min3A_24 = arith.constant dense<0x7F800000> : vector<4096xf32>
    %reduce_min3A_25 = vector.multi_reduction <minimumf>, %select_n3A, %reduce_min3A_24 [1] : vector<4096x1024xf32> to vector<4096xf32>
    %convert_element_type3A_26 = arith.fptosi %reduce_min3A_25 : vector<4096xf32> to vector<4096xi32>
    %swap3A_27 = arith.constant 0 : index
    %swap3A_28 = arith.constant 0 : index
    %swap3A_29 = arith.constant 0 : index
    %swap3A_30 = vector.load %arg6[%swap3A_27, %swap3A_28, %swap3A_29] : memref<1x1x4096xi32, #tpu.memory_space<vmem>>, vector<1x1x4096xi32>
    %swap3A_31 = vector.shape_cast %swap3A_30 : vector<1x1x4096xi32> to vector<4096xi32>
    %swap3A_32 = vector.shape_cast %convert_element_type3A_26 : vector<4096xi32> to vector<1x1x4096xi32>
    tpu.vector_store %arg6[%swap3A_27, %swap3A_28, %swap3A_29], %swap3A_32 {strides = array<i32>} : memref<1x1x4096xi32, #tpu.memory_space<vmem>>, vector<1x1x4096xi32>,
    %eq3A = arith.constant 0 : i32
    %eq3A_33 = arith.cmpi eq, %arg0, %eq3A : i32
    %convert_element_type3A_34 = arith.extui %eq3A_33 : i1 to i32
    %cond3A = arith.constant 0 : i32
    %cond3A_35 = arith.cmpi ne, %convert_element_type3A_34, %cond3A : i32
    scf.if %cond3A_35 {
      %swap3A_49 = arith.constant 0.000000e+00 : f32
      %swap3A_50 = arith.constant 0 : index
      %swap3A_51 = arith.constant 0 : index
      %swap3A_52 = memref.load %arg7[%swap3A_50, %swap3A_51] : memref<1x1xf32, #tpu.memory_space<smem>>
      memref.store %swap3A_49, %arg7[%swap3A_50, %swap3A_51] : memref<1x1xf32, #tpu.memory_space<smem>>
    } else {
    }
    %get3A_36 = arith.constant 0 : index
    %get3A_37 = arith.constant 0 : index
    %get3A_38 = memref.load %arg7[%get3A_36, %get3A_37] : memref<1x1xf32, #tpu.memory_space<smem>>
    %mul3A_39 = arith.mulf %sub3A, %sub3A : vector<4096x64xf32>
    %reduce_sum3A_40 = vector.shape_cast %mul3A_39 : vector<4096x64xf32> to vector<1x4096x64xf32>
    %reduce_sum3A_41 = arith.constant dense<0.000000e+00> : vector<1xf32>
    %reduce_sum3A_42 = vector.multi_reduction <add>, %reduce_sum3A_40, %reduce_sum3A_41 [1, 2] : vector<1x4096x64xf32> to vector<1xf32>
    %reduce_sum3A_43 = vector.shape_cast %reduce_sum3A_42 : vector<1xf32> to vector<1x1x1xf32>
    %reduce_sum3A_44 = vector.extract %reduce_sum3A_43[0, 0, 0] : f32 from vector<1x1x1xf32>
    %add3A_45 = arith.addf %get3A_38, %reduce_sum3A_44 : f32
    %swap3A_46 = arith.constant 0 : index
    %swap3A_47 = arith.constant 0 : index
    %swap3A_48 = memref.load %arg7[%swap3A_46, %swap3A_47] : memref<1x1xf32, #tpu.memory_space<smem>>
    memref.store %add3A_45, %arg7[%swap3A_46, %swap3A_47] : memref<1x1xf32, #tpu.memory_space<smem>>
    return
  }
  func.func @transform_0(%arg0: i32) -> (i32, i32) {
    %c0_i32 = arith.constant 0 : i32
    %c0_i32_0 = arith.constant 0 : i32
    return %arg0, %c0_i32 : i32, i32
  }
  func.func @transform_1(%arg0: i32) -> (i32, i32) {
    %c0_i32 = arith.constant 0 : i32
    %c0_i32_0 = arith.constant 0 : i32
    return %arg0, %c0_i32 : i32, i32
  }
  func.func @transform_2(%arg0: i32) -> (i32, i32) {
    %c0_i32 = arith.constant 0 : i32
    %c0_i32_0 = arith.constant 0 : i32
    %c0_i32_1 = arith.constant 0 : i32
    return %c0_i32, %c0_i32_0 : i32, i32
  }
  func.func @transform_3(%arg0: i32) -> (i32, i32) {
    %c0_i32 = arith.constant 0 : i32
    %c0_i32_0 = arith.constant 0 : i32
    %c0_i32_1 = arith.constant 0 : i32
    return %c0_i32, %c0_i32_0 : i32, i32
  }
  func.func @transform_4(%arg0: i32) -> (i32, i32) {
    %c0_i32 = arith.constant 0 : i32
    %c0_i32_0 = arith.constant 0 : i32
    return %arg0, %c0_i32 : i32, i32
  }
  func.func @transform_5(%arg0: i32) -> (i32, i32, i32) {
    %c0_i32 = arith.constant 0 : i32
    %c0_i32_0 = arith.constant 0 : i32
    %c0_i32_1 = arith.constant 0 : i32
    return %arg0, %c0_i32, %c0_i32_0 : i32, i32, i32
  }
  func.func @transform_6(%arg0: i32) -> (i32, i32) {
    %c0_i32 = arith.constant 0 : i32
    %c0_i32_0 = arith.constant 0 : i32
    %c0_i32_1 = arith.constant 0 : i32
    return %c0_i32, %c0_i32_0 : i32, i32
  }
}

module attributes {stable_mosaic.version = 14 : i64} {
  func.func @_finish_kernel(%arg0: i32, %arg1: memref<4096x64xf32, #tpu.memory_space<vmem>>, %arg2: memref<4096x64xf32, #tpu.memory_space<vmem>>, %arg3: memref<4096x64xf32, #tpu.memory_space<vmem>>, %arg4: memref<128x1024xf32, #tpu.memory_space<vmem>>, %arg5: memref<1x3xf32, #tpu.memory_space<smem>>, %arg6: memref<4096x64xf32, #tpu.memory_space<vmem>>, %arg7: memref<1x1xf32, #tpu.memory_space<smem>>, %arg8: memref<1x4xf32, #tpu.memory_space<smem>>) attributes {dimension_semantics = [#tpu.dimension_semantics<arbitrary>], iteration_bounds = array<i64: 8>, scalar_prefetch = 0 : i64, scratch_operands = 0 : i64, tpu.core_type = #tpu.core_type<tc>, window_params = [{transform_indices = @transform_0, window_bounds = array<i64: 4096, 64>}, {transform_indices = @transform_1, window_bounds = array<i64: 4096, 64>}, {transform_indices = @transform_2, window_bounds = array<i64: 4096, 64>}, {pipeline_mode = #tpu.pipeline_mode<synchronous>, transform_indices = @transform_3, window_bounds = array<i64: 128, 1024>}, {transform_indices = @transform_4, window_bounds = array<i64: 1, 3>}, {transform_indices = @transform_5, window_bounds = array<i64: 4096, 64>}, {transform_indices = @transform_6, window_bounds = array<i64: 1, 1>}, {transform_indices = @transform_7, window_bounds = array<i64: 1, 4>}]} {
    %get3A = arith.constant 0 : index
    %get3A_0 = arith.constant 0 : index
    %get3A_1 = vector.load %arg2[%get3A, %get3A_0] : memref<4096x64xf32, #tpu.memory_space<vmem>>, vector<4096x64xf32>
    %get3A_2 = arith.constant 0 : index
    %get3A_3 = arith.constant 0 : index
    %get3A_4 = vector.load %arg3[%get3A_2, %get3A_3] : memref<4096x64xf32, #tpu.memory_space<vmem>>, vector<4096x64xf32>
    %sub3A = arith.subf %get3A_1, %get3A_4 : vector<4096x64xf32>
    %get3A_5 = arith.constant 0 : index
    %get3A_6 = arith.constant 0 : index
    %get3A_7 = vector.load %arg1[%get3A_5, %get3A_6] : memref<4096x64xf32, #tpu.memory_space<vmem>>, vector<4096x64xf32>
    %sub3A_8 = arith.subf %get3A_7, %sub3A : vector<4096x64xf32>
    %swap3A = arith.constant 0 : index
    %swap3A_9 = arith.constant 0 : index
    %swap3A_10 = vector.load %arg6[%swap3A, %swap3A_9] : memref<4096x64xf32, #tpu.memory_space<vmem>>, vector<4096x64xf32>
    tpu.vector_store %arg6[%swap3A, %swap3A_9], %sub3A_8 {strides = array<i32>} : memref<4096x64xf32, #tpu.memory_space<vmem>>, vector<4096x64xf32>,
    %eq3A = arith.constant 0 : i32
    %eq3A_11 = arith.cmpi eq, %arg0, %eq3A : i32
    %convert_element_type3A = arith.extui %eq3A_11 : i1 to i32
    %cond3A = arith.constant 0 : i32
    %cond3A_12 = arith.cmpi ne, %convert_element_type3A, %cond3A : i32
    scf.if %cond3A_12 {
      %swap3A_28 = arith.constant 0.000000e+00 : f32
      %swap3A_29 = arith.constant 0 : index
      %swap3A_30 = arith.constant 0 : index
      %swap3A_31 = memref.load %arg7[%swap3A_29, %swap3A_30] : memref<1x1xf32, #tpu.memory_space<smem>>
      memref.store %swap3A_28, %arg7[%swap3A_29, %swap3A_30] : memref<1x1xf32, #tpu.memory_space<smem>>
    } else {
    }
    %get3A_13 = arith.constant 0 : index
    %get3A_14 = arith.constant 0 : index
    %get3A_15 = memref.load %arg7[%get3A_13, %get3A_14] : memref<1x1xf32, #tpu.memory_space<smem>>
    %mul3A = arith.mulf %sub3A, %sub3A : vector<4096x64xf32>
    %reduce_sum3A = vector.shape_cast %mul3A : vector<4096x64xf32> to vector<1x4096x64xf32>
    %reduce_sum3A_16 = arith.constant dense<0.000000e+00> : vector<1xf32>
    %reduce_sum3A_17 = vector.multi_reduction <add>, %reduce_sum3A, %reduce_sum3A_16 [1, 2] : vector<1x4096x64xf32> to vector<1xf32>
    %reduce_sum3A_18 = vector.shape_cast %reduce_sum3A_17 : vector<1xf32> to vector<1x1x1xf32>
    %reduce_sum3A_19 = vector.extract %reduce_sum3A_18[0, 0, 0] : f32 from vector<1x1x1xf32>
    %add3A = arith.addf %get3A_15, %reduce_sum3A_19 : f32
    %swap3A_20 = arith.constant 0 : index
    %swap3A_21 = arith.constant 0 : index
    %swap3A_22 = memref.load %arg7[%swap3A_20, %swap3A_21] : memref<1x1xf32, #tpu.memory_space<smem>>
    memref.store %add3A, %arg7[%swap3A_20, %swap3A_21] : memref<1x1xf32, #tpu.memory_space<smem>>
    %eq3A_23 = arith.constant 7 : i32
    %eq3A_24 = arith.cmpi eq, %arg0, %eq3A_23 : i32
    %convert_element_type3A_25 = arith.extui %eq3A_24 : i1 to i32
    %cond3A_26 = arith.constant 0 : i32
    %cond3A_27 = arith.cmpi ne, %convert_element_type3A_25, %cond3A_26 : i32
    scf.if %cond3A_27 {
      %get3A_28 = arith.constant 0 : index
      %get3A_29 = arith.constant 0 : index
      %get3A_30 = memref.load %arg7[%get3A_28, %get3A_29] : memref<1x1xf32, #tpu.memory_space<smem>>
      %get3A_31 = arith.constant 0 : index
      %get3A_32 = arith.constant 0 : index
      %get3A_33 = memref.load %arg5[%get3A_31, %get3A_32] : memref<1x3xf32, #tpu.memory_space<smem>>
      %add3A_34 = arith.addf %get3A_30, %get3A_33 : f32
      %get3A_35 = arith.constant 0 : index
      %get3A_36 = arith.constant 1 : index
      %get3A_37 = memref.load %arg5[%get3A_35, %get3A_36] : memref<1x3xf32, #tpu.memory_space<smem>>
      %add3A_38 = arith.addf %add3A_34, %get3A_37 : f32
      %get3A_39 = arith.constant 0 : index
      %get3A_40 = arith.constant 2 : index
      %get3A_41 = memref.load %arg5[%get3A_39, %get3A_40] : memref<1x3xf32, #tpu.memory_space<smem>>
      %add3A_42 = arith.addf %add3A_38, %get3A_41 : f32
      %mul3A_43 = arith.constant 2.500000e-01 : f32
      %mul3A_44 = arith.mulf %mul3A_43, %add3A_42 : f32
      %div3A = arith.constant 0x4A000000 : f32
      %div3A_45 = arith.divf %mul3A_44, %div3A : f32
      %swap3A_46 = arith.constant 0 : index
      %swap3A_47 = arith.constant 0 : index
      %swap3A_48 = memref.load %arg7[%swap3A_46, %swap3A_47] : memref<1x1xf32, #tpu.memory_space<smem>>
      memref.store %div3A_45, %arg7[%swap3A_46, %swap3A_47] : memref<1x1xf32, #tpu.memory_space<smem>>
      %get3A_49 = arith.constant 0 : index
      %get3A_50 = arith.constant 0 : index
      %get3A_51 = vector.load %arg4[%get3A_49, %get3A_50] : memref<128x1024xf32, #tpu.memory_space<vmem>>, vector<32x1024xf32>
      %reduce_sum3A_52 = arith.constant dense<0.000000e+00> : vector<1024xf32>
      %reduce_sum3A_53 = vector.multi_reduction <add>, %get3A_51, %reduce_sum3A_52 [0] : vector<32x1024xf32> to vector<1024xf32>
      %mul3A_54 = arith.constant 3.05175781E-5 : f32
      %mul3A_55 = vector.broadcast %mul3A_54 : f32 to vector<1024xf32>
      %mul3A_56 = arith.mulf %reduce_sum3A_53, %mul3A_55 : vector<1024xf32>
      %add3A_57 = arith.constant 1.000000e-10 : f32
      %add3A_58 = vector.broadcast %add3A_57 : f32 to vector<1024xf32>
      %add3A_59 = arith.addf %mul3A_56, %add3A_58 : vector<1024xf32>
      %log3A = math.log %add3A_59 : vector<1024xf32>
      %mul3A_60 = arith.mulf %mul3A_56, %log3A : vector<1024xf32>
      %reduce_sum3A_61 = vector.shape_cast %mul3A_60 : vector<1024xf32> to vector<1x1024xf32>
      %reduce_sum3A_62 = arith.constant dense<0.000000e+00> : vector<1xf32>
      %reduce_sum3A_63 = vector.multi_reduction <add>, %reduce_sum3A_61, %reduce_sum3A_62 [1] : vector<1x1024xf32> to vector<1xf32>
      %reduce_sum3A_64 = vector.shape_cast %reduce_sum3A_63 : vector<1xf32> to vector<1x1xf32>
      %reduce_sum3A_65 = vector.extract %reduce_sum3A_64[0, 0] : f32 from vector<1x1xf32>
      %neg3A = arith.constant 0.000000e+00 : f32
      %neg3A_66 = arith.subf %neg3A, %reduce_sum3A_65 : f32
      %exp3A = math.exp %neg3A_66 : f32
      %swap3A_67 = arith.constant 0 : index
      %swap3A_68 = arith.constant 0 : index
      %swap3A_69 = memref.load %arg8[%swap3A_67, %swap3A_68] : memref<1x4xf32, #tpu.memory_space<smem>>
      memref.store %exp3A, %arg8[%swap3A_67, %swap3A_68] : memref<1x4xf32, #tpu.memory_space<smem>>
      %get3A_70 = arith.constant 32 : index
      %get3A_71 = arith.constant 0 : index
      %get3A_72 = vector.load %arg4[%get3A_70, %get3A_71] : memref<128x1024xf32, #tpu.memory_space<vmem>>, vector<32x1024xf32>
      %reduce_sum3A_73 = arith.constant dense<0.000000e+00> : vector<1024xf32>
      %reduce_sum3A_74 = vector.multi_reduction <add>, %get3A_72, %reduce_sum3A_73 [0] : vector<32x1024xf32> to vector<1024xf32>
      %mul3A_75 = arith.constant 3.05175781E-5 : f32
      %mul3A_76 = vector.broadcast %mul3A_75 : f32 to vector<1024xf32>
      %mul3A_77 = arith.mulf %reduce_sum3A_74, %mul3A_76 : vector<1024xf32>
      %add3A_78 = arith.constant 1.000000e-10 : f32
      %add3A_79 = vector.broadcast %add3A_78 : f32 to vector<1024xf32>
      %add3A_80 = arith.addf %mul3A_77, %add3A_79 : vector<1024xf32>
      %log3A_81 = math.log %add3A_80 : vector<1024xf32>
      %mul3A_82 = arith.mulf %mul3A_77, %log3A_81 : vector<1024xf32>
      %reduce_sum3A_83 = vector.shape_cast %mul3A_82 : vector<1024xf32> to vector<1x1024xf32>
      %reduce_sum3A_84 = arith.constant dense<0.000000e+00> : vector<1xf32>
      %reduce_sum3A_85 = vector.multi_reduction <add>, %reduce_sum3A_83, %reduce_sum3A_84 [1] : vector<1x1024xf32> to vector<1xf32>
      %reduce_sum3A_86 = vector.shape_cast %reduce_sum3A_85 : vector<1xf32> to vector<1x1xf32>
      %reduce_sum3A_87 = vector.extract %reduce_sum3A_86[0, 0] : f32 from vector<1x1xf32>
      %neg3A_88 = arith.constant 0.000000e+00 : f32
      %neg3A_89 = arith.subf %neg3A_88, %reduce_sum3A_87 : f32
      %exp3A_90 = math.exp %neg3A_89 : f32
      %swap3A_91 = arith.constant 0 : index
      %swap3A_92 = arith.constant 1 : index
      %swap3A_93 = memref.load %arg8[%swap3A_91, %swap3A_92] : memref<1x4xf32, #tpu.memory_space<smem>>
      memref.store %exp3A_90, %arg8[%swap3A_91, %swap3A_92] : memref<1x4xf32, #tpu.memory_space<smem>>
      %get3A_94 = arith.constant 64 : index
      %get3A_95 = arith.constant 0 : index
      %get3A_96 = vector.load %arg4[%get3A_94, %get3A_95] : memref<128x1024xf32, #tpu.memory_space<vmem>>, vector<32x1024xf32>
      %reduce_sum3A_97 = arith.constant dense<0.000000e+00> : vector<1024xf32>
      %reduce_sum3A_98 = vector.multi_reduction <add>, %get3A_96, %reduce_sum3A_97 [0] : vector<32x1024xf32> to vector<1024xf32>
      %mul3A_99 = arith.constant 3.05175781E-5 : f32
      %mul3A_100 = vector.broadcast %mul3A_99 : f32 to vector<1024xf32>
      %mul3A_101 = arith.mulf %reduce_sum3A_98, %mul3A_100 : vector<1024xf32>
      %add3A_102 = arith.constant 1.000000e-10 : f32
      %add3A_103 = vector.broadcast %add3A_102 : f32 to vector<1024xf32>
      %add3A_104 = arith.addf %mul3A_101, %add3A_103 : vector<1024xf32>
      %log3A_105 = math.log %add3A_104 : vector<1024xf32>
      %mul3A_106 = arith.mulf %mul3A_101, %log3A_105 : vector<1024xf32>
      %reduce_sum3A_107 = vector.shape_cast %mul3A_106 : vector<1024xf32> to vector<1x1024xf32>
      %reduce_sum3A_108 = arith.constant dense<0.000000e+00> : vector<1xf32>
      %reduce_sum3A_109 = vector.multi_reduction <add>, %reduce_sum3A_107, %reduce_sum3A_108 [1] : vector<1x1024xf32> to vector<1xf32>
      %reduce_sum3A_110 = vector.shape_cast %reduce_sum3A_109 : vector<1xf32> to vector<1x1xf32>
      %reduce_sum3A_111 = vector.extract %reduce_sum3A_110[0, 0] : f32 from vector<1x1xf32>
      %neg3A_112 = arith.constant 0.000000e+00 : f32
      %neg3A_113 = arith.subf %neg3A_112, %reduce_sum3A_111 : f32
      %exp3A_114 = math.exp %neg3A_113 : f32
      %swap3A_115 = arith.constant 0 : index
      %swap3A_116 = arith.constant 2 : index
      %swap3A_117 = memref.load %arg8[%swap3A_115, %swap3A_116] : memref<1x4xf32, #tpu.memory_space<smem>>
      memref.store %exp3A_114, %arg8[%swap3A_115, %swap3A_116] : memref<1x4xf32, #tpu.memory_space<smem>>
      %get3A_118 = arith.constant 96 : index
      %get3A_119 = arith.constant 0 : index
      %get3A_120 = vector.load %arg4[%get3A_118, %get3A_119] : memref<128x1024xf32, #tpu.memory_space<vmem>>, vector<32x1024xf32>
      %reduce_sum3A_121 = arith.constant dense<0.000000e+00> : vector<1024xf32>
      %reduce_sum3A_122 = vector.multi_reduction <add>, %get3A_120, %reduce_sum3A_121 [0] : vector<32x1024xf32> to vector<1024xf32>
      %mul3A_123 = arith.constant 3.05175781E-5 : f32
      %mul3A_124 = vector.broadcast %mul3A_123 : f32 to vector<1024xf32>
      %mul3A_125 = arith.mulf %reduce_sum3A_122, %mul3A_124 : vector<1024xf32>
      %add3A_126 = arith.constant 1.000000e-10 : f32
      %add3A_127 = vector.broadcast %add3A_126 : f32 to vector<1024xf32>
      %add3A_128 = arith.addf %mul3A_125, %add3A_127 : vector<1024xf32>
      %log3A_129 = math.log %add3A_128 : vector<1024xf32>
      %mul3A_130 = arith.mulf %mul3A_125, %log3A_129 : vector<1024xf32>
      %reduce_sum3A_131 = vector.shape_cast %mul3A_130 : vector<1024xf32> to vector<1x1024xf32>
      %reduce_sum3A_132 = arith.constant dense<0.000000e+00> : vector<1xf32>
      %reduce_sum3A_133 = vector.multi_reduction <add>, %reduce_sum3A_131, %reduce_sum3A_132 [1] : vector<1x1024xf32> to vector<1xf32>
      %reduce_sum3A_134 = vector.shape_cast %reduce_sum3A_133 : vector<1xf32> to vector<1x1xf32>
      %reduce_sum3A_135 = vector.extract %reduce_sum3A_134[0, 0] : f32 from vector<1x1xf32>
      %neg3A_136 = arith.constant 0.000000e+00 : f32
      %neg3A_137 = arith.subf %neg3A_136, %reduce_sum3A_135 : f32
      %exp3A_138 = math.exp %neg3A_137 : f32
      %swap3A_139 = arith.constant 0 : index
      %swap3A_140 = arith.constant 3 : index
      %swap3A_141 = memref.load %arg8[%swap3A_139, %swap3A_140] : memref<1x4xf32, #tpu.memory_space<smem>>
      memref.store %exp3A_138, %arg8[%swap3A_139, %swap3A_140] : memref<1x4xf32, #tpu.memory_space<smem>>
    } else {
    }
    return
  }
  func.func @transform_0(%arg0: i32) -> (i32, i32) {
    %c0_i32 = arith.constant 0 : i32
    %c0_i32_0 = arith.constant 0 : i32
    return %arg0, %c0_i32 : i32, i32
  }
  func.func @transform_1(%arg0: i32) -> (i32, i32) {
    %c0_i32 = arith.constant 0 : i32
    %c0_i32_0 = arith.constant 0 : i32
    return %arg0, %c0_i32 : i32, i32
  }
  func.func @transform_2(%arg0: i32) -> (i32, i32) {
    %c0_i32 = arith.constant 0 : i32
    %c0_i32_0 = arith.constant 0 : i32
    return %arg0, %c0_i32 : i32, i32
  }
  func.func @transform_3(%arg0: i32) -> (i32, i32) {
    %c0_i32 = arith.constant 0 : i32
    %c0_i32_0 = arith.constant 0 : i32
    %c0_i32_1 = arith.constant 0 : i32
    return %c0_i32, %c0_i32_0 : i32, i32
  }
  func.func @transform_4(%arg0: i32) -> (i32, i32) {
    %c0_i32 = arith.constant 0 : i32
    %c0_i32_0 = arith.constant 0 : i32
    %c0_i32_1 = arith.constant 0 : i32
    return %c0_i32, %c0_i32_0 : i32, i32
  }
  func.func @transform_5(%arg0: i32) -> (i32, i32) {
    %c0_i32 = arith.constant 0 : i32
    %c0_i32_0 = arith.constant 0 : i32
    return %arg0, %c0_i32 : i32, i32
  }
  func.func @transform_6(%arg0: i32) -> (i32, i32) {
    %c0_i32 = arith.constant 0 : i32
    %c0_i32_0 = arith.constant 0 : i32
    %c0_i32_1 = arith.constant 0 : i32
    return %c0_i32, %c0_i32_0 : i32, i32
  }
  func.func @transform_7(%arg0: i32) -> (i32, i32) {
    %c0_i32 = arith.constant 0 : i32
    %c0_i32_0 = arith.constant 0 : i32
    %c0_i32_1 = arith.constant 0 : i32
    return %c0_i32, %c0_i32_0 : i32, i32
  }
}

</mosaic_0001>

<sc_bundles>
// kernel: kernel.11.cloned.1.call-start
scs
__scs_entry_jumppad:
0x0: {  	(pc) =	sbr.rel $0x88, $3  }
0x1: {  	(tag) =	ssettag $0x0;
	lr =	simm.s32 $0x1  }
0x2: {  	[smem:$0x3F9C] =	sst lr;
	_ =	strace $0xD0000000  }
0x3: {  	_ = 	snop  }
0x4: {  	_ = 	snop  }
0x5: {  	_ = 	snop  }
0x6: {  	_ = 	snop  }
0x7: {  	_ = 	snop  }
__scs_overlays_trampoline_lowered:
0x8: {  	[smem:$0x3FAB] =	sst s0  }
0x9: {  	[smem:$0x3FAC] =	sst s1  }
0xa: {  	[smem:$0x3FAD] =	sst s2  }
0xb: {  	[smem:$0x3FAE] =	sst s3  }
0xc: {  	[smem:$0x3FAF] =	sst s4  }
0xd: {  	[smem:$0x3FB0] =	sst s5  }
0xe: {  	[smem:$0x3FB1] =	sst s6  }
0xf: {  	[smem:$0x3FB2] =	sst s7  }
0x10: {  	[smem:$0x3FB3] =	sst s8  }
0x11: {  	[smem:$0x3FB4] =	sst s9;
	s0 =	simm.s32 @!p0 $0x0  }
0x12: {  	s1 =	sld [smem:$0x3F9A];
	s0 =	simm.s32 @p0 $0x1  }
0x13: {  	[smem:$0x3FB5] =	sst s0;
	s0 =	simm.s32 @!p1 $0x0  }
0x14: {  	s2 =	sld [smem:$0x3F99];
	s0 =	simm.s32 @p1 $0x1  }
0x15: {  	[smem:$0x3FB6] =	sst s0;
	s0 =	simm.s32 @!p2 $0x0  }
0x16: {  	s3 =	sld [smem:$0x3FDB];
	s0 =	simm.s32 @p2 $0x1  }
0x17: {  	s4 =	simm.s32 $0x1BF5;
	[smem:$0x3FB8] =	sst s0  }
0x18: {  	s0 =	sld [smem:$0x3F9B];
	_ =	swait.ge [sflag:s4], $0x0  }
0x19: {  	s7 =	sld [smem:$0x3F9C]  }
0x1a: {  	s8 =	sadd.s32 $0xFFFFE003, lr  }
0x1b: {  	s9 =	sadd.s32 $0xFFFFFEF7, lr;
	s5 =	simm.s32 $0xFFFFFFFF;
	p2 =	slt.u32 s8, $0xFFFFF086  }
0x1c: {  	p1 =	slt.u32 s9, $0xF7A;
	s5 =	simm.s32 @!p2 $0x0  }
0x1d: {  	s5 =	simm.s32 @p1 $0x1;
	p0 =	seq.s32 s7, s2  }
0x1e: {  	s7 =	smul.u32 @!p0 $0xF7A, s2;
	p2 =	seq.s32 @!p0 s5, $0x0  }
0x1f: {  	s9 =	smul.u32 $0xF7A, s1;
	s8 =	simm.s32 @!p0 $0x1BF5;
	p2 =	por !p2, p0  }
0x20: {  	[sflag:s8] =	ssyncset.s32 @!p0 $0xFFFFF086;
	s6 =	sadd.s32 @!p0 s3, s7;
	s7 =	simm.s32 @!p0 $0x108  }
0x21: {  	s3 =	sadd.s32 s3, s9;
	s6 =	sadd.s32 @!p0 $0x88, s6;
	s7 =	simm.s32 @p2 $0x1082  }
0x22: {  	[simem:s7], [sflag:s8] =	dma.local @!p0 [hbm:s6], $0xF7A  }
0x23: {  	s9 =	sor.u32 $0xD0000000, s2;
	s6 =	simm.s32 $0x108;
	_ =	swait.ge @!p0 [sflag:s8], $0x0  }
0x24: {  	s3 =	sadd.s32 $0x88, s3;
	s6 =	simm.s32 @!p1 $0x1082;
	[sflag:s4] =	ssyncset.s32 $0xFFFFF086  }
0x25: {  	[simem:s6], [sflag:s4] =	dma.local [hbm:s3], $0xF7A  }
0x26: {  	[smem:$0x3F9C] =	sst s1;
	(tag) =	ssettag s2;
	_ =	strace s9  }
0x27: {  	s1 =	sld [smem:$0x3FAC]  }
0x28: {  	s2 =	sld [smem:$0x3FAD]  }
0x29: {  	s4 =	sld [smem:$0x3FAF]  }
0x2a: {  	p0 =	seq.s32 s5, $0x0;
	s5 =	sld [smem:$0x3FB0]  }
0x2b: {  	s6 =	sld [smem:$0x3FB1]  }
0x2c: {  	s7 =	sld [smem:$0x3FB2]  }
0x2d: {  	s3 =	simm.s32 $0x108;
	s8 =	sld [smem:$0x3FB3]  }
0x2e: {  	s3 =	simm.s32 @!p0 $0x1082;
	s9 =	sld [smem:$0x3FB4]  }
0x2f: {  	lr =	sadd.s32 s0, s3;
	s0 =	sld [smem:$0x3FAB]  }
0x30: {  	s3 =	sld [smem:$0x3FAE]  }
0x31: {  	[smem:$0x3FB7] =	sst s10  }
0x32: {  	s10 =	sld [smem:$0x3FB5];
	_ =	sdelay $0x3  }
0x33: {  	p0 =	seq.s32 s10, $0x1;
	s10 =	sld [smem:$0x3FB7];
	_ =	sdelay $0x3  }
0x34: {  	[smem:$0x3FB7] =	sst s10  }
0x35: {  	s10 =	sld [smem:$0x3FB6];
	_ =	sdelay $0x3  }
0x36: {  	p1 =	seq.s32 s10, $0x1;
	s10 =	sld [smem:$0x3FB7];
	_ =	sdelay $0x3  }
0x37: {  	[smem:$0x3FB7] =	sst s10  }
0x38: {  	s10 =	sld [smem:$0x3FB8]  }
0x39: {  	_ = 	snop;
	(pc) =	sbr.ind lr, $3  }
0x3a: {  	_ = 	snop  }
0x3b: {  	_ = 	snop  }
0x3c: {  	p2 =	seq.s32 s10, $0x1;
	s10 =	sld [smem:$0x3FB7]  }
0x3d: {  	_ =	shalt  }
0x3e: {  	_ =	shalt  }
0x3f: {  	_ =	shalt  }
0x40: {  	_ =	shalt  }
0x41: {  	_ =	shalt  }
0x42: {  	_ =	shalt  }
0x43: {  	_ =	shalt  }
0x44: {  	_ =	shalt  }
0x45: {  	_ =	shalt  }
0x46: {  	_ =	shalt  }
0x47: {  	_ =	shalt  }
0x48: {  	_ =	shalt  }
0x49: {  	_ =	shalt  }
0x4a: {  	_ =	shalt  }
0x4b: {  	_ =	shalt  }
0x4c: {  	_ =	shalt  }
0x4d: {  	_ =	shalt  }
0x4e: {  	_ =	shalt  }
0x4f: {  	_ =	shalt  }
0x50: {  	_ =	shalt  }
0x51: {  	_ =	shalt  }
0x52: {  	_ =	shalt  }
0x53: {  	_ =	shalt  }
0x54: {  	_ =	shalt  }
0x55: {  	_ =	shalt  }
0x56: {  	_ =	shalt  }
0x57: {  	_ =	shalt  }
0x58: {  	_ =	shalt  }
0x59: {  	_ =	shalt  }
0x5a: {  	_ =	shalt  }
0x5b: {  	_ =	shalt  }
0x5c: {  	_ =	shalt  }
0x5d: {  	_ =	shalt  }
0x5e: {  	_ =	shalt  }
0x5f: {  	_ =	shalt  }
0x60: {  	_ =	shalt  }
0x61: {  	_ =	shalt  }
0x62: {  	_ =	shalt  }
0x63: {  	_ =	shalt  }
0x64: {  	_ =	shalt  }
0x65: {  	_ =	shalt  }
0x66: {  	_ =	shalt  }
0x67: {  	_ =	shalt  }
0x68: {  	_ =	shalt  }
0x69: {  	_ =	shalt  }
0x6a: {  	_ =	shalt  }
0x6b: {  	_ =	shalt  }
0x6c: {  	_ =	shalt  }
0x6d: {  	_ =	shalt  }
0x6e: {  	_ =	shalt  }
0x6f: {  	_ =	shalt  }
0x70: {  	_ =	shalt  }
0x71: {  	_ =	shalt  }
0x72: {  	_ =	shalt  }
0x73: {  	_ =	shalt  }
0x74: {  	_ =	shalt  }
0x75: {  	_ =	shalt  }
0x76: {  	_ =	shalt  }
0x77: {  	_ =	shalt  }
0x78: {  	_ =	shalt  }
0x79: {  	_ =	shalt  }
0x7a: {  	_ =	shalt  }
0x7b: {  	_ =	shalt  }
0x7c: {  	_ =	shalt  }
0x7d: {  	_ =	shalt  }
0x7e: {  	_ =	shalt  }
0x7f: {  	_ =	shalt  }
0x80: {  	_ =	shalt  }
0x81: {  	_ =	shalt  }
0x82: {  	_ =	shalt  }
0x83: {  	_ =	shalt  }
0x84: {  	_ =	shalt  }
0x85: {  	_ =	shalt  }
0x86: {  	_ =	shalt  }
0x87: {  	_ =	shalt  }
.Lfunc_end0:
.L_simem_size_0:
called_computation_lowered:
.L_overlay_start_0:
0x88: {  	s2 =	sld [smem:$0x3FD9]  }
0x89: {  	s3 =	sld [smem:$0x3FFE];
	_ =	sdelay $0x1  }
0x8a: {  	s1 =	srdreg.scid  }
0x8b: {  	s0 =	sand.u32 $0x1, s1  }
0x8c: {  	s14 =	sshll.u32 s0, $0xA;
	s2 =	sadd.s32 s3, s2  }
0x8d: {  	s2 =	sadd.s32 s2, s14  }
0x8e: {  	[smem:$0x3FC3] =	sst s2  }
0x8f: {  	_ = 	snop  }
0x90: {  	s2 =	sld [smem:$0x3FD0];
	_ =	sdelay $0x2  }
0x91: {  	s15 =	simm.s32 $0xA;
	s4 =	simm.s32 $0x10  }
0x92: {  	[smem:s4], [sflag:s15] =	dma.local [hbm:s2], $0x1  }
0x93: {  	_ =	swait.eq [sflag:s15], $0x1  }
0x94: {  	[sflag:s15] =	ssyncset.done $0x0  }
0x95: {  	s16 =	sld [smem:$0x11];
	[sflag:s15] =	ssyncadd.s32 $0xFFFFFFFF  }
0x96: {  	s17 =	sld [smem:$0x12];
	(tm) =	ssettm $0x1  }
0x97: {  	s18 =	sld [smem:$0x3FFB];
	_ =	sdelay $0x3  }
0x98: {  	_ =	strace s18  }
0x99: {  	s4 =	sld [smem:$0x3FFC];
	_ =	sdelay $0x3  }
0x9a: {  	_ =	strace s4  }
0x9b: {  	s4 =	sld [smem:$0x3FFD];
	_ =	sdelay $0x3  }
0x9c: {  	_ =	strace s4  }
0x9d: {  	_ =	strace $0x8FFFFFFF  }
0x9e: {  	s19 =	sld [smem:$0x3FDB];
	_ =	sdelay $0x1  }
0x9f: {  	s5 =	simm.s32 $_scs_section_size  }
0xa0: {  	s6 =	simm.s32 $_size__tile_overlayer_lowered;
	s7 =	simm.s32 $_tile_overlayer_lowered  }
0xa1: {  	s22 =	simm.s32 $0x1BFF;
	s21 =	sshll.u32 s7, $0x1;
	s4 =	sadd.s32 s5, s19  }
0xa2: {  	s8 =	simm.s32 $0x0;
	s20 =	sshll.u32 s6, $0x1;
	s6 =	sadd.s32 s21, s4  }
0xa3: {  	[timem:s8], [sflag:s22] =	dma.local [hbm:s6], s20  }
0xa4: {  	_ =	swait.ge [sflag:s22], s20  }
0xa5: {  	s5 =	ssub.s32 $0x0, s20;
	[sflag:s22] =	ssyncset.done $0x0  }
0xa6: {  	[sflag:s22] =	ssyncadd.s32 s5;
	_ =	sdelay $0x1  }
0xa7: {  	s23 =	simm.s32 $0x1B8B  }
0xa8: {  	_ =	swait.ge [sflag:s23], $0x1  }
0xa9: {  	[sflag:s23] =	ssyncset.done $0x0  }
0xaa: {  	s25 =	simm.s32 $0x1B8E;
	s24 =	sld [smem:$0x3FFE];
	[sflag:s23] =	ssyncadd.s32 $0xFFFFFFFF  }
0xab: {  	s26 =	simm.s32 $execute0_lowered;
	[smem:$0x3FD2] =	sst s25  }
0xac: {  	s6 =	sshll.u32 s26, $0x1;
	_ =	strace $0x80000046;
	[dreg:$0x1] =	wrdreg $0xFFFFFFFF  }
0xad: {  	s28 =	simm.s32 $_size_execute0_lowered;
	s4 =	sadd.s32 s4, s6;
	[dreg:$0x0] =	wrdreg $0x0  }
0xae: {  	s6 =	sshll.u32 s28, $0x1;
	[dreg:$0x2] =	wrdreg s4  }
0xaf: {  	[dreg:$0x3] =	wrdreg s6  }
0xb0: {  	[dreg:$0x4] =	wrdreg $0xC0  }
0xb1: {  	_ =	task [dreg:s8], $0x5FFFF  }
0xb2: {  	[dreg:$0x1] =	wrdreg $0xFFFFFFFF  }
0xb3: {  	[dreg:$0x0] =	wrdreg $0x60  }
0xb4: {  	[dreg:$0x2] =	wrdreg s17  }
0xb5: {  	[dreg:$0x3] =	wrdreg s24  }
0xb6: {  	[dreg:$0x4] =	wrdreg s16  }
0xb7: {  	[dreg:$0x5] =	wrdreg $0x9  }
0xb8: {  	_ =	task.clear_ibuf [dreg:s8], $0x6FFFF;
	_ =	strace $0x90000046  }
0xb9: {  	s29 =	simm.s32 $0x9;
	_ =	strace $0x80000048  }
0xba: {  	_ =	swait.ge [sflag:s29], $0x1  }
0xbb: {  	[sflag:s29] =	ssyncadd.s32 $0xFFFFFFFF  }
0xbc: {  	_ =	strace $0x90000048  }
0xbd: {  	_ =	sfence  }
0xbe: {  	s30 =	sld [smem:$0x0];
	_ =	sdelay $0x2  }
0xbf: {  	s31 =	sshll.u32 s1, $0xD;
	s1 =	sshrl.u32 s1, $0x2  }
0xc0: {  	s3 =	sand.u32 $0x4000, s31;
	s1 =	sadd.s32 s1, s30  }
0xc1: {  	s0 =	sor.u32 s3, s0;
	s1 =	sshll.u32 s1, $0x11  }
0xc2: {  	s0 =	sor.u32 s1, s0  }
0xc3: {  	s0 =	sadd.s32 $0x8F2B, s0  }
0xc4: {  	[sflag:s0] =	ssyncadd.remote.s32 $0x1  }
0xc5: {  	_ =	sfence.sel $0xFFFF  }
0xc6: {  	[dreg:$0x0] =	wrdreg $0xFFFFFFFF;
	(pc) =	sbr.abs _section_cstart, $3  }
0xc7: {  	[dreg:$0x1] =	wrdreg $0xFFFFFFFF  }
0xc8: {  	_ =	task.clear_ibuf [dreg:s8], $0x2FFFF;
	_ =	strace $0x9FFFFFFF  }
0xc9: {  	(tm) =	ssettm $0x7FFFFFFF  }
tec
execute0_lowered:
.L_overlay_start_1:
0x0: {  	(tag) =	ssettag $0x1  }
0x1: {  	s1 =	rddreg [dreg:$0x0]  }
0x2: {  	s4 =	rddreg [dreg:$0x1]  }
0x3: {  	s5 =	rddreg [dreg:$0x2]  }
0x4: {  	s0 =	rddreg [dreg:$0x3];
	s6 =	srdreg.scid  }
0x5: {  	s2 =	stileid.u32;
	s3 =	simm.s32 $0x0;
	s10 =	simm.s32 $0x400  }
0x6: {  	s11 =	simm.s32 $0x2400;
	s12 =	simm.s32 $0x100;
	s13 =	simm.s32 $0x4400  }
0x7: {  	s14 =	simm.s32 $0x180;
	s15 =	simm.s32 $0x6400;
	s16 =	simm.s32 $0x200  }
0x8: {  	s17 =	simm.s32 $0x8400;
	s18 =	simm.s32 $0x280;
	s19 =	simm.s32 $0xA400  }
0x9: {  	s20 =	simm.s32 $0x300;
	s21 =	simm.s32 $0xC400;
	s22 =	simm.s32 $0x380  }
0xa: {  	s23 =	simm.s32 $0xE400;
	s24 =	simm.s32 $0x10400;
	s25 =	simm.s32 $0x1  }
0xb: {  	s26 =	simm.s32 $0x0;
	s6 =	sand.u32 $0x1, s6;
	s7 =	sshll.u32 s2, $0x1  }
0xc: {  	[smem:$0x7FF] =	sst s3;
	s7 =	sor.u32 s6, s7;
	s6 =	ssub.s32 $0x2, s6  }
0xd: {  	_ =	strace $0x80000047;
	s8 =	sshll.u32 s7, $0x7;
	s31 =	sshrl.u32 s6, $0x1  }
0xe: {  	s7 =	sshll.u32 s7, $0xD;
	s8 =	sadd.s32 s8, s4;
	s9 =	ssub.s32 s6, s31  }
0xf: {  	s5 =	sadd.s32 s5, s7;
	s4 =	sadd.s32 $0x83400, s8;
	s6 =	sadd.s32 $0x84400, s8  }
0x10: {  	v0 =	vimm.f32 $0.0e+00;
	v1 =	vimm.f32 $1.000000000e+00;
	s7 =	smax.u32 s9, $0x1;
	s8 =	simm.s32 $0x2;
	s9 =	simm.s32 $0x80  }
.LBB2_1:
0x11: {  	[tilespmem:s3], [sflag:$0x2] =	stream.linear.gather [hbm4b:s4+s3], $0x400, $0x38;
	[tilespmem:$0x10800] =	vst v63  }
0x12: {  	_ =	swait.ge [sflag:s8], $0x400  }
0x13: {  	[sflag:s8] =	ssyncset.done $0x0  }
0x14: {  	[sflag:s8] =	ssyncadd.s32 $0xFFFFFC00  }
0x15: {  	[tilespmem:s10], [sflag:$0x1] =	stream.indirect.gather [hbm4b:s1+s9], $0x40, s3, s9, $0xb8;
	[tilespmem:$0x10800] =	vst v63  }
0x16: {  	_ = 	snop  }
0x17: {  	[tilespmem:s11], [sflag:$0x1] =	stream.indirect.gather [hbm4b:s1+s9], $0x40, s9, s9, $0xb8;
	[tilespmem:$0x10800] =	vst v63  }
0x18: {  	_ = 	snop  }
0x19: {  	[tilespmem:s13], [sflag:$0x1] =	stream.indirect.gather [hbm4b:s1+s9], $0x40, s12, s9, $0xb8;
	[tilespmem:$0x10800] =	vst v63  }
0x1a: {  	_ = 	snop  }
0x1b: {  	[tilespmem:s15], [sflag:$0x1] =	stream.indirect.gather [hbm4b:s1+s9], $0x40, s14, s9, $0xb8;
	[tilespmem:$0x10800] =	vst v63  }
0x1c: {  	_ = 	snop  }
0x1d: {  	[tilespmem:s17], [sflag:$0x1] =	stream.indirect.gather [hbm4b:s1+s9], $0x40, s16, s9, $0xb8;
	[tilespmem:$0x10800] =	vst v63  }
0x1e: {  	_ = 	snop  }
0x1f: {  	[tilespmem:s19], [sflag:$0x1] =	stream.indirect.gather [hbm4b:s1+s9], $0x40, s18, s9, $0xb8;
	[tilespmem:$0x10800] =	vst v63  }
0x20: {  	_ = 	snop  }
0x21: {  	[tilespmem:s21], [sflag:$0x1] =	stream.indirect.gather [hbm4b:s1+s9], $0x40, s20, s9, $0xb8;
	[tilespmem:$0x10800] =	vst v63  }
0x22: {  	s28 =	simm.s32 $0x40;
	s29 =	simm.s32 $0x0  }
0x23: {  	[tilespmem:s23], [sflag:$0x1] =	stream.indirect.gather [hbm4b:s1+s9], $0x40, s22, s9, $0xb8;
	[tilespmem:$0x10800] =	vst v63  }
.LBB2_2:
0x24: {  	p0 =	sne.s32 s28, $0xFC0;
	[tilespmem:s29+$0x10400] =	vst v0;
	s29 =	smov.u32 s28;
	s28 =	sadd.s32 $0x40, s28  }
.Ltmp0:
0x25: {  	(pc) =	sbr.rel @p0 .LBB2_2-.Ltmp0, $2  }
0x26: {  	_ =	sdelay $0x2  }
0x27: {  	s29 =	sshra.s32 s29, $0x2  }
0x28: {  	[tilespmem:s29+$0x10400] =	vst v0  }
0x29: {  	v2 =	vld [tilespmem:$0x0];
	_ =	sdelay $0x7  }
0x2a: {  	[tilespmem:v2+s24+$0x0] =	vst.idx.add.f32.msk $0xffff, v1  }
0x2b: {  	v2 =	vld [tilespmem:$0x10];
	_ =	sdelay $0x7  }
0x2c: {  	[tilespmem:v2+s24+$0x0] =	vst.idx.add.f32.msk $0xffff, v1  }
0x2d: {  	v2 =	vld [tilespmem:$0x20];
	_ =	sdelay $0x7  }
0x2e: {  	[tilespmem:v2+s24+$0x0] =	vst.idx.add.f32.msk $0xffff, v1  }
0x2f: {  	v2 =	vld [tilespmem:$0x30];
	_ =	sdelay $0x7  }
0x30: {  	[tilespmem:v2+s24+$0x0] =	vst.idx.add.f32.msk $0xffff, v1  }
0x31: {  	v2 =	vld [tilespmem:$0x40];
	_ =	sdelay $0x7  }
0x32: {  	[tilespmem:v2+s24+$0x0] =	vst.idx.add.f32.msk $0xffff, v1  }
0x33: {  	v2 =	vld [tilespmem:$0x50];
	_ =	sdelay $0x7  }
0x34: {  	[tilespmem:v2+s24+$0x0] =	vst.idx.add.f32.msk $0xffff, v1  }
0x35: {  	v2 =	vld [tilespmem:$0x60];
	_ =	sdelay $0x7  }
0x36: {  	[tilespmem:v2+s24+$0x0] =	vst.idx.add.f32.msk $0xffff, v1  }
0x37: {  	v2 =	vld [tilespmem:$0x70];
	_ =	sdelay $0x7  }
0x38: {  	[tilespmem:v2+s24+$0x0] =	vst.idx.add.f32.msk $0xffff, v1  }
0x39: {  	v2 =	vld [tilespmem:$0x80];
	_ =	sdelay $0x7  }
0x3a: {  	[tilespmem:v2+s24+$0x0] =	vst.idx.add.f32.msk $0xffff, v1  }
0x3b: {  	v2 =	vld [tilespmem:$0x90];
	_ =	sdelay $0x7  }
0x3c: {  	[tilespmem:v2+s24+$0x0] =	vst.idx.add.f32.msk $0xffff, v1  }
0x3d: {  	v2 =	vld [tilespmem:$0xA0];
	_ =	sdelay $0x7  }
0x3e: {  	[tilespmem:v2+s24+$0x0] =	vst.idx.add.f32.msk $0xffff, v1  }
0x3f: {  	v2 =	vld [tilespmem:$0xB0];
	_ =	sdelay $0x7  }
0x40: {  	[tilespmem:v2+s24+$0x0] =	vst.idx.add.f32.msk $0xffff, v1  }
0x41: {  	v2 =	vld [tilespmem:$0xC0];
	_ =	sdelay $0x7  }
0x42: {  	[tilespmem:v2+s24+$0x0] =	vst.idx.add.f32.msk $0xffff, v1  }
0x43: {  	v2 =	vld [tilespmem:$0xD0];
	_ =	sdelay $0x7  }
0x44: {  	[tilespmem:v2+s24+$0x0] =	vst.idx.add.f32.msk $0xffff, v1  }
0x45: {  	v2 =	vld [tilespmem:$0xE0];
	_ =	sdelay $0x7  }
0x46: {  	[tilespmem:v2+s24+$0x0] =	vst.idx.add.f32.msk $0xffff, v1  }
0x47: {  	v2 =	vld [tilespmem:$0xF0];
	_ =	sdelay $0x7  }
0x48: {  	[tilespmem:v2+s24+$0x0] =	vst.idx.add.f32.msk $0xffff, v1  }
0x49: {  	v2 =	vld [tilespmem:$0x100];
	_ =	sdelay $0x7  }
0x4a: {  	[tilespmem:v2+s24+$0x0] =	vst.idx.add.f32.msk $0xffff, v1  }
0x4b: {  	v2 =	vld [tilespmem:$0x110];
	_ =	sdelay $0x7  }
0x4c: {  	[tilespmem:v2+s24+$0x0] =	vst.idx.add.f32.msk $0xffff, v1  }
0x4d: {  	v2 =	vld [tilespmem:$0x120];
	_ =	sdelay $0x7  }
0x4e: {  	[tilespmem:v2+s24+$0x0] =	vst.idx.add.f32.msk $0xffff, v1  }
0x4f: {  	v2 =	vld [tilespmem:$0x130];
	_ =	sdelay $0x7  }
0x50: {  	[tilespmem:v2+s24+$0x0] =	vst.idx.add.f32.msk $0xffff, v1  }
0x51: {  	v2 =	vld [tilespmem:$0x140];
	_ =	sdelay $0x7  }
0x52: {  	[tilespmem:v2+s24+$0x0] =	vst.idx.add.f32.msk $0xffff, v1  }
0x53: {  	v2 =	vld [tilespmem:$0x150];
	_ =	sdelay $0x7  }
0x54: {  	[tilespmem:v2+s24+$0x0] =	vst.idx.add.f32.msk $0xffff, v1  }
0x55: {  	v2 =	vld [tilespmem:$0x160];
	_ =	sdelay $0x7  }
0x56: {  	[tilespmem:v2+s24+$0x0] =	vst.idx.add.f32.msk $0xffff, v1  }
0x57: {  	v2 =	vld [tilespmem:$0x170];
	_ =	sdelay $0x7  }
0x58: {  	[tilespmem:v2+s24+$0x0] =	vst.idx.add.f32.msk $0xffff, v1  }
0x59: {  	v2 =	vld [tilespmem:$0x180];
	_ =	sdelay $0x7  }
0x5a: {  	[tilespmem:v2+s24+$0x0] =	vst.idx.add.f32.msk $0xffff, v1  }
0x5b: {  	v2 =	vld [tilespmem:$0x190];
	_ =	sdelay $0x7  }
0x5c: {  	[tilespmem:v2+s24+$0x0] =	vst.idx.add.f32.msk $0xffff, v1  }
0x5d: {  	v2 =	vld [tilespmem:$0x1A0];
	_ =	sdelay $0x7  }
0x5e: {  	[tilespmem:v2+s24+$0x0] =	vst.idx.add.f32.msk $0xffff, v1  }
0x5f: {  	v2 =	vld [tilespmem:$0x1B0];
	_ =	sdelay $0x7  }
0x60: {  	[tilespmem:v2+s24+$0x0] =	vst.idx.add.f32.msk $0xffff, v1  }
0x61: {  	v2 =	vld [tilespmem:$0x1C0];
	_ =	sdelay $0x7  }
0x62: {  	[tilespmem:v2+s24+$0x0] =	vst.idx.add.f32.msk $0xffff, v1  }
0x63: {  	v2 =	vld [tilespmem:$0x1D0];
	_ =	sdelay $0x7  }
0x64: {  	[tilespmem:v2+s24+$0x0] =	vst.idx.add.f32.msk $0xffff, v1  }
0x65: {  	v2 =	vld [tilespmem:$0x1E0];
	_ =	sdelay $0x7  }
0x66: {  	[tilespmem:v2+s24+$0x0] =	vst.idx.add.f32.msk $0xffff, v1  }
0x67: {  	v2 =	vld [tilespmem:$0x1F0];
	_ =	sdelay $0x7  }
0x68: {  	[tilespmem:v2+s24+$0x0] =	vst.idx.add.f32.msk $0xffff, v1  }
0x69: {  	v2 =	vld [tilespmem:$0x200];
	_ =	sdelay $0x7  }
0x6a: {  	[tilespmem:v2+s24+$0x0] =	vst.idx.add.f32.msk $0xffff, v1  }
0x6b: {  	v2 =	vld [tilespmem:$0x210];
	_ =	sdelay $0x7  }
0x6c: {  	[tilespmem:v2+s24+$0x0] =	vst.idx.add.f32.msk $0xffff, v1  }
0x6d: {  	v2 =	vld [tilespmem:$0x220];
	_ =	sdelay $0x7  }
0x6e: {  	[tilespmem:v2+s24+$0x0] =	vst.idx.add.f32.msk $0xffff, v1  }
0x6f: {  	v2 =	vld [tilespmem:$0x230];
	_ =	sdelay $0x7  }
0x70: {  	[tilespmem:v2+s24+$0x0] =	vst.idx.add.f32.msk $0xffff, v1  }
0x71: {  	v2 =	vld [tilespmem:$0x240];
	_ =	sdelay $0x7  }
0x72: {  	[tilespmem:v2+s24+$0x0] =	vst.idx.add.f32.msk $0xffff, v1  }
0x73: {  	v2 =	vld [tilespmem:$0x250];
	_ =	sdelay $0x7  }
0x74: {  	[tilespmem:v2+s24+$0x0] =	vst.idx.add.f32.msk $0xffff, v1  }
0x75: {  	v2 =	vld [tilespmem:$0x260];
	_ =	sdelay $0x7  }
0x76: {  	[tilespmem:v2+s24+$0x0] =	vst.idx.add.f32.msk $0xffff, v1  }
0x77: {  	v2 =	vld [tilespmem:$0x270];
	_ =	sdelay $0x7  }
0x78: {  	[tilespmem:v2+s24+$0x0] =	vst.idx.add.f32.msk $0xffff, v1  }
0x79: {  	v2 =	vld [tilespmem:$0x280];
	_ =	sdelay $0x7  }
0x7a: {  	[tilespmem:v2+s24+$0x0] =	vst.idx.add.f32.msk $0xffff, v1  }
0x7b: {  	v2 =	vld [tilespmem:$0x290];
	_ =	sdelay $0x7  }
0x7c: {  	[tilespmem:v2+s24+$0x0] =	vst.idx.add.f32.msk $0xffff, v1  }
0x7d: {  	v2 =	vld [tilespmem:$0x2A0];
	_ =	sdelay $0x7  }
0x7e: {  	[tilespmem:v2+s24+$0x0] =	vst.idx.add.f32.msk $0xffff, v1  }
0x7f: {  	v2 =	vld [tilespmem:$0x2B0];
	_ =	sdelay $0x7  }
0x80: {  	[tilespmem:v2+s24+$0x0] =	vst.idx.add.f32.msk $0xffff, v1  }
0x81: {  	v2 =	vld [tilespmem:$0x2C0];
	_ =	sdelay $0x7  }
0x82: {  	[tilespmem:v2+s24+$0x0] =	vst.idx.add.f32.msk $0xffff, v1  }
0x83: {  	v2 =	vld [tilespmem:$0x2D0];
	_ =	sdelay $0x7  }
0x84: {  	[tilespmem:v2+s24+$0x0] =	vst.idx.add.f32.msk $0xffff, v1  }
0x85: {  	v2 =	vld [tilespmem:$0x2E0];
	_ =	sdelay $0x7  }
0x86: {  	[tilespmem:v2+s24+$0x0] =	vst.idx.add.f32.msk $0xffff, v1  }
0x87: {  	v2 =	vld [tilespmem:$0x2F0];
	_ =	sdelay $0x7  }
0x88: {  	[tilespmem:v2+s24+$0x0] =	vst.idx.add.f32.msk $0xffff, v1  }
0x89: {  	v2 =	vld [tilespmem:$0x300];
	_ =	sdelay $0x7  }
0x8a: {  	[tilespmem:v2+s24+$0x0] =	vst.idx.add.f32.msk $0xffff, v1  }
0x8b: {  	v2 =	vld [tilespmem:$0x310];
	_ =	sdelay $0x7  }
0x8c: {  	[tilespmem:v2+s24+$0x0] =	vst.idx.add.f32.msk $0xffff, v1  }
0x8d: {  	v2 =	vld [tilespmem:$0x320];
	_ =	sdelay $0x7  }
0x8e: {  	[tilespmem:v2+s24+$0x0] =	vst.idx.add.f32.msk $0xffff, v1  }
0x8f: {  	v2 =	vld [tilespmem:$0x330];
	_ =	sdelay $0x7  }
0x90: {  	[tilespmem:v2+s24+$0x0] =	vst.idx.add.f32.msk $0xffff, v1  }
0x91: {  	v2 =	vld [tilespmem:$0x340];
	_ =	sdelay $0x7  }
0x92: {  	[tilespmem:v2+s24+$0x0] =	vst.idx.add.f32.msk $0xffff, v1  }
0x93: {  	v2 =	vld [tilespmem:$0x350];
	_ =	sdelay $0x7  }
0x94: {  	[tilespmem:v2+s24+$0x0] =	vst.idx.add.f32.msk $0xffff, v1  }
0x95: {  	v2 =	vld [tilespmem:$0x360];
	_ =	sdelay $0x7  }
0x96: {  	[tilespmem:v2+s24+$0x0] =	vst.idx.add.f32.msk $0xffff, v1  }
0x97: {  	v2 =	vld [tilespmem:$0x370];
	_ =	sdelay $0x7  }
0x98: {  	[tilespmem:v2+s24+$0x0] =	vst.idx.add.f32.msk $0xffff, v1  }
0x99: {  	v2 =	vld [tilespmem:$0x380];
	_ =	sdelay $0x7  }
0x9a: {  	[tilespmem:v2+s24+$0x0] =	vst.idx.add.f32.msk $0xffff, v1  }
0x9b: {  	v2 =	vld [tilespmem:$0x390];
	_ =	sdelay $0x7  }
0x9c: {  	[tilespmem:v2+s24+$0x0] =	vst.idx.add.f32.msk $0xffff, v1  }
0x9d: {  	v2 =	vld [tilespmem:$0x3A0];
	_ =	sdelay $0x7  }
0x9e: {  	[tilespmem:v2+s24+$0x0] =	vst.idx.add.f32.msk $0xffff, v1  }
0x9f: {  	v2 =	vld [tilespmem:$0x3B0];
	_ =	sdelay $0x7  }
0xa0: {  	[tilespmem:v2+s24+$0x0] =	vst.idx.add.f32.msk $0xffff, v1  }
0xa1: {  	v2 =	vld [tilespmem:$0x3C0];
	_ =	sdelay $0x7  }
0xa2: {  	[tilespmem:v2+s24+$0x0] =	vst.idx.add.f32.msk $0xffff, v1  }
0xa3: {  	v2 =	vld [tilespmem:$0x3D0];
	_ =	sdelay $0x7  }
0xa4: {  	[tilespmem:v2+s24+$0x0] =	vst.idx.add.f32.msk $0xffff, v1  }
0xa5: {  	v2 =	vld [tilespmem:$0x3E0];
	_ =	sdelay $0x7  }
0xa6: {  	[tilespmem:v2+s24+$0x0] =	vst.idx.add.f32.msk $0xffff, v1  }
0xa7: {  	v2 =	vld [tilespmem:$0x3F0];
	_ =	sdelay $0x7  }
0xa8: {  	[tilespmem:v2+s24+$0x0] =	vst.idx.add.f32.msk $0xffff, v1  }
0xa9: {  	_ =	swait.ge [sflag:s25], $0x2000  }
0xaa: {  	[sflag:s25] =	ssyncset.done $0x0  }
0xab: {  	[sflag:s25] =	ssyncadd.s32 $0xFFFFE000  }
0xac: {  	_ =	swait.ge [sflag:s25], $0x2000  }
0xad: {  	[sflag:s25] =	ssyncset.done $0x0  }
0xae: {  	[sflag:s25] =	ssyncadd.s32 $0xFFFFE000  }
0xaf: {  	_ =	swait.ge [sflag:s25], $0x2000  }
0xb0: {  	[sflag:s25] =	ssyncset.done $0x0  }
0xb1: {  	[sflag:s25] =	ssyncadd.s32 $0xFFFFE000  }
0xb2: {  	_ =	swait.ge [sflag:s25], $0x2000  }
0xb3: {  	[sflag:s25] =	ssyncset.done $0x0  }
0xb4: {  	[sflag:s25] =	ssyncadd.s32 $0xFFFFE000  }
0xb5: {  	_ =	swait.ge [sflag:s25], $0x2000  }
0xb6: {  	[sflag:s25] =	ssyncset.done $0x0  }
0xb7: {  	[sflag:s25] =	ssyncadd.s32 $0xFFFFE000  }
0xb8: {  	_ =	swait.ge [sflag:s25], $0x2000  }
0xb9: {  	[sflag:s25] =	ssyncset.done $0x0  }
0xba: {  	[sflag:s25] =	ssyncadd.s32 $0xFFFFE000  }
0xbb: {  	_ =	swait.ge [sflag:s25], $0x2000  }
0xbc: {  	[sflag:s25] =	ssyncset.done $0x0  }
0xbd: {  	[sflag:s25] =	ssyncadd.s32 $0xFFFFE000  }
0xbe: {  	_ =	swait.ge [sflag:s25], $0x2000  }
0xbf: {  	[sflag:s25] =	ssyncset.done $0x0  }
0xc0: {  	[sflag:s25] =	ssyncadd.s32 $0xFFFFE000  }
0xc1: {  	[hbm4b:s5+s3] =	stream.linear.scatter [tilespmem:s10], [sflag:$0x2], $0x10000, $0x38;
	[tilespmem:$0x10800] =	vst v63  }
0xc2: {  	s26 =	sadd.s32 $0x1, s26;
	_ =	swait.ge [sflag:s8], $0x10000  }
0xc3: {  	p0 =	sne.s32 s26, s7;
	[sflag:s8] =	ssyncset.done $0x0  }
.Ltmp1:
0xc4: {  	[sflag:s8] =	ssyncadd.s32 $0xFFFF0000;
	(pc) =	sbr.rel @p0 .LBB2_1-.Ltmp1, $4  }
0xc5: {  	[hbm4b:s6+s3] =	stream.linear.scatter [tilespmem:s24], [sflag:$0x2], $0x400, $0x38;
	[tilespmem:$0x10800] =	vst v63  }
0xc6: {  	_ =	swait.ge [sflag:s8], $0x400  }
0xc7: {  	[sflag:s8] =	ssyncset.done $0x0  }
0xc8: {  	[sflag:s8] =	ssyncadd.s32 $0xFFFFFC00  }
0xc9: {  	_ =	sfence.sel $0x180000  }
0xca: {  	[bflag:$0x0] =	sbarrier.arrive $0xFFFF  }
0xcb: {  	p0 =	sne.s32 s2, $0x0;
	_ =	strace $0x90000047  }
0xcc: {  	s0 =	sadd.s32 @!p0 $0x100000, s0;
	[bflag:$0x2] =	sbarrier.arrive $0xFFFF  }
0xcd: {  	[sflag:s0] =	ssyncadd.tile.s32 @!p0 $0x1;
	_ =	shalt  }
.Lfunc_end2:
_tile_overlayer_lowered:
.L_overlay_start_2:
0xce: {  	(tag) =	ssettag $0x2  }
0xcf: {  	s0 =	rddreg [dreg:$0x0];
	s2 =	stileid.u32  }
0xd0: {  	s1 =	rddreg [dreg:$0x1];
	p0 =	sne.s32 s2, $0x0  }
0xd1: {  	s3 =	rddreg [dreg:$0x2];
	[bflag:$0x3] =	sbarrier.arrive $0xFFFF;
	s2 =	simm.s32 @!p0 $0x1C02  }
0xd2: {  	[timem:s3], [sflag:s2] =	dma.local @!p0 [hbm:s0], s1  }
0xd3: {  	s0 =	simm.s32 @!p0 $0x2  }
0xd4: {  	_ =	swait.ge @!p0 [sflag:s0], s1  }
0xd5: {  	s1 =	ssub.s32 @!p0 $0x0, s1;
	[sflag:s0] =	ssyncset.done @!p0 $0x0  }
0xd6: {  	[sflag:s0] =	ssyncadd.s32 @!p0 s1  }
0xd7: {  	[bflag:$0x3] =	sbarrier.arrive $0xFFFF  }
0xd8: {  	_ =	shalt  }

// kernel: kernel.14.cloned.1.call-start
scs
__scs_entry_jumppad:
0x0: {  	(pc) =	sbr.rel $0x88, $3  }
0x1: {  	(tag) =	ssettag $0x0;
	lr =	simm.s32 $0x1  }
0x2: {  	[smem:$0x3F9C] =	sst lr;
	_ =	strace $0xD0000000  }
0x3: {  	_ = 	snop  }
0x4: {  	_ = 	snop  }
0x5: {  	_ = 	snop  }
0x6: {  	_ = 	snop  }
0x7: {  	_ = 	snop  }
__scs_overlays_trampoline_lowered:
0x8: {  	[smem:$0x3FAB] =	sst s0  }
0x9: {  	[smem:$0x3FAC] =	sst s1  }
0xa: {  	[smem:$0x3FAD] =	sst s2  }
0xb: {  	[smem:$0x3FAE] =	sst s3  }
0xc: {  	[smem:$0x3FAF] =	sst s4  }
0xd: {  	[smem:$0x3FB0] =	sst s5  }
0xe: {  	[smem:$0x3FB1] =	sst s6  }
0xf: {  	[smem:$0x3FB2] =	sst s7  }
0x10: {  	[smem:$0x3FB3] =	sst s8  }
0x11: {  	[smem:$0x3FB4] =	sst s9;
	s0 =	simm.s32 @!p0 $0x0  }
0x12: {  	s1 =	sld [smem:$0x3F9A];
	s0 =	simm.s32 @p0 $0x1  }
0x13: {  	[smem:$0x3FB5] =	sst s0;
	s0 =	simm.s32 @!p1 $0x0  }
0x14: {  	s2 =	sld [smem:$0x3F99];
	s0 =	simm.s32 @p1 $0x1  }
0x15: {  	[smem:$0x3FB6] =	sst s0;
	s0 =	simm.s32 @!p2 $0x0  }
0x16: {  	s3 =	sld [smem:$0x3FDB];
	s0 =	simm.s32 @p2 $0x1  }
0x17: {  	s4 =	simm.s32 $0x1BF5;
	[smem:$0x3FB8] =	sst s0  }
0x18: {  	s0 =	sld [smem:$0x3F9B];
	_ =	swait.ge [sflag:s4], $0x0  }
0x19: {  	s7 =	sld [smem:$0x3F9C]  }
0x1a: {  	s8 =	sadd.s32 $0xFFFFE003, lr  }
0x1b: {  	s9 =	sadd.s32 $0xFFFFFEF7, lr;
	s5 =	simm.s32 $0xFFFFFFFF;
	p2 =	slt.u32 s8, $0xFFFFF086  }
0x1c: {  	p1 =	slt.u32 s9, $0xF7A;
	s5 =	simm.s32 @!p2 $0x0  }
0x1d: {  	s5 =	simm.s32 @p1 $0x1;
	p0 =	seq.s32 s7, s2  }
0x1e: {  	s7 =	smul.u32 @!p0 $0xF7A, s2;
	p2 =	seq.s32 @!p0 s5, $0x0  }
0x1f: {  	s9 =	smul.u32 $0xF7A, s1;
	s8 =	simm.s32 @!p0 $0x1BF5;
	p2 =	por !p2, p0  }
0x20: {  	[sflag:s8] =	ssyncset.s32 @!p0 $0xFFFFF086;
	s6 =	sadd.s32 @!p0 s3, s7;
	s7 =	simm.s32 @!p0 $0x108  }
0x21: {  	s3 =	sadd.s32 s3, s9;
	s6 =	sadd.s32 @!p0 $0x88, s6;
	s7 =	simm.s32 @p2 $0x1082  }
0x22: {  	[simem:s7], [sflag:s8] =	dma.local @!p0 [hbm:s6], $0xF7A  }
0x23: {  	s9 =	sor.u32 $0xD0000000, s2;
	s6 =	simm.s32 $0x108;
	_ =	swait.ge @!p0 [sflag:s8], $0x0  }
0x24: {  	s3 =	sadd.s32 $0x88, s3;
	s6 =	simm.s32 @!p1 $0x1082;
	[sflag:s4] =	ssyncset.s32 $0xFFFFF086  }
0x25: {  	[simem:s6], [sflag:s4] =	dma.local [hbm:s3], $0xF7A  }
0x26: {  	[smem:$0x3F9C] =	sst s1;
	(tag) =	ssettag s2;
	_ =	strace s9  }
0x27: {  	s1 =	sld [smem:$0x3FAC]  }
0x28: {  	s2 =	sld [smem:$0x3FAD]  }
0x29: {  	s4 =	sld [smem:$0x3FAF]  }
0x2a: {  	p0 =	seq.s32 s5, $0x0;
	s5 =	sld [smem:$0x3FB0]  }
0x2b: {  	s6 =	sld [smem:$0x3FB1]  }
0x2c: {  	s7 =	sld [smem:$0x3FB2]  }
0x2d: {  	s3 =	simm.s32 $0x108;
	s8 =	sld [smem:$0x3FB3]  }
0x2e: {  	s3 =	simm.s32 @!p0 $0x1082;
	s9 =	sld [smem:$0x3FB4]  }
0x2f: {  	lr =	sadd.s32 s0, s3;
	s0 =	sld [smem:$0x3FAB]  }
0x30: {  	s3 =	sld [smem:$0x3FAE]  }
0x31: {  	[smem:$0x3FB7] =	sst s10  }
0x32: {  	s10 =	sld [smem:$0x3FB5];
	_ =	sdelay $0x3  }
0x33: {  	p0 =	seq.s32 s10, $0x1;
	s10 =	sld [smem:$0x3FB7];
	_ =	sdelay $0x3  }
0x34: {  	[smem:$0x3FB7] =	sst s10  }
0x35: {  	s10 =	sld [smem:$0x3FB6];
	_ =	sdelay $0x3  }
0x36: {  	p1 =	seq.s32 s10, $0x1;
	s10 =	sld [smem:$0x3FB7];
	_ =	sdelay $0x3  }
0x37: {  	[smem:$0x3FB7] =	sst s10  }
0x38: {  	s10 =	sld [smem:$0x3FB8]  }
0x39: {  	_ = 	snop;
	(pc) =	sbr.ind lr, $3  }
0x3a: {  	_ = 	snop  }
0x3b: {  	_ = 	snop  }
0x3c: {  	p2 =	seq.s32 s10, $0x1;
	s10 =	sld [smem:$0x3FB7]  }
0x3d: {  	_ =	shalt  }
0x3e: {  	_ =	shalt  }
0x3f: {  	_ =	shalt  }
0x40: {  	_ =	shalt  }
0x41: {  	_ =	shalt  }
0x42: {  	_ =	shalt  }
0x43: {  	_ =	shalt  }
0x44: {  	_ =	shalt  }
0x45: {  	_ =	shalt  }
0x46: {  	_ =	shalt  }
0x47: {  	_ =	shalt  }
0x48: {  	_ =	shalt  }
0x49: {  	_ =	shalt  }
0x4a: {  	_ =	shalt  }
0x4b: {  	_ =	shalt  }
0x4c: {  	_ =	shalt  }
0x4d: {  	_ =	shalt  }
0x4e: {  	_ =	shalt  }
0x4f: {  	_ =	shalt  }
0x50: {  	_ =	shalt  }
0x51: {  	_ =	shalt  }
0x52: {  	_ =	shalt  }
0x53: {  	_ =	shalt  }
0x54: {  	_ =	shalt  }
0x55: {  	_ =	shalt  }
0x56: {  	_ =	shalt  }
0x57: {  	_ =	shalt  }
0x58: {  	_ =	shalt  }
0x59: {  	_ =	shalt  }
0x5a: {  	_ =	shalt  }
0x5b: {  	_ =	shalt  }
0x5c: {  	_ =	shalt  }
0x5d: {  	_ =	shalt  }
0x5e: {  	_ =	shalt  }
0x5f: {  	_ =	shalt  }
0x60: {  	_ =	shalt  }
0x61: {  	_ =	shalt  }
0x62: {  	_ =	shalt  }
0x63: {  	_ =	shalt  }
0x64: {  	_ =	shalt  }
0x65: {  	_ =	shalt  }
0x66: {  	_ =	shalt  }
0x67: {  	_ =	shalt  }
0x68: {  	_ =	shalt  }
0x69: {  	_ =	shalt  }
0x6a: {  	_ =	shalt  }
0x6b: {  	_ =	shalt  }
0x6c: {  	_ =	shalt  }
0x6d: {  	_ =	shalt  }
0x6e: {  	_ =	shalt  }
0x6f: {  	_ =	shalt  }
0x70: {  	_ =	shalt  }
0x71: {  	_ =	shalt  }
0x72: {  	_ =	shalt  }
0x73: {  	_ =	shalt  }
0x74: {  	_ =	shalt  }
0x75: {  	_ =	shalt  }
0x76: {  	_ =	shalt  }
0x77: {  	_ =	shalt  }
0x78: {  	_ =	shalt  }
0x79: {  	_ =	shalt  }
0x7a: {  	_ =	shalt  }
0x7b: {  	_ =	shalt  }
0x7c: {  	_ =	shalt  }
0x7d: {  	_ =	shalt  }
0x7e: {  	_ =	shalt  }
0x7f: {  	_ =	shalt  }
0x80: {  	_ =	shalt  }
0x81: {  	_ =	shalt  }
0x82: {  	_ =	shalt  }
0x83: {  	_ =	shalt  }
0x84: {  	_ =	shalt  }
0x85: {  	_ =	shalt  }
0x86: {  	_ =	shalt  }
0x87: {  	_ =	shalt  }
.Lfunc_end0:
.L_simem_size_0:
called_computation.1_lowered:
.L_overlay_start_0:
0x88: {  	s2 =	sld [smem:$0x3FD9]  }
0x89: {  	s3 =	sld [smem:$0x3FFE];
	_ =	sdelay $0x1  }
0x8a: {  	s1 =	srdreg.scid  }
0x8b: {  	s0 =	sand.u32 $0x1, s1  }
0x8c: {  	s14 =	sshll.u32 s0, $0xA;
	s2 =	sadd.s32 s3, s2  }
0x8d: {  	s2 =	sadd.s32 s2, s14  }
0x8e: {  	[smem:$0x3FC3] =	sst s2  }
0x8f: {  	_ = 	snop  }
0x90: {  	s2 =	sld [smem:$0x3FD0];
	_ =	sdelay $0x2  }
0x91: {  	s15 =	simm.s32 $0xA;
	s4 =	simm.s32 $0x10  }
0x92: {  	[smem:s4], [sflag:s15] =	dma.local [hbm:s2], $0x1  }
0x93: {  	_ =	swait.eq [sflag:s15], $0x1  }
0x94: {  	[sflag:s15] =	ssyncset.done $0x0  }
0x95: {  	[sflag:s15] =	ssyncadd.s32 $0xFFFFFFFF  }
0x96: {  	s16 =	sld [smem:$0x11];
	(tm) =	ssettm $0x1  }
0x97: {  	s17 =	sld [smem:$0x3FFB];
	_ =	sdelay $0x3  }
0x98: {  	_ =	strace s17  }
0x99: {  	s3 =	sld [smem:$0x3FFC];
	_ =	sdelay $0x3  }
0x9a: {  	_ =	strace s3  }
0x9b: {  	s3 =	sld [smem:$0x3FFD];
	_ =	sdelay $0x3  }
0x9c: {  	_ =	strace s3  }
0x9d: {  	_ =	strace $0x8FFFFFFF  }
0x9e: {  	s18 =	sld [smem:$0x3FDB];
	_ =	sdelay $0x1  }
0x9f: {  	s19 =	simm.s32 $_scs_section_size  }
0xa0: {  	s5 =	simm.s32 $_size__tile_overlayer_lowered;
	s6 =	simm.s32 $_tile_overlayer_lowered  }
0xa1: {  	s22 =	simm.s32 $0x1BFF;
	s21 =	sshll.u32 s6, $0x1;
	s3 =	sadd.s32 s19, s18  }
0xa2: {  	s7 =	simm.s32 $0x0;
	s20 =	sshll.u32 s5, $0x1;
	s5 =	sadd.s32 s21, s3  }
0xa3: {  	[timem:s7], [sflag:s22] =	dma.local [hbm:s5], s20  }
0xa4: {  	_ =	swait.ge [sflag:s22], s20  }
0xa5: {  	s4 =	ssub.s32 $0x0, s20;
	[sflag:s22] =	ssyncset.done $0x0  }
0xa6: {  	[sflag:s22] =	ssyncadd.s32 s4;
	_ =	sdelay $0x1  }
0xa7: {  	s23 =	simm.s32 $0x1B8B  }
0xa8: {  	_ =	swait.ge [sflag:s23], $0x1  }
0xa9: {  	[sflag:s23] =	ssyncset.done $0x0  }
0xaa: {  	s25 =	simm.s32 $0x1B8E;
	s24 =	sld [smem:$0x3FFE];
	[sflag:s23] =	ssyncadd.s32 $0xFFFFFFFF  }
0xab: {  	s26 =	simm.s32 $execute0_lowered;
	[smem:$0x3FD2] =	sst s25  }
0xac: {  	s5 =	sshll.u32 s26, $0x1;
	_ =	strace $0x80000049;
	[dreg:$0x1] =	wrdreg $0xFFFFFFFF  }
0xad: {  	s28 =	simm.s32 $_size_execute0_lowered;
	s3 =	sadd.s32 s3, s5;
	[dreg:$0x0] =	wrdreg $0x0  }
0xae: {  	s5 =	sshll.u32 s28, $0x1;
	[dreg:$0x2] =	wrdreg s3  }
0xaf: {  	[dreg:$0x3] =	wrdreg s5  }
0xb0: {  	[dreg:$0x4] =	wrdreg $0xC0  }
0xb1: {  	_ =	task [dreg:s7], $0x5FFFF  }
0xb2: {  	[dreg:$0x1] =	wrdreg $0xFFFFFFFF  }
0xb3: {  	[dreg:$0x0] =	wrdreg $0x60  }
0xb4: {  	[dreg:$0x2] =	wrdreg s24  }
0xb5: {  	[dreg:$0x3] =	wrdreg s16  }
0xb6: {  	[dreg:$0x4] =	wrdreg $0x9  }
0xb7: {  	_ =	task.clear_ibuf [dreg:s7], $0x5FFFF;
	_ =	strace $0x90000049  }
0xb8: {  	s29 =	simm.s32 $0x9;
	_ =	strace $0x8000004B  }
0xb9: {  	_ =	swait.ge [sflag:s29], $0x1  }
0xba: {  	[sflag:s29] =	ssyncadd.s32 $0xFFFFFFFF  }
0xbb: {  	_ =	strace $0x9000004B  }
0xbc: {  	_ =	sfence  }
0xbd: {  	s30 =	sld [smem:$0x0];
	_ =	sdelay $0x2  }
0xbe: {  	s31 =	sshll.u32 s1, $0xD;
	s1 =	sshrl.u32 s1, $0x2  }
0xbf: {  	s3 =	sand.u32 $0x4000, s31;
	s1 =	sadd.s32 s1, s30  }
0xc0: {  	s0 =	sor.u32 s3, s0;
	s1 =	sshll.u32 s1, $0x11  }
0xc1: {  	s0 =	sor.u32 s1, s0  }
0xc2: {  	s0 =	sadd.s32 $0x8F2B, s0  }
0xc3: {  	[sflag:s0] =	ssyncadd.remote.s32 $0x1  }
0xc4: {  	_ =	sfence.sel $0xFFFF  }
0xc5: {  	[dreg:$0x0] =	wrdreg $0xFFFFFFFF;
	(pc) =	sbr.abs _section_cstart, $3  }
0xc6: {  	[dreg:$0x1] =	wrdreg $0xFFFFFFFF  }
0xc7: {  	_ =	task.clear_ibuf [dreg:s7], $0x2FFFF;
	_ =	strace $0x9FFFFFFF  }
0xc8: {  	(tm) =	ssettm $0x7FFFFFFF  }
0xc9: {  	_ =	shalt  }
tec
execute0_lowered:
.L_overlay_start_1:
0x0: {  	(tag) =	ssettag $0x1  }
0x1: {  	s4 =	rddreg [dreg:$0x0]  }
0x2: {  	s5 =	rddreg [dreg:$0x1]  }
0x3: {  	s0 =	rddreg [dreg:$0x2];
	s2 =	simm.s32 $0x0;
	s3 =	srdreg.scid  }
0x4: {  	s1 =	stileid.u32;
	s10 =	simm.s32 $0x400;
	s11 =	simm.s32 $0x2400  }
0x5: {  	s12 =	simm.s32 $0x100;
	s13 =	simm.s32 $0x4400;
	s14 =	simm.s32 $0x180  }
0x6: {  	s15 =	simm.s32 $0x6400;
	s16 =	simm.s32 $0x200;
	s17 =	simm.s32 $0x8400  }
0x7: {  	s18 =	simm.s32 $0x280;
	s19 =	simm.s32 $0xA400;
	s20 =	simm.s32 $0x300  }
0x8: {  	s21 =	simm.s32 $0xC400;
	s22 =	simm.s32 $0x380;
	s23 =	simm.s32 $0xE400  }
0x9: {  	s24 =	simm.s32 $0x10400;
	s25 =	simm.s32 $0x1;
	s26 =	simm.s32 $0x0  }
0xa: {  	[smem:$0x7FF] =	sst s2;
	s6 =	sand.u32 $0x1, s3;
	s30 =	sshll.u32 s1, $0x1  }
0xb: {  	s3 =	sadd.s32 $0x85400, s4;
	s7 =	sor.u32 s6, s30;
	s6 =	ssub.s32 $0x2, s6  }
0xc: {  	_ =	strace $0x8000004A;
	s8 =	sshll.u32 s7, $0x7;
	s31 =	sshrl.u32 s6, $0x1  }
0xd: {  	s7 =	sshll.u32 s7, $0xD;
	s8 =	sadd.s32 s8, s4;
	s9 =	ssub.s32 s6, s31  }
0xe: {  	s5 =	sadd.s32 s5, s7;
	s4 =	sadd.s32 $0x87400, s8;
	s6 =	sadd.s32 $0x108400, s8  }
0xf: {  	v0 =	vimm.f32 $0.0e+00;
	v1 =	vimm.f32 $1.000000000e+00;
	s7 =	smax.u32 s9, $0x1;
	s8 =	simm.s32 $0x2;
	s9 =	simm.s32 $0x80  }
.LBB2_1:
0x10: {  	[tilespmem:s2], [sflag:$0x2] =	stream.linear.gather [hbm4b:s4+s2], $0x400, $0x38;
	[tilespmem:$0x10800] =	vst v63  }
0x11: {  	_ =	swait.ge [sflag:s8], $0x400  }
0x12: {  	[sflag:s8] =	ssyncset.done $0x0  }
0x13: {  	[sflag:s8] =	ssyncadd.s32 $0xFFFFFC00  }
0x14: {  	[tilespmem:s10], [sflag:$0x1] =	stream.indirect.gather [hbm4b:s3+s9], $0x40, s2, s9, $0xb8;
	[tilespmem:$0x10800] =	vst v63  }
0x15: {  	_ = 	snop  }
0x16: {  	[tilespmem:s11], [sflag:$0x1] =	stream.indirect.gather [hbm4b:s3+s9], $0x40, s9, s9, $0xb8;
	[tilespmem:$0x10800] =	vst v63  }
0x17: {  	_ = 	snop  }
0x18: {  	[tilespmem:s13], [sflag:$0x1] =	stream.indirect.gather [hbm4b:s3+s9], $0x40, s12, s9, $0xb8;
	[tilespmem:$0x10800] =	vst v63  }
0x19: {  	_ = 	snop  }
0x1a: {  	[tilespmem:s15], [sflag:$0x1] =	stream.indirect.gather [hbm4b:s3+s9], $0x40, s14, s9, $0xb8;
	[tilespmem:$0x10800] =	vst v63  }
0x1b: {  	_ = 	snop  }
0x1c: {  	[tilespmem:s17], [sflag:$0x1] =	stream.indirect.gather [hbm4b:s3+s9], $0x40, s16, s9, $0xb8;
	[tilespmem:$0x10800] =	vst v63  }
0x1d: {  	_ = 	snop  }
0x1e: {  	[tilespmem:s19], [sflag:$0x1] =	stream.indirect.gather [hbm4b:s3+s9], $0x40, s18, s9, $0xb8;
	[tilespmem:$0x10800] =	vst v63  }
0x1f: {  	_ = 	snop  }
0x20: {  	[tilespmem:s21], [sflag:$0x1] =	stream.indirect.gather [hbm4b:s3+s9], $0x40, s20, s9, $0xb8;
	[tilespmem:$0x10800] =	vst v63  }
0x21: {  	s28 =	simm.s32 $0x40;
	s29 =	simm.s32 $0x0  }
0x22: {  	[tilespmem:s23], [sflag:$0x1] =	stream.indirect.gather [hbm4b:s3+s9], $0x40, s22, s9, $0xb8;
	[tilespmem:$0x10800] =	vst v63  }
.LBB2_2:
0x23: {  	p0 =	sne.s32 s28, $0xFC0;
	[tilespmem:s29+$0x10400] =	vst v0;
	s29 =	smov.u32 s28;
	s28 =	sadd.s32 $0x40, s28  }
.Ltmp0:
0x24: {  	(pc) =	sbr.rel @p0 .LBB2_2-.Ltmp0, $2  }
0x25: {  	_ =	sdelay $0x2  }
0x26: {  	s29 =	sshra.s32 s29, $0x2  }
0x27: {  	[tilespmem:s29+$0x10400] =	vst v0  }
0x28: {  	v2 =	vld [tilespmem:$0x0];
	_ =	sdelay $0x7  }
0x29: {  	[tilespmem:v2+s24+$0x0] =	vst.idx.add.f32.msk $0xffff, v1  }
0x2a: {  	v2 =	vld [tilespmem:$0x10];
	_ =	sdelay $0x7  }
0x2b: {  	[tilespmem:v2+s24+$0x0] =	vst.idx.add.f32.msk $0xffff, v1  }
0x2c: {  	v2 =	vld [tilespmem:$0x20];
	_ =	sdelay $0x7  }
0x2d: {  	[tilespmem:v2+s24+$0x0] =	vst.idx.add.f32.msk $0xffff, v1  }
0x2e: {  	v2 =	vld [tilespmem:$0x30];
	_ =	sdelay $0x7  }
0x2f: {  	[tilespmem:v2+s24+$0x0] =	vst.idx.add.f32.msk $0xffff, v1  }
0x30: {  	v2 =	vld [tilespmem:$0x40];
	_ =	sdelay $0x7  }
0x31: {  	[tilespmem:v2+s24+$0x0] =	vst.idx.add.f32.msk $0xffff, v1  }
0x32: {  	v2 =	vld [tilespmem:$0x50];
	_ =	sdelay $0x7  }
0x33: {  	[tilespmem:v2+s24+$0x0] =	vst.idx.add.f32.msk $0xffff, v1  }
0x34: {  	v2 =	vld [tilespmem:$0x60];
	_ =	sdelay $0x7  }
0x35: {  	[tilespmem:v2+s24+$0x0] =	vst.idx.add.f32.msk $0xffff, v1  }
0x36: {  	v2 =	vld [tilespmem:$0x70];
	_ =	sdelay $0x7  }
0x37: {  	[tilespmem:v2+s24+$0x0] =	vst.idx.add.f32.msk $0xffff, v1  }
0x38: {  	v2 =	vld [tilespmem:$0x80];
	_ =	sdelay $0x7  }
0x39: {  	[tilespmem:v2+s24+$0x0] =	vst.idx.add.f32.msk $0xffff, v1  }
0x3a: {  	v2 =	vld [tilespmem:$0x90];
	_ =	sdelay $0x7  }
0x3b: {  	[tilespmem:v2+s24+$0x0] =	vst.idx.add.f32.msk $0xffff, v1  }
0x3c: {  	v2 =	vld [tilespmem:$0xA0];
	_ =	sdelay $0x7  }
0x3d: {  	[tilespmem:v2+s24+$0x0] =	vst.idx.add.f32.msk $0xffff, v1  }
0x3e: {  	v2 =	vld [tilespmem:$0xB0];
	_ =	sdelay $0x7  }
0x3f: {  	[tilespmem:v2+s24+$0x0] =	vst.idx.add.f32.msk $0xffff, v1  }
0x40: {  	v2 =	vld [tilespmem:$0xC0];
	_ =	sdelay $0x7  }
0x41: {  	[tilespmem:v2+s24+$0x0] =	vst.idx.add.f32.msk $0xffff, v1  }
0x42: {  	v2 =	vld [tilespmem:$0xD0];
	_ =	sdelay $0x7  }
0x43: {  	[tilespmem:v2+s24+$0x0] =	vst.idx.add.f32.msk $0xffff, v1  }
0x44: {  	v2 =	vld [tilespmem:$0xE0];
	_ =	sdelay $0x7  }
0x45: {  	[tilespmem:v2+s24+$0x0] =	vst.idx.add.f32.msk $0xffff, v1  }
0x46: {  	v2 =	vld [tilespmem:$0xF0];
	_ =	sdelay $0x7  }
0x47: {  	[tilespmem:v2+s24+$0x0] =	vst.idx.add.f32.msk $0xffff, v1  }
0x48: {  	v2 =	vld [tilespmem:$0x100];
	_ =	sdelay $0x7  }
0x49: {  	[tilespmem:v2+s24+$0x0] =	vst.idx.add.f32.msk $0xffff, v1  }
0x4a: {  	v2 =	vld [tilespmem:$0x110];
	_ =	sdelay $0x7  }
0x4b: {  	[tilespmem:v2+s24+$0x0] =	vst.idx.add.f32.msk $0xffff, v1  }
0x4c: {  	v2 =	vld [tilespmem:$0x120];
	_ =	sdelay $0x7  }
0x4d: {  	[tilespmem:v2+s24+$0x0] =	vst.idx.add.f32.msk $0xffff, v1  }
0x4e: {  	v2 =	vld [tilespmem:$0x130];
	_ =	sdelay $0x7  }
0x4f: {  	[tilespmem:v2+s24+$0x0] =	vst.idx.add.f32.msk $0xffff, v1  }
0x50: {  	v2 =	vld [tilespmem:$0x140];
	_ =	sdelay $0x7  }
0x51: {  	[tilespmem:v2+s24+$0x0] =	vst.idx.add.f32.msk $0xffff, v1  }
0x52: {  	v2 =	vld [tilespmem:$0x150];
	_ =	sdelay $0x7  }
0x53: {  	[tilespmem:v2+s24+$0x0] =	vst.idx.add.f32.msk $0xffff, v1  }
0x54: {  	v2 =	vld [tilespmem:$0x160];
	_ =	sdelay $0x7  }
0x55: {  	[tilespmem:v2+s24+$0x0] =	vst.idx.add.f32.msk $0xffff, v1  }
0x56: {  	v2 =	vld [tilespmem:$0x170];
	_ =	sdelay $0x7  }
0x57: {  	[tilespmem:v2+s24+$0x0] =	vst.idx.add.f32.msk $0xffff, v1  }
0x58: {  	v2 =	vld [tilespmem:$0x180];
	_ =	sdelay $0x7  }
0x59: {  	[tilespmem:v2+s24+$0x0] =	vst.idx.add.f32.msk $0xffff, v1  }
0x5a: {  	v2 =	vld [tilespmem:$0x190];
	_ =	sdelay $0x7  }
0x5b: {  	[tilespmem:v2+s24+$0x0] =	vst.idx.add.f32.msk $0xffff, v1  }
0x5c: {  	v2 =	vld [tilespmem:$0x1A0];
	_ =	sdelay $0x7  }
0x5d: {  	[tilespmem:v2+s24+$0x0] =	vst.idx.add.f32.msk $0xffff, v1  }
0x5e: {  	v2 =	vld [tilespmem:$0x1B0];
	_ =	sdelay $0x7  }
0x5f: {  	[tilespmem:v2+s24+$0x0] =	vst.idx.add.f32.msk $0xffff, v1  }
0x60: {  	v2 =	vld [tilespmem:$0x1C0];
	_ =	sdelay $0x7  }
0x61: {  	[tilespmem:v2+s24+$0x0] =	vst.idx.add.f32.msk $0xffff, v1  }
0x62: {  	v2 =	vld [tilespmem:$0x1D0];
	_ =	sdelay $0x7  }
0x63: {  	[tilespmem:v2+s24+$0x0] =	vst.idx.add.f32.msk $0xffff, v1  }
0x64: {  	v2 =	vld [tilespmem:$0x1E0];
	_ =	sdelay $0x7  }
0x65: {  	[tilespmem:v2+s24+$0x0] =	vst.idx.add.f32.msk $0xffff, v1  }
0x66: {  	v2 =	vld [tilespmem:$0x1F0];
	_ =	sdelay $0x7  }
0x67: {  	[tilespmem:v2+s24+$0x0] =	vst.idx.add.f32.msk $0xffff, v1  }
0x68: {  	v2 =	vld [tilespmem:$0x200];
	_ =	sdelay $0x7  }
0x69: {  	[tilespmem:v2+s24+$0x0] =	vst.idx.add.f32.msk $0xffff, v1  }
0x6a: {  	v2 =	vld [tilespmem:$0x210];
	_ =	sdelay $0x7  }
0x6b: {  	[tilespmem:v2+s24+$0x0] =	vst.idx.add.f32.msk $0xffff, v1  }
0x6c: {  	v2 =	vld [tilespmem:$0x220];
	_ =	sdelay $0x7  }
0x6d: {  	[tilespmem:v2+s24+$0x0] =	vst.idx.add.f32.msk $0xffff, v1  }
0x6e: {  	v2 =	vld [tilespmem:$0x230];
	_ =	sdelay $0x7  }
0x6f: {  	[tilespmem:v2+s24+$0x0] =	vst.idx.add.f32.msk $0xffff, v1  }
0x70: {  	v2 =	vld [tilespmem:$0x240];
	_ =	sdelay $0x7  }
0x71: {  	[tilespmem:v2+s24+$0x0] =	vst.idx.add.f32.msk $0xffff, v1  }
0x72: {  	v2 =	vld [tilespmem:$0x250];
	_ =	sdelay $0x7  }
0x73: {  	[tilespmem:v2+s24+$0x0] =	vst.idx.add.f32.msk $0xffff, v1  }
0x74: {  	v2 =	vld [tilespmem:$0x260];
	_ =	sdelay $0x7  }
0x75: {  	[tilespmem:v2+s24+$0x0] =	vst.idx.add.f32.msk $0xffff, v1  }
0x76: {  	v2 =	vld [tilespmem:$0x270];
	_ =	sdelay $0x7  }
0x77: {  	[tilespmem:v2+s24+$0x0] =	vst.idx.add.f32.msk $0xffff, v1  }
0x78: {  	v2 =	vld [tilespmem:$0x280];
	_ =	sdelay $0x7  }
0x79: {  	[tilespmem:v2+s24+$0x0] =	vst.idx.add.f32.msk $0xffff, v1  }
0x7a: {  	v2 =	vld [tilespmem:$0x290];
	_ =	sdelay $0x7  }
0x7b: {  	[tilespmem:v2+s24+$0x0] =	vst.idx.add.f32.msk $0xffff, v1  }
0x7c: {  	v2 =	vld [tilespmem:$0x2A0];
	_ =	sdelay $0x7  }
0x7d: {  	[tilespmem:v2+s24+$0x0] =	vst.idx.add.f32.msk $0xffff, v1  }
0x7e: {  	v2 =	vld [tilespmem:$0x2B0];
	_ =	sdelay $0x7  }
0x7f: {  	[tilespmem:v2+s24+$0x0] =	vst.idx.add.f32.msk $0xffff, v1  }
0x80: {  	v2 =	vld [tilespmem:$0x2C0];
	_ =	sdelay $0x7  }
0x81: {  	[tilespmem:v2+s24+$0x0] =	vst.idx.add.f32.msk $0xffff, v1  }
0x82: {  	v2 =	vld [tilespmem:$0x2D0];
	_ =	sdelay $0x7  }
0x83: {  	[tilespmem:v2+s24+$0x0] =	vst.idx.add.f32.msk $0xffff, v1  }
0x84: {  	v2 =	vld [tilespmem:$0x2E0];
	_ =	sdelay $0x7  }
0x85: {  	[tilespmem:v2+s24+$0x0] =	vst.idx.add.f32.msk $0xffff, v1  }
0x86: {  	v2 =	vld [tilespmem:$0x2F0];
	_ =	sdelay $0x7  }
0x87: {  	[tilespmem:v2+s24+$0x0] =	vst.idx.add.f32.msk $0xffff, v1  }
0x88: {  	v2 =	vld [tilespmem:$0x300];
	_ =	sdelay $0x7  }
0x89: {  	[tilespmem:v2+s24+$0x0] =	vst.idx.add.f32.msk $0xffff, v1  }
0x8a: {  	v2 =	vld [tilespmem:$0x310];
	_ =	sdelay $0x7  }
0x8b: {  	[tilespmem:v2+s24+$0x0] =	vst.idx.add.f32.msk $0xffff, v1  }
0x8c: {  	v2 =	vld [tilespmem:$0x320];
	_ =	sdelay $0x7  }
0x8d: {  	[tilespmem:v2+s24+$0x0] =	vst.idx.add.f32.msk $0xffff, v1  }
0x8e: {  	v2 =	vld [tilespmem:$0x330];
	_ =	sdelay $0x7  }
0x8f: {  	[tilespmem:v2+s24+$0x0] =	vst.idx.add.f32.msk $0xffff, v1  }
0x90: {  	v2 =	vld [tilespmem:$0x340];
	_ =	sdelay $0x7  }
0x91: {  	[tilespmem:v2+s24+$0x0] =	vst.idx.add.f32.msk $0xffff, v1  }
0x92: {  	v2 =	vld [tilespmem:$0x350];
	_ =	sdelay $0x7  }
0x93: {  	[tilespmem:v2+s24+$0x0] =	vst.idx.add.f32.msk $0xffff, v1  }
0x94: {  	v2 =	vld [tilespmem:$0x360];
	_ =	sdelay $0x7  }
0x95: {  	[tilespmem:v2+s24+$0x0] =	vst.idx.add.f32.msk $0xffff, v1  }
0x96: {  	v2 =	vld [tilespmem:$0x370];
	_ =	sdelay $0x7  }
0x97: {  	[tilespmem:v2+s24+$0x0] =	vst.idx.add.f32.msk $0xffff, v1  }
0x98: {  	v2 =	vld [tilespmem:$0x380];
	_ =	sdelay $0x7  }
0x99: {  	[tilespmem:v2+s24+$0x0] =	vst.idx.add.f32.msk $0xffff, v1  }
0x9a: {  	v2 =	vld [tilespmem:$0x390];
	_ =	sdelay $0x7  }
0x9b: {  	[tilespmem:v2+s24+$0x0] =	vst.idx.add.f32.msk $0xffff, v1  }
0x9c: {  	v2 =	vld [tilespmem:$0x3A0];
	_ =	sdelay $0x7  }
0x9d: {  	[tilespmem:v2+s24+$0x0] =	vst.idx.add.f32.msk $0xffff, v1  }
0x9e: {  	v2 =	vld [tilespmem:$0x3B0];
	_ =	sdelay $0x7  }
0x9f: {  	[tilespmem:v2+s24+$0x0] =	vst.idx.add.f32.msk $0xffff, v1  }
0xa0: {  	v2 =	vld [tilespmem:$0x3C0];
	_ =	sdelay $0x7  }
0xa1: {  	[tilespmem:v2+s24+$0x0] =	vst.idx.add.f32.msk $0xffff, v1  }
0xa2: {  	v2 =	vld [tilespmem:$0x3D0];
	_ =	sdelay $0x7  }
0xa3: {  	[tilespmem:v2+s24+$0x0] =	vst.idx.add.f32.msk $0xffff, v1  }
0xa4: {  	v2 =	vld [tilespmem:$0x3E0];
	_ =	sdelay $0x7  }
0xa5: {  	[tilespmem:v2+s24+$0x0] =	vst.idx.add.f32.msk $0xffff, v1  }
0xa6: {  	v2 =	vld [tilespmem:$0x3F0];
	_ =	sdelay $0x7  }
0xa7: {  	[tilespmem:v2+s24+$0x0] =	vst.idx.add.f32.msk $0xffff, v1  }
0xa8: {  	_ =	swait.ge [sflag:s25], $0x2000  }
0xa9: {  	[sflag:s25] =	ssyncset.done $0x0  }
0xaa: {  	[sflag:s25] =	ssyncadd.s32 $0xFFFFE000  }
0xab: {  	_ =	swait.ge [sflag:s25], $0x2000  }
0xac: {  	[sflag:s25] =	ssyncset.done $0x0  }
0xad: {  	[sflag:s25] =	ssyncadd.s32 $0xFFFFE000  }
0xae: {  	_ =	swait.ge [sflag:s25], $0x2000  }
0xaf: {  	[sflag:s25] =	ssyncset.done $0x0  }
0xb0: {  	[sflag:s25] =	ssyncadd.s32 $0xFFFFE000  }
0xb1: {  	_ =	swait.ge [sflag:s25], $0x2000  }
0xb2: {  	[sflag:s25] =	ssyncset.done $0x0  }
0xb3: {  	[sflag:s25] =	ssyncadd.s32 $0xFFFFE000  }
0xb4: {  	_ =	swait.ge [sflag:s25], $0x2000  }
0xb5: {  	[sflag:s25] =	ssyncset.done $0x0  }
0xb6: {  	[sflag:s25] =	ssyncadd.s32 $0xFFFFE000  }
0xb7: {  	_ =	swait.ge [sflag:s25], $0x2000  }
0xb8: {  	[sflag:s25] =	ssyncset.done $0x0  }
0xb9: {  	[sflag:s25] =	ssyncadd.s32 $0xFFFFE000  }
0xba: {  	_ =	swait.ge [sflag:s25], $0x2000  }
0xbb: {  	[sflag:s25] =	ssyncset.done $0x0  }
0xbc: {  	[sflag:s25] =	ssyncadd.s32 $0xFFFFE000  }
0xbd: {  	_ =	swait.ge [sflag:s25], $0x2000  }
0xbe: {  	[sflag:s25] =	ssyncset.done $0x0  }
0xbf: {  	[sflag:s25] =	ssyncadd.s32 $0xFFFFE000  }
0xc0: {  	[hbm4b:s5+s2] =	stream.linear.scatter [tilespmem:s10], [sflag:$0x2], $0x10000, $0x38;
	[tilespmem:$0x10800] =	vst v63  }
0xc1: {  	s26 =	sadd.s32 $0x1, s26;
	_ =	swait.ge [sflag:s8], $0x10000  }
0xc2: {  	p0 =	sne.s32 s26, s7;
	[sflag:s8] =	ssyncset.done $0x0  }
.Ltmp1:
0xc3: {  	[sflag:s8] =	ssyncadd.s32 $0xFFFF0000;
	(pc) =	sbr.rel @p0 .LBB2_1-.Ltmp1, $4  }
0xc4: {  	[hbm4b:s6+s2] =	stream.linear.scatter [tilespmem:s24], [sflag:$0x2], $0x400, $0x38;
	[tilespmem:$0x10800] =	vst v63  }
0xc5: {  	_ =	swait.ge [sflag:s8], $0x400  }
0xc6: {  	[sflag:s8] =	ssyncset.done $0x0  }
0xc7: {  	[sflag:s8] =	ssyncadd.s32 $0xFFFFFC00  }
0xc8: {  	_ =	sfence.sel $0x180000  }
0xc9: {  	[bflag:$0x0] =	sbarrier.arrive $0xFFFF  }
0xca: {  	p0 =	sne.s32 s1, $0x0;
	_ =	strace $0x9000004A  }
0xcb: {  	s0 =	sadd.s32 @!p0 $0x100000, s0;
	[bflag:$0x2] =	sbarrier.arrive $0xFFFF  }
0xcc: {  	[sflag:s0] =	ssyncadd.tile.s32 @!p0 $0x1;
	_ =	shalt  }
.Lfunc_end2:
_tile_overlayer_lowered:
.L_overlay_start_2:
0xcd: {  	(tag) =	ssettag $0x2  }
0xce: {  	s0 =	rddreg [dreg:$0x0];
	s2 =	stileid.u32  }
0xcf: {  	s1 =	rddreg [dreg:$0x1];
	p0 =	sne.s32 s2, $0x0  }
0xd0: {  	s3 =	rddreg [dreg:$0x2];
	[bflag:$0x3] =	sbarrier.arrive $0xFFFF;
	s2 =	simm.s32 @!p0 $0x1C02  }
0xd1: {  	[timem:s3], [sflag:s2] =	dma.local @!p0 [hbm:s0], s1  }
0xd2: {  	s0 =	simm.s32 @!p0 $0x2  }
0xd3: {  	_ =	swait.ge @!p0 [sflag:s0], s1  }
0xd4: {  	s1 =	ssub.s32 @!p0 $0x0, s1;
	[sflag:s0] =	ssyncset.done @!p0 $0x0  }
0xd5: {  	[sflag:s0] =	ssyncadd.s32 @!p0 s1  }
0xd6: {  	[bflag:$0x3] =	sbarrier.arrive $0xFFFF  }
0xd7: {  	_ =	shalt  }

// kernel: kernel.17.cloned.1.call-start
scs
__scs_entry_jumppad:
0x0: {  	(pc) =	sbr.rel $0x88, $3  }
0x1: {  	(tag) =	ssettag $0x0;
	lr =	simm.s32 $0x1  }
0x2: {  	[smem:$0x3F9C] =	sst lr;
	_ =	strace $0xD0000000  }
0x3: {  	_ = 	snop  }
0x4: {  	_ = 	snop  }
0x5: {  	_ = 	snop  }
0x6: {  	_ = 	snop  }
0x7: {  	_ = 	snop  }
__scs_overlays_trampoline_lowered:
0x8: {  	[smem:$0x3FAB] =	sst s0  }
0x9: {  	[smem:$0x3FAC] =	sst s1  }
0xa: {  	[smem:$0x3FAD] =	sst s2  }
0xb: {  	[smem:$0x3FAE] =	sst s3  }
0xc: {  	[smem:$0x3FAF] =	sst s4  }
0xd: {  	[smem:$0x3FB0] =	sst s5  }
0xe: {  	[smem:$0x3FB1] =	sst s6  }
0xf: {  	[smem:$0x3FB2] =	sst s7  }
0x10: {  	[smem:$0x3FB3] =	sst s8  }
0x11: {  	[smem:$0x3FB4] =	sst s9;
	s0 =	simm.s32 @!p0 $0x0  }
0x12: {  	s1 =	sld [smem:$0x3F9A];
	s0 =	simm.s32 @p0 $0x1  }
0x13: {  	[smem:$0x3FB5] =	sst s0;
	s0 =	simm.s32 @!p1 $0x0  }
0x14: {  	s2 =	sld [smem:$0x3F99];
	s0 =	simm.s32 @p1 $0x1  }
0x15: {  	[smem:$0x3FB6] =	sst s0;
	s0 =	simm.s32 @!p2 $0x0  }
0x16: {  	s3 =	sld [smem:$0x3FDB];
	s0 =	simm.s32 @p2 $0x1  }
0x17: {  	s4 =	simm.s32 $0x1BF5;
	[smem:$0x3FB8] =	sst s0  }
0x18: {  	s0 =	sld [smem:$0x3F9B];
	_ =	swait.ge [sflag:s4], $0x0  }
0x19: {  	s7 =	sld [smem:$0x3F9C]  }
0x1a: {  	s8 =	sadd.s32 $0xFFFFE003, lr  }
0x1b: {  	s9 =	sadd.s32 $0xFFFFFEF7, lr;
	s5 =	simm.s32 $0xFFFFFFFF;
	p2 =	slt.u32 s8, $0xFFFFF086  }
0x1c: {  	p1 =	slt.u32 s9, $0xF7A;
	s5 =	simm.s32 @!p2 $0x0  }
0x1d: {  	s5 =	simm.s32 @p1 $0x1;
	p0 =	seq.s32 s7, s2  }
0x1e: {  	s7 =	smul.u32 @!p0 $0xF7A, s2;
	p2 =	seq.s32 @!p0 s5, $0x0  }
0x1f: {  	s9 =	smul.u32 $0xF7A, s1;
	s8 =	simm.s32 @!p0 $0x1BF5;
	p2 =	por !p2, p0  }
0x20: {  	[sflag:s8] =	ssyncset.s32 @!p0 $0xFFFFF086;
	s6 =	sadd.s32 @!p0 s3, s7;
	s7 =	simm.s32 @!p0 $0x108  }
0x21: {  	s3 =	sadd.s32 s3, s9;
	s6 =	sadd.s32 @!p0 $0x88, s6;
	s7 =	simm.s32 @p2 $0x1082  }
0x22: {  	[simem:s7], [sflag:s8] =	dma.local @!p0 [hbm:s6], $0xF7A  }
0x23: {  	s9 =	sor.u32 $0xD0000000, s2;
	s6 =	simm.s32 $0x108;
	_ =	swait.ge @!p0 [sflag:s8], $0x0  }
0x24: {  	s3 =	sadd.s32 $0x88, s3;
	s6 =	simm.s32 @!p1 $0x1082;
	[sflag:s4] =	ssyncset.s32 $0xFFFFF086  }
0x25: {  	[simem:s6], [sflag:s4] =	dma.local [hbm:s3], $0xF7A  }
0x26: {  	[smem:$0x3F9C] =	sst s1;
	(tag) =	ssettag s2;
	_ =	strace s9  }
0x27: {  	s1 =	sld [smem:$0x3FAC]  }
0x28: {  	s2 =	sld [smem:$0x3FAD]  }
0x29: {  	s4 =	sld [smem:$0x3FAF]  }
0x2a: {  	p0 =	seq.s32 s5, $0x0;
	s5 =	sld [smem:$0x3FB0]  }
0x2b: {  	s6 =	sld [smem:$0x3FB1]  }
0x2c: {  	s7 =	sld [smem:$0x3FB2]  }
0x2d: {  	s3 =	simm.s32 $0x108;
	s8 =	sld [smem:$0x3FB3]  }
0x2e: {  	s3 =	simm.s32 @!p0 $0x1082;
	s9 =	sld [smem:$0x3FB4]  }
0x2f: {  	lr =	sadd.s32 s0, s3;
	s0 =	sld [smem:$0x3FAB]  }
0x30: {  	s3 =	sld [smem:$0x3FAE]  }
0x31: {  	[smem:$0x3FB7] =	sst s10  }
0x32: {  	s10 =	sld [smem:$0x3FB5];
	_ =	sdelay $0x3  }
0x33: {  	p0 =	seq.s32 s10, $0x1;
	s10 =	sld [smem:$0x3FB7];
	_ =	sdelay $0x3  }
0x34: {  	[smem:$0x3FB7] =	sst s10  }
0x35: {  	s10 =	sld [smem:$0x3FB6];
	_ =	sdelay $0x3  }
0x36: {  	p1 =	seq.s32 s10, $0x1;
	s10 =	sld [smem:$0x3FB7];
	_ =	sdelay $0x3  }
0x37: {  	[smem:$0x3FB7] =	sst s10  }
0x38: {  	s10 =	sld [smem:$0x3FB8]  }
0x39: {  	_ = 	snop;
	(pc) =	sbr.ind lr, $3  }
0x3a: {  	_ = 	snop  }
0x3b: {  	_ = 	snop  }
0x3c: {  	p2 =	seq.s32 s10, $0x1;
	s10 =	sld [smem:$0x3FB7]  }
0x3d: {  	_ =	shalt  }
0x3e: {  	_ =	shalt  }
0x3f: {  	_ =	shalt  }
0x40: {  	_ =	shalt  }
0x41: {  	_ =	shalt  }
0x42: {  	_ =	shalt  }
0x43: {  	_ =	shalt  }
0x44: {  	_ =	shalt  }
0x45: {  	_ =	shalt  }
0x46: {  	_ =	shalt  }
0x47: {  	_ =	shalt  }
0x48: {  	_ =	shalt  }
0x49: {  	_ =	shalt  }
0x4a: {  	_ =	shalt  }
0x4b: {  	_ =	shalt  }
0x4c: {  	_ =	shalt  }
0x4d: {  	_ =	shalt  }
0x4e: {  	_ =	shalt  }
0x4f: {  	_ =	shalt  }
0x50: {  	_ =	shalt  }
0x51: {  	_ =	shalt  }
0x52: {  	_ =	shalt  }
0x53: {  	_ =	shalt  }
0x54: {  	_ =	shalt  }
0x55: {  	_ =	shalt  }
0x56: {  	_ =	shalt  }
0x57: {  	_ =	shalt  }
0x58: {  	_ =	shalt  }
0x59: {  	_ =	shalt  }
0x5a: {  	_ =	shalt  }
0x5b: {  	_ =	shalt  }
0x5c: {  	_ =	shalt  }
0x5d: {  	_ =	shalt  }
0x5e: {  	_ =	shalt  }
0x5f: {  	_ =	shalt  }
0x60: {  	_ =	shalt  }
0x61: {  	_ =	shalt  }
0x62: {  	_ =	shalt  }
0x63: {  	_ =	shalt  }
0x64: {  	_ =	shalt  }
0x65: {  	_ =	shalt  }
0x66: {  	_ =	shalt  }
0x67: {  	_ =	shalt  }
0x68: {  	_ =	shalt  }
0x69: {  	_ =	shalt  }
0x6a: {  	_ =	shalt  }
0x6b: {  	_ =	shalt  }
0x6c: {  	_ =	shalt  }
0x6d: {  	_ =	shalt  }
0x6e: {  	_ =	shalt  }
0x6f: {  	_ =	shalt  }
0x70: {  	_ =	shalt  }
0x71: {  	_ =	shalt  }
0x72: {  	_ =	shalt  }
0x73: {  	_ =	shalt  }
0x74: {  	_ =	shalt  }
0x75: {  	_ =	shalt  }
0x76: {  	_ =	shalt  }
0x77: {  	_ =	shalt  }
0x78: {  	_ =	shalt  }
0x79: {  	_ =	shalt  }
0x7a: {  	_ =	shalt  }
0x7b: {  	_ =	shalt  }
0x7c: {  	_ =	shalt  }
0x7d: {  	_ =	shalt  }
0x7e: {  	_ =	shalt  }
0x7f: {  	_ =	shalt  }
0x80: {  	_ =	shalt  }
0x81: {  	_ =	shalt  }
0x82: {  	_ =	shalt  }
0x83: {  	_ =	shalt  }
0x84: {  	_ =	shalt  }
0x85: {  	_ =	shalt  }
0x86: {  	_ =	shalt  }
0x87: {  	_ =	shalt  }
.Lfunc_end0:
.L_simem_size_0:
called_computation.2_lowered:
.L_overlay_start_0:
0x88: {  	s2 =	sld [smem:$0x3FD9]  }
0x89: {  	s3 =	sld [smem:$0x3FFE];
	_ =	sdelay $0x1  }
0x8a: {  	s1 =	srdreg.scid  }
0x8b: {  	s0 =	sand.u32 $0x1, s1  }
0x8c: {  	s14 =	sshll.u32 s0, $0xA;
	s2 =	sadd.s32 s3, s2  }
0x8d: {  	s2 =	sadd.s32 s2, s14  }
0x8e: {  	[smem:$0x3FC3] =	sst s2  }
0x8f: {  	_ = 	snop  }
0x90: {  	s2 =	sld [smem:$0x3FD0];
	_ =	sdelay $0x2  }
0x91: {  	s15 =	simm.s32 $0xA;
	s4 =	simm.s32 $0x10  }
0x92: {  	[smem:s4], [sflag:s15] =	dma.local [hbm:s2], $0x1  }
0x93: {  	_ =	swait.eq [sflag:s15], $0x1  }
0x94: {  	[sflag:s15] =	ssyncset.done $0x0  }
0x95: {  	s16 =	sld [smem:$0x11];
	[sflag:s15] =	ssyncadd.s32 $0xFFFFFFFF  }
0x96: {  	s17 =	sld [smem:$0x12];
	(tm) =	ssettm $0x1  }
0x97: {  	s18 =	sld [smem:$0x3FFB];
	_ =	sdelay $0x3  }
0x98: {  	_ =	strace s18  }
0x99: {  	s4 =	sld [smem:$0x3FFC];
	_ =	sdelay $0x3  }
0x9a: {  	_ =	strace s4  }
0x9b: {  	s4 =	sld [smem:$0x3FFD];
	_ =	sdelay $0x3  }
0x9c: {  	_ =	strace s4  }
0x9d: {  	_ =	strace $0x8FFFFFFF  }
0x9e: {  	s19 =	sld [smem:$0x3FDB];
	_ =	sdelay $0x1  }
0x9f: {  	s5 =	simm.s32 $_scs_section_size  }
0xa0: {  	s6 =	simm.s32 $_size__tile_overlayer_lowered;
	s7 =	simm.s32 $_tile_overlayer_lowered  }
0xa1: {  	s22 =	simm.s32 $0x1BFF;
	s21 =	sshll.u32 s7, $0x1;
	s4 =	sadd.s32 s5, s19  }
0xa2: {  	s8 =	simm.s32 $0x0;
	s20 =	sshll.u32 s6, $0x1;
	s6 =	sadd.s32 s21, s4  }
0xa3: {  	[timem:s8], [sflag:s22] =	dma.local [hbm:s6], s20  }
0xa4: {  	_ =	swait.ge [sflag:s22], s20  }
0xa5: {  	s5 =	ssub.s32 $0x0, s20;
	[sflag:s22] =	ssyncset.done $0x0  }
0xa6: {  	[sflag:s22] =	ssyncadd.s32 s5;
	_ =	sdelay $0x1  }
0xa7: {  	s23 =	simm.s32 $0x1B8B  }
0xa8: {  	_ =	swait.ge [sflag:s23], $0x1  }
0xa9: {  	[sflag:s23] =	ssyncset.done $0x0  }
0xaa: {  	s25 =	simm.s32 $0x1B8E;
	s24 =	sld [smem:$0x3FFE];
	[sflag:s23] =	ssyncadd.s32 $0xFFFFFFFF  }
0xab: {  	s26 =	simm.s32 $execute0_lowered;
	[smem:$0x3FD2] =	sst s25  }
0xac: {  	s6 =	sshll.u32 s26, $0x1;
	_ =	strace $0x8000004C;
	[dreg:$0x1] =	wrdreg $0xFFFFFFFF  }
0xad: {  	s28 =	simm.s32 $_size_execute0_lowered;
	s4 =	sadd.s32 s4, s6;
	[dreg:$0x0] =	wrdreg $0x0  }
0xae: {  	s6 =	sshll.u32 s28, $0x1;
	[dreg:$0x2] =	wrdreg s4  }
0xaf: {  	[dreg:$0x3] =	wrdreg s6  }
0xb0: {  	[dreg:$0x4] =	wrdreg $0xC0  }
0xb1: {  	_ =	task [dreg:s8], $0x5FFFF  }
0xb2: {  	[dreg:$0x1] =	wrdreg $0xFFFFFFFF  }
0xb3: {  	[dreg:$0x0] =	wrdreg $0x60  }
0xb4: {  	[dreg:$0x2] =	wrdreg s17  }
0xb5: {  	[dreg:$0x3] =	wrdreg s24  }
0xb6: {  	[dreg:$0x4] =	wrdreg s16  }
0xb7: {  	[dreg:$0x5] =	wrdreg $0x9  }
0xb8: {  	_ =	task.clear_ibuf [dreg:s8], $0x6FFFF;
	_ =	strace $0x9000004C  }
0xb9: {  	s29 =	simm.s32 $0x9;
	_ =	strace $0x8000004E  }
0xba: {  	_ =	swait.ge [sflag:s29], $0x1  }
0xbb: {  	[sflag:s29] =	ssyncadd.s32 $0xFFFFFFFF  }
0xbc: {  	_ =	strace $0x9000004E  }
0xbd: {  	_ =	sfence  }
0xbe: {  	s30 =	sld [smem:$0x0];
	_ =	sdelay $0x2  }
0xbf: {  	s31 =	sshll.u32 s1, $0xD;
	s1 =	sshrl.u32 s1, $0x2  }
0xc0: {  	s3 =	sand.u32 $0x4000, s31;
	s1 =	sadd.s32 s1, s30  }
0xc1: {  	s0 =	sor.u32 s3, s0;
	s1 =	sshll.u32 s1, $0x11  }
0xc2: {  	s0 =	sor.u32 s1, s0  }
0xc3: {  	s0 =	sadd.s32 $0x8F2B, s0  }
0xc4: {  	[sflag:s0] =	ssyncadd.remote.s32 $0x1  }
0xc5: {  	_ =	sfence.sel $0xFFFF  }
0xc6: {  	[dreg:$0x0] =	wrdreg $0xFFFFFFFF;
	(pc) =	sbr.abs _section_cstart, $3  }
0xc7: {  	[dreg:$0x1] =	wrdreg $0xFFFFFFFF  }
0xc8: {  	_ =	task.clear_ibuf [dreg:s8], $0x2FFFF;
	_ =	strace $0x9FFFFFFF  }
0xc9: {  	(tm) =	ssettm $0x7FFFFFFF  }
tec
execute0_lowered:
.L_overlay_start_1:
0x0: {  	(tag) =	ssettag $0x1  }
0x1: {  	s1 =	rddreg [dreg:$0x0]  }
0x2: {  	s4 =	rddreg [dreg:$0x1]  }
0x3: {  	s5 =	rddreg [dreg:$0x2]  }
0x4: {  	s0 =	rddreg [dreg:$0x3];
	s6 =	srdreg.scid  }
0x5: {  	s2 =	stileid.u32;
	s3 =	simm.s32 $0x0;
	s10 =	simm.s32 $0x400  }
0x6: {  	s11 =	simm.s32 $0x2400;
	s12 =	simm.s32 $0x100;
	s13 =	simm.s32 $0x4400  }
0x7: {  	s14 =	simm.s32 $0x180;
	s15 =	simm.s32 $0x6400;
	s16 =	simm.s32 $0x200  }
0x8: {  	s17 =	simm.s32 $0x8400;
	s18 =	simm.s32 $0x280;
	s19 =	simm.s32 $0xA400  }
0x9: {  	s20 =	simm.s32 $0x300;
	s21 =	simm.s32 $0xC400;
	s22 =	simm.s32 $0x380  }
0xa: {  	s23 =	simm.s32 $0xE400;
	s24 =	simm.s32 $0x10400;
	s25 =	simm.s32 $0x1  }
0xb: {  	s26 =	simm.s32 $0x0;
	s6 =	sand.u32 $0x1, s6;
	s7 =	sshll.u32 s2, $0x1  }
0xc: {  	[smem:$0x7FF] =	sst s3;
	s7 =	sor.u32 s6, s7;
	s6 =	ssub.s32 $0x2, s6  }
0xd: {  	_ =	strace $0x8000004D;
	s8 =	sshll.u32 s7, $0x7;
	s31 =	sshrl.u32 s6, $0x1  }
0xe: {  	s7 =	sshll.u32 s7, $0xD;
	s8 =	sadd.s32 s8, s4;
	s9 =	ssub.s32 s6, s31  }
0xf: {  	s5 =	sadd.s32 s5, s7;
	s4 =	sadd.s32 $0x85400, s8;
	s6 =	sadd.s32 $0x86400, s8  }
0x10: {  	v0 =	vimm.f32 $0.0e+00;
	v1 =	vimm.f32 $1.000000000e+00;
	s7 =	smax.u32 s9, $0x1;
	s8 =	simm.s32 $0x2;
	s9 =	simm.s32 $0x80  }
.LBB2_1:
0x11: {  	[tilespmem:s3], [sflag:$0x2] =	stream.linear.gather [hbm4b:s4+s3], $0x400, $0x38;
	[tilespmem:$0x10800] =	vst v63  }
0x12: {  	_ =	swait.ge [sflag:s8], $0x400  }
0x13: {  	[sflag:s8] =	ssyncset.done $0x0  }
0x14: {  	[sflag:s8] =	ssyncadd.s32 $0xFFFFFC00  }
0x15: {  	[tilespmem:s10], [sflag:$0x1] =	stream.indirect.gather [hbm4b:s1+s9], $0x40, s3, s9, $0xb8;
	[tilespmem:$0x10800] =	vst v63  }
0x16: {  	_ = 	snop  }
0x17: {  	[tilespmem:s11], [sflag:$0x1] =	stream.indirect.gather [hbm4b:s1+s9], $0x40, s9, s9, $0xb8;
	[tilespmem:$0x10800] =	vst v63  }
0x18: {  	_ = 	snop  }
0x19: {  	[tilespmem:s13], [sflag:$0x1] =	stream.indirect.gather [hbm4b:s1+s9], $0x40, s12, s9, $0xb8;
	[tilespmem:$0x10800] =	vst v63  }
0x1a: {  	_ = 	snop  }
0x1b: {  	[tilespmem:s15], [sflag:$0x1] =	stream.indirect.gather [hbm4b:s1+s9], $0x40, s14, s9, $0xb8;
	[tilespmem:$0x10800] =	vst v63  }
0x1c: {  	_ = 	snop  }
0x1d: {  	[tilespmem:s17], [sflag:$0x1] =	stream.indirect.gather [hbm4b:s1+s9], $0x40, s16, s9, $0xb8;
	[tilespmem:$0x10800] =	vst v63  }
0x1e: {  	_ = 	snop  }
0x1f: {  	[tilespmem:s19], [sflag:$0x1] =	stream.indirect.gather [hbm4b:s1+s9], $0x40, s18, s9, $0xb8;
	[tilespmem:$0x10800] =	vst v63  }
0x20: {  	_ = 	snop  }
0x21: {  	[tilespmem:s21], [sflag:$0x1] =	stream.indirect.gather [hbm4b:s1+s9], $0x40, s20, s9, $0xb8;
	[tilespmem:$0x10800] =	vst v63  }
0x22: {  	s28 =	simm.s32 $0x40;
	s29 =	simm.s32 $0x0  }
0x23: {  	[tilespmem:s23], [sflag:$0x1] =	stream.indirect.gather [hbm4b:s1+s9], $0x40, s22, s9, $0xb8;
	[tilespmem:$0x10800] =	vst v63  }
.LBB2_2:
0x24: {  	p0 =	sne.s32 s28, $0xFC0;
	[tilespmem:s29+$0x10400] =	vst v0;
	s29 =	smov.u32 s28;
	s28 =	sadd.s32 $0x40, s28  }
.Ltmp0:
0x25: {  	(pc) =	sbr.rel @p0 .LBB2_2-.Ltmp0, $2  }
0x26: {  	_ =	sdelay $0x2  }
0x27: {  	s29 =	sshra.s32 s29, $0x2  }
0x28: {  	[tilespmem:s29+$0x10400] =	vst v0  }
0x29: {  	v2 =	vld [tilespmem:$0x0];
	_ =	sdelay $0x7  }
0x2a: {  	[tilespmem:v2+s24+$0x0] =	vst.idx.add.f32.msk $0xffff, v1  }
0x2b: {  	v2 =	vld [tilespmem:$0x10];
	_ =	sdelay $0x7  }
0x2c: {  	[tilespmem:v2+s24+$0x0] =	vst.idx.add.f32.msk $0xffff, v1  }
0x2d: {  	v2 =	vld [tilespmem:$0x20];
	_ =	sdelay $0x7  }
0x2e: {  	[tilespmem:v2+s24+$0x0] =	vst.idx.add.f32.msk $0xffff, v1  }
0x2f: {  	v2 =	vld [tilespmem:$0x30];
	_ =	sdelay $0x7  }
0x30: {  	[tilespmem:v2+s24+$0x0] =	vst.idx.add.f32.msk $0xffff, v1  }
0x31: {  	v2 =	vld [tilespmem:$0x40];
	_ =	sdelay $0x7  }
0x32: {  	[tilespmem:v2+s24+$0x0] =	vst.idx.add.f32.msk $0xffff, v1  }
0x33: {  	v2 =	vld [tilespmem:$0x50];
	_ =	sdelay $0x7  }
0x34: {  	[tilespmem:v2+s24+$0x0] =	vst.idx.add.f32.msk $0xffff, v1  }
0x35: {  	v2 =	vld [tilespmem:$0x60];
	_ =	sdelay $0x7  }
0x36: {  	[tilespmem:v2+s24+$0x0] =	vst.idx.add.f32.msk $0xffff, v1  }
0x37: {  	v2 =	vld [tilespmem:$0x70];
	_ =	sdelay $0x7  }
0x38: {  	[tilespmem:v2+s24+$0x0] =	vst.idx.add.f32.msk $0xffff, v1  }
0x39: {  	v2 =	vld [tilespmem:$0x80];
	_ =	sdelay $0x7  }
0x3a: {  	[tilespmem:v2+s24+$0x0] =	vst.idx.add.f32.msk $0xffff, v1  }
0x3b: {  	v2 =	vld [tilespmem:$0x90];
	_ =	sdelay $0x7  }
0x3c: {  	[tilespmem:v2+s24+$0x0] =	vst.idx.add.f32.msk $0xffff, v1  }
0x3d: {  	v2 =	vld [tilespmem:$0xA0];
	_ =	sdelay $0x7  }
0x3e: {  	[tilespmem:v2+s24+$0x0] =	vst.idx.add.f32.msk $0xffff, v1  }
0x3f: {  	v2 =	vld [tilespmem:$0xB0];
	_ =	sdelay $0x7  }
0x40: {  	[tilespmem:v2+s24+$0x0] =	vst.idx.add.f32.msk $0xffff, v1  }
0x41: {  	v2 =	vld [tilespmem:$0xC0];
	_ =	sdelay $0x7  }
0x42: {  	[tilespmem:v2+s24+$0x0] =	vst.idx.add.f32.msk $0xffff, v1  }
0x43: {  	v2 =	vld [tilespmem:$0xD0];
	_ =	sdelay $0x7  }
0x44: {  	[tilespmem:v2+s24+$0x0] =	vst.idx.add.f32.msk $0xffff, v1  }
0x45: {  	v2 =	vld [tilespmem:$0xE0];
	_ =	sdelay $0x7  }
0x46: {  	[tilespmem:v2+s24+$0x0] =	vst.idx.add.f32.msk $0xffff, v1  }
0x47: {  	v2 =	vld [tilespmem:$0xF0];
	_ =	sdelay $0x7  }
0x48: {  	[tilespmem:v2+s24+$0x0] =	vst.idx.add.f32.msk $0xffff, v1  }
0x49: {  	v2 =	vld [tilespmem:$0x100];
	_ =	sdelay $0x7  }
0x4a: {  	[tilespmem:v2+s24+$0x0] =	vst.idx.add.f32.msk $0xffff, v1  }
0x4b: {  	v2 =	vld [tilespmem:$0x110];
	_ =	sdelay $0x7  }
0x4c: {  	[tilespmem:v2+s24+$0x0] =	vst.idx.add.f32.msk $0xffff, v1  }
0x4d: {  	v2 =	vld [tilespmem:$0x120];
	_ =	sdelay $0x7  }
0x4e: {  	[tilespmem:v2+s24+$0x0] =	vst.idx.add.f32.msk $0xffff, v1  }
0x4f: {  	v2 =	vld [tilespmem:$0x130];
	_ =	sdelay $0x7  }
0x50: {  	[tilespmem:v2+s24+$0x0] =	vst.idx.add.f32.msk $0xffff, v1  }
0x51: {  	v2 =	vld [tilespmem:$0x140];
	_ =	sdelay $0x7  }
0x52: {  	[tilespmem:v2+s24+$0x0] =	vst.idx.add.f32.msk $0xffff, v1  }
0x53: {  	v2 =	vld [tilespmem:$0x150];
	_ =	sdelay $0x7  }
0x54: {  	[tilespmem:v2+s24+$0x0] =	vst.idx.add.f32.msk $0xffff, v1  }
0x55: {  	v2 =	vld [tilespmem:$0x160];
	_ =	sdelay $0x7  }
0x56: {  	[tilespmem:v2+s24+$0x0] =	vst.idx.add.f32.msk $0xffff, v1  }
0x57: {  	v2 =	vld [tilespmem:$0x170];
	_ =	sdelay $0x7  }
0x58: {  	[tilespmem:v2+s24+$0x0] =	vst.idx.add.f32.msk $0xffff, v1  }
0x59: {  	v2 =	vld [tilespmem:$0x180];
	_ =	sdelay $0x7  }
0x5a: {  	[tilespmem:v2+s24+$0x0] =	vst.idx.add.f32.msk $0xffff, v1  }
0x5b: {  	v2 =	vld [tilespmem:$0x190];
	_ =	sdelay $0x7  }
0x5c: {  	[tilespmem:v2+s24+$0x0] =	vst.idx.add.f32.msk $0xffff, v1  }
0x5d: {  	v2 =	vld [tilespmem:$0x1A0];
	_ =	sdelay $0x7  }
0x5e: {  	[tilespmem:v2+s24+$0x0] =	vst.idx.add.f32.msk $0xffff, v1  }
0x5f: {  	v2 =	vld [tilespmem:$0x1B0];
	_ =	sdelay $0x7  }
0x60: {  	[tilespmem:v2+s24+$0x0] =	vst.idx.add.f32.msk $0xffff, v1  }
0x61: {  	v2 =	vld [tilespmem:$0x1C0];
	_ =	sdelay $0x7  }
0x62: {  	[tilespmem:v2+s24+$0x0] =	vst.idx.add.f32.msk $0xffff, v1  }
0x63: {  	v2 =	vld [tilespmem:$0x1D0];
	_ =	sdelay $0x7  }
0x64: {  	[tilespmem:v2+s24+$0x0] =	vst.idx.add.f32.msk $0xffff, v1  }
0x65: {  	v2 =	vld [tilespmem:$0x1E0];
	_ =	sdelay $0x7  }
0x66: {  	[tilespmem:v2+s24+$0x0] =	vst.idx.add.f32.msk $0xffff, v1  }
0x67: {  	v2 =	vld [tilespmem:$0x1F0];
	_ =	sdelay $0x7  }
0x68: {  	[tilespmem:v2+s24+$0x0] =	vst.idx.add.f32.msk $0xffff, v1  }
0x69: {  	v2 =	vld [tilespmem:$0x200];
	_ =	sdelay $0x7  }
0x6a: {  	[tilespmem:v2+s24+$0x0] =	vst.idx.add.f32.msk $0xffff, v1  }
0x6b: {  	v2 =	vld [tilespmem:$0x210];
	_ =	sdelay $0x7  }
0x6c: {  	[tilespmem:v2+s24+$0x0] =	vst.idx.add.f32.msk $0xffff, v1  }
0x6d: {  	v2 =	vld [tilespmem:$0x220];
	_ =	sdelay $0x7  }
0x6e: {  	[tilespmem:v2+s24+$0x0] =	vst.idx.add.f32.msk $0xffff, v1  }
0x6f: {  	v2 =	vld [tilespmem:$0x230];
	_ =	sdelay $0x7  }
0x70: {  	[tilespmem:v2+s24+$0x0] =	vst.idx.add.f32.msk $0xffff, v1  }
0x71: {  	v2 =	vld [tilespmem:$0x240];
	_ =	sdelay $0x7  }
0x72: {  	[tilespmem:v2+s24+$0x0] =	vst.idx.add.f32.msk $0xffff, v1  }
0x73: {  	v2 =	vld [tilespmem:$0x250];
	_ =	sdelay $0x7  }
0x74: {  	[tilespmem:v2+s24+$0x0] =	vst.idx.add.f32.msk $0xffff, v1  }
0x75: {  	v2 =	vld [tilespmem:$0x260];
	_ =	sdelay $0x7  }
0x76: {  	[tilespmem:v2+s24+$0x0] =	vst.idx.add.f32.msk $0xffff, v1  }
0x77: {  	v2 =	vld [tilespmem:$0x270];
	_ =	sdelay $0x7  }
0x78: {  	[tilespmem:v2+s24+$0x0] =	vst.idx.add.f32.msk $0xffff, v1  }
0x79: {  	v2 =	vld [tilespmem:$0x280];
	_ =	sdelay $0x7  }
0x7a: {  	[tilespmem:v2+s24+$0x0] =	vst.idx.add.f32.msk $0xffff, v1  }
0x7b: {  	v2 =	vld [tilespmem:$0x290];
	_ =	sdelay $0x7  }
0x7c: {  	[tilespmem:v2+s24+$0x0] =	vst.idx.add.f32.msk $0xffff, v1  }
0x7d: {  	v2 =	vld [tilespmem:$0x2A0];
	_ =	sdelay $0x7  }
0x7e: {  	[tilespmem:v2+s24+$0x0] =	vst.idx.add.f32.msk $0xffff, v1  }
0x7f: {  	v2 =	vld [tilespmem:$0x2B0];
	_ =	sdelay $0x7  }
0x80: {  	[tilespmem:v2+s24+$0x0] =	vst.idx.add.f32.msk $0xffff, v1  }
0x81: {  	v2 =	vld [tilespmem:$0x2C0];
	_ =	sdelay $0x7  }
0x82: {  	[tilespmem:v2+s24+$0x0] =	vst.idx.add.f32.msk $0xffff, v1  }
0x83: {  	v2 =	vld [tilespmem:$0x2D0];
	_ =	sdelay $0x7  }
0x84: {  	[tilespmem:v2+s24+$0x0] =	vst.idx.add.f32.msk $0xffff, v1  }
0x85: {  	v2 =	vld [tilespmem:$0x2E0];
	_ =	sdelay $0x7  }
0x86: {  	[tilespmem:v2+s24+$0x0] =	vst.idx.add.f32.msk $0xffff, v1  }
0x87: {  	v2 =	vld [tilespmem:$0x2F0];
	_ =	sdelay $0x7  }
0x88: {  	[tilespmem:v2+s24+$0x0] =	vst.idx.add.f32.msk $0xffff, v1  }
0x89: {  	v2 =	vld [tilespmem:$0x300];
	_ =	sdelay $0x7  }
0x8a: {  	[tilespmem:v2+s24+$0x0] =	vst.idx.add.f32.msk $0xffff, v1  }
0x8b: {  	v2 =	vld [tilespmem:$0x310];
	_ =	sdelay $0x7  }
0x8c: {  	[tilespmem:v2+s24+$0x0] =	vst.idx.add.f32.msk $0xffff, v1  }
0x8d: {  	v2 =	vld [tilespmem:$0x320];
	_ =	sdelay $0x7  }
0x8e: {  	[tilespmem:v2+s24+$0x0] =	vst.idx.add.f32.msk $0xffff, v1  }
0x8f: {  	v2 =	vld [tilespmem:$0x330];
	_ =	sdelay $0x7  }
0x90: {  	[tilespmem:v2+s24+$0x0] =	vst.idx.add.f32.msk $0xffff, v1  }
0x91: {  	v2 =	vld [tilespmem:$0x340];
	_ =	sdelay $0x7  }
0x92: {  	[tilespmem:v2+s24+$0x0] =	vst.idx.add.f32.msk $0xffff, v1  }
0x93: {  	v2 =	vld [tilespmem:$0x350];
	_ =	sdelay $0x7  }
0x94: {  	[tilespmem:v2+s24+$0x0] =	vst.idx.add.f32.msk $0xffff, v1  }
0x95: {  	v2 =	vld [tilespmem:$0x360];
	_ =	sdelay $0x7  }
0x96: {  	[tilespmem:v2+s24+$0x0] =	vst.idx.add.f32.msk $0xffff, v1  }
0x97: {  	v2 =	vld [tilespmem:$0x370];
	_ =	sdelay $0x7  }
0x98: {  	[tilespmem:v2+s24+$0x0] =	vst.idx.add.f32.msk $0xffff, v1  }
0x99: {  	v2 =	vld [tilespmem:$0x380];
	_ =	sdelay $0x7  }
0x9a: {  	[tilespmem:v2+s24+$0x0] =	vst.idx.add.f32.msk $0xffff, v1  }
0x9b: {  	v2 =	vld [tilespmem:$0x390];
	_ =	sdelay $0x7  }
0x9c: {  	[tilespmem:v2+s24+$0x0] =	vst.idx.add.f32.msk $0xffff, v1  }
0x9d: {  	v2 =	vld [tilespmem:$0x3A0];
	_ =	sdelay $0x7  }
0x9e: {  	[tilespmem:v2+s24+$0x0] =	vst.idx.add.f32.msk $0xffff, v1  }
0x9f: {  	v2 =	vld [tilespmem:$0x3B0];
	_ =	sdelay $0x7  }
0xa0: {  	[tilespmem:v2+s24+$0x0] =	vst.idx.add.f32.msk $0xffff, v1  }
0xa1: {  	v2 =	vld [tilespmem:$0x3C0];
	_ =	sdelay $0x7  }
0xa2: {  	[tilespmem:v2+s24+$0x0] =	vst.idx.add.f32.msk $0xffff, v1  }
0xa3: {  	v2 =	vld [tilespmem:$0x3D0];
	_ =	sdelay $0x7  }
0xa4: {  	[tilespmem:v2+s24+$0x0] =	vst.idx.add.f32.msk $0xffff, v1  }
0xa5: {  	v2 =	vld [tilespmem:$0x3E0];
	_ =	sdelay $0x7  }
0xa6: {  	[tilespmem:v2+s24+$0x0] =	vst.idx.add.f32.msk $0xffff, v1  }
0xa7: {  	v2 =	vld [tilespmem:$0x3F0];
	_ =	sdelay $0x7  }
0xa8: {  	[tilespmem:v2+s24+$0x0] =	vst.idx.add.f32.msk $0xffff, v1  }
0xa9: {  	_ =	swait.ge [sflag:s25], $0x2000  }
0xaa: {  	[sflag:s25] =	ssyncset.done $0x0  }
0xab: {  	[sflag:s25] =	ssyncadd.s32 $0xFFFFE000  }
0xac: {  	_ =	swait.ge [sflag:s25], $0x2000  }
0xad: {  	[sflag:s25] =	ssyncset.done $0x0  }
0xae: {  	[sflag:s25] =	ssyncadd.s32 $0xFFFFE000  }
0xaf: {  	_ =	swait.ge [sflag:s25], $0x2000  }
0xb0: {  	[sflag:s25] =	ssyncset.done $0x0  }
0xb1: {  	[sflag:s25] =	ssyncadd.s32 $0xFFFFE000  }
0xb2: {  	_ =	swait.ge [sflag:s25], $0x2000  }
0xb3: {  	[sflag:s25] =	ssyncset.done $0x0  }
0xb4: {  	[sflag:s25] =	ssyncadd.s32 $0xFFFFE000  }
0xb5: {  	_ =	swait.ge [sflag:s25], $0x2000  }
0xb6: {  	[sflag:s25] =	ssyncset.done $0x0  }
0xb7: {  	[sflag:s25] =	ssyncadd.s32 $0xFFFFE000  }
0xb8: {  	_ =	swait.ge [sflag:s25], $0x2000  }
0xb9: {  	[sflag:s25] =	ssyncset.done $0x0  }
0xba: {  	[sflag:s25] =	ssyncadd.s32 $0xFFFFE000  }
0xbb: {  	_ =	swait.ge [sflag:s25], $0x2000  }
0xbc: {  	[sflag:s25] =	ssyncset.done $0x0  }
0xbd: {  	[sflag:s25] =	ssyncadd.s32 $0xFFFFE000  }
0xbe: {  	_ =	swait.ge [sflag:s25], $0x2000  }
0xbf: {  	[sflag:s25] =	ssyncset.done $0x0  }
0xc0: {  	[sflag:s25] =	ssyncadd.s32 $0xFFFFE000  }
0xc1: {  	[hbm4b:s5+s3] =	stream.linear.scatter [tilespmem:s10], [sflag:$0x2], $0x10000, $0x38;
	[tilespmem:$0x10800] =	vst v63  }
0xc2: {  	s26 =	sadd.s32 $0x1, s26;
	_ =	swait.ge [sflag:s8], $0x10000  }
0xc3: {  	p0 =	sne.s32 s26, s7;
	[sflag:s8] =	ssyncset.done $0x0  }
.Ltmp1:
0xc4: {  	[sflag:s8] =	ssyncadd.s32 $0xFFFF0000;
	(pc) =	sbr.rel @p0 .LBB2_1-.Ltmp1, $4  }
0xc5: {  	[hbm4b:s6+s3] =	stream.linear.scatter [tilespmem:s24], [sflag:$0x2], $0x400, $0x38;
	[tilespmem:$0x10800] =	vst v63  }
0xc6: {  	_ =	swait.ge [sflag:s8], $0x400  }
0xc7: {  	[sflag:s8] =	ssyncset.done $0x0  }
0xc8: {  	[sflag:s8] =	ssyncadd.s32 $0xFFFFFC00  }
0xc9: {  	_ =	sfence.sel $0x180000  }
0xca: {  	[bflag:$0x0] =	sbarrier.arrive $0xFFFF  }
0xcb: {  	p0 =	sne.s32 s2, $0x0;
	_ =	strace $0x9000004D  }
0xcc: {  	s0 =	sadd.s32 @!p0 $0x100000, s0;
	[bflag:$0x2] =	sbarrier.arrive $0xFFFF  }
0xcd: {  	[sflag:s0] =	ssyncadd.tile.s32 @!p0 $0x1;
	_ =	shalt  }
.Lfunc_end2:
_tile_overlayer_lowered:
.L_overlay_start_2:
0xce: {  	(tag) =	ssettag $0x2  }
0xcf: {  	s0 =	rddreg [dreg:$0x0];
	s2 =	stileid.u32  }
0xd0: {  	s1 =	rddreg [dreg:$0x1];
	p0 =	sne.s32 s2, $0x0  }
0xd1: {  	s3 =	rddreg [dreg:$0x2];
	[bflag:$0x3] =	sbarrier.arrive $0xFFFF;
	s2 =	simm.s32 @!p0 $0x1C02  }
0xd2: {  	[timem:s3], [sflag:s2] =	dma.local @!p0 [hbm:s0], s1  }
0xd3: {  	s0 =	simm.s32 @!p0 $0x2  }
0xd4: {  	_ =	swait.ge @!p0 [sflag:s0], s1  }
0xd5: {  	s1 =	ssub.s32 @!p0 $0x0, s1;
	[sflag:s0] =	ssyncset.done @!p0 $0x0  }
0xd6: {  	[sflag:s0] =	ssyncadd.s32 @!p0 s1  }
0xd7: {  	[bflag:$0x3] =	sbarrier.arrive $0xFFFF  }
0xd8: {  	_ =	shalt  }

// kernel: kernel.20.cloned.1.call-start
scs
__scs_entry_jumppad:
0x0: {  	(pc) =	sbr.rel $0x88, $3  }
0x1: {  	(tag) =	ssettag $0x0;
	lr =	simm.s32 $0x1  }
0x2: {  	[smem:$0x3F9C] =	sst lr;
	_ =	strace $0xD0000000  }
0x3: {  	_ = 	snop  }
0x4: {  	_ = 	snop  }
0x5: {  	_ = 	snop  }
0x6: {  	_ = 	snop  }
0x7: {  	_ = 	snop  }
__scs_overlays_trampoline_lowered:
0x8: {  	[smem:$0x3FAB] =	sst s0  }
0x9: {  	[smem:$0x3FAC] =	sst s1  }
0xa: {  	[smem:$0x3FAD] =	sst s2  }
0xb: {  	[smem:$0x3FAE] =	sst s3  }
0xc: {  	[smem:$0x3FAF] =	sst s4  }
0xd: {  	[smem:$0x3FB0] =	sst s5  }
0xe: {  	[smem:$0x3FB1] =	sst s6  }
0xf: {  	[smem:$0x3FB2] =	sst s7  }
0x10: {  	[smem:$0x3FB3] =	sst s8  }
0x11: {  	[smem:$0x3FB4] =	sst s9;
	s0 =	simm.s32 @!p0 $0x0  }
0x12: {  	s1 =	sld [smem:$0x3F9A];
	s0 =	simm.s32 @p0 $0x1  }
0x13: {  	[smem:$0x3FB5] =	sst s0;
	s0 =	simm.s32 @!p1 $0x0  }
0x14: {  	s2 =	sld [smem:$0x3F99];
	s0 =	simm.s32 @p1 $0x1  }
0x15: {  	[smem:$0x3FB6] =	sst s0;
	s0 =	simm.s32 @!p2 $0x0  }
0x16: {  	s3 =	sld [smem:$0x3FDB];
	s0 =	simm.s32 @p2 $0x1  }
0x17: {  	s4 =	simm.s32 $0x1BF5;
	[smem:$0x3FB8] =	sst s0  }
0x18: {  	s0 =	sld [smem:$0x3F9B];
	_ =	swait.ge [sflag:s4], $0x0  }
0x19: {  	s7 =	sld [smem:$0x3F9C]  }
0x1a: {  	s8 =	sadd.s32 $0xFFFFE003, lr  }
0x1b: {  	s9 =	sadd.s32 $0xFFFFFEF7, lr;
	s5 =	simm.s32 $0xFFFFFFFF;
	p2 =	slt.u32 s8, $0xFFFFF086  }
0x1c: {  	p1 =	slt.u32 s9, $0xF7A;
	s5 =	simm.s32 @!p2 $0x0  }
0x1d: {  	s5 =	simm.s32 @p1 $0x1;
	p0 =	seq.s32 s7, s2  }
0x1e: {  	s7 =	smul.u32 @!p0 $0xF7A, s2;
	p2 =	seq.s32 @!p0 s5, $0x0  }
0x1f: {  	s9 =	smul.u32 $0xF7A, s1;
	s8 =	simm.s32 @!p0 $0x1BF5;
	p2 =	por !p2, p0  }
0x20: {  	[sflag:s8] =	ssyncset.s32 @!p0 $0xFFFFF086;
	s6 =	sadd.s32 @!p0 s3, s7;
	s7 =	simm.s32 @!p0 $0x108  }
0x21: {  	s3 =	sadd.s32 s3, s9;
	s6 =	sadd.s32 @!p0 $0x88, s6;
	s7 =	simm.s32 @p2 $0x1082  }
0x22: {  	[simem:s7], [sflag:s8] =	dma.local @!p0 [hbm:s6], $0xF7A  }
0x23: {  	s9 =	sor.u32 $0xD0000000, s2;
	s6 =	simm.s32 $0x108;
	_ =	swait.ge @!p0 [sflag:s8], $0x0  }
0x24: {  	s3 =	sadd.s32 $0x88, s3;
	s6 =	simm.s32 @!p1 $0x1082;
	[sflag:s4] =	ssyncset.s32 $0xFFFFF086  }
0x25: {  	[simem:s6], [sflag:s4] =	dma.local [hbm:s3], $0xF7A  }
0x26: {  	[smem:$0x3F9C] =	sst s1;
	(tag) =	ssettag s2;
	_ =	strace s9  }
0x27: {  	s1 =	sld [smem:$0x3FAC]  }
0x28: {  	s2 =	sld [smem:$0x3FAD]  }
0x29: {  	s4 =	sld [smem:$0x3FAF]  }
0x2a: {  	p0 =	seq.s32 s5, $0x0;
	s5 =	sld [smem:$0x3FB0]  }
0x2b: {  	s6 =	sld [smem:$0x3FB1]  }
0x2c: {  	s7 =	sld [smem:$0x3FB2]  }
0x2d: {  	s3 =	simm.s32 $0x108;
	s8 =	sld [smem:$0x3FB3]  }
0x2e: {  	s3 =	simm.s32 @!p0 $0x1082;
	s9 =	sld [smem:$0x3FB4]  }
0x2f: {  	lr =	sadd.s32 s0, s3;
	s0 =	sld [smem:$0x3FAB]  }
0x30: {  	s3 =	sld [smem:$0x3FAE]  }
0x31: {  	[smem:$0x3FB7] =	sst s10  }
0x32: {  	s10 =	sld [smem:$0x3FB5];
	_ =	sdelay $0x3  }
0x33: {  	p0 =	seq.s32 s10, $0x1;
	s10 =	sld [smem:$0x3FB7];
	_ =	sdelay $0x3  }
0x34: {  	[smem:$0x3FB7] =	sst s10  }
0x35: {  	s10 =	sld [smem:$0x3FB6];
	_ =	sdelay $0x3  }
0x36: {  	p1 =	seq.s32 s10, $0x1;
	s10 =	sld [smem:$0x3FB7];
	_ =	sdelay $0x3  }
0x37: {  	[smem:$0x3FB7] =	sst s10  }
0x38: {  	s10 =	sld [smem:$0x3FB8]  }
0x39: {  	_ = 	snop;
	(pc) =	sbr.ind lr, $3  }
0x3a: {  	_ = 	snop  }
0x3b: {  	_ = 	snop  }
0x3c: {  	p2 =	seq.s32 s10, $0x1;
	s10 =	sld [smem:$0x3FB7]  }
0x3d: {  	_ =	shalt  }
0x3e: {  	_ =	shalt  }
0x3f: {  	_ =	shalt  }
0x40: {  	_ =	shalt  }
0x41: {  	_ =	shalt  }
0x42: {  	_ =	shalt  }
0x43: {  	_ =	shalt  }
0x44: {  	_ =	shalt  }
0x45: {  	_ =	shalt  }
0x46: {  	_ =	shalt  }
0x47: {  	_ =	shalt  }
0x48: {  	_ =	shalt  }
0x49: {  	_ =	shalt  }
0x4a: {  	_ =	shalt  }
0x4b: {  	_ =	shalt  }
0x4c: {  	_ =	shalt  }
0x4d: {  	_ =	shalt  }
0x4e: {  	_ =	shalt  }
0x4f: {  	_ =	shalt  }
0x50: {  	_ =	shalt  }
0x51: {  	_ =	shalt  }
0x52: {  	_ =	shalt  }
0x53: {  	_ =	shalt  }
0x54: {  	_ =	shalt  }
0x55: {  	_ =	shalt  }
0x56: {  	_ =	shalt  }
0x57: {  	_ =	shalt  }
0x58: {  	_ =	shalt  }
0x59: {  	_ =	shalt  }
0x5a: {  	_ =	shalt  }
0x5b: {  	_ =	shalt  }
0x5c: {  	_ =	shalt  }
0x5d: {  	_ =	shalt  }
0x5e: {  	_ =	shalt  }
0x5f: {  	_ =	shalt  }
0x60: {  	_ =	shalt  }
0x61: {  	_ =	shalt  }
0x62: {  	_ =	shalt  }
0x63: {  	_ =	shalt  }
0x64: {  	_ =	shalt  }
0x65: {  	_ =	shalt  }
0x66: {  	_ =	shalt  }
0x67: {  	_ =	shalt  }
0x68: {  	_ =	shalt  }
0x69: {  	_ =	shalt  }
0x6a: {  	_ =	shalt  }
0x6b: {  	_ =	shalt  }
0x6c: {  	_ =	shalt  }
0x6d: {  	_ =	shalt  }
0x6e: {  	_ =	shalt  }
0x6f: {  	_ =	shalt  }
0x70: {  	_ =	shalt  }
0x71: {  	_ =	shalt  }
0x72: {  	_ =	shalt  }
0x73: {  	_ =	shalt  }
0x74: {  	_ =	shalt  }
0x75: {  	_ =	shalt  }
0x76: {  	_ =	shalt  }
0x77: {  	_ =	shalt  }
0x78: {  	_ =	shalt  }
0x79: {  	_ =	shalt  }
0x7a: {  	_ =	shalt  }
0x7b: {  	_ =	shalt  }
0x7c: {  	_ =	shalt  }
0x7d: {  	_ =	shalt  }
0x7e: {  	_ =	shalt  }
0x7f: {  	_ =	shalt  }
0x80: {  	_ =	shalt  }
0x81: {  	_ =	shalt  }
0x82: {  	_ =	shalt  }
0x83: {  	_ =	shalt  }
0x84: {  	_ =	shalt  }
0x85: {  	_ =	shalt  }
0x86: {  	_ =	shalt  }
0x87: {  	_ =	shalt  }
.Lfunc_end0:
.L_simem_size_0:
called_computation.3_lowered:
.L_overlay_start_0:
0x88: {  	s2 =	sld [smem:$0x3FD9]  }
0x89: {  	s3 =	sld [smem:$0x3FFE];
	_ =	sdelay $0x1  }
0x8a: {  	s1 =	srdreg.scid  }
0x8b: {  	s0 =	sand.u32 $0x1, s1  }
0x8c: {  	s14 =	sshll.u32 s0, $0xA;
	s2 =	sadd.s32 s3, s2  }
0x8d: {  	s2 =	sadd.s32 s2, s14  }
0x8e: {  	[smem:$0x3FC3] =	sst s2  }
0x8f: {  	_ = 	snop  }
0x90: {  	s2 =	sld [smem:$0x3FD0];
	_ =	sdelay $0x2  }
0x91: {  	s15 =	simm.s32 $0xA;
	s4 =	simm.s32 $0x10  }
0x92: {  	[smem:s4], [sflag:s15] =	dma.local [hbm:s2], $0x1  }
0x93: {  	_ =	swait.eq [sflag:s15], $0x1  }
0x94: {  	[sflag:s15] =	ssyncset.done $0x0  }
0x95: {  	[sflag:s15] =	ssyncadd.s32 $0xFFFFFFFF  }
0x96: {  	s16 =	sld [smem:$0x11];
	(tm) =	ssettm $0x1  }
0x97: {  	s17 =	sld [smem:$0x3FFB];
	_ =	sdelay $0x3  }
0x98: {  	_ =	strace s17  }
0x99: {  	s3 =	sld [smem:$0x3FFC];
	_ =	sdelay $0x3  }
0x9a: {  	_ =	strace s3  }
0x9b: {  	s3 =	sld [smem:$0x3FFD];
	_ =	sdelay $0x3  }
0x9c: {  	_ =	strace s3  }
0x9d: {  	_ =	strace $0x8FFFFFFF  }
0x9e: {  	s18 =	sld [smem:$0x3FDB];
	_ =	sdelay $0x1  }
0x9f: {  	s19 =	simm.s32 $_scs_section_size  }
0xa0: {  	s5 =	simm.s32 $_size__tile_overlayer_lowered;
	s6 =	simm.s32 $_tile_overlayer_lowered  }
0xa1: {  	s22 =	simm.s32 $0x1BFF;
	s21 =	sshll.u32 s6, $0x1;
	s3 =	sadd.s32 s19, s18  }
0xa2: {  	s7 =	simm.s32 $0x0;
	s20 =	sshll.u32 s5, $0x1;
	s5 =	sadd.s32 s21, s3  }
0xa3: {  	[timem:s7], [sflag:s22] =	dma.local [hbm:s5], s20  }
0xa4: {  	_ =	swait.ge [sflag:s22], s20  }
0xa5: {  	s4 =	ssub.s32 $0x0, s20;
	[sflag:s22] =	ssyncset.done $0x0  }
0xa6: {  	[sflag:s22] =	ssyncadd.s32 s4;
	_ =	sdelay $0x1  }
0xa7: {  	s23 =	simm.s32 $0x1B8B  }
0xa8: {  	_ =	swait.ge [sflag:s23], $0x1  }
0xa9: {  	[sflag:s23] =	ssyncset.done $0x0  }
0xaa: {  	s25 =	simm.s32 $0x1B8E;
	s24 =	sld [smem:$0x3FFE];
	[sflag:s23] =	ssyncadd.s32 $0xFFFFFFFF  }
0xab: {  	s26 =	simm.s32 $execute0_lowered;
	[smem:$0x3FD2] =	sst s25  }
0xac: {  	s5 =	sshll.u32 s26, $0x1;
	_ =	strace $0x8000004F;
	[dreg:$0x1] =	wrdreg $0xFFFFFFFF  }
0xad: {  	s28 =	simm.s32 $_size_execute0_lowered;
	s3 =	sadd.s32 s3, s5;
	[dreg:$0x0] =	wrdreg $0x0  }
0xae: {  	s5 =	sshll.u32 s28, $0x1;
	[dreg:$0x2] =	wrdreg s3  }
0xaf: {  	[dreg:$0x3] =	wrdreg s5  }
0xb0: {  	[dreg:$0x4] =	wrdreg $0xC0  }
0xb1: {  	_ =	task [dreg:s7], $0x5FFFF  }
0xb2: {  	[dreg:$0x1] =	wrdreg $0xFFFFFFFF  }
0xb3: {  	[dreg:$0x0] =	wrdreg $0x60  }
0xb4: {  	[dreg:$0x2] =	wrdreg s24  }
0xb5: {  	[dreg:$0x3] =	wrdreg s16  }
0xb6: {  	[dreg:$0x4] =	wrdreg $0x9  }
0xb7: {  	_ =	task.clear_ibuf [dreg:s7], $0x5FFFF;
	_ =	strace $0x9000004F  }
0xb8: {  	s29 =	simm.s32 $0x9;
	_ =	strace $0x80000051  }
0xb9: {  	_ =	swait.ge [sflag:s29], $0x1  }
0xba: {  	[sflag:s29] =	ssyncadd.s32 $0xFFFFFFFF  }
0xbb: {  	_ =	strace $0x90000051  }
0xbc: {  	_ =	sfence  }
0xbd: {  	s30 =	sld [smem:$0x0];
	_ =	sdelay $0x2  }
0xbe: {  	s31 =	sshll.u32 s1, $0xD;
	s1 =	sshrl.u32 s1, $0x2  }
0xbf: {  	s3 =	sand.u32 $0x4000, s31;
	s1 =	sadd.s32 s1, s30  }
0xc0: {  	s0 =	sor.u32 s3, s0;
	s1 =	sshll.u32 s1, $0x11  }
0xc1: {  	s0 =	sor.u32 s1, s0  }
0xc2: {  	s0 =	sadd.s32 $0x8F2B, s0  }
0xc3: {  	[sflag:s0] =	ssyncadd.remote.s32 $0x1  }
0xc4: {  	_ =	sfence.sel $0xFFFF  }
0xc5: {  	[dreg:$0x0] =	wrdreg $0xFFFFFFFF;
	(pc) =	sbr.abs _section_cstart, $3  }
0xc6: {  	[dreg:$0x1] =	wrdreg $0xFFFFFFFF  }
0xc7: {  	_ =	task.clear_ibuf [dreg:s7], $0x2FFFF;
	_ =	strace $0x9FFFFFFF  }
0xc8: {  	(tm) =	ssettm $0x7FFFFFFF  }
0xc9: {  	_ =	shalt  }
tec
execute0_lowered:
.L_overlay_start_1:
0x0: {  	(tag) =	ssettag $0x1  }
0x1: {  	s4 =	rddreg [dreg:$0x0]  }
0x2: {  	s5 =	rddreg [dreg:$0x1]  }
0x3: {  	s0 =	rddreg [dreg:$0x2];
	s2 =	simm.s32 $0x0;
	s3 =	srdreg.scid  }
0x4: {  	s1 =	stileid.u32;
	s10 =	simm.s32 $0x400;
	s11 =	simm.s32 $0x2400  }
0x5: {  	s12 =	simm.s32 $0x100;
	s13 =	simm.s32 $0x4400;
	s14 =	simm.s32 $0x180  }
0x6: {  	s15 =	simm.s32 $0x6400;
	s16 =	simm.s32 $0x200;
	s17 =	simm.s32 $0x8400  }
0x7: {  	s18 =	simm.s32 $0x280;
	s19 =	simm.s32 $0xA400;
	s20 =	simm.s32 $0x300  }
0x8: {  	s21 =	simm.s32 $0xC400;
	s22 =	simm.s32 $0x380;
	s23 =	simm.s32 $0xE400  }
0x9: {  	s24 =	simm.s32 $0x10400;
	s25 =	simm.s32 $0x1;
	s26 =	simm.s32 $0x0  }
0xa: {  	[smem:$0x7FF] =	sst s2;
	s6 =	sand.u32 $0x1, s3;
	s30 =	sshll.u32 s1, $0x1  }
0xb: {  	s3 =	sadd.s32 $0x109400, s4;
	s7 =	sor.u32 s6, s30;
	s6 =	ssub.s32 $0x2, s6  }
0xc: {  	_ =	strace $0x80000050;
	s8 =	sshll.u32 s7, $0x7;
	s31 =	sshrl.u32 s6, $0x1  }
0xd: {  	s7 =	sshll.u32 s7, $0xD;
	s8 =	sadd.s32 s8, s4;
	s9 =	ssub.s32 s6, s31  }
0xe: {  	s5 =	sadd.s32 s5, s7;
	s4 =	sadd.s32 $0x88400, s8;
	s6 =	sadd.s32 $0x89400, s8  }
0xf: {  	v0 =	vimm.f32 $0.0e+00;
	v1 =	vimm.f32 $1.000000000e+00;
	s7 =	smax.u32 s9, $0x1;
	s8 =	simm.s32 $0x2;
	s9 =	simm.s32 $0x80  }
.LBB2_1:
0x10: {  	[tilespmem:s2], [sflag:$0x2] =	stream.linear.gather [hbm4b:s4+s2], $0x400, $0x38;
	[tilespmem:$0x10800] =	vst v63  }
0x11: {  	_ =	swait.ge [sflag:s8], $0x400  }
0x12: {  	[sflag:s8] =	ssyncset.done $0x0  }
0x13: {  	[sflag:s8] =	ssyncadd.s32 $0xFFFFFC00  }
0x14: {  	[tilespmem:s10], [sflag:$0x1] =	stream.indirect.gather [hbm4b:s3+s9], $0x40, s2, s9, $0xb8;
	[tilespmem:$0x10800] =	vst v63  }
0x15: {  	_ = 	snop  }
0x16: {  	[tilespmem:s11], [sflag:$0x1] =	stream.indirect.gather [hbm4b:s3+s9], $0x40, s9, s9, $0xb8;
	[tilespmem:$0x10800] =	vst v63  }
0x17: {  	_ = 	snop  }
0x18: {  	[tilespmem:s13], [sflag:$0x1] =	stream.indirect.gather [hbm4b:s3+s9], $0x40, s12, s9, $0xb8;
	[tilespmem:$0x10800] =	vst v63  }
0x19: {  	_ = 	snop  }
0x1a: {  	[tilespmem:s15], [sflag:$0x1] =	stream.indirect.gather [hbm4b:s3+s9], $0x40, s14, s9, $0xb8;
	[tilespmem:$0x10800] =	vst v63  }
0x1b: {  	_ = 	snop  }
0x1c: {  	[tilespmem:s17], [sflag:$0x1] =	stream.indirect.gather [hbm4b:s3+s9], $0x40, s16, s9, $0xb8;
	[tilespmem:$0x10800] =	vst v63  }
0x1d: {  	_ = 	snop  }
0x1e: {  	[tilespmem:s19], [sflag:$0x1] =	stream.indirect.gather [hbm4b:s3+s9], $0x40, s18, s9, $0xb8;
	[tilespmem:$0x10800] =	vst v63  }
0x1f: {  	_ = 	snop  }
0x20: {  	[tilespmem:s21], [sflag:$0x1] =	stream.indirect.gather [hbm4b:s3+s9], $0x40, s20, s9, $0xb8;
	[tilespmem:$0x10800] =	vst v63  }
0x21: {  	s28 =	simm.s32 $0x40;
	s29 =	simm.s32 $0x0  }
0x22: {  	[tilespmem:s23], [sflag:$0x1] =	stream.indirect.gather [hbm4b:s3+s9], $0x40, s22, s9, $0xb8;
	[tilespmem:$0x10800] =	vst v63  }
.LBB2_2:
0x23: {  	p0 =	sne.s32 s28, $0xFC0;
	[tilespmem:s29+$0x10400] =	vst v0;
	s29 =	smov.u32 s28;
	s28 =	sadd.s32 $0x40, s28  }
.Ltmp0:
0x24: {  	(pc) =	sbr.rel @p0 .LBB2_2-.Ltmp0, $2  }
0x25: {  	_ =	sdelay $0x2  }
0x26: {  	s29 =	sshra.s32 s29, $0x2  }
0x27: {  	[tilespmem:s29+$0x10400] =	vst v0  }
0x28: {  	v2 =	vld [tilespmem:$0x0];
	_ =	sdelay $0x7  }
0x29: {  	[tilespmem:v2+s24+$0x0] =	vst.idx.add.f32.msk $0xffff, v1  }
0x2a: {  	v2 =	vld [tilespmem:$0x10];
	_ =	sdelay $0x7  }
0x2b: {  	[tilespmem:v2+s24+$0x0] =	vst.idx.add.f32.msk $0xffff, v1  }
0x2c: {  	v2 =	vld [tilespmem:$0x20];
	_ =	sdelay $0x7  }
0x2d: {  	[tilespmem:v2+s24+$0x0] =	vst.idx.add.f32.msk $0xffff, v1  }
0x2e: {  	v2 =	vld [tilespmem:$0x30];
	_ =	sdelay $0x7  }
0x2f: {  	[tilespmem:v2+s24+$0x0] =	vst.idx.add.f32.msk $0xffff, v1  }
0x30: {  	v2 =	vld [tilespmem:$0x40];
	_ =	sdelay $0x7  }
0x31: {  	[tilespmem:v2+s24+$0x0] =	vst.idx.add.f32.msk $0xffff, v1  }
0x32: {  	v2 =	vld [tilespmem:$0x50];
	_ =	sdelay $0x7  }
0x33: {  	[tilespmem:v2+s24+$0x0] =	vst.idx.add.f32.msk $0xffff, v1  }
0x34: {  	v2 =	vld [tilespmem:$0x60];
	_ =	sdelay $0x7  }
0x35: {  	[tilespmem:v2+s24+$0x0] =	vst.idx.add.f32.msk $0xffff, v1  }
0x36: {  	v2 =	vld [tilespmem:$0x70];
	_ =	sdelay $0x7  }
0x37: {  	[tilespmem:v2+s24+$0x0] =	vst.idx.add.f32.msk $0xffff, v1  }
0x38: {  	v2 =	vld [tilespmem:$0x80];
	_ =	sdelay $0x7  }
0x39: {  	[tilespmem:v2+s24+$0x0] =	vst.idx.add.f32.msk $0xffff, v1  }
0x3a: {  	v2 =	vld [tilespmem:$0x90];
	_ =	sdelay $0x7  }
0x3b: {  	[tilespmem:v2+s24+$0x0] =	vst.idx.add.f32.msk $0xffff, v1  }
0x3c: {  	v2 =	vld [tilespmem:$0xA0];
	_ =	sdelay $0x7  }
0x3d: {  	[tilespmem:v2+s24+$0x0] =	vst.idx.add.f32.msk $0xffff, v1  }
0x3e: {  	v2 =	vld [tilespmem:$0xB0];
	_ =	sdelay $0x7  }
0x3f: {  	[tilespmem:v2+s24+$0x0] =	vst.idx.add.f32.msk $0xffff, v1  }
0x40: {  	v2 =	vld [tilespmem:$0xC0];
	_ =	sdelay $0x7  }
0x41: {  	[tilespmem:v2+s24+$0x0] =	vst.idx.add.f32.msk $0xffff, v1  }
0x42: {  	v2 =	vld [tilespmem:$0xD0];
	_ =	sdelay $0x7  }
0x43: {  	[tilespmem:v2+s24+$0x0] =	vst.idx.add.f32.msk $0xffff, v1  }
0x44: {  	v2 =	vld [tilespmem:$0xE0];
	_ =	sdelay $0x7  }
0x45: {  	[tilespmem:v2+s24+$0x0] =	vst.idx.add.f32.msk $0xffff, v1  }
0x46: {  	v2 =	vld [tilespmem:$0xF0];
	_ =	sdelay $0x7  }
0x47: {  	[tilespmem:v2+s24+$0x0] =	vst.idx.add.f32.msk $0xffff, v1  }
0x48: {  	v2 =	vld [tilespmem:$0x100];
	_ =	sdelay $0x7  }
0x49: {  	[tilespmem:v2+s24+$0x0] =	vst.idx.add.f32.msk $0xffff, v1  }
0x4a: {  	v2 =	vld [tilespmem:$0x110];
	_ =	sdelay $0x7  }
0x4b: {  	[tilespmem:v2+s24+$0x0] =	vst.idx.add.f32.msk $0xffff, v1  }
0x4c: {  	v2 =	vld [tilespmem:$0x120];
	_ =	sdelay $0x7  }
0x4d: {  	[tilespmem:v2+s24+$0x0] =	vst.idx.add.f32.msk $0xffff, v1  }
0x4e: {  	v2 =	vld [tilespmem:$0x130];
	_ =	sdelay $0x7  }
0x4f: {  	[tilespmem:v2+s24+$0x0] =	vst.idx.add.f32.msk $0xffff, v1  }
0x50: {  	v2 =	vld [tilespmem:$0x140];
	_ =	sdelay $0x7  }
0x51: {  	[tilespmem:v2+s24+$0x0] =	vst.idx.add.f32.msk $0xffff, v1  }
0x52: {  	v2 =	vld [tilespmem:$0x150];
	_ =	sdelay $0x7  }
0x53: {  	[tilespmem:v2+s24+$0x0] =	vst.idx.add.f32.msk $0xffff, v1  }
0x54: {  	v2 =	vld [tilespmem:$0x160];
	_ =	sdelay $0x7  }
0x55: {  	[tilespmem:v2+s24+$0x0] =	vst.idx.add.f32.msk $0xffff, v1  }
0x56: {  	v2 =	vld [tilespmem:$0x170];
	_ =	sdelay $0x7  }
0x57: {  	[tilespmem:v2+s24+$0x0] =	vst.idx.add.f32.msk $0xffff, v1  }
0x58: {  	v2 =	vld [tilespmem:$0x180];
	_ =	sdelay $0x7  }
0x59: {  	[tilespmem:v2+s24+$0x0] =	vst.idx.add.f32.msk $0xffff, v1  }
0x5a: {  	v2 =	vld [tilespmem:$0x190];
	_ =	sdelay $0x7  }
0x5b: {  	[tilespmem:v2+s24+$0x0] =	vst.idx.add.f32.msk $0xffff, v1  }
0x5c: {  	v2 =	vld [tilespmem:$0x1A0];
	_ =	sdelay $0x7  }
0x5d: {  	[tilespmem:v2+s24+$0x0] =	vst.idx.add.f32.msk $0xffff, v1  }
0x5e: {  	v2 =	vld [tilespmem:$0x1B0];
	_ =	sdelay $0x7  }
0x5f: {  	[tilespmem:v2+s24+$0x0] =	vst.idx.add.f32.msk $0xffff, v1  }
0x60: {  	v2 =	vld [tilespmem:$0x1C0];
	_ =	sdelay $0x7  }
0x61: {  	[tilespmem:v2+s24+$0x0] =	vst.idx.add.f32.msk $0xffff, v1  }
0x62: {  	v2 =	vld [tilespmem:$0x1D0];
	_ =	sdelay $0x7  }
0x63: {  	[tilespmem:v2+s24+$0x0] =	vst.idx.add.f32.msk $0xffff, v1  }
0x64: {  	v2 =	vld [tilespmem:$0x1E0];
	_ =	sdelay $0x7  }
0x65: {  	[tilespmem:v2+s24+$0x0] =	vst.idx.add.f32.msk $0xffff, v1  }
0x66: {  	v2 =	vld [tilespmem:$0x1F0];
	_ =	sdelay $0x7  }
0x67: {  	[tilespmem:v2+s24+$0x0] =	vst.idx.add.f32.msk $0xffff, v1  }
0x68: {  	v2 =	vld [tilespmem:$0x200];
	_ =	sdelay $0x7  }
0x69: {  	[tilespmem:v2+s24+$0x0] =	vst.idx.add.f32.msk $0xffff, v1  }
0x6a: {  	v2 =	vld [tilespmem:$0x210];
	_ =	sdelay $0x7  }
0x6b: {  	[tilespmem:v2+s24+$0x0] =	vst.idx.add.f32.msk $0xffff, v1  }
0x6c: {  	v2 =	vld [tilespmem:$0x220];
	_ =	sdelay $0x7  }
0x6d: {  	[tilespmem:v2+s24+$0x0] =	vst.idx.add.f32.msk $0xffff, v1  }
0x6e: {  	v2 =	vld [tilespmem:$0x230];
	_ =	sdelay $0x7  }
0x6f: {  	[tilespmem:v2+s24+$0x0] =	vst.idx.add.f32.msk $0xffff, v1  }
0x70: {  	v2 =	vld [tilespmem:$0x240];
	_ =	sdelay $0x7  }
0x71: {  	[tilespmem:v2+s24+$0x0] =	vst.idx.add.f32.msk $0xffff, v1  }
0x72: {  	v2 =	vld [tilespmem:$0x250];
	_ =	sdelay $0x7  }
0x73: {  	[tilespmem:v2+s24+$0x0] =	vst.idx.add.f32.msk $0xffff, v1  }
0x74: {  	v2 =	vld [tilespmem:$0x260];
	_ =	sdelay $0x7  }
0x75: {  	[tilespmem:v2+s24+$0x0] =	vst.idx.add.f32.msk $0xffff, v1  }
0x76: {  	v2 =	vld [tilespmem:$0x270];
	_ =	sdelay $0x7  }
0x77: {  	[tilespmem:v2+s24+$0x0] =	vst.idx.add.f32.msk $0xffff, v1  }
0x78: {  	v2 =	vld [tilespmem:$0x280];
	_ =	sdelay $0x7  }
0x79: {  	[tilespmem:v2+s24+$0x0] =	vst.idx.add.f32.msk $0xffff, v1  }
0x7a: {  	v2 =	vld [tilespmem:$0x290];
	_ =	sdelay $0x7  }
0x7b: {  	[tilespmem:v2+s24+$0x0] =	vst.idx.add.f32.msk $0xffff, v1  }
0x7c: {  	v2 =	vld [tilespmem:$0x2A0];
	_ =	sdelay $0x7  }
0x7d: {  	[tilespmem:v2+s24+$0x0] =	vst.idx.add.f32.msk $0xffff, v1  }
0x7e: {  	v2 =	vld [tilespmem:$0x2B0];
	_ =	sdelay $0x7  }
0x7f: {  	[tilespmem:v2+s24+$0x0] =	vst.idx.add.f32.msk $0xffff, v1  }
0x80: {  	v2 =	vld [tilespmem:$0x2C0];
	_ =	sdelay $0x7  }
0x81: {  	[tilespmem:v2+s24+$0x0] =	vst.idx.add.f32.msk $0xffff, v1  }
0x82: {  	v2 =	vld [tilespmem:$0x2D0];
	_ =	sdelay $0x7  }
0x83: {  	[tilespmem:v2+s24+$0x0] =	vst.idx.add.f32.msk $0xffff, v1  }
0x84: {  	v2 =	vld [tilespmem:$0x2E0];
	_ =	sdelay $0x7  }
0x85: {  	[tilespmem:v2+s24+$0x0] =	vst.idx.add.f32.msk $0xffff, v1  }
0x86: {  	v2 =	vld [tilespmem:$0x2F0];
	_ =	sdelay $0x7  }
0x87: {  	[tilespmem:v2+s24+$0x0] =	vst.idx.add.f32.msk $0xffff, v1  }
0x88: {  	v2 =	vld [tilespmem:$0x300];
	_ =	sdelay $0x7  }
0x89: {  	[tilespmem:v2+s24+$0x0] =	vst.idx.add.f32.msk $0xffff, v1  }
0x8a: {  	v2 =	vld [tilespmem:$0x310];
	_ =	sdelay $0x7  }
0x8b: {  	[tilespmem:v2+s24+$0x0] =	vst.idx.add.f32.msk $0xffff, v1  }
0x8c: {  	v2 =	vld [tilespmem:$0x320];
	_ =	sdelay $0x7  }
0x8d: {  	[tilespmem:v2+s24+$0x0] =	vst.idx.add.f32.msk $0xffff, v1  }
0x8e: {  	v2 =	vld [tilespmem:$0x330];
	_ =	sdelay $0x7  }
0x8f: {  	[tilespmem:v2+s24+$0x0] =	vst.idx.add.f32.msk $0xffff, v1  }
0x90: {  	v2 =	vld [tilespmem:$0x340];
	_ =	sdelay $0x7  }
0x91: {  	[tilespmem:v2+s24+$0x0] =	vst.idx.add.f32.msk $0xffff, v1  }
0x92: {  	v2 =	vld [tilespmem:$0x350];
	_ =	sdelay $0x7  }
0x93: {  	[tilespmem:v2+s24+$0x0] =	vst.idx.add.f32.msk $0xffff, v1  }
0x94: {  	v2 =	vld [tilespmem:$0x360];
	_ =	sdelay $0x7  }
0x95: {  	[tilespmem:v2+s24+$0x0] =	vst.idx.add.f32.msk $0xffff, v1  }
0x96: {  	v2 =	vld [tilespmem:$0x370];
	_ =	sdelay $0x7  }
0x97: {  	[tilespmem:v2+s24+$0x0] =	vst.idx.add.f32.msk $0xffff, v1  }
0x98: {  	v2 =	vld [tilespmem:$0x380];
	_ =	sdelay $0x7  }
0x99: {  	[tilespmem:v2+s24+$0x0] =	vst.idx.add.f32.msk $0xffff, v1  }
0x9a: {  	v2 =	vld [tilespmem:$0x390];
	_ =	sdelay $0x7  }
0x9b: {  	[tilespmem:v2+s24+$0x0] =	vst.idx.add.f32.msk $0xffff, v1  }
0x9c: {  	v2 =	vld [tilespmem:$0x3A0];
	_ =	sdelay $0x7  }
0x9d: {  	[tilespmem:v2+s24+$0x0] =	vst.idx.add.f32.msk $0xffff, v1  }
0x9e: {  	v2 =	vld [tilespmem:$0x3B0];
	_ =	sdelay $0x7  }
0x9f: {  	[tilespmem:v2+s24+$0x0] =	vst.idx.add.f32.msk $0xffff, v1  }
0xa0: {  	v2 =	vld [tilespmem:$0x3C0];
	_ =	sdelay $0x7  }
0xa1: {  	[tilespmem:v2+s24+$0x0] =	vst.idx.add.f32.msk $0xffff, v1  }
0xa2: {  	v2 =	vld [tilespmem:$0x3D0];
	_ =	sdelay $0x7  }
0xa3: {  	[tilespmem:v2+s24+$0x0] =	vst.idx.add.f32.msk $0xffff, v1  }
0xa4: {  	v2 =	vld [tilespmem:$0x3E0];
	_ =	sdelay $0x7  }
0xa5: {  	[tilespmem:v2+s24+$0x0] =	vst.idx.add.f32.msk $0xffff, v1  }
0xa6: {  	v2 =	vld [tilespmem:$0x3F0];
	_ =	sdelay $0x7  }
0xa7: {  	[tilespmem:v2+s24+$0x0] =	vst.idx.add.f32.msk $0xffff, v1  }
0xa8: {  	_ =	swait.ge [sflag:s25], $0x2000  }
0xa9: {  	[sflag:s25] =	ssyncset.done $0x0  }
0xaa: {  	[sflag:s25] =	ssyncadd.s32 $0xFFFFE000  }
0xab: {  	_ =	swait.ge [sflag:s25], $0x2000  }
0xac: {  	[sflag:s25] =	ssyncset.done $0x0  }
0xad: {  	[sflag:s25] =	ssyncadd.s32 $0xFFFFE000  }
0xae: {  	_ =	swait.ge [sflag:s25], $0x2000  }
0xaf: {  	[sflag:s25] =	ssyncset.done $0x0  }
0xb0: {  	[sflag:s25] =	ssyncadd.s32 $0xFFFFE000  }
0xb1: {  	_ =	swait.ge [sflag:s25], $0x2000  }
0xb2: {  	[sflag:s25] =	ssyncset.done $0x0  }
0xb3: {  	[sflag:s25] =	ssyncadd.s32 $0xFFFFE000  }
0xb4: {  	_ =	swait.ge [sflag:s25], $0x2000  }
0xb5: {  	[sflag:s25] =	ssyncset.done $0x0  }
0xb6: {  	[sflag:s25] =	ssyncadd.s32 $0xFFFFE000  }
0xb7: {  	_ =	swait.ge [sflag:s25], $0x2000  }
0xb8: {  	[sflag:s25] =	ssyncset.done $0x0  }
0xb9: {  	[sflag:s25] =	ssyncadd.s32 $0xFFFFE000  }
0xba: {  	_ =	swait.ge [sflag:s25], $0x2000  }
0xbb: {  	[sflag:s25] =	ssyncset.done $0x0  }
0xbc: {  	[sflag:s25] =	ssyncadd.s32 $0xFFFFE000  }
0xbd: {  	_ =	swait.ge [sflag:s25], $0x2000  }
0xbe: {  	[sflag:s25] =	ssyncset.done $0x0  }
0xbf: {  	[sflag:s25] =	ssyncadd.s32 $0xFFFFE000  }
0xc0: {  	[hbm4b:s5+s2] =	stream.linear.scatter [tilespmem:s10], [sflag:$0x2], $0x10000, $0x38;
	[tilespmem:$0x10800] =	vst v63  }
0xc1: {  	s26 =	sadd.s32 $0x1, s26;
	_ =	swait.ge [sflag:s8], $0x10000  }
0xc2: {  	p0 =	sne.s32 s26, s7;
	[sflag:s8] =	ssyncset.done $0x0  }
.Ltmp1:
0xc3: {  	[sflag:s8] =	ssyncadd.s32 $0xFFFF0000;
	(pc) =	sbr.rel @p0 .LBB2_1-.Ltmp1, $4  }
0xc4: {  	[hbm4b:s6+s2] =	stream.linear.scatter [tilespmem:s24], [sflag:$0x2], $0x400, $0x38;
	[tilespmem:$0x10800] =	vst v63  }
0xc5: {  	_ =	swait.ge [sflag:s8], $0x400  }
0xc6: {  	[sflag:s8] =	ssyncset.done $0x0  }
0xc7: {  	[sflag:s8] =	ssyncadd.s32 $0xFFFFFC00  }
0xc8: {  	_ =	sfence.sel $0x180000  }
0xc9: {  	[bflag:$0x0] =	sbarrier.arrive $0xFFFF  }
0xca: {  	p0 =	sne.s32 s1, $0x0;
	_ =	strace $0x90000050  }
0xcb: {  	s0 =	sadd.s32 @!p0 $0x100000, s0;
	[bflag:$0x2] =	sbarrier.arrive $0xFFFF  }
0xcc: {  	[sflag:s0] =	ssyncadd.tile.s32 @!p0 $0x1;
	_ =	shalt  }
.Lfunc_end2:
_tile_overlayer_lowered:
.L_overlay_start_2:
0xcd: {  	(tag) =	ssettag $0x2  }
0xce: {  	s0 =	rddreg [dreg:$0x0];
	s2 =	stileid.u32  }
0xcf: {  	s1 =	rddreg [dreg:$0x1];
	p0 =	sne.s32 s2, $0x0  }
0xd0: {  	s3 =	rddreg [dreg:$0x2];
	[bflag:$0x3] =	sbarrier.arrive $0xFFFF;
	s2 =	simm.s32 @!p0 $0x1C02  }
0xd1: {  	[timem:s3], [sflag:s2] =	dma.local @!p0 [hbm:s0], s1  }
0xd2: {  	s0 =	simm.s32 @!p0 $0x2  }
0xd3: {  	_ =	swait.ge @!p0 [sflag:s0], s1  }
0xd4: {  	s1 =	ssub.s32 @!p0 $0x0, s1;
	[sflag:s0] =	ssyncset.done @!p0 $0x0  }
0xd5: {  	[sflag:s0] =	ssyncadd.s32 @!p0 s1  }
0xd6: {  	[bflag:$0x3] =	sbarrier.arrive $0xFFFF  }
0xd7: {  	_ =	shalt  }

</sc_bundles>
